<compile_context>
chip_gen: v7x
topology: tpu7x:2x2x1
jax: 0.10.2.dev20260603
libtpu: 0.0.44.dev20260713+nightly
codegen_flags: <defaults>
</compile_context>

<pallas_src>
import jax
import jax.numpy as jnp
import numpy as np
from jax import lax
from jax.experimental import pallas as pl
from jax.experimental.pallas import tpu as pltpu
from jax.experimental.pallas import tpu_sc as plsc

B = 16
N = 20000
C = 91
ROW = N * C
NSEL = 100
NB = 2048
SHIFT = 21
RPC = 200
NCHUNK = N // RPC
SEC = 20
CAP = 8192
PADK = 128
INT_MIN = np.int32(-2147483648)
INT_MAX = np.int32(2147483647)

_MESH = plsc.VectorSubcoreMesh(core_axis_name="c", subcore_axis_name="s")


def _lane():
    return lax.iota(jnp.int32, 16)


_OFFS = (0, 16, 32, 48, 64, 75)


def _stage_a_body(logits_ref, candidx_ref, candval_ref, counts_ref,
                  buf0, buf1, hist, cidx, cvals, cidx2, cvals2, ctr_ref,
                  cnt16, sem0, sem1):
    wid = lax.axis_index("s") * 2 + lax.axis_index("c")

    @pl.when(wid < B)
    def _():
        b = wid
        lane = _lane()
        zeros16 = jnp.zeros((16,), jnp.int32)
        ones16 = jnp.ones((16,), jnp.int32)
        lane5 = lane >= 5

        def _zero_hist(i, carry):
            hist[pl.ds(i * 16, 16)] = zeros16
            return carry
        lax.fori_loop(0, NB, _zero_hist, 0)

        def _zero_cand(i, carry):
            cidx2[pl.ds(i * 16, 16)] = zeros16
            cvals2[pl.ds(i * 16, 16)] = jnp.zeros((16,), jnp.float32)
            return carry
        lax.fori_loop(0, (CAP + 16) // 16, _zero_cand, 0)

        def start(chunk, buf, sem):
            r0 = pl.multiple_of(chunk * RPC, 8)
            pltpu.async_copy(logits_ref.at[b, pl.ds(r0, RPC), :], buf, sem)

        def wait(buf, sem):
            pltpu.make_async_copy(
                logits_ref.at[0, pl.ds(0, RPC), :], buf, sem).wait()

        def row_slices(buf, r):
            return [buf[r, pl.ds(o, 16)] for o in _OFFS]

        def bin_addrs(vs):
            addrs = []
            for v in vs:
                u = lax.bitcast_convert_type(v, jnp.int32)
                a = (lax.shift_right_arithmetic(u, 17)
                     & jnp.int32(0x7FF0)) | lane
                addrs.append(a)
            return addrs

        def hist_row(vs):
            addrs = bin_addrs(vs)
            for k in range(5):
                plsc.addupdate_scatter(hist, [addrs[k]], ones16)
            plsc.addupdate_scatter(hist, [addrs[5]], ones16, mask=lane5)

        def hist_chunk(buf):
            def row(r, carry):
                hist_row(row_slices(buf, r))
                return carry
            lax.fori_loop(0, RPC, row, 0, unroll=2)

        neginf = jnp.full((16,), -jnp.inf, jnp.float32)
        laneoff = lax.shift_left(lane, 9)

        def row_max(vs):
            m = jnp.maximum(vs[0], vs[1])
            m = jnp.maximum(m, vs[2])
            m = jnp.maximum(m, vs[3])
            m = jnp.maximum(m, vs[4])
            return jnp.maximum(m, jnp.where(lane5, vs[5], neginf))

        def slow_section(buf, chunk, s0, tvf):
            def row(r, ctrv):
                vs = row_slices(buf, s0 + r)
                gbase = (chunk * RPC + s0 + r) * C
                for k in range(6):
                    m = vs[k] >= tvf
                    if k == 5:
                        m = m & lane5
                    addr = laneoff + ctrv
                    gi = (gbase + _OFFS[k]) + lane
                    plsc.store_scatter(cidx, [addr], gi, mask=m)
                    plsc.store_scatter(cvals, [addr], vs[k], mask=m)
                    ctrv = jnp.minimum(ctrv + m.astype(jnp.int32), 511)
                return ctrv
            ctrv = lax.fori_loop(0, SEC, row, ctr_ref[...])
            ctr_ref[...] = ctrv

        def proc_chunk(buf, chunk, tvf, do_hist):
            def sec(s, carry):
                s0 = s * SEC

                def hotrow(i, acc):
                    vs = row_slices(buf, s0 + i)
                    if do_hist:
                        hist_row(vs)
                    return jnp.maximum(acc, row_max(vs))
                acc = lax.fori_loop(0, SEC, hotrow, neginf, unroll=2)
                hit = jnp.sum((acc >= tvf).astype(jnp.int32))

                @pl.when(hit > 0)
                def _():
                    slow_section(buf, chunk, s0, tvf)
                return carry
            lax.fori_loop(0, RPC // SEC, sec, 0)

        def blocksum(jv):
            def acc16(t, a):
                return a + hist[pl.ds((jv * 16 + t) * 16, 16)]
            return jnp.sum(lax.fori_loop(0, 16, acc16, zeros16))

        def binsum_vec(jv):
            def binsums(k, tvc):
                s = jnp.sum(hist[pl.ds((jv * 16 + k) * 16, 16)])
                return jnp.where(lane == k, s, tvc)
            return lax.fori_loop(0, 16, binsums, zeros16)

        def scan_threshold():
            def cond_p(st):
                jv, acc = st
                return (acc < NSEL) & (jv > 0)

            def body_p(st):
                jv, acc = st
                jv = jv - 1
                return jv, acc + blocksum(jv)
            jp, accp = lax.while_loop(cond_p, body_p,
                                      (jnp.int32(64), jnp.int32(0)))

            def fine_pos(_):
                tv = binsum_vec(jp)
                above = accp - jnp.sum(tv)
                cum = jnp.cumsum(lax.rev(tv, (0,))) + above
                kstar = jnp.max(plsc.all_reduce_ffs(cum >= NSEL))
                binv = jnp.full((16,), jp * 16 + 15 - kstar, jnp.int32)
                return lax.bitcast_convert_type(
                    lax.shift_left(binv, SHIFT), jnp.float32)

            def phase_n(_):
                def cond_n(st):
                    jn, acc = st
                    return (acc < NSEL) & (jn < NB // 16)

                def body_n(st):
                    jn, acc = st
                    return jn + 1, acc + blocksum(jn)
                jn, accn = lax.while_loop(cond_n, body_n,
                                          (jnp.int32(64), accp))
                jb = jn - 1
                tv = binsum_vec(jb)
                above = accn - jnp.sum(tv)
                cum = jnp.cumsum(tv) + above
                kstar = jnp.max(plsc.all_reduce_ffs(cum >= NSEL))
                binv = jnp.full((16,), jb * 16 + kstar, jnp.int32)
                return lax.bitcast_convert_type(
                    lax.shift_left(binv, SHIFT) | jnp.int32(0x1FFFFF),
                    jnp.float32)
            return lax.cond(accp >= NSEL, fine_pos, phase_n, 0)

        ctr_ref[...] = zeros16
        start(0, buf0, sem0)
        wait(buf0, sem0)
        start(1, buf1, sem1)
        hist_chunk(buf0)
        tvf0 = scan_threshold()
        proc_chunk(buf0, jnp.int32(0), tvf0, do_hist=False)

        def pair(g, tvf):
            wait(buf1, sem1)
            start(2 * g + 2, buf0, sem0)
            proc_chunk(buf1, 2 * g + 1, tvf, do_hist=True)
            wait(buf0, sem0)
            start(2 * g + 3, buf1, sem1)
            proc_chunk(buf0, 2 * g + 2, tvf, do_hist=True)
            rescan = (g < 2) | (lax.rem(g, jnp.int32(4)) == 3)
            return lax.cond(rescan, lambda _: scan_threshold(),
                            lambda _: tvf, 0)
        tvf = lax.fori_loop(0, (NCHUNK - 2) // 2, pair, tvf0)
        wait(buf1, sem1)
        proc_chunk(buf1, jnp.int32(NCHUNK - 1), tvf, do_hist=True)

        ctrv = ctr_ref[...]
        cs = jnp.cumsum(ctrv)
        n = jnp.max(cs)
        excl = cs - ctrv
        for el in range(16):
            cnt_l = ctrv[el]
            dst0 = excl[el]

            def mv(i, carry):
                srci = cidx[pl.ds(el * 512 + i * 16, 16)]
                srcv = cvals[pl.ds(el * 512 + i * 16, 16)]
                m = (i * 16 + lane) < cnt_l
                cidx2[pl.ds(dst0 + i * 16, 16)] = jnp.where(m, srci, 0)
                cvals2[pl.ds(dst0 + i * 16, 16)] = jnp.where(
                    m, srcv, jnp.float32(0.0))
                return carry
            lax.fori_loop(0, lax.div(cnt_l + 15, jnp.int32(16)), mv, 0)

        cnt16[...] = jnp.where(lane == 0, n, 0)
        ocap = pl.multiple_of(b * CAP, 8)
        o16 = pl.multiple_of(b * 16, 8)
        pltpu.sync_copy(cidx2.at[pl.ds(0, CAP)],
                        candidx_ref.at[pl.ds(ocap, CAP)])
        pltpu.sync_copy(cvals2.at[pl.ds(0, CAP)],
                        candval_ref.at[pl.ds(ocap, CAP)])
        pltpu.sync_copy(cnt16, counts_ref.at[pl.ds(o16, 16)])


_stage_a = pl.kernel(
    _stage_a_body,
    out_type=(
        jax.ShapeDtypeStruct((B * CAP,), jnp.int32),
        jax.ShapeDtypeStruct((B * CAP,), jnp.float32),
        jax.ShapeDtypeStruct((B * 16,), jnp.int32),
    ),
    mesh=_MESH,
    compiler_params=pltpu.CompilerParams(needs_layout_passes=False),
    scratch_types=[
        pltpu.VMEM((RPC, C), jnp.float32),
        pltpu.VMEM((RPC, C), jnp.float32),
        pltpu.VMEM((NB * 16,), jnp.int32),
        pltpu.VMEM((CAP,), jnp.int32),
        pltpu.VMEM((CAP,), jnp.float32),
        pltpu.VMEM((CAP + 16,), jnp.int32),
        pltpu.VMEM((CAP + 16,), jnp.float32),
        pltpu.VMEM((16,), jnp.int32),
        pltpu.VMEM((16,), jnp.int32),
        pltpu.SemaphoreType.DMA,
        pltpu.SemaphoreType.DMA,
    ],
)


def _stage_b_body(probs_ref, candidx_ref, counts_ref, boxes_ref, ts_ref,
                  scores_ref, labels_ref, boxout_ref,
                  pv, iv, selp, seli, labl, gidx, gbox, obox,
                  cnt16, ts16, sem):
    wid = lax.axis_index("s") * 2 + lax.axis_index("c")

    @pl.when(wid < B)
    def _():
        b = wid
        lane = _lane()
        ocap = pl.multiple_of(b * CAP, 8)
        o16 = pl.multiple_of(b * 16, 8)
        pltpu.sync_copy(probs_ref.at[pl.ds(ocap, CAP)], pv)
        pltpu.sync_copy(candidx_ref.at[pl.ds(ocap, CAP)], iv)
        pltpu.sync_copy(counts_ref.at[pl.ds(o16, 16)], cnt16)
        pltpu.sync_copy(ts_ref.at[pl.ds(o16, 16)], ts16)
        n = cnt16[...][0]
        nv = lax.div(n + 15, jnp.int32(16))
        tsv = ts16[...]
        hh = tsv[0]
        ww = tsv[1]

        def _zero_sel(q, carry):
            selp[pl.ds(q * 16, 16)] = jnp.zeros((16,), jnp.float32)
            seli[pl.ds(q * 16, 16)] = jnp.zeros((16,), jnp.int32)
            return carry
        lax.fori_loop(0, PADK // 16, _zero_sel, 0)

        def outer(k, pc):
            pval, pidx = pc

            def inner(j, bc):
                bv, biv = bc
                v = pv[pl.ds(j * 16, 16)]
                ivec = iv[pl.ds(j * 16, 16)]
                valid = (j * 16 + lane) < n
                elig = valid & ((v < pval) | ((v == pval) & (ivec > pidx)))
                better = elig & ((v > bv) | ((v == bv) & (ivec < biv)))
                bv = jnp.where(better, v, bv)
                biv = jnp.where(better, ivec, biv)
                return bv, biv
            bv, biv = lax.fori_loop(
                0, nv, inner,
                (jnp.full((16,), -1.0, jnp.float32),
                 jnp.full((16,), INT_MAX, jnp.int32)))
            mval = jnp.max(bv)
            midx = jnp.min(jnp.where(bv == mval, biv, INT_MAX))
            kv16 = jnp.full((16,), k, jnp.int32)
            lane0 = lane == 0
            plsc.store_scatter(selp, [kv16], jnp.full((16,), mval), mask=lane0)
            plsc.store_scatter(seli, [kv16], jnp.full((16,), midx), mask=lane0)
            return mval, midx
        lax.fori_loop(0, NSEL, outer, (jnp.float32(2.0), jnp.int32(-1)))

        def dec(q, carry):
            si = seli[pl.ds(q * 16, 16)]
            labl[pl.ds(q * 16, 16)] = lax.rem(si, jnp.int32(C))
            fb = b * (N * 4) + lax.div(si, jnp.int32(C)) * 4
            gidx[pl.ds(0 * PADK + q * 16, 16)] = fb
            gidx[pl.ds(1 * PADK + q * 16, 16)] = fb + 1
            gidx[pl.ds(2 * PADK + q * 16, 16)] = fb + 2
            gidx[pl.ds(3 * PADK + q * 16, 16)] = fb + 3
            return carry
        lax.fori_loop(0, PADK // 16, dec, 0)

        pltpu.async_copy(boxes_ref.at[gidx], gbox, sem).wait()

        def bx(q, carry):
            cx = gbox[pl.ds(0 * PADK + q * 16, 16)]
            cy = gbox[pl.ds(1 * PADK + q * 16, 16)]
            w = gbox[pl.ds(2 * PADK + q * 16, 16)]
            h = gbox[pl.ds(3 * PADK + q * 16, 16)]
            x0 = (cx - 0.5 * w) * ww
            y0 = (cy - 0.5 * h) * hh
            x1 = (cx + 0.5 * w) * ww
            y1 = (cy + 0.5 * h) * hh
            pos = q * 64 + lane * 4
            plsc.store_scatter(obox, [pos], x0)
            plsc.store_scatter(obox, [pos + 1], y0)
            plsc.store_scatter(obox, [pos + 2], x1)
            plsc.store_scatter(obox, [pos + 3], y1)
            return carry
        lax.fori_loop(0, PADK // 16, bx, 0)

        ok = pl.multiple_of(b * PADK, 8)
        ok4 = pl.multiple_of(b * PADK * 4, 8)
        pltpu.sync_copy(selp, scores_ref.at[pl.ds(ok, PADK)])
        pltpu.sync_copy(labl, labels_ref.at[pl.ds(ok, PADK)])
        pltpu.sync_copy(obox, boxout_ref.at[pl.ds(ok4, PADK * 4)])


_stage_b = pl.kernel(
    _stage_b_body,
    out_type=(
        jax.ShapeDtypeStruct((B * PADK,), jnp.float32),
        jax.ShapeDtypeStruct((B * PADK,), jnp.int32),
        jax.ShapeDtypeStruct((B * PADK * 4,), jnp.float32),
    ),
    mesh=_MESH,
    compiler_params=pltpu.CompilerParams(needs_layout_passes=False),
    scratch_types=[
        pltpu.VMEM((CAP,), jnp.float32),
        pltpu.VMEM((CAP,), jnp.int32),
        pltpu.VMEM((PADK,), jnp.float32),
        pltpu.VMEM((PADK,), jnp.int32),
        pltpu.VMEM((PADK,), jnp.int32),
        pltpu.VMEM((PADK * 4,), jnp.int32),
        pltpu.VMEM((PADK * 4,), jnp.float32),
        pltpu.VMEM((PADK * 4,), jnp.float32),
        pltpu.VMEM((16,), jnp.int32),
        pltpu.VMEM((16,), jnp.float32),
        pltpu.SemaphoreType.DMA,
    ],
)


def kernel(pred_logits, pred_boxes, target_sizes):
    cand_idx, cand_val, counts = _stage_a(pred_logits)
    probs = jax.nn.sigmoid(cand_val)
    ts = target_sizes.astype(jnp.float32)
    ts16 = jnp.concatenate(
        [ts, jnp.zeros((B, 14), jnp.float32)], axis=1).reshape(B * 16)
    boxes_flat = pred_boxes.reshape(B * N * 4)
    scores, labels, boxes = _stage_b(
        probs, cand_idx, counts, boxes_flat, ts16)
    return (scores.reshape(B, PADK)[:, :NSEL],
            labels.reshape(B, PADK)[:, :NSEL],
            boxes.reshape(B, PADK, 4)[:, :NSEL, :])

# --- scband reference (transcript-rebuilt; emitter-appended) ---
"""Pipeline reference for scband-post-process-22333829939304 (READ-ONLY COPY).

The authoritative reference and input builder live on the scoring server;
editing this copy changes nothing except your own understanding.
"""

import jax, jax.numpy as jnp
import numpy as np

NUM_SELECT = 100


def box_cxcywh_to_xyxy(x):
    x_c = x[..., 0:1]
    y_c = x[..., 1:2]
    w = x[..., 2:3]
    h = x[..., 3:4]
    return jnp.concatenate([
        x_c - 0.5 * w,
        y_c - 0.5 * h,
        x_c + 0.5 * w,
        y_c + 0.5 * h,
    ], axis=-1)


def setup_inputs(seed: int = 0) -> dict:
    key = jax.random.key(seed)
    k1, k2, k3 = jax.random.split(key, 3)
    pred_logits = jax.random.normal(k1, (16, 20000, 91), dtype=jnp.float32)
    pred_boxes = jax.random.uniform(k2, (16, 20000, 4), dtype=jnp.float32)
    target_sizes = jax.random.randint(k3, (16, 2), 1, 1333)
    return {
        "pred_logits": pred_logits,
        "pred_boxes": pred_boxes,
        "target_sizes": target_sizes,
    }


def reference(pred_logits, pred_boxes, target_sizes):
    B, N, C = pred_logits.shape
    prob = jax.nn.sigmoid(pred_logits)
    flat = prob.reshape(B, N * C)
    topk_values, topk_indexes = jax.lax.top_k(flat, NUM_SELECT)
    scores = topk_values
    topk_boxes = topk_indexes // C
    labels = topk_indexes % C
    boxes = box_cxcywh_to_xyxy(pred_boxes)
    gather_idx = jnp.broadcast_to(topk_boxes[:, :, None], (B, NUM_SELECT, 4))
    boxes = jnp.take_along_axis(boxes, gather_idx, axis=1)
    img_h = target_sizes[:, 0].astype(jnp.float32)
    img_w = target_sizes[:, 1].astype(jnp.float32)
    scale_fct = jnp.stack([img_w, img_h, img_w, img_h], axis=1)
    boxes = boxes * scale_fct[:, None, :]
    return scores, labels, boxes

if __name__ == "__main__":
    import jax
    _d = setup_inputs()
    print(jax.jit(kernel)(*tuple(_d.values())))

</pallas_src>

<mosaic_0001>
#map = affine_map<(d0, d1) -> (0, 0, 0)>
#map1 = affine_map<(d0, d1) -> (0)>
module attributes {stable_mosaic.version = 14 : i64} {
  func.func @_stage_a_body(%arg0: i32, %arg1: i32, %arg2: memref<16x20000x91xf32, #tpu.memory_space<hbm>>, %arg3: memref<131072xi32, #tpu.memory_space<hbm>>, %arg4: memref<131072xf32, #tpu.memory_space<hbm>>, %arg5: memref<256xi32, #tpu.memory_space<hbm>>, %arg6: memref<200x91xf32, #tpu.memory_space<vmem>>, %arg7: memref<200x91xf32, #tpu.memory_space<vmem>>, %arg8: memref<32768xi32, #tpu.memory_space<vmem>>, %arg9: memref<8192xi32, #tpu.memory_space<vmem>>, %arg10: memref<8192xf32, #tpu.memory_space<vmem>>, %arg11: memref<8208xi32, #tpu.memory_space<vmem>>, %arg12: memref<8208xf32, #tpu.memory_space<vmem>>, %arg13: memref<16xi32, #tpu.memory_space<vmem>>, %arg14: memref<16xi32, #tpu.memory_space<vmem>>, %arg15: memref<!tpu.dma_semaphore, #tpu.memory_space<semaphore_mem>>, %arg16: memref<!tpu.dma_semaphore, #tpu.memory_space<semaphore_mem>>) attributes {dimension_semantics = [#tpu.dimension_semantics<core_parallel>, #tpu.dimension_semantics<subcore_parallel>], iteration_bounds = array<i64: 2, 16>, scalar_prefetch = 0 : i64, scratch_operands = 11 : i64, tpu.core_type = #tpu.core_type<sc_vector_subcore>, window_params = [{transform_indices = #map}, {transform_indices = #map1}, {transform_indices = #map1}, {transform_indices = #map1}]} {
    %mul3A = arith.constant 2 : i32
    %mul3A_0 = arith.muli %arg1, %mul3A : i32
    %add3A = arith.addi %mul3A_0, %arg0 : i32
    %lt3A = arith.constant 16 : i32
    %lt3A_1 = arith.cmpi slt, %add3A, %lt3A : i32
    %convert_element_type3A = arith.extui %lt3A_1 : i1 to i32
    %cond3A = arith.constant 0 : i32
    %cond3A_2 = arith.cmpi ne, %convert_element_type3A, %cond3A : i32
    scf.if %cond3A_2 {
      %iota3A = tpu.iota {dimensions = array<i32: 0>} : vector<16xi32>
      %broadcast_in_dim3A = arith.constant 0 : i32
      %broadcast_in_dim3A_3 = vector.broadcast %broadcast_in_dim3A : i32 to vector<16xi32>
      %broadcast_in_dim3A_4 = arith.constant 1 : i32
      %broadcast_in_dim3A_5 = vector.broadcast %broadcast_in_dim3A_4 : i32 to vector<16xi32>
      %ge3A = arith.constant 5 : i32
      %ge3A_6 = vector.broadcast %ge3A : i32 to vector<16xi32>
      %ge3A_7 = arith.cmpi sge, %iota3A, %ge3A_6 : vector<16xi32>
      %scan3A = arith.constant 0 : i32
      %scan3A_8 = arith.constant 0 : i32
      %scan3A_9 = arith.constant 2048 : i32
      %scan3A_10 = arith.addi %scan3A_8, %scan3A_9 : i32
      %scan3A_11 = arith.constant 1 : i32
      scf.for %scan3A_397 = %scan3A_8 to %scan3A_10 step %scan3A_11  : i32 {
        %mul3A_398 = arith.constant 16 : i32
        %mul3A_399 = arith.muli %scan3A_397, %mul3A_398 : i32
        %swap3A_400 = arith.index_cast %mul3A_399 : i32 to index
        %swap3A_401 = tpu.vector_load %arg8[%swap3A_400] {strides = array<i32>} : memref<32768xi32, #tpu.memory_space<vmem>>, vector<16xi32>,
        tpu.vector_store %arg8[%swap3A_400], %broadcast_in_dim3A_3 {strides = array<i32>} : memref<32768xi32, #tpu.memory_space<vmem>>, vector<16xi32>,
      }
      %scan3A_12 = arith.constant 2048 : i32
      %scan3A_13 = arith.constant 0 : i32
      %scan3A_14 = arith.constant 0 : i32
      %scan3A_15 = arith.constant 513 : i32
      %scan3A_16 = arith.addi %scan3A_14, %scan3A_15 : i32
      %scan3A_17 = arith.constant 1 : i32
      scf.for %scan3A_397 = %scan3A_14 to %scan3A_16 step %scan3A_17  : i32 {
        %mul3A_398 = arith.constant 16 : i32
        %mul3A_399 = arith.muli %scan3A_397, %mul3A_398 : i32
        %swap3A_400 = arith.index_cast %mul3A_399 : i32 to index
        %swap3A_401 = tpu.vector_load %arg11[%swap3A_400] {strides = array<i32>} : memref<8208xi32, #tpu.memory_space<vmem>>, vector<16xi32>,
        tpu.vector_store %arg11[%swap3A_400], %broadcast_in_dim3A_3 {strides = array<i32>} : memref<8208xi32, #tpu.memory_space<vmem>>, vector<16xi32>,
        %broadcast_in_dim3A_402 = arith.constant 0.000000e+00 : f32
        %broadcast_in_dim3A_403 = vector.broadcast %broadcast_in_dim3A_402 : f32 to vector<16xf32>
        %mul3A_404 = arith.constant 16 : i32
        %mul3A_405 = arith.muli %scan3A_397, %mul3A_404 : i32
        %swap3A_406 = arith.index_cast %mul3A_405 : i32 to index
        %swap3A_407 = tpu.vector_load %arg12[%swap3A_406] {strides = array<i32>} : memref<8208xf32, #tpu.memory_space<vmem>>, vector<16xf32>,
        tpu.vector_store %arg12[%swap3A_406], %broadcast_in_dim3A_403 {strides = array<i32>} : memref<8208xf32, #tpu.memory_space<vmem>>, vector<16xf32>,
      }
      %scan3A_18 = arith.constant 513 : i32
      %broadcast_in_dim3A_19 = arith.constant 0xFF800000 : f32
      %broadcast_in_dim3A_20 = vector.broadcast %broadcast_in_dim3A_19 : f32 to vector<16xf32>
      %shift_left3A = arith.constant 9 : i32
      %shift_left3A_21 = vector.broadcast %shift_left3A : i32 to vector<16xi32>
      %shift_left3A_22 = arith.shli %iota3A, %shift_left3A_21 : vector<16xi32>
      %swap3A = arith.constant 0 : index
      %swap3A_23 = tpu.vector_load %arg13[%swap3A] {strides = array<i32>} : memref<16xi32, #tpu.memory_space<vmem>>, vector<16xi32>,
      tpu.vector_store %arg13[%swap3A], %broadcast_in_dim3A_3 {strides = array<i32>} : memref<16xi32, #tpu.memory_space<vmem>>, vector<16xi32>,
      %multiple_of3A = arith.constant 0 : i32
      %multiple_of3A_24 = tpu.assume_multiple %multiple_of3A, 8 : i32
      %dma_start3A = arith.constant 0 : i32
      %dma_start3A_25 = tpu.memref_slice %arg2[%add3A, %multiple_of3A_24, %dma_start3A] : memref<16x20000x91xf32, #tpu.memory_space<hbm>> -> memref<1x200x91xf32, #tpu.memory_space<hbm>>
      %dma_start3A_26 = tpu.memref_squeeze %dma_start3A_25 : memref<1x200x91xf32, #tpu.memory_space<hbm>> -> memref<200x91xf32, #tpu.memory_space<hbm>>
      %dma_start3A_27 = arith.constant 0 : i32
      %dma_start3A_28 = tpu.memref_slice %arg2[%add3A, %multiple_of3A_24, %dma_start3A_27] : memref<16x20000x91xf32, #tpu.memory_space<hbm>> -> memref<1x200x91xf32, #tpu.memory_space<hbm>>
      %dma_start3A_29 = tpu.memref_squeeze %dma_start3A_28 : memref<1x200x91xf32, #tpu.memory_space<hbm>> -> memref<200x91xf32, #tpu.memory_space<hbm>>
      tpu.enqueue_dma source(%dma_start3A_29 : memref<200x91xf32, #tpu.memory_space<hbm>>) target(%arg6 : memref<200x91xf32, #tpu.memory_space<vmem>>) target_semaphore(%arg15 : memref<!tpu.dma_semaphore, #tpu.memory_space<semaphore_mem>>)
      %dma_wait3A = arith.constant 0 : i32
      %dma_wait3A_30 = arith.constant 0 : i32
      %dma_wait3A_31 = arith.constant 0 : i32
      %dma_wait3A_32 = tpu.memref_slice %arg2[%dma_wait3A, %dma_wait3A_30, %dma_wait3A_31] : memref<16x20000x91xf32, #tpu.memory_space<hbm>> -> memref<1x200x91xf32, #tpu.memory_space<hbm>>
      %dma_wait3A_33 = tpu.memref_squeeze %dma_wait3A_32 : memref<1x200x91xf32, #tpu.memory_space<hbm>> -> memref<200x91xf32, #tpu.memory_space<hbm>>
      %dma_wait3A_34 = arith.constant 0 : i32
      %dma_wait3A_35 = arith.constant 0 : i32
      %dma_wait3A_36 = tpu.memref_slice %arg2[%dma_wait3A, %dma_wait3A_34, %dma_wait3A_35] : memref<16x20000x91xf32, #tpu.memory_space<hbm>> -> memref<1x200x91xf32, #tpu.memory_space<hbm>>
      %dma_wait3A_37 = tpu.memref_squeeze %dma_wait3A_36 : memref<1x200x91xf32, #tpu.memory_space<hbm>> -> memref<200x91xf32, #tpu.memory_space<hbm>>
      tpu.wait_dma2 semaphore(%arg15 : memref<!tpu.dma_semaphore, #tpu.memory_space<semaphore_mem>>) src(%dma_wait3A_37 : memref<200x91xf32, #tpu.memory_space<hbm>>) dst(%arg6 : memref<200x91xf32, #tpu.memory_space<vmem>>)
      %multiple_of3A_38 = arith.constant 200 : i32
      %multiple_of3A_39 = tpu.assume_multiple %multiple_of3A_38, 8 : i32
      %dma_start3A_40 = arith.constant 0 : i32
      %dma_start3A_41 = tpu.memref_slice %arg2[%add3A, %multiple_of3A_39, %dma_start3A_40] : memref<16x20000x91xf32, #tpu.memory_space<hbm>> -> memref<1x200x91xf32, #tpu.memory_space<hbm>>
      %dma_start3A_42 = tpu.memref_squeeze %dma_start3A_41 : memref<1x200x91xf32, #tpu.memory_space<hbm>> -> memref<200x91xf32, #tpu.memory_space<hbm>>
      %dma_start3A_43 = arith.constant 0 : i32
      %dma_start3A_44 = tpu.memref_slice %arg2[%add3A, %multiple_of3A_39, %dma_start3A_43] : memref<16x20000x91xf32, #tpu.memory_space<hbm>> -> memref<1x200x91xf32, #tpu.memory_space<hbm>>
      %dma_start3A_45 = tpu.memref_squeeze %dma_start3A_44 : memref<1x200x91xf32, #tpu.memory_space<hbm>> -> memref<200x91xf32, #tpu.memory_space<hbm>>
      tpu.enqueue_dma source(%dma_start3A_45 : memref<200x91xf32, #tpu.memory_space<hbm>>) target(%arg7 : memref<200x91xf32, #tpu.memory_space<vmem>>) target_semaphore(%arg16 : memref<!tpu.dma_semaphore, #tpu.memory_space<semaphore_mem>>)
      %scan3A_46 = arith.constant 0 : i32
      %scan3A_47 = arith.constant 0 : i32
      %scan3A_48 = arith.constant 200 : i32
      %scan3A_49 = arith.addi %scan3A_47, %scan3A_48 : i32
      %scan3A_50 = arith.constant 2 : i32
      scf.for %scan3A_397 = %scan3A_47 to %scan3A_49 step %scan3A_50  : i32 {
        %get3A_398 = arith.index_cast %scan3A_397 : i32 to index
        %get3A_399 = arith.constant 0 : index
        %get3A_400 = tpu.vector_load %arg6[%get3A_398, %get3A_399] {strides = array<i32>} : memref<200x91xf32, #tpu.memory_space<vmem>>, vector<16xf32>,
        %get3A_401 = arith.index_cast %scan3A_397 : i32 to index
        %get3A_402 = arith.constant 16 : index
        %get3A_403 = tpu.vector_load %arg6[%get3A_401, %get3A_402] {strides = array<i32>} : memref<200x91xf32, #tpu.memory_space<vmem>>, vector<16xf32>,
        %get3A_404 = arith.index_cast %scan3A_397 : i32 to index
        %get3A_405 = arith.constant 32 : index
        %get3A_406 = tpu.vector_load %arg6[%get3A_404, %get3A_405] {strides = array<i32>} : memref<200x91xf32, #tpu.memory_space<vmem>>, vector<16xf32>,
        %get3A_407 = arith.index_cast %scan3A_397 : i32 to index
        %get3A_408 = arith.constant 48 : index
        %get3A_409 = tpu.vector_load %arg6[%get3A_407, %get3A_408] {strides = array<i32>} : memref<200x91xf32, #tpu.memory_space<vmem>>, vector<16xf32>,
        %get3A_410 = arith.index_cast %scan3A_397 : i32 to index
        %get3A_411 = arith.constant 64 : index
        %get3A_412 = tpu.vector_load %arg6[%get3A_410, %get3A_411] {strides = array<i32>} : memref<200x91xf32, #tpu.memory_space<vmem>>, vector<16xf32>,
        %get3A_413 = arith.index_cast %scan3A_397 : i32 to index
        %get3A_414 = arith.constant 75 : index
        %get3A_415 = tpu.vector_load %arg6[%get3A_413, %get3A_414] {strides = array<i32>} : memref<200x91xf32, #tpu.memory_space<vmem>>, vector<16xf32>,
        %bitcast_convert_type3A = tpu.bitcast %get3A_400 : vector<16xf32> -> vector<16xi32>
        %shift_right_arithmetic3A = arith.constant 17 : i32
        %shift_right_arithmetic3A_416 = vector.broadcast %shift_right_arithmetic3A : i32 to vector<16xi32>
        %shift_right_arithmetic3A_417 = arith.shrsi %bitcast_convert_type3A, %shift_right_arithmetic3A_416 : vector<16xi32>
        %and3A = arith.constant 32752 : i32
        %and3A_418 = vector.broadcast %and3A : i32 to vector<16xi32>
        %and3A_419 = arith.andi %shift_right_arithmetic3A_417, %and3A_418 : vector<16xi32>
        %or3A = arith.ori %and3A_419, %iota3A : vector<16xi32>
        %bitcast_convert_type3A_420 = tpu.bitcast %get3A_403 : vector<16xf32> -> vector<16xi32>
        %shift_right_arithmetic3A_421 = arith.constant 17 : i32
        %shift_right_arithmetic3A_422 = vector.broadcast %shift_right_arithmetic3A_421 : i32 to vector<16xi32>
        %shift_right_arithmetic3A_423 = arith.shrsi %bitcast_convert_type3A_420, %shift_right_arithmetic3A_422 : vector<16xi32>
        %and3A_424 = arith.constant 32752 : i32
        %and3A_425 = vector.broadcast %and3A_424 : i32 to vector<16xi32>
        %and3A_426 = arith.andi %shift_right_arithmetic3A_423, %and3A_425 : vector<16xi32>
        %or3A_427 = arith.ori %and3A_426, %iota3A : vector<16xi32>
        %bitcast_convert_type3A_428 = tpu.bitcast %get3A_406 : vector<16xf32> -> vector<16xi32>
        %shift_right_arithmetic3A_429 = arith.constant 17 : i32
        %shift_right_arithmetic3A_430 = vector.broadcast %shift_right_arithmetic3A_429 : i32 to vector<16xi32>
        %shift_right_arithmetic3A_431 = arith.shrsi %bitcast_convert_type3A_428, %shift_right_arithmetic3A_430 : vector<16xi32>
        %and3A_432 = arith.constant 32752 : i32
        %and3A_433 = vector.broadcast %and3A_432 : i32 to vector<16xi32>
        %and3A_434 = arith.andi %shift_right_arithmetic3A_431, %and3A_433 : vector<16xi32>
        %or3A_435 = arith.ori %and3A_434, %iota3A : vector<16xi32>
        %bitcast_convert_type3A_436 = tpu.bitcast %get3A_409 : vector<16xf32> -> vector<16xi32>
        %shift_right_arithmetic3A_437 = arith.constant 17 : i32
        %shift_right_arithmetic3A_438 = vector.broadcast %shift_right_arithmetic3A_437 : i32 to vector<16xi32>
        %shift_right_arithmetic3A_439 = arith.shrsi %bitcast_convert_type3A_436, %shift_right_arithmetic3A_438 : vector<16xi32>
        %and3A_440 = arith.constant 32752 : i32
        %and3A_441 = vector.broadcast %and3A_440 : i32 to vector<16xi32>
        %and3A_442 = arith.andi %shift_right_arithmetic3A_439, %and3A_441 : vector<16xi32>
        %or3A_443 = arith.ori %and3A_442, %iota3A : vector<16xi32>
        %bitcast_convert_type3A_444 = tpu.bitcast %get3A_412 : vector<16xf32> -> vector<16xi32>
        %shift_right_arithmetic3A_445 = arith.constant 17 : i32
        %shift_right_arithmetic3A_446 = vector.broadcast %shift_right_arithmetic3A_445 : i32 to vector<16xi32>
        %shift_right_arithmetic3A_447 = arith.shrsi %bitcast_convert_type3A_444, %shift_right_arithmetic3A_446 : vector<16xi32>
        %and3A_448 = arith.constant 32752 : i32
        %and3A_449 = vector.broadcast %and3A_448 : i32 to vector<16xi32>
        %and3A_450 = arith.andi %shift_right_arithmetic3A_447, %and3A_449 : vector<16xi32>
        %or3A_451 = arith.ori %and3A_450, %iota3A : vector<16xi32>
        %bitcast_convert_type3A_452 = tpu.bitcast %get3A_415 : vector<16xf32> -> vector<16xi32>
        %shift_right_arithmetic3A_453 = arith.constant 17 : i32
        %shift_right_arithmetic3A_454 = vector.broadcast %shift_right_arithmetic3A_453 : i32 to vector<16xi32>
        %shift_right_arithmetic3A_455 = arith.shrsi %bitcast_convert_type3A_452, %shift_right_arithmetic3A_454 : vector<16xi32>
        %and3A_456 = arith.constant 32752 : i32
        %and3A_457 = vector.broadcast %and3A_456 : i32 to vector<16xi32>
        %and3A_458 = arith.andi %shift_right_arithmetic3A_455, %and3A_457 : vector<16xi32>
        %or3A_459 = arith.ori %and3A_458, %iota3A : vector<16xi32>
        tpu.vector_store_idx %arg8[%or3A], %broadcast_in_dim3A_5 {add = true} : memref<32768xi32, #tpu.memory_space<vmem>>[vector<16xi32>], vector<16xi32>,
        tpu.vector_store_idx %arg8[%or3A_427], %broadcast_in_dim3A_5 {add = true} : memref<32768xi32, #tpu.memory_space<vmem>>[vector<16xi32>], vector<16xi32>,
        tpu.vector_store_idx %arg8[%or3A_435], %broadcast_in_dim3A_5 {add = true} : memref<32768xi32, #tpu.memory_space<vmem>>[vector<16xi32>], vector<16xi32>,
        tpu.vector_store_idx %arg8[%or3A_443], %broadcast_in_dim3A_5 {add = true} : memref<32768xi32, #tpu.memory_space<vmem>>[vector<16xi32>], vector<16xi32>,
        tpu.vector_store_idx %arg8[%or3A_451], %broadcast_in_dim3A_5 {add = true} : memref<32768xi32, #tpu.memory_space<vmem>>[vector<16xi32>], vector<16xi32>,
        tpu.vector_store_idx %arg8[%or3A_459], %broadcast_in_dim3A_5 masked %ge3A_7 {add = true} : memref<32768xi32, #tpu.memory_space<vmem>>[vector<16xi32>], vector<16xi32>, vector<16xi1>
        %scan3A_460 = arith.constant 1 : i32
        %scan3A_461 = arith.addi %scan3A_397, %scan3A_460 : i32
        %get3A_462 = arith.index_cast %scan3A_461 : i32 to index
        %get3A_463 = arith.constant 0 : index
        %get3A_464 = tpu.vector_load %arg6[%get3A_462, %get3A_463] {strides = array<i32>} : memref<200x91xf32, #tpu.memory_space<vmem>>, vector<16xf32>,
        %get3A_465 = arith.index_cast %scan3A_461 : i32 to index
        %get3A_466 = arith.constant 16 : index
        %get3A_467 = tpu.vector_load %arg6[%get3A_465, %get3A_466] {strides = array<i32>} : memref<200x91xf32, #tpu.memory_space<vmem>>, vector<16xf32>,
        %get3A_468 = arith.index_cast %scan3A_461 : i32 to index
        %get3A_469 = arith.constant 32 : index
        %get3A_470 = tpu.vector_load %arg6[%get3A_468, %get3A_469] {strides = array<i32>} : memref<200x91xf32, #tpu.memory_space<vmem>>, vector<16xf32>,
        %get3A_471 = arith.index_cast %scan3A_461 : i32 to index
        %get3A_472 = arith.constant 48 : index
        %get3A_473 = tpu.vector_load %arg6[%get3A_471, %get3A_472] {strides = array<i32>} : memref<200x91xf32, #tpu.memory_space<vmem>>, vector<16xf32>,
        %get3A_474 = arith.index_cast %scan3A_461 : i32 to index
        %get3A_475 = arith.constant 64 : index
        %get3A_476 = tpu.vector_load %arg6[%get3A_474, %get3A_475] {strides = array<i32>} : memref<200x91xf32, #tpu.memory_space<vmem>>, vector<16xf32>,
        %get3A_477 = arith.index_cast %scan3A_461 : i32 to index
        %get3A_478 = arith.constant 75 : index
        %get3A_479 = tpu.vector_load %arg6[%get3A_477, %get3A_478] {strides = array<i32>} : memref<200x91xf32, #tpu.memory_space<vmem>>, vector<16xf32>,
        %bitcast_convert_type3A_480 = tpu.bitcast %get3A_464 : vector<16xf32> -> vector<16xi32>
        %shift_right_arithmetic3A_481 = arith.constant 17 : i32
        %shift_right_arithmetic3A_482 = vector.broadcast %shift_right_arithmetic3A_481 : i32 to vector<16xi32>
        %shift_right_arithmetic3A_483 = arith.shrsi %bitcast_convert_type3A_480, %shift_right_arithmetic3A_482 : vector<16xi32>
        %and3A_484 = arith.constant 32752 : i32
        %and3A_485 = vector.broadcast %and3A_484 : i32 to vector<16xi32>
        %and3A_486 = arith.andi %shift_right_arithmetic3A_483, %and3A_485 : vector<16xi32>
        %or3A_487 = arith.ori %and3A_486, %iota3A : vector<16xi32>
        %bitcast_convert_type3A_488 = tpu.bitcast %get3A_467 : vector<16xf32> -> vector<16xi32>
        %shift_right_arithmetic3A_489 = arith.constant 17 : i32
        %shift_right_arithmetic3A_490 = vector.broadcast %shift_right_arithmetic3A_489 : i32 to vector<16xi32>
        %shift_right_arithmetic3A_491 = arith.shrsi %bitcast_convert_type3A_488, %shift_right_arithmetic3A_490 : vector<16xi32>
        %and3A_492 = arith.constant 32752 : i32
        %and3A_493 = vector.broadcast %and3A_492 : i32 to vector<16xi32>
        %and3A_494 = arith.andi %shift_right_arithmetic3A_491, %and3A_493 : vector<16xi32>
        %or3A_495 = arith.ori %and3A_494, %iota3A : vector<16xi32>
        %bitcast_convert_type3A_496 = tpu.bitcast %get3A_470 : vector<16xf32> -> vector<16xi32>
        %shift_right_arithmetic3A_497 = arith.constant 17 : i32
        %shift_right_arithmetic3A_498 = vector.broadcast %shift_right_arithmetic3A_497 : i32 to vector<16xi32>
        %shift_right_arithmetic3A_499 = arith.shrsi %bitcast_convert_type3A_496, %shift_right_arithmetic3A_498 : vector<16xi32>
        %and3A_500 = arith.constant 32752 : i32
        %and3A_501 = vector.broadcast %and3A_500 : i32 to vector<16xi32>
        %and3A_502 = arith.andi %shift_right_arithmetic3A_499, %and3A_501 : vector<16xi32>
        %or3A_503 = arith.ori %and3A_502, %iota3A : vector<16xi32>
        %bitcast_convert_type3A_504 = tpu.bitcast %get3A_473 : vector<16xf32> -> vector<16xi32>
        %shift_right_arithmetic3A_505 = arith.constant 17 : i32
        %shift_right_arithmetic3A_506 = vector.broadcast %shift_right_arithmetic3A_505 : i32 to vector<16xi32>
        %shift_right_arithmetic3A_507 = arith.shrsi %bitcast_convert_type3A_504, %shift_right_arithmetic3A_506 : vector<16xi32>
        %and3A_508 = arith.constant 32752 : i32
        %and3A_509 = vector.broadcast %and3A_508 : i32 to vector<16xi32>
        %and3A_510 = arith.andi %shift_right_arithmetic3A_507, %and3A_509 : vector<16xi32>
        %or3A_511 = arith.ori %and3A_510, %iota3A : vector<16xi32>
        %bitcast_convert_type3A_512 = tpu.bitcast %get3A_476 : vector<16xf32> -> vector<16xi32>
        %shift_right_arithmetic3A_513 = arith.constant 17 : i32
        %shift_right_arithmetic3A_514 = vector.broadcast %shift_right_arithmetic3A_513 : i32 to vector<16xi32>
        %shift_right_arithmetic3A_515 = arith.shrsi %bitcast_convert_type3A_512, %shift_right_arithmetic3A_514 : vector<16xi32>
        %and3A_516 = arith.constant 32752 : i32
        %and3A_517 = vector.broadcast %and3A_516 : i32 to vector<16xi32>
        %and3A_518 = arith.andi %shift_right_arithmetic3A_515, %and3A_517 : vector<16xi32>
        %or3A_519 = arith.ori %and3A_518, %iota3A : vector<16xi32>
        %bitcast_convert_type3A_520 = tpu.bitcast %get3A_479 : vector<16xf32> -> vector<16xi32>
        %shift_right_arithmetic3A_521 = arith.constant 17 : i32
        %shift_right_arithmetic3A_522 = vector.broadcast %shift_right_arithmetic3A_521 : i32 to vector<16xi32>
        %shift_right_arithmetic3A_523 = arith.shrsi %bitcast_convert_type3A_520, %shift_right_arithmetic3A_522 : vector<16xi32>
        %and3A_524 = arith.constant 32752 : i32
        %and3A_525 = vector.broadcast %and3A_524 : i32 to vector<16xi32>
        %and3A_526 = arith.andi %shift_right_arithmetic3A_523, %and3A_525 : vector<16xi32>
        %or3A_527 = arith.ori %and3A_526, %iota3A : vector<16xi32>
        tpu.vector_store_idx %arg8[%or3A_487], %broadcast_in_dim3A_5 {add = true} : memref<32768xi32, #tpu.memory_space<vmem>>[vector<16xi32>], vector<16xi32>,
        tpu.vector_store_idx %arg8[%or3A_495], %broadcast_in_dim3A_5 {add = true} : memref<32768xi32, #tpu.memory_space<vmem>>[vector<16xi32>], vector<16xi32>,
        tpu.vector_store_idx %arg8[%or3A_503], %broadcast_in_dim3A_5 {add = true} : memref<32768xi32, #tpu.memory_space<vmem>>[vector<16xi32>], vector<16xi32>,
        tpu.vector_store_idx %arg8[%or3A_511], %broadcast_in_dim3A_5 {add = true} : memref<32768xi32, #tpu.memory_space<vmem>>[vector<16xi32>], vector<16xi32>,
        tpu.vector_store_idx %arg8[%or3A_519], %broadcast_in_dim3A_5 {add = true} : memref<32768xi32, #tpu.memory_space<vmem>>[vector<16xi32>], vector<16xi32>,
        tpu.vector_store_idx %arg8[%or3A_527], %broadcast_in_dim3A_5 masked %ge3A_7 {add = true} : memref<32768xi32, #tpu.memory_space<vmem>>[vector<16xi32>], vector<16xi32>, vector<16xi1>
      }
      %scan3A_51 = arith.constant 200 : i32
      %while3A = arith.constant 64 : i32
      %while3A_52 = arith.constant 0 : i32
      %while3A_53:2 = scf.while (%while3A_397 = %while3A, %while3A_398 = %while3A_52) : (i32, i32) -> (i32, i32) {
        %lt3A_399 = arith.constant 100 : i32
        %lt3A_400 = arith.cmpi slt, %while3A_398, %lt3A_399 : i32
        %gt3A = arith.constant 0 : i32
        %gt3A_401 = arith.cmpi sgt, %while3A_397, %gt3A : i32
        %and3A = arith.andi %lt3A_400, %gt3A_401 : i1
        scf.condition(%and3A) %while3A_397, %while3A_398 : i32, i32
      } do {
      ^bb0(%while3A_397: i32, %while3A_398: i32):
        %sub3A_399 = arith.constant 1 : i32
        %sub3A_400 = arith.subi %while3A_397, %sub3A_399 : i32
        %scan3A_401 = arith.constant 0 : i32
        %scan3A_402 = arith.constant 16 : i32
        %scan3A_403 = arith.addi %scan3A_401, %scan3A_402 : i32
        %scan3A_404 = arith.constant 1 : i32
        %scan3A_405 = scf.for %scan3A_411 = %scan3A_401 to %scan3A_403 step %scan3A_404 iter_args(%scan3A_412 = %broadcast_in_dim3A_3) -> (vector<16xi32>)  : i32 {
          %mul3A_413 = arith.constant 16 : i32
          %mul3A_414 = arith.muli %sub3A_400, %mul3A_413 : i32
          %add3A_415 = arith.addi %mul3A_414, %scan3A_411 : i32
          %mul3A_416 = arith.constant 16 : i32
          %mul3A_417 = arith.muli %add3A_415, %mul3A_416 : i32
          %get3A_418 = arith.index_cast %mul3A_417 : i32 to index
          %get3A_419 = tpu.vector_load %arg8[%get3A_418] {strides = array<i32>} : memref<32768xi32, #tpu.memory_space<vmem>>, vector<16xi32>,
          %add3A_420 = arith.addi %scan3A_412, %get3A_419 : vector<16xi32>
          scf.yield %add3A_420 : vector<16xi32>
        }
        %scan3A_406 = arith.constant 16 : i32
        %reduce_sum3A = arith.constant true
        %reduce_sum3A_407 = vector.broadcast %reduce_sum3A : i1 to vector<16xi1>
        %reduce_sum3A_408 = tpu.scan <sum>, %scan3A_405 masked %reduce_sum3A_407 : vector<16xi32>, vector<16xi1> -> vector<16xi32>
        %reduce_sum3A_409 = vector.extract %reduce_sum3A_408[15] : i32 from vector<16xi32>
        %add3A_410 = arith.addi %while3A_398, %reduce_sum3A_409 : i32
        scf.yield %sub3A_400, %add3A_410 : i32, i32
      }
      %ge3A_54 = arith.constant 100 : i32
      %ge3A_55 = arith.cmpi sge, %while3A_53#1, %ge3A_54 : i32
      %convert_element_type3A_56 = arith.extui %ge3A_55 : i1 to i32
      %cond3A_57 = arith.constant 0 : i32
      %cond3A_58 = arith.constant 0 : i32
      %cond3A_59 = arith.cmpi ne, %convert_element_type3A_56, %cond3A_58 : i32
      %cond3A_60 = scf.if %cond3A_59 -> (vector<16xf32>) {
        %scan3A_397 = arith.constant 0 : i32
        %scan3A_398 = arith.constant 16 : i32
        %scan3A_399 = arith.addi %scan3A_397, %scan3A_398 : i32
        %scan3A_400 = arith.constant 1 : i32
        %scan3A_401 = scf.for %scan3A_436 = %scan3A_397 to %scan3A_399 step %scan3A_400 iter_args(%scan3A_437 = %broadcast_in_dim3A_3) -> (vector<16xi32>)  : i32 {
          %mul3A_438 = arith.constant 16 : i32
          %mul3A_439 = arith.muli %while3A_53#0, %mul3A_438 : i32
          %add3A_440 = arith.addi %mul3A_439, %scan3A_436 : i32
          %mul3A_441 = arith.constant 16 : i32
          %mul3A_442 = arith.muli %add3A_440, %mul3A_441 : i32
          %get3A_443 = arith.index_cast %mul3A_442 : i32 to index
          %get3A_444 = tpu.vector_load %arg8[%get3A_443] {strides = array<i32>} : memref<32768xi32, #tpu.memory_space<vmem>>, vector<16xi32>,
          %reduce_sum3A_445 = arith.constant true
          %reduce_sum3A_446 = vector.broadcast %reduce_sum3A_445 : i1 to vector<16xi1>
          %reduce_sum3A_447 = tpu.scan <sum>, %get3A_444 masked %reduce_sum3A_446 : vector<16xi32>, vector<16xi1> -> vector<16xi32>
          %reduce_sum3A_448 = vector.extract %reduce_sum3A_447[15] : i32 from vector<16xi32>
          %eq3A_449 = vector.broadcast %scan3A_436 : i32 to vector<16xi32>
          %eq3A_450 = arith.cmpi eq, %iota3A, %eq3A_449 : vector<16xi32>
          %broadcast_in_dim3A_451 = vector.broadcast %reduce_sum3A_448 : i32 to vector<16xi32>
          %select_n3A_452 = arith.select %eq3A_450, %broadcast_in_dim3A_451, %scan3A_437 : vector<16xi1>, vector<16xi32>
          scf.yield %select_n3A_452 : vector<16xi32>
        }
        %scan3A_402 = arith.constant 16 : i32
        %reduce_sum3A = arith.constant true
        %reduce_sum3A_403 = vector.broadcast %reduce_sum3A : i1 to vector<16xi1>
        %reduce_sum3A_404 = tpu.scan <sum>, %scan3A_401 masked %reduce_sum3A_403 : vector<16xi32>, vector<16xi1> -> vector<16xi32>
        %reduce_sum3A_405 = vector.extract %reduce_sum3A_404[15] : i32 from vector<16xi32>
        %sub3A_406 = arith.subi %while3A_53#1, %reduce_sum3A_405 : i32
        %rev3A = arith.constant 15 : i32
        %rev3A_407 = vector.broadcast %rev3A : i32 to vector<16xi32>
        %rev3A_408 = tpu.iota {dimensions = array<i32: 0>} : vector<16xi32>
        %rev3A_409 = arith.subi %rev3A_407, %rev3A_408 : vector<16xi32>
        %rev3A_410 = tpu.dynamic_gather %scan3A_401[%rev3A_409] in [0] : vector<16xi32>, vector<16xi32> -> vector<16xi32>
        %cumsum3A_411 = arith.constant true
        %cumsum3A_412 = vector.broadcast %cumsum3A_411 : i1 to vector<16xi1>
        %cumsum3A_413 = tpu.scan <sum>, %rev3A_410 masked %cumsum3A_412 : vector<16xi32>, vector<16xi1> -> vector<16xi32>
        %add3A_414 = vector.broadcast %sub3A_406 : i32 to vector<16xi32>
        %add3A_415 = arith.addi %cumsum3A_413, %add3A_414 : vector<16xi32>
        %ge3A_416 = arith.constant 100 : i32
        %ge3A_417 = vector.broadcast %ge3A_416 : i32 to vector<16xi32>
        %ge3A_418 = arith.cmpi sge, %add3A_415, %ge3A_417 : vector<16xi32>
        %all_reduce_ffs3A = tpu.all_reduce %ge3A_418 {dim = 0 : i64, kind = #tpu.reduction_kind<find_first_set>} : vector<16xi1> -> vector<16xi32>
        %reduce_max3A_419 = arith.constant true
        %reduce_max3A_420 = vector.broadcast %reduce_max3A_419 : i1 to vector<16xi1>
        %reduce_max3A_421 = arith.constant -2147483648 : i32
        %reduce_max3A_422 = vector.broadcast %reduce_max3A_421 : i32 to vector<16xi32>
        %reduce_max3A_423 = arith.xori %all_reduce_ffs3A, %reduce_max3A_422 : vector<16xi32>
        %reduce_max3A_424 = tpu.scan <max>, %reduce_max3A_423 masked %reduce_max3A_420 : vector<16xi32>, vector<16xi1> -> vector<16xi32>
        %reduce_max3A_425 = arith.xori %reduce_max3A_424, %reduce_max3A_422 : vector<16xi32>
        %reduce_max3A_426 = vector.extract %reduce_max3A_425[15] : i32 from vector<16xi32>
        %mul3A_427 = arith.constant 16 : i32
        %mul3A_428 = arith.muli %while3A_53#0, %mul3A_427 : i32
        %add3A_429 = arith.constant 15 : i32
        %add3A_430 = arith.addi %mul3A_428, %add3A_429 : i32
        %sub3A_431 = arith.subi %add3A_430, %reduce_max3A_426 : i32
        %broadcast_in_dim3A_432 = vector.broadcast %sub3A_431 : i32 to vector<16xi32>
        %shift_left3A_433 = arith.constant 21 : i32
        %shift_left3A_434 = vector.broadcast %shift_left3A_433 : i32 to vector<16xi32>
        %shift_left3A_435 = arith.shli %broadcast_in_dim3A_432, %shift_left3A_434 : vector<16xi32>
        %bitcast_convert_type3A = tpu.bitcast %shift_left3A_435 : vector<16xi32> -> vector<16xf32>
        scf.yield %bitcast_convert_type3A : vector<16xf32>
      } else {
        %while3A_397 = arith.constant 64 : i32
        %while3A_398:2 = scf.while (%while3A_436 = %while3A_397, %while3A_437 = %while3A_53#1) : (i32, i32) -> (i32, i32) {
          %lt3A_438 = arith.constant 100 : i32
          %lt3A_439 = arith.cmpi slt, %while3A_437, %lt3A_438 : i32
          %lt3A_440 = arith.constant 128 : i32
          %lt3A_441 = arith.cmpi slt, %while3A_436, %lt3A_440 : i32
          %and3A = arith.andi %lt3A_439, %lt3A_441 : i1
          scf.condition(%and3A) %while3A_436, %while3A_437 : i32, i32
        } do {
        ^bb0(%while3A_436: i32, %while3A_437: i32):
          %add3A_438 = arith.constant 1 : i32
          %add3A_439 = arith.addi %while3A_436, %add3A_438 : i32
          %scan3A_440 = arith.constant 0 : i32
          %scan3A_441 = arith.constant 16 : i32
          %scan3A_442 = arith.addi %scan3A_440, %scan3A_441 : i32
          %scan3A_443 = arith.constant 1 : i32
          %scan3A_444 = scf.for %scan3A_451 = %scan3A_440 to %scan3A_442 step %scan3A_443 iter_args(%scan3A_452 = %broadcast_in_dim3A_3) -> (vector<16xi32>)  : i32 {
            %mul3A_453 = arith.constant 16 : i32
            %mul3A_454 = arith.muli %while3A_436, %mul3A_453 : i32
            %add3A_455 = arith.addi %mul3A_454, %scan3A_451 : i32
            %mul3A_456 = arith.constant 16 : i32
            %mul3A_457 = arith.muli %add3A_455, %mul3A_456 : i32
            %get3A_458 = arith.index_cast %mul3A_457 : i32 to index
            %get3A_459 = tpu.vector_load %arg8[%get3A_458] {strides = array<i32>} : memref<32768xi32, #tpu.memory_space<vmem>>, vector<16xi32>,
            %add3A_460 = arith.addi %scan3A_452, %get3A_459 : vector<16xi32>
            scf.yield %add3A_460 : vector<16xi32>
          }
          %scan3A_445 = arith.constant 16 : i32
          %reduce_sum3A_446 = arith.constant true
          %reduce_sum3A_447 = vector.broadcast %reduce_sum3A_446 : i1 to vector<16xi1>
          %reduce_sum3A_448 = tpu.scan <sum>, %scan3A_444 masked %reduce_sum3A_447 : vector<16xi32>, vector<16xi1> -> vector<16xi32>
          %reduce_sum3A_449 = vector.extract %reduce_sum3A_448[15] : i32 from vector<16xi32>
          %add3A_450 = arith.addi %while3A_437, %reduce_sum3A_449 : i32
          scf.yield %add3A_439, %add3A_450 : i32, i32
        }
        %sub3A_399 = arith.constant 1 : i32
        %sub3A_400 = arith.subi %while3A_398#0, %sub3A_399 : i32
        %scan3A_401 = arith.constant 0 : i32
        %scan3A_402 = arith.constant 16 : i32
        %scan3A_403 = arith.addi %scan3A_401, %scan3A_402 : i32
        %scan3A_404 = arith.constant 1 : i32
        %scan3A_405 = scf.for %scan3A_436 = %scan3A_401 to %scan3A_403 step %scan3A_404 iter_args(%scan3A_437 = %broadcast_in_dim3A_3) -> (vector<16xi32>)  : i32 {
          %mul3A_438 = arith.constant 16 : i32
          %mul3A_439 = arith.muli %sub3A_400, %mul3A_438 : i32
          %add3A_440 = arith.addi %mul3A_439, %scan3A_436 : i32
          %mul3A_441 = arith.constant 16 : i32
          %mul3A_442 = arith.muli %add3A_440, %mul3A_441 : i32
          %get3A_443 = arith.index_cast %mul3A_442 : i32 to index
          %get3A_444 = tpu.vector_load %arg8[%get3A_443] {strides = array<i32>} : memref<32768xi32, #tpu.memory_space<vmem>>, vector<16xi32>,
          %reduce_sum3A_445 = arith.constant true
          %reduce_sum3A_446 = vector.broadcast %reduce_sum3A_445 : i1 to vector<16xi1>
          %reduce_sum3A_447 = tpu.scan <sum>, %get3A_444 masked %reduce_sum3A_446 : vector<16xi32>, vector<16xi1> -> vector<16xi32>
          %reduce_sum3A_448 = vector.extract %reduce_sum3A_447[15] : i32 from vector<16xi32>
          %eq3A_449 = vector.broadcast %scan3A_436 : i32 to vector<16xi32>
          %eq3A_450 = arith.cmpi eq, %iota3A, %eq3A_449 : vector<16xi32>
          %broadcast_in_dim3A_451 = vector.broadcast %reduce_sum3A_448 : i32 to vector<16xi32>
          %select_n3A_452 = arith.select %eq3A_450, %broadcast_in_dim3A_451, %scan3A_437 : vector<16xi1>, vector<16xi32>
          scf.yield %select_n3A_452 : vector<16xi32>
        }
        %scan3A_406 = arith.constant 16 : i32
        %reduce_sum3A = arith.constant true
        %reduce_sum3A_407 = vector.broadcast %reduce_sum3A : i1 to vector<16xi1>
        %reduce_sum3A_408 = tpu.scan <sum>, %scan3A_405 masked %reduce_sum3A_407 : vector<16xi32>, vector<16xi1> -> vector<16xi32>
        %reduce_sum3A_409 = vector.extract %reduce_sum3A_408[15] : i32 from vector<16xi32>
        %sub3A_410 = arith.subi %while3A_398#1, %reduce_sum3A_409 : i32
        %cumsum3A_411 = arith.constant true
        %cumsum3A_412 = vector.broadcast %cumsum3A_411 : i1 to vector<16xi1>
        %cumsum3A_413 = tpu.scan <sum>, %scan3A_405 masked %cumsum3A_412 : vector<16xi32>, vector<16xi1> -> vector<16xi32>
        %add3A_414 = vector.broadcast %sub3A_410 : i32 to vector<16xi32>
        %add3A_415 = arith.addi %cumsum3A_413, %add3A_414 : vector<16xi32>
        %ge3A_416 = arith.constant 100 : i32
        %ge3A_417 = vector.broadcast %ge3A_416 : i32 to vector<16xi32>
        %ge3A_418 = arith.cmpi sge, %add3A_415, %ge3A_417 : vector<16xi32>
        %all_reduce_ffs3A = tpu.all_reduce %ge3A_418 {dim = 0 : i64, kind = #tpu.reduction_kind<find_first_set>} : vector<16xi1> -> vector<16xi32>
        %reduce_max3A_419 = arith.constant true
        %reduce_max3A_420 = vector.broadcast %reduce_max3A_419 : i1 to vector<16xi1>
        %reduce_max3A_421 = arith.constant -2147483648 : i32
        %reduce_max3A_422 = vector.broadcast %reduce_max3A_421 : i32 to vector<16xi32>
        %reduce_max3A_423 = arith.xori %all_reduce_ffs3A, %reduce_max3A_422 : vector<16xi32>
        %reduce_max3A_424 = tpu.scan <max>, %reduce_max3A_423 masked %reduce_max3A_420 : vector<16xi32>, vector<16xi1> -> vector<16xi32>
        %reduce_max3A_425 = arith.xori %reduce_max3A_424, %reduce_max3A_422 : vector<16xi32>
        %reduce_max3A_426 = vector.extract %reduce_max3A_425[15] : i32 from vector<16xi32>
        %mul3A_427 = arith.constant 16 : i32
        %mul3A_428 = arith.muli %sub3A_400, %mul3A_427 : i32
        %add3A_429 = arith.addi %mul3A_428, %reduce_max3A_426 : i32
        %broadcast_in_dim3A_430 = vector.broadcast %add3A_429 : i32 to vector<16xi32>
        %shift_left3A_431 = arith.constant 21 : i32
        %shift_left3A_432 = vector.broadcast %shift_left3A_431 : i32 to vector<16xi32>
        %shift_left3A_433 = arith.shli %broadcast_in_dim3A_430, %shift_left3A_432 : vector<16xi32>
        %or3A = arith.constant 2097151 : i32
        %or3A_434 = vector.broadcast %or3A : i32 to vector<16xi32>
        %or3A_435 = arith.ori %shift_left3A_433, %or3A_434 : vector<16xi32>
        %bitcast_convert_type3A = tpu.bitcast %or3A_435 : vector<16xi32> -> vector<16xf32>
        scf.yield %bitcast_convert_type3A : vector<16xf32>
      }
      %scan3A_61 = arith.constant 0 : i32
      %scan3A_62 = arith.constant 0 : i32
      %scan3A_63 = arith.constant 0 : i32
      %scan3A_64 = arith.constant 10 : i32
      %scan3A_65 = arith.addi %scan3A_63, %scan3A_64 : i32
      %scan3A_66 = arith.constant 1 : i32
      scf.for %scan3A_397 = %scan3A_63 to %scan3A_65 step %scan3A_66  : i32 {
        %mul3A_398 = arith.constant 20 : i32
        %mul3A_399 = arith.muli %scan3A_397, %mul3A_398 : i32
        %scan3A_400 = arith.constant 0 : i32
        %scan3A_401 = arith.constant 20 : i32
        %scan3A_402 = arith.addi %scan3A_400, %scan3A_401 : i32
        %scan3A_403 = arith.constant 2 : i32
        %scan3A_404 = scf.for %scan3A_415 = %scan3A_400 to %scan3A_402 step %scan3A_403 iter_args(%scan3A_416 = %broadcast_in_dim3A_20) -> (vector<16xf32>)  : i32 {
          %add3A_417 = arith.addi %mul3A_399, %scan3A_415 : i32
          %get3A_418 = arith.index_cast %add3A_417 : i32 to index
          %get3A_419 = arith.constant 0 : index
          %get3A_420 = tpu.vector_load %arg6[%get3A_418, %get3A_419] {strides = array<i32>} : memref<200x91xf32, #tpu.memory_space<vmem>>, vector<16xf32>,
          %get3A_421 = arith.index_cast %add3A_417 : i32 to index
          %get3A_422 = arith.constant 16 : index
          %get3A_423 = tpu.vector_load %arg6[%get3A_421, %get3A_422] {strides = array<i32>} : memref<200x91xf32, #tpu.memory_space<vmem>>, vector<16xf32>,
          %get3A_424 = arith.index_cast %add3A_417 : i32 to index
          %get3A_425 = arith.constant 32 : index
          %get3A_426 = tpu.vector_load %arg6[%get3A_424, %get3A_425] {strides = array<i32>} : memref<200x91xf32, #tpu.memory_space<vmem>>, vector<16xf32>,
          %get3A_427 = arith.index_cast %add3A_417 : i32 to index
          %get3A_428 = arith.constant 48 : index
          %get3A_429 = tpu.vector_load %arg6[%get3A_427, %get3A_428] {strides = array<i32>} : memref<200x91xf32, #tpu.memory_space<vmem>>, vector<16xf32>,
          %get3A_430 = arith.index_cast %add3A_417 : i32 to index
          %get3A_431 = arith.constant 64 : index
          %get3A_432 = tpu.vector_load %arg6[%get3A_430, %get3A_431] {strides = array<i32>} : memref<200x91xf32, #tpu.memory_space<vmem>>, vector<16xf32>,
          %get3A_433 = arith.index_cast %add3A_417 : i32 to index
          %get3A_434 = arith.constant 75 : index
          %get3A_435 = tpu.vector_load %arg6[%get3A_433, %get3A_434] {strides = array<i32>} : memref<200x91xf32, #tpu.memory_space<vmem>>, vector<16xf32>,
          %max3A = arith.maximumf %get3A_420, %get3A_423 : vector<16xf32>
          %max3A_436 = arith.maximumf %max3A, %get3A_426 : vector<16xf32>
          %max3A_437 = arith.maximumf %max3A_436, %get3A_429 : vector<16xf32>
          %max3A_438 = arith.maximumf %max3A_437, %get3A_432 : vector<16xf32>
          %select_n3A_439 = arith.select %ge3A_7, %get3A_435, %broadcast_in_dim3A_20 : vector<16xi1>, vector<16xf32>
          %max3A_440 = arith.maximumf %max3A_438, %select_n3A_439 : vector<16xf32>
          %max3A_441 = arith.maximumf %scan3A_416, %max3A_440 : vector<16xf32>
          %scan3A_442 = arith.constant 1 : i32
          %scan3A_443 = arith.addi %scan3A_415, %scan3A_442 : i32
          %add3A_444 = arith.addi %mul3A_399, %scan3A_443 : i32
          %get3A_445 = arith.index_cast %add3A_444 : i32 to index
          %get3A_446 = arith.constant 0 : index
          %get3A_447 = tpu.vector_load %arg6[%get3A_445, %get3A_446] {strides = array<i32>} : memref<200x91xf32, #tpu.memory_space<vmem>>, vector<16xf32>,
          %get3A_448 = arith.index_cast %add3A_444 : i32 to index
          %get3A_449 = arith.constant 16 : index
          %get3A_450 = tpu.vector_load %arg6[%get3A_448, %get3A_449] {strides = array<i32>} : memref<200x91xf32, #tpu.memory_space<vmem>>, vector<16xf32>,
          %get3A_451 = arith.index_cast %add3A_444 : i32 to index
          %get3A_452 = arith.constant 32 : index
          %get3A_453 = tpu.vector_load %arg6[%get3A_451, %get3A_452] {strides = array<i32>} : memref<200x91xf32, #tpu.memory_space<vmem>>, vector<16xf32>,
          %get3A_454 = arith.index_cast %add3A_444 : i32 to index
          %get3A_455 = arith.constant 48 : index
          %get3A_456 = tpu.vector_load %arg6[%get3A_454, %get3A_455] {strides = array<i32>} : memref<200x91xf32, #tpu.memory_space<vmem>>, vector<16xf32>,
          %get3A_457 = arith.index_cast %add3A_444 : i32 to index
          %get3A_458 = arith.constant 64 : index
          %get3A_459 = tpu.vector_load %arg6[%get3A_457, %get3A_458] {strides = array<i32>} : memref<200x91xf32, #tpu.memory_space<vmem>>, vector<16xf32>,
          %get3A_460 = arith.index_cast %add3A_444 : i32 to index
          %get3A_461 = arith.constant 75 : index
          %get3A_462 = tpu.vector_load %arg6[%get3A_460, %get3A_461] {strides = array<i32>} : memref<200x91xf32, #tpu.memory_space<vmem>>, vector<16xf32>,
          %max3A_463 = arith.maximumf %get3A_447, %get3A_450 : vector<16xf32>
          %max3A_464 = arith.maximumf %max3A_463, %get3A_453 : vector<16xf32>
          %max3A_465 = arith.maximumf %max3A_464, %get3A_456 : vector<16xf32>
          %max3A_466 = arith.maximumf %max3A_465, %get3A_459 : vector<16xf32>
          %select_n3A_467 = arith.select %ge3A_7, %get3A_462, %broadcast_in_dim3A_20 : vector<16xi1>, vector<16xf32>
          %max3A_468 = arith.maximumf %max3A_466, %select_n3A_467 : vector<16xf32>
          %max3A_469 = arith.maximumf %max3A_441, %max3A_468 : vector<16xf32>
          scf.yield %max3A_469 : vector<16xf32>
        }
        %scan3A_405 = arith.constant 20 : i32
        %ge3A_406 = arith.cmpf oge, %scan3A_404, %cond3A_60 : vector<16xf32>
        %convert_element_type3A_407 = arith.extui %ge3A_406 : vector<16xi1> to vector<16xi32>
        %reduce_sum3A = arith.constant true
        %reduce_sum3A_408 = vector.broadcast %reduce_sum3A : i1 to vector<16xi1>
        %reduce_sum3A_409 = tpu.scan <sum>, %convert_element_type3A_407 masked %reduce_sum3A_408 : vector<16xi32>, vector<16xi1> -> vector<16xi32>
        %reduce_sum3A_410 = vector.extract %reduce_sum3A_409[15] : i32 from vector<16xi32>
        %gt3A = arith.constant 0 : i32
        %gt3A_411 = arith.cmpi sgt, %reduce_sum3A_410, %gt3A : i32
        %convert_element_type3A_412 = arith.extui %gt3A_411 : i1 to i32
        %cond3A_413 = arith.constant 0 : i32
        %cond3A_414 = arith.cmpi ne, %convert_element_type3A_412, %cond3A_413 : i32
        scf.if %cond3A_414 {
          %get3A_415 = arith.constant 0 : index
          %get3A_416 = tpu.vector_load %arg13[%get3A_415] {strides = array<i32>} : memref<16xi32, #tpu.memory_space<vmem>>, vector<16xi32>,
          %scan3A_417 = arith.constant 0 : i32
          %scan3A_418 = arith.constant 20 : i32
          %scan3A_419 = arith.addi %scan3A_417, %scan3A_418 : i32
          %scan3A_420 = arith.constant 1 : i32
          %scan3A_421 = scf.for %scan3A_425 = %scan3A_417 to %scan3A_419 step %scan3A_420 iter_args(%scan3A_426 = %get3A_416) -> (vector<16xi32>)  : i32 {
            %add3A_427 = arith.addi %mul3A_399, %scan3A_425 : i32
            %get3A_428 = arith.index_cast %add3A_427 : i32 to index
            %get3A_429 = arith.constant 0 : index
            %get3A_430 = tpu.vector_load %arg6[%get3A_428, %get3A_429] {strides = array<i32>} : memref<200x91xf32, #tpu.memory_space<vmem>>, vector<16xf32>,
            %get3A_431 = arith.index_cast %add3A_427 : i32 to index
            %get3A_432 = arith.constant 16 : index
            %get3A_433 = tpu.vector_load %arg6[%get3A_431, %get3A_432] {strides = array<i32>} : memref<200x91xf32, #tpu.memory_space<vmem>>, vector<16xf32>,
            %get3A_434 = arith.index_cast %add3A_427 : i32 to index
            %get3A_435 = arith.constant 32 : index
            %get3A_436 = tpu.vector_load %arg6[%get3A_434, %get3A_435] {strides = array<i32>} : memref<200x91xf32, #tpu.memory_space<vmem>>, vector<16xf32>,
            %get3A_437 = arith.index_cast %add3A_427 : i32 to index
            %get3A_438 = arith.constant 48 : index
            %get3A_439 = tpu.vector_load %arg6[%get3A_437, %get3A_438] {strides = array<i32>} : memref<200x91xf32, #tpu.memory_space<vmem>>, vector<16xf32>,
            %get3A_440 = arith.index_cast %add3A_427 : i32 to index
            %get3A_441 = arith.constant 64 : index
            %get3A_442 = tpu.vector_load %arg6[%get3A_440, %get3A_441] {strides = array<i32>} : memref<200x91xf32, #tpu.memory_space<vmem>>, vector<16xf32>,
            %get3A_443 = arith.index_cast %add3A_427 : i32 to index
            %get3A_444 = arith.constant 75 : index
            %get3A_445 = tpu.vector_load %arg6[%get3A_443, %get3A_444] {strides = array<i32>} : memref<200x91xf32, #tpu.memory_space<vmem>>, vector<16xf32>,
            %mul3A_446 = arith.constant 200 : i32
            %mul3A_447 = arith.muli %scan3A_62, %mul3A_446 : i32
            %add3A_448 = arith.addi %mul3A_447, %mul3A_399 : i32
            %add3A_449 = arith.addi %add3A_448, %scan3A_425 : i32
            %mul3A_450 = arith.constant 91 : i32
            %mul3A_451 = arith.muli %add3A_449, %mul3A_450 : i32
            %ge3A_452 = arith.cmpf oge, %get3A_430, %cond3A_60 : vector<16xf32>
            %add3A_453 = arith.addi %shift_left3A_22, %scan3A_426 : vector<16xi32>
            %add3A_454 = arith.constant 0 : i32
            %add3A_455 = arith.addi %mul3A_451, %add3A_454 : i32
            %add3A_456 = vector.broadcast %add3A_455 : i32 to vector<16xi32>
            %add3A_457 = arith.addi %add3A_456, %iota3A : vector<16xi32>
            tpu.vector_store_idx %arg9[%add3A_453], %add3A_457 masked %ge3A_452 : memref<8192xi32, #tpu.memory_space<vmem>>[vector<16xi32>], vector<16xi32>, vector<16xi1>
            tpu.vector_store_idx %arg10[%add3A_453], %get3A_430 masked %ge3A_452 : memref<8192xf32, #tpu.memory_space<vmem>>[vector<16xi32>], vector<16xf32>, vector<16xi1>
            %convert_element_type3A_458 = arith.extui %ge3A_452 : vector<16xi1> to vector<16xi32>
            %add3A_459 = arith.addi %scan3A_426, %convert_element_type3A_458 : vector<16xi32>
            %min3A = arith.constant 511 : i32
            %min3A_460 = vector.broadcast %min3A : i32 to vector<16xi32>
            %min3A_461 = arith.minsi %add3A_459, %min3A_460 : vector<16xi32>
            %ge3A_462 = arith.cmpf oge, %get3A_433, %cond3A_60 : vector<16xf32>
            %add3A_463 = arith.addi %shift_left3A_22, %min3A_461 : vector<16xi32>
            %add3A_464 = arith.constant 16 : i32
            %add3A_465 = arith.addi %mul3A_451, %add3A_464 : i32
            %add3A_466 = vector.broadcast %add3A_465 : i32 to vector<16xi32>
            %add3A_467 = arith.addi %add3A_466, %iota3A : vector<16xi32>
            tpu.vector_store_idx %arg9[%add3A_463], %add3A_467 masked %ge3A_462 : memref<8192xi32, #tpu.memory_space<vmem>>[vector<16xi32>], vector<16xi32>, vector<16xi1>
            tpu.vector_store_idx %arg10[%add3A_463], %get3A_433 masked %ge3A_462 : memref<8192xf32, #tpu.memory_space<vmem>>[vector<16xi32>], vector<16xf32>, vector<16xi1>
            %convert_element_type3A_468 = arith.extui %ge3A_462 : vector<16xi1> to vector<16xi32>
            %add3A_469 = arith.addi %min3A_461, %convert_element_type3A_468 : vector<16xi32>
            %min3A_470 = arith.constant 511 : i32
            %min3A_471 = vector.broadcast %min3A_470 : i32 to vector<16xi32>
            %min3A_472 = arith.minsi %add3A_469, %min3A_471 : vector<16xi32>
            %ge3A_473 = arith.cmpf oge, %get3A_436, %cond3A_60 : vector<16xf32>
            %add3A_474 = arith.addi %shift_left3A_22, %min3A_472 : vector<16xi32>
            %add3A_475 = arith.constant 32 : i32
            %add3A_476 = arith.addi %mul3A_451, %add3A_475 : i32
            %add3A_477 = vector.broadcast %add3A_476 : i32 to vector<16xi32>
            %add3A_478 = arith.addi %add3A_477, %iota3A : vector<16xi32>
            tpu.vector_store_idx %arg9[%add3A_474], %add3A_478 masked %ge3A_473 : memref<8192xi32, #tpu.memory_space<vmem>>[vector<16xi32>], vector<16xi32>, vector<16xi1>
            tpu.vector_store_idx %arg10[%add3A_474], %get3A_436 masked %ge3A_473 : memref<8192xf32, #tpu.memory_space<vmem>>[vector<16xi32>], vector<16xf32>, vector<16xi1>
            %convert_element_type3A_479 = arith.extui %ge3A_473 : vector<16xi1> to vector<16xi32>
            %add3A_480 = arith.addi %min3A_472, %convert_element_type3A_479 : vector<16xi32>
            %min3A_481 = arith.constant 511 : i32
            %min3A_482 = vector.broadcast %min3A_481 : i32 to vector<16xi32>
            %min3A_483 = arith.minsi %add3A_480, %min3A_482 : vector<16xi32>
            %ge3A_484 = arith.cmpf oge, %get3A_439, %cond3A_60 : vector<16xf32>
            %add3A_485 = arith.addi %shift_left3A_22, %min3A_483 : vector<16xi32>
            %add3A_486 = arith.constant 48 : i32
            %add3A_487 = arith.addi %mul3A_451, %add3A_486 : i32
            %add3A_488 = vector.broadcast %add3A_487 : i32 to vector<16xi32>
            %add3A_489 = arith.addi %add3A_488, %iota3A : vector<16xi32>
            tpu.vector_store_idx %arg9[%add3A_485], %add3A_489 masked %ge3A_484 : memref<8192xi32, #tpu.memory_space<vmem>>[vector<16xi32>], vector<16xi32>, vector<16xi1>
            tpu.vector_store_idx %arg10[%add3A_485], %get3A_439 masked %ge3A_484 : memref<8192xf32, #tpu.memory_space<vmem>>[vector<16xi32>], vector<16xf32>, vector<16xi1>
            %convert_element_type3A_490 = arith.extui %ge3A_484 : vector<16xi1> to vector<16xi32>
            %add3A_491 = arith.addi %min3A_483, %convert_element_type3A_490 : vector<16xi32>
            %min3A_492 = arith.constant 511 : i32
            %min3A_493 = vector.broadcast %min3A_492 : i32 to vector<16xi32>
            %min3A_494 = arith.minsi %add3A_491, %min3A_493 : vector<16xi32>
            %ge3A_495 = arith.cmpf oge, %get3A_442, %cond3A_60 : vector<16xf32>
            %add3A_496 = arith.addi %shift_left3A_22, %min3A_494 : vector<16xi32>
            %add3A_497 = arith.constant 64 : i32
            %add3A_498 = arith.addi %mul3A_451, %add3A_497 : i32
            %add3A_499 = vector.broadcast %add3A_498 : i32 to vector<16xi32>
            %add3A_500 = arith.addi %add3A_499, %iota3A : vector<16xi32>
            tpu.vector_store_idx %arg9[%add3A_496], %add3A_500 masked %ge3A_495 : memref<8192xi32, #tpu.memory_space<vmem>>[vector<16xi32>], vector<16xi32>, vector<16xi1>
            tpu.vector_store_idx %arg10[%add3A_496], %get3A_442 masked %ge3A_495 : memref<8192xf32, #tpu.memory_space<vmem>>[vector<16xi32>], vector<16xf32>, vector<16xi1>
            %convert_element_type3A_501 = arith.extui %ge3A_495 : vector<16xi1> to vector<16xi32>
            %add3A_502 = arith.addi %min3A_494, %convert_element_type3A_501 : vector<16xi32>
            %min3A_503 = arith.constant 511 : i32
            %min3A_504 = vector.broadcast %min3A_503 : i32 to vector<16xi32>
            %min3A_505 = arith.minsi %add3A_502, %min3A_504 : vector<16xi32>
            %ge3A_506 = arith.cmpf oge, %get3A_445, %cond3A_60 : vector<16xf32>
            %and3A = arith.andi %ge3A_506, %ge3A_7 : vector<16xi1>
            %add3A_507 = arith.addi %shift_left3A_22, %min3A_505 : vector<16xi32>
            %add3A_508 = arith.constant 75 : i32
            %add3A_509 = arith.addi %mul3A_451, %add3A_508 : i32
            %add3A_510 = vector.broadcast %add3A_509 : i32 to vector<16xi32>
            %add3A_511 = arith.addi %add3A_510, %iota3A : vector<16xi32>
            tpu.vector_store_idx %arg9[%add3A_507], %add3A_511 masked %and3A : memref<8192xi32, #tpu.memory_space<vmem>>[vector<16xi32>], vector<16xi32>, vector<16xi1>
            tpu.vector_store_idx %arg10[%add3A_507], %get3A_445 masked %and3A : memref<8192xf32, #tpu.memory_space<vmem>>[vector<16xi32>], vector<16xf32>, vector<16xi1>
            %convert_element_type3A_512 = arith.extui %and3A : vector<16xi1> to vector<16xi32>
            %add3A_513 = arith.addi %min3A_505, %convert_element_type3A_512 : vector<16xi32>
            %min3A_514 = arith.constant 511 : i32
            %min3A_515 = vector.broadcast %min3A_514 : i32 to vector<16xi32>
            %min3A_516 = arith.minsi %add3A_513, %min3A_515 : vector<16xi32>
            scf.yield %min3A_516 : vector<16xi32>
          }
          %scan3A_422 = arith.constant 20 : i32
          %swap3A_423 = arith.constant 0 : index
          %swap3A_424 = tpu.vector_load %arg13[%swap3A_423] {strides = array<i32>} : memref<16xi32, #tpu.memory_space<vmem>>, vector<16xi32>,
          tpu.vector_store %arg13[%swap3A_423], %scan3A_421 {strides = array<i32>} : memref<16xi32, #tpu.memory_space<vmem>>, vector<16xi32>,
        } else {
        }
      }
      %scan3A_67 = arith.constant 10 : i32
      %scan3A_68 = arith.constant 0 : i32
      %scan3A_69 = arith.constant 49 : i32
      %scan3A_70 = arith.addi %scan3A_68, %scan3A_69 : i32
      %scan3A_71 = arith.constant 1 : i32
      %scan3A_72 = scf.for %scan3A_397 = %scan3A_68 to %scan3A_70 step %scan3A_71 iter_args(%scan3A_398 = %cond3A_60) -> (vector<16xf32>)  : i32 {
        %dma_wait3A_399 = arith.constant 0 : i32
        %dma_wait3A_400 = arith.constant 0 : i32
        %dma_wait3A_401 = arith.constant 0 : i32
        %dma_wait3A_402 = tpu.memref_slice %arg2[%dma_wait3A_399, %dma_wait3A_400, %dma_wait3A_401] : memref<16x20000x91xf32, #tpu.memory_space<hbm>> -> memref<1x200x91xf32, #tpu.memory_space<hbm>>
        %dma_wait3A_403 = tpu.memref_squeeze %dma_wait3A_402 : memref<1x200x91xf32, #tpu.memory_space<hbm>> -> memref<200x91xf32, #tpu.memory_space<hbm>>
        %dma_wait3A_404 = arith.constant 0 : i32
        %dma_wait3A_405 = arith.constant 0 : i32
        %dma_wait3A_406 = tpu.memref_slice %arg2[%dma_wait3A_399, %dma_wait3A_404, %dma_wait3A_405] : memref<16x20000x91xf32, #tpu.memory_space<hbm>> -> memref<1x200x91xf32, #tpu.memory_space<hbm>>
        %dma_wait3A_407 = tpu.memref_squeeze %dma_wait3A_406 : memref<1x200x91xf32, #tpu.memory_space<hbm>> -> memref<200x91xf32, #tpu.memory_space<hbm>>
        tpu.wait_dma2 semaphore(%arg16 : memref<!tpu.dma_semaphore, #tpu.memory_space<semaphore_mem>>) src(%dma_wait3A_407 : memref<200x91xf32, #tpu.memory_space<hbm>>) dst(%arg7 : memref<200x91xf32, #tpu.memory_space<vmem>>)
        %mul3A_408 = arith.constant 2 : i32
        %mul3A_409 = arith.muli %mul3A_408, %scan3A_397 : i32
        %add3A_410 = arith.constant 2 : i32
        %add3A_411 = arith.addi %mul3A_409, %add3A_410 : i32
        %mul3A_412 = arith.constant 200 : i32
        %mul3A_413 = arith.muli %add3A_411, %mul3A_412 : i32
        %multiple_of3A_414 = tpu.assume_multiple %mul3A_413, 8 : i32
        %dma_start3A_415 = arith.constant 0 : i32
        %dma_start3A_416 = tpu.memref_slice %arg2[%add3A, %multiple_of3A_414, %dma_start3A_415] : memref<16x20000x91xf32, #tpu.memory_space<hbm>> -> memref<1x200x91xf32, #tpu.memory_space<hbm>>
        %dma_start3A_417 = tpu.memref_squeeze %dma_start3A_416 : memref<1x200x91xf32, #tpu.memory_space<hbm>> -> memref<200x91xf32, #tpu.memory_space<hbm>>
        %dma_start3A_418 = arith.constant 0 : i32
        %dma_start3A_419 = tpu.memref_slice %arg2[%add3A, %multiple_of3A_414, %dma_start3A_418] : memref<16x20000x91xf32, #tpu.memory_space<hbm>> -> memref<1x200x91xf32, #tpu.memory_space<hbm>>
        %dma_start3A_420 = tpu.memref_squeeze %dma_start3A_419 : memref<1x200x91xf32, #tpu.memory_space<hbm>> -> memref<200x91xf32, #tpu.memory_space<hbm>>
        tpu.enqueue_dma source(%dma_start3A_420 : memref<200x91xf32, #tpu.memory_space<hbm>>) target(%arg6 : memref<200x91xf32, #tpu.memory_space<vmem>>) target_semaphore(%arg15 : memref<!tpu.dma_semaphore, #tpu.memory_space<semaphore_mem>>)
        %mul3A_421 = arith.constant 2 : i32
        %mul3A_422 = arith.muli %mul3A_421, %scan3A_397 : i32
        %add3A_423 = arith.constant 1 : i32
        %add3A_424 = arith.addi %mul3A_422, %add3A_423 : i32
        %scan3A_425 = arith.constant 0 : i32
        %scan3A_426 = arith.constant 0 : i32
        %scan3A_427 = arith.constant 10 : i32
        %scan3A_428 = arith.addi %scan3A_426, %scan3A_427 : i32
        %scan3A_429 = arith.constant 1 : i32
        scf.for %scan3A_473 = %scan3A_426 to %scan3A_428 step %scan3A_429  : i32 {
          %mul3A_474 = arith.constant 20 : i32
          %mul3A_475 = arith.muli %scan3A_473, %mul3A_474 : i32
          %scan3A_476 = arith.constant 0 : i32
          %scan3A_477 = arith.constant 20 : i32
          %scan3A_478 = arith.addi %scan3A_476, %scan3A_477 : i32
          %scan3A_479 = arith.constant 2 : i32
          %scan3A_480 = scf.for %scan3A_491 = %scan3A_476 to %scan3A_478 step %scan3A_479 iter_args(%scan3A_492 = %broadcast_in_dim3A_20) -> (vector<16xf32>)  : i32 {
            %add3A_493 = arith.addi %mul3A_475, %scan3A_491 : i32
            %get3A_494 = arith.index_cast %add3A_493 : i32 to index
            %get3A_495 = arith.constant 0 : index
            %get3A_496 = tpu.vector_load %arg7[%get3A_494, %get3A_495] {strides = array<i32>} : memref<200x91xf32, #tpu.memory_space<vmem>>, vector<16xf32>,
            %get3A_497 = arith.index_cast %add3A_493 : i32 to index
            %get3A_498 = arith.constant 16 : index
            %get3A_499 = tpu.vector_load %arg7[%get3A_497, %get3A_498] {strides = array<i32>} : memref<200x91xf32, #tpu.memory_space<vmem>>, vector<16xf32>,
            %get3A_500 = arith.index_cast %add3A_493 : i32 to index
            %get3A_501 = arith.constant 32 : index
            %get3A_502 = tpu.vector_load %arg7[%get3A_500, %get3A_501] {strides = array<i32>} : memref<200x91xf32, #tpu.memory_space<vmem>>, vector<16xf32>,
            %get3A_503 = arith.index_cast %add3A_493 : i32 to index
            %get3A_504 = arith.constant 48 : index
            %get3A_505 = tpu.vector_load %arg7[%get3A_503, %get3A_504] {strides = array<i32>} : memref<200x91xf32, #tpu.memory_space<vmem>>, vector<16xf32>,
            %get3A_506 = arith.index_cast %add3A_493 : i32 to index
            %get3A_507 = arith.constant 64 : index
            %get3A_508 = tpu.vector_load %arg7[%get3A_506, %get3A_507] {strides = array<i32>} : memref<200x91xf32, #tpu.memory_space<vmem>>, vector<16xf32>,
            %get3A_509 = arith.index_cast %add3A_493 : i32 to index
            %get3A_510 = arith.constant 75 : index
            %get3A_511 = tpu.vector_load %arg7[%get3A_509, %get3A_510] {strides = array<i32>} : memref<200x91xf32, #tpu.memory_space<vmem>>, vector<16xf32>,
            %bitcast_convert_type3A = tpu.bitcast %get3A_496 : vector<16xf32> -> vector<16xi32>
            %shift_right_arithmetic3A = arith.constant 17 : i32
            %shift_right_arithmetic3A_512 = vector.broadcast %shift_right_arithmetic3A : i32 to vector<16xi32>
            %shift_right_arithmetic3A_513 = arith.shrsi %bitcast_convert_type3A, %shift_right_arithmetic3A_512 : vector<16xi32>
            %and3A = arith.constant 32752 : i32
            %and3A_514 = vector.broadcast %and3A : i32 to vector<16xi32>
            %and3A_515 = arith.andi %shift_right_arithmetic3A_513, %and3A_514 : vector<16xi32>
            %or3A_516 = arith.ori %and3A_515, %iota3A : vector<16xi32>
            %bitcast_convert_type3A_517 = tpu.bitcast %get3A_499 : vector<16xf32> -> vector<16xi32>
            %shift_right_arithmetic3A_518 = arith.constant 17 : i32
            %shift_right_arithmetic3A_519 = vector.broadcast %shift_right_arithmetic3A_518 : i32 to vector<16xi32>
            %shift_right_arithmetic3A_520 = arith.shrsi %bitcast_convert_type3A_517, %shift_right_arithmetic3A_519 : vector<16xi32>
            %and3A_521 = arith.constant 32752 : i32
            %and3A_522 = vector.broadcast %and3A_521 : i32 to vector<16xi32>
            %and3A_523 = arith.andi %shift_right_arithmetic3A_520, %and3A_522 : vector<16xi32>
            %or3A_524 = arith.ori %and3A_523, %iota3A : vector<16xi32>
            %bitcast_convert_type3A_525 = tpu.bitcast %get3A_502 : vector<16xf32> -> vector<16xi32>
            %shift_right_arithmetic3A_526 = arith.constant 17 : i32
            %shift_right_arithmetic3A_527 = vector.broadcast %shift_right_arithmetic3A_526 : i32 to vector<16xi32>
            %shift_right_arithmetic3A_528 = arith.shrsi %bitcast_convert_type3A_525, %shift_right_arithmetic3A_527 : vector<16xi32>
            %and3A_529 = arith.constant 32752 : i32
            %and3A_530 = vector.broadcast %and3A_529 : i32 to vector<16xi32>
            %and3A_531 = arith.andi %shift_right_arithmetic3A_528, %and3A_530 : vector<16xi32>
            %or3A_532 = arith.ori %and3A_531, %iota3A : vector<16xi32>
            %bitcast_convert_type3A_533 = tpu.bitcast %get3A_505 : vector<16xf32> -> vector<16xi32>
            %shift_right_arithmetic3A_534 = arith.constant 17 : i32
            %shift_right_arithmetic3A_535 = vector.broadcast %shift_right_arithmetic3A_534 : i32 to vector<16xi32>
            %shift_right_arithmetic3A_536 = arith.shrsi %bitcast_convert_type3A_533, %shift_right_arithmetic3A_535 : vector<16xi32>
            %and3A_537 = arith.constant 32752 : i32
            %and3A_538 = vector.broadcast %and3A_537 : i32 to vector<16xi32>
            %and3A_539 = arith.andi %shift_right_arithmetic3A_536, %and3A_538 : vector<16xi32>
            %or3A_540 = arith.ori %and3A_539, %iota3A : vector<16xi32>
            %bitcast_convert_type3A_541 = tpu.bitcast %get3A_508 : vector<16xf32> -> vector<16xi32>
            %shift_right_arithmetic3A_542 = arith.constant 17 : i32
            %shift_right_arithmetic3A_543 = vector.broadcast %shift_right_arithmetic3A_542 : i32 to vector<16xi32>
            %shift_right_arithmetic3A_544 = arith.shrsi %bitcast_convert_type3A_541, %shift_right_arithmetic3A_543 : vector<16xi32>
            %and3A_545 = arith.constant 32752 : i32
            %and3A_546 = vector.broadcast %and3A_545 : i32 to vector<16xi32>
            %and3A_547 = arith.andi %shift_right_arithmetic3A_544, %and3A_546 : vector<16xi32>
            %or3A_548 = arith.ori %and3A_547, %iota3A : vector<16xi32>
            %bitcast_convert_type3A_549 = tpu.bitcast %get3A_511 : vector<16xf32> -> vector<16xi32>
            %shift_right_arithmetic3A_550 = arith.constant 17 : i32
            %shift_right_arithmetic3A_551 = vector.broadcast %shift_right_arithmetic3A_550 : i32 to vector<16xi32>
            %shift_right_arithmetic3A_552 = arith.shrsi %bitcast_convert_type3A_549, %shift_right_arithmetic3A_551 : vector<16xi32>
            %and3A_553 = arith.constant 32752 : i32
            %and3A_554 = vector.broadcast %and3A_553 : i32 to vector<16xi32>
            %and3A_555 = arith.andi %shift_right_arithmetic3A_552, %and3A_554 : vector<16xi32>
            %or3A_556 = arith.ori %and3A_555, %iota3A : vector<16xi32>
            tpu.vector_store_idx %arg8[%or3A_516], %broadcast_in_dim3A_5 {add = true} : memref<32768xi32, #tpu.memory_space<vmem>>[vector<16xi32>], vector<16xi32>,
            tpu.vector_store_idx %arg8[%or3A_524], %broadcast_in_dim3A_5 {add = true} : memref<32768xi32, #tpu.memory_space<vmem>>[vector<16xi32>], vector<16xi32>,
            tpu.vector_store_idx %arg8[%or3A_532], %broadcast_in_dim3A_5 {add = true} : memref<32768xi32, #tpu.memory_space<vmem>>[vector<16xi32>], vector<16xi32>,
            tpu.vector_store_idx %arg8[%or3A_540], %broadcast_in_dim3A_5 {add = true} : memref<32768xi32, #tpu.memory_space<vmem>>[vector<16xi32>], vector<16xi32>,
            tpu.vector_store_idx %arg8[%or3A_548], %broadcast_in_dim3A_5 {add = true} : memref<32768xi32, #tpu.memory_space<vmem>>[vector<16xi32>], vector<16xi32>,
            tpu.vector_store_idx %arg8[%or3A_556], %broadcast_in_dim3A_5 masked %ge3A_7 {add = true} : memref<32768xi32, #tpu.memory_space<vmem>>[vector<16xi32>], vector<16xi32>, vector<16xi1>
            %max3A = arith.maximumf %get3A_496, %get3A_499 : vector<16xf32>
            %max3A_557 = arith.maximumf %max3A, %get3A_502 : vector<16xf32>
            %max3A_558 = arith.maximumf %max3A_557, %get3A_505 : vector<16xf32>
            %max3A_559 = arith.maximumf %max3A_558, %get3A_508 : vector<16xf32>
            %select_n3A_560 = arith.select %ge3A_7, %get3A_511, %broadcast_in_dim3A_20 : vector<16xi1>, vector<16xf32>
            %max3A_561 = arith.maximumf %max3A_559, %select_n3A_560 : vector<16xf32>
            %max3A_562 = arith.maximumf %scan3A_492, %max3A_561 : vector<16xf32>
            %scan3A_563 = arith.constant 1 : i32
            %scan3A_564 = arith.addi %scan3A_491, %scan3A_563 : i32
            %add3A_565 = arith.addi %mul3A_475, %scan3A_564 : i32
            %get3A_566 = arith.index_cast %add3A_565 : i32 to index
            %get3A_567 = arith.constant 0 : index
            %get3A_568 = tpu.vector_load %arg7[%get3A_566, %get3A_567] {strides = array<i32>} : memref<200x91xf32, #tpu.memory_space<vmem>>, vector<16xf32>,
            %get3A_569 = arith.index_cast %add3A_565 : i32 to index
            %get3A_570 = arith.constant 16 : index
            %get3A_571 = tpu.vector_load %arg7[%get3A_569, %get3A_570] {strides = array<i32>} : memref<200x91xf32, #tpu.memory_space<vmem>>, vector<16xf32>,
            %get3A_572 = arith.index_cast %add3A_565 : i32 to index
            %get3A_573 = arith.constant 32 : index
            %get3A_574 = tpu.vector_load %arg7[%get3A_572, %get3A_573] {strides = array<i32>} : memref<200x91xf32, #tpu.memory_space<vmem>>, vector<16xf32>,
            %get3A_575 = arith.index_cast %add3A_565 : i32 to index
            %get3A_576 = arith.constant 48 : index
            %get3A_577 = tpu.vector_load %arg7[%get3A_575, %get3A_576] {strides = array<i32>} : memref<200x91xf32, #tpu.memory_space<vmem>>, vector<16xf32>,
            %get3A_578 = arith.index_cast %add3A_565 : i32 to index
            %get3A_579 = arith.constant 64 : index
            %get3A_580 = tpu.vector_load %arg7[%get3A_578, %get3A_579] {strides = array<i32>} : memref<200x91xf32, #tpu.memory_space<vmem>>, vector<16xf32>,
            %get3A_581 = arith.index_cast %add3A_565 : i32 to index
            %get3A_582 = arith.constant 75 : index
            %get3A_583 = tpu.vector_load %arg7[%get3A_581, %get3A_582] {strides = array<i32>} : memref<200x91xf32, #tpu.memory_space<vmem>>, vector<16xf32>,
            %bitcast_convert_type3A_584 = tpu.bitcast %get3A_568 : vector<16xf32> -> vector<16xi32>
            %shift_right_arithmetic3A_585 = arith.constant 17 : i32
            %shift_right_arithmetic3A_586 = vector.broadcast %shift_right_arithmetic3A_585 : i32 to vector<16xi32>
            %shift_right_arithmetic3A_587 = arith.shrsi %bitcast_convert_type3A_584, %shift_right_arithmetic3A_586 : vector<16xi32>
            %and3A_588 = arith.constant 32752 : i32
            %and3A_589 = vector.broadcast %and3A_588 : i32 to vector<16xi32>
            %and3A_590 = arith.andi %shift_right_arithmetic3A_587, %and3A_589 : vector<16xi32>
            %or3A_591 = arith.ori %and3A_590, %iota3A : vector<16xi32>
            %bitcast_convert_type3A_592 = tpu.bitcast %get3A_571 : vector<16xf32> -> vector<16xi32>
            %shift_right_arithmetic3A_593 = arith.constant 17 : i32
            %shift_right_arithmetic3A_594 = vector.broadcast %shift_right_arithmetic3A_593 : i32 to vector<16xi32>
            %shift_right_arithmetic3A_595 = arith.shrsi %bitcast_convert_type3A_592, %shift_right_arithmetic3A_594 : vector<16xi32>
            %and3A_596 = arith.constant 32752 : i32
            %and3A_597 = vector.broadcast %and3A_596 : i32 to vector<16xi32>
            %and3A_598 = arith.andi %shift_right_arithmetic3A_595, %and3A_597 : vector<16xi32>
            %or3A_599 = arith.ori %and3A_598, %iota3A : vector<16xi32>
            %bitcast_convert_type3A_600 = tpu.bitcast %get3A_574 : vector<16xf32> -> vector<16xi32>
            %shift_right_arithmetic3A_601 = arith.constant 17 : i32
            %shift_right_arithmetic3A_602 = vector.broadcast %shift_right_arithmetic3A_601 : i32 to vector<16xi32>
            %shift_right_arithmetic3A_603 = arith.shrsi %bitcast_convert_type3A_600, %shift_right_arithmetic3A_602 : vector<16xi32>
            %and3A_604 = arith.constant 32752 : i32
            %and3A_605 = vector.broadcast %and3A_604 : i32 to vector<16xi32>
            %and3A_606 = arith.andi %shift_right_arithmetic3A_603, %and3A_605 : vector<16xi32>
            %or3A_607 = arith.ori %and3A_606, %iota3A : vector<16xi32>
            %bitcast_convert_type3A_608 = tpu.bitcast %get3A_577 : vector<16xf32> -> vector<16xi32>
            %shift_right_arithmetic3A_609 = arith.constant 17 : i32
            %shift_right_arithmetic3A_610 = vector.broadcast %shift_right_arithmetic3A_609 : i32 to vector<16xi32>
            %shift_right_arithmetic3A_611 = arith.shrsi %bitcast_convert_type3A_608, %shift_right_arithmetic3A_610 : vector<16xi32>
            %and3A_612 = arith.constant 32752 : i32
            %and3A_613 = vector.broadcast %and3A_612 : i32 to vector<16xi32>
            %and3A_614 = arith.andi %shift_right_arithmetic3A_611, %and3A_613 : vector<16xi32>
            %or3A_615 = arith.ori %and3A_614, %iota3A : vector<16xi32>
            %bitcast_convert_type3A_616 = tpu.bitcast %get3A_580 : vector<16xf32> -> vector<16xi32>
            %shift_right_arithmetic3A_617 = arith.constant 17 : i32
            %shift_right_arithmetic3A_618 = vector.broadcast %shift_right_arithmetic3A_617 : i32 to vector<16xi32>
            %shift_right_arithmetic3A_619 = arith.shrsi %bitcast_convert_type3A_616, %shift_right_arithmetic3A_618 : vector<16xi32>
            %and3A_620 = arith.constant 32752 : i32
            %and3A_621 = vector.broadcast %and3A_620 : i32 to vector<16xi32>
            %and3A_622 = arith.andi %shift_right_arithmetic3A_619, %and3A_621 : vector<16xi32>
            %or3A_623 = arith.ori %and3A_622, %iota3A : vector<16xi32>
            %bitcast_convert_type3A_624 = tpu.bitcast %get3A_583 : vector<16xf32> -> vector<16xi32>
            %shift_right_arithmetic3A_625 = arith.constant 17 : i32
            %shift_right_arithmetic3A_626 = vector.broadcast %shift_right_arithmetic3A_625 : i32 to vector<16xi32>
            %shift_right_arithmetic3A_627 = arith.shrsi %bitcast_convert_type3A_624, %shift_right_arithmetic3A_626 : vector<16xi32>
            %and3A_628 = arith.constant 32752 : i32
            %and3A_629 = vector.broadcast %and3A_628 : i32 to vector<16xi32>
            %and3A_630 = arith.andi %shift_right_arithmetic3A_627, %and3A_629 : vector<16xi32>
            %or3A_631 = arith.ori %and3A_630, %iota3A : vector<16xi32>
            tpu.vector_store_idx %arg8[%or3A_591], %broadcast_in_dim3A_5 {add = true} : memref<32768xi32, #tpu.memory_space<vmem>>[vector<16xi32>], vector<16xi32>,
            tpu.vector_store_idx %arg8[%or3A_599], %broadcast_in_dim3A_5 {add = true} : memref<32768xi32, #tpu.memory_space<vmem>>[vector<16xi32>], vector<16xi32>,
            tpu.vector_store_idx %arg8[%or3A_607], %broadcast_in_dim3A_5 {add = true} : memref<32768xi32, #tpu.memory_space<vmem>>[vector<16xi32>], vector<16xi32>,
            tpu.vector_store_idx %arg8[%or3A_615], %broadcast_in_dim3A_5 {add = true} : memref<32768xi32, #tpu.memory_space<vmem>>[vector<16xi32>], vector<16xi32>,
            tpu.vector_store_idx %arg8[%or3A_623], %broadcast_in_dim3A_5 {add = true} : memref<32768xi32, #tpu.memory_space<vmem>>[vector<16xi32>], vector<16xi32>,
            tpu.vector_store_idx %arg8[%or3A_631], %broadcast_in_dim3A_5 masked %ge3A_7 {add = true} : memref<32768xi32, #tpu.memory_space<vmem>>[vector<16xi32>], vector<16xi32>, vector<16xi1>
            %max3A_632 = arith.maximumf %get3A_568, %get3A_571 : vector<16xf32>
            %max3A_633 = arith.maximumf %max3A_632, %get3A_574 : vector<16xf32>
            %max3A_634 = arith.maximumf %max3A_633, %get3A_577 : vector<16xf32>
            %max3A_635 = arith.maximumf %max3A_634, %get3A_580 : vector<16xf32>
            %select_n3A_636 = arith.select %ge3A_7, %get3A_583, %broadcast_in_dim3A_20 : vector<16xi1>, vector<16xf32>
            %max3A_637 = arith.maximumf %max3A_635, %select_n3A_636 : vector<16xf32>
            %max3A_638 = arith.maximumf %max3A_562, %max3A_637 : vector<16xf32>
            scf.yield %max3A_638 : vector<16xf32>
          }
          %scan3A_481 = arith.constant 20 : i32
          %ge3A_482 = arith.cmpf oge, %scan3A_480, %scan3A_398 : vector<16xf32>
          %convert_element_type3A_483 = arith.extui %ge3A_482 : vector<16xi1> to vector<16xi32>
          %reduce_sum3A = arith.constant true
          %reduce_sum3A_484 = vector.broadcast %reduce_sum3A : i1 to vector<16xi1>
          %reduce_sum3A_485 = tpu.scan <sum>, %convert_element_type3A_483 masked %reduce_sum3A_484 : vector<16xi32>, vector<16xi1> -> vector<16xi32>
          %reduce_sum3A_486 = vector.extract %reduce_sum3A_485[15] : i32 from vector<16xi32>
          %gt3A = arith.constant 0 : i32
          %gt3A_487 = arith.cmpi sgt, %reduce_sum3A_486, %gt3A : i32
          %convert_element_type3A_488 = arith.extui %gt3A_487 : i1 to i32
          %cond3A_489 = arith.constant 0 : i32
          %cond3A_490 = arith.cmpi ne, %convert_element_type3A_488, %cond3A_489 : i32
          scf.if %cond3A_490 {
            %get3A_491 = arith.constant 0 : index
            %get3A_492 = tpu.vector_load %arg13[%get3A_491] {strides = array<i32>} : memref<16xi32, #tpu.memory_space<vmem>>, vector<16xi32>,
            %scan3A_493 = arith.constant 0 : i32
            %scan3A_494 = arith.constant 20 : i32
            %scan3A_495 = arith.addi %scan3A_493, %scan3A_494 : i32
            %scan3A_496 = arith.constant 1 : i32
            %scan3A_497 = scf.for %scan3A_501 = %scan3A_493 to %scan3A_495 step %scan3A_496 iter_args(%scan3A_502 = %get3A_492) -> (vector<16xi32>)  : i32 {
              %add3A_503 = arith.addi %mul3A_475, %scan3A_501 : i32
              %get3A_504 = arith.index_cast %add3A_503 : i32 to index
              %get3A_505 = arith.constant 0 : index
              %get3A_506 = tpu.vector_load %arg7[%get3A_504, %get3A_505] {strides = array<i32>} : memref<200x91xf32, #tpu.memory_space<vmem>>, vector<16xf32>,
              %get3A_507 = arith.index_cast %add3A_503 : i32 to index
              %get3A_508 = arith.constant 16 : index
              %get3A_509 = tpu.vector_load %arg7[%get3A_507, %get3A_508] {strides = array<i32>} : memref<200x91xf32, #tpu.memory_space<vmem>>, vector<16xf32>,
              %get3A_510 = arith.index_cast %add3A_503 : i32 to index
              %get3A_511 = arith.constant 32 : index
              %get3A_512 = tpu.vector_load %arg7[%get3A_510, %get3A_511] {strides = array<i32>} : memref<200x91xf32, #tpu.memory_space<vmem>>, vector<16xf32>,
              %get3A_513 = arith.index_cast %add3A_503 : i32 to index
              %get3A_514 = arith.constant 48 : index
              %get3A_515 = tpu.vector_load %arg7[%get3A_513, %get3A_514] {strides = array<i32>} : memref<200x91xf32, #tpu.memory_space<vmem>>, vector<16xf32>,
              %get3A_516 = arith.index_cast %add3A_503 : i32 to index
              %get3A_517 = arith.constant 64 : index
              %get3A_518 = tpu.vector_load %arg7[%get3A_516, %get3A_517] {strides = array<i32>} : memref<200x91xf32, #tpu.memory_space<vmem>>, vector<16xf32>,
              %get3A_519 = arith.index_cast %add3A_503 : i32 to index
              %get3A_520 = arith.constant 75 : index
              %get3A_521 = tpu.vector_load %arg7[%get3A_519, %get3A_520] {strides = array<i32>} : memref<200x91xf32, #tpu.memory_space<vmem>>, vector<16xf32>,
              %mul3A_522 = arith.constant 200 : i32
              %mul3A_523 = arith.muli %add3A_424, %mul3A_522 : i32
              %add3A_524 = arith.addi %mul3A_523, %mul3A_475 : i32
              %add3A_525 = arith.addi %add3A_524, %scan3A_501 : i32
              %mul3A_526 = arith.constant 91 : i32
              %mul3A_527 = arith.muli %add3A_525, %mul3A_526 : i32
              %ge3A_528 = arith.cmpf oge, %get3A_506, %scan3A_398 : vector<16xf32>
              %add3A_529 = arith.addi %shift_left3A_22, %scan3A_502 : vector<16xi32>
              %add3A_530 = arith.constant 0 : i32
              %add3A_531 = arith.addi %mul3A_527, %add3A_530 : i32
              %add3A_532 = vector.broadcast %add3A_531 : i32 to vector<16xi32>
              %add3A_533 = arith.addi %add3A_532, %iota3A : vector<16xi32>
              tpu.vector_store_idx %arg9[%add3A_529], %add3A_533 masked %ge3A_528 : memref<8192xi32, #tpu.memory_space<vmem>>[vector<16xi32>], vector<16xi32>, vector<16xi1>
              tpu.vector_store_idx %arg10[%add3A_529], %get3A_506 masked %ge3A_528 : memref<8192xf32, #tpu.memory_space<vmem>>[vector<16xi32>], vector<16xf32>, vector<16xi1>
              %convert_element_type3A_534 = arith.extui %ge3A_528 : vector<16xi1> to vector<16xi32>
              %add3A_535 = arith.addi %scan3A_502, %convert_element_type3A_534 : vector<16xi32>
              %min3A = arith.constant 511 : i32
              %min3A_536 = vector.broadcast %min3A : i32 to vector<16xi32>
              %min3A_537 = arith.minsi %add3A_535, %min3A_536 : vector<16xi32>
              %ge3A_538 = arith.cmpf oge, %get3A_509, %scan3A_398 : vector<16xf32>
              %add3A_539 = arith.addi %shift_left3A_22, %min3A_537 : vector<16xi32>
              %add3A_540 = arith.constant 16 : i32
              %add3A_541 = arith.addi %mul3A_527, %add3A_540 : i32
              %add3A_542 = vector.broadcast %add3A_541 : i32 to vector<16xi32>
              %add3A_543 = arith.addi %add3A_542, %iota3A : vector<16xi32>
              tpu.vector_store_idx %arg9[%add3A_539], %add3A_543 masked %ge3A_538 : memref<8192xi32, #tpu.memory_space<vmem>>[vector<16xi32>], vector<16xi32>, vector<16xi1>
              tpu.vector_store_idx %arg10[%add3A_539], %get3A_509 masked %ge3A_538 : memref<8192xf32, #tpu.memory_space<vmem>>[vector<16xi32>], vector<16xf32>, vector<16xi1>
              %convert_element_type3A_544 = arith.extui %ge3A_538 : vector<16xi1> to vector<16xi32>
              %add3A_545 = arith.addi %min3A_537, %convert_element_type3A_544 : vector<16xi32>
              %min3A_546 = arith.constant 511 : i32
              %min3A_547 = vector.broadcast %min3A_546 : i32 to vector<16xi32>
              %min3A_548 = arith.minsi %add3A_545, %min3A_547 : vector<16xi32>
              %ge3A_549 = arith.cmpf oge, %get3A_512, %scan3A_398 : vector<16xf32>
              %add3A_550 = arith.addi %shift_left3A_22, %min3A_548 : vector<16xi32>
              %add3A_551 = arith.constant 32 : i32
              %add3A_552 = arith.addi %mul3A_527, %add3A_551 : i32
              %add3A_553 = vector.broadcast %add3A_552 : i32 to vector<16xi32>
              %add3A_554 = arith.addi %add3A_553, %iota3A : vector<16xi32>
              tpu.vector_store_idx %arg9[%add3A_550], %add3A_554 masked %ge3A_549 : memref<8192xi32, #tpu.memory_space<vmem>>[vector<16xi32>], vector<16xi32>, vector<16xi1>
              tpu.vector_store_idx %arg10[%add3A_550], %get3A_512 masked %ge3A_549 : memref<8192xf32, #tpu.memory_space<vmem>>[vector<16xi32>], vector<16xf32>, vector<16xi1>
              %convert_element_type3A_555 = arith.extui %ge3A_549 : vector<16xi1> to vector<16xi32>
              %add3A_556 = arith.addi %min3A_548, %convert_element_type3A_555 : vector<16xi32>
              %min3A_557 = arith.constant 511 : i32
              %min3A_558 = vector.broadcast %min3A_557 : i32 to vector<16xi32>
              %min3A_559 = arith.minsi %add3A_556, %min3A_558 : vector<16xi32>
              %ge3A_560 = arith.cmpf oge, %get3A_515, %scan3A_398 : vector<16xf32>
              %add3A_561 = arith.addi %shift_left3A_22, %min3A_559 : vector<16xi32>
              %add3A_562 = arith.constant 48 : i32
              %add3A_563 = arith.addi %mul3A_527, %add3A_562 : i32
              %add3A_564 = vector.broadcast %add3A_563 : i32 to vector<16xi32>
              %add3A_565 = arith.addi %add3A_564, %iota3A : vector<16xi32>
              tpu.vector_store_idx %arg9[%add3A_561], %add3A_565 masked %ge3A_560 : memref<8192xi32, #tpu.memory_space<vmem>>[vector<16xi32>], vector<16xi32>, vector<16xi1>
              tpu.vector_store_idx %arg10[%add3A_561], %get3A_515 masked %ge3A_560 : memref<8192xf32, #tpu.memory_space<vmem>>[vector<16xi32>], vector<16xf32>, vector<16xi1>
              %convert_element_type3A_566 = arith.extui %ge3A_560 : vector<16xi1> to vector<16xi32>
              %add3A_567 = arith.addi %min3A_559, %convert_element_type3A_566 : vector<16xi32>
              %min3A_568 = arith.constant 511 : i32
              %min3A_569 = vector.broadcast %min3A_568 : i32 to vector<16xi32>
              %min3A_570 = arith.minsi %add3A_567, %min3A_569 : vector<16xi32>
              %ge3A_571 = arith.cmpf oge, %get3A_518, %scan3A_398 : vector<16xf32>
              %add3A_572 = arith.addi %shift_left3A_22, %min3A_570 : vector<16xi32>
              %add3A_573 = arith.constant 64 : i32
              %add3A_574 = arith.addi %mul3A_527, %add3A_573 : i32
              %add3A_575 = vector.broadcast %add3A_574 : i32 to vector<16xi32>
              %add3A_576 = arith.addi %add3A_575, %iota3A : vector<16xi32>
              tpu.vector_store_idx %arg9[%add3A_572], %add3A_576 masked %ge3A_571 : memref<8192xi32, #tpu.memory_space<vmem>>[vector<16xi32>], vector<16xi32>, vector<16xi1>
              tpu.vector_store_idx %arg10[%add3A_572], %get3A_518 masked %ge3A_571 : memref<8192xf32, #tpu.memory_space<vmem>>[vector<16xi32>], vector<16xf32>, vector<16xi1>
              %convert_element_type3A_577 = arith.extui %ge3A_571 : vector<16xi1> to vector<16xi32>
              %add3A_578 = arith.addi %min3A_570, %convert_element_type3A_577 : vector<16xi32>
              %min3A_579 = arith.constant 511 : i32
              %min3A_580 = vector.broadcast %min3A_579 : i32 to vector<16xi32>
              %min3A_581 = arith.minsi %add3A_578, %min3A_580 : vector<16xi32>
              %ge3A_582 = arith.cmpf oge, %get3A_521, %scan3A_398 : vector<16xf32>
              %and3A = arith.andi %ge3A_582, %ge3A_7 : vector<16xi1>
              %add3A_583 = arith.addi %shift_left3A_22, %min3A_581 : vector<16xi32>
              %add3A_584 = arith.constant 75 : i32
              %add3A_585 = arith.addi %mul3A_527, %add3A_584 : i32
              %add3A_586 = vector.broadcast %add3A_585 : i32 to vector<16xi32>
              %add3A_587 = arith.addi %add3A_586, %iota3A : vector<16xi32>
              tpu.vector_store_idx %arg9[%add3A_583], %add3A_587 masked %and3A : memref<8192xi32, #tpu.memory_space<vmem>>[vector<16xi32>], vector<16xi32>, vector<16xi1>
              tpu.vector_store_idx %arg10[%add3A_583], %get3A_521 masked %and3A : memref<8192xf32, #tpu.memory_space<vmem>>[vector<16xi32>], vector<16xf32>, vector<16xi1>
              %convert_element_type3A_588 = arith.extui %and3A : vector<16xi1> to vector<16xi32>
              %add3A_589 = arith.addi %min3A_581, %convert_element_type3A_588 : vector<16xi32>
              %min3A_590 = arith.constant 511 : i32
              %min3A_591 = vector.broadcast %min3A_590 : i32 to vector<16xi32>
              %min3A_592 = arith.minsi %add3A_589, %min3A_591 : vector<16xi32>
              scf.yield %min3A_592 : vector<16xi32>
            }
            %scan3A_498 = arith.constant 20 : i32
            %swap3A_499 = arith.constant 0 : index
            %swap3A_500 = tpu.vector_load %arg13[%swap3A_499] {strides = array<i32>} : memref<16xi32, #tpu.memory_space<vmem>>, vector<16xi32>,
            tpu.vector_store %arg13[%swap3A_499], %scan3A_497 {strides = array<i32>} : memref<16xi32, #tpu.memory_space<vmem>>, vector<16xi32>,
          } else {
          }
        }
        %scan3A_430 = arith.constant 10 : i32
        %dma_wait3A_431 = arith.constant 0 : i32
        %dma_wait3A_432 = arith.constant 0 : i32
        %dma_wait3A_433 = arith.constant 0 : i32
        %dma_wait3A_434 = tpu.memref_slice %arg2[%dma_wait3A_431, %dma_wait3A_432, %dma_wait3A_433] : memref<16x20000x91xf32, #tpu.memory_space<hbm>> -> memref<1x200x91xf32, #tpu.memory_space<hbm>>
        %dma_wait3A_435 = tpu.memref_squeeze %dma_wait3A_434 : memref<1x200x91xf32, #tpu.memory_space<hbm>> -> memref<200x91xf32, #tpu.memory_space<hbm>>
        %dma_wait3A_436 = arith.constant 0 : i32
        %dma_wait3A_437 = arith.constant 0 : i32
        %dma_wait3A_438 = tpu.memref_slice %arg2[%dma_wait3A_431, %dma_wait3A_436, %dma_wait3A_437] : memref<16x20000x91xf32, #tpu.memory_space<hbm>> -> memref<1x200x91xf32, #tpu.memory_space<hbm>>
        %dma_wait3A_439 = tpu.memref_squeeze %dma_wait3A_438 : memref<1x200x91xf32, #tpu.memory_space<hbm>> -> memref<200x91xf32, #tpu.memory_space<hbm>>
        tpu.wait_dma2 semaphore(%arg15 : memref<!tpu.dma_semaphore, #tpu.memory_space<semaphore_mem>>) src(%dma_wait3A_439 : memref<200x91xf32, #tpu.memory_space<hbm>>) dst(%arg6 : memref<200x91xf32, #tpu.memory_space<vmem>>)
        %mul3A_440 = arith.constant 2 : i32
        %mul3A_441 = arith.muli %mul3A_440, %scan3A_397 : i32
        %add3A_442 = arith.constant 3 : i32
        %add3A_443 = arith.addi %mul3A_441, %add3A_442 : i32
        %mul3A_444 = arith.constant 200 : i32
        %mul3A_445 = arith.muli %add3A_443, %mul3A_444 : i32
        %multiple_of3A_446 = tpu.assume_multiple %mul3A_445, 8 : i32
        %dma_start3A_447 = arith.constant 0 : i32
        %dma_start3A_448 = tpu.memref_slice %arg2[%add3A, %multiple_of3A_446, %dma_start3A_447] : memref<16x20000x91xf32, #tpu.memory_space<hbm>> -> memref<1x200x91xf32, #tpu.memory_space<hbm>>
        %dma_start3A_449 = tpu.memref_squeeze %dma_start3A_448 : memref<1x200x91xf32, #tpu.memory_space<hbm>> -> memref<200x91xf32, #tpu.memory_space<hbm>>
        %dma_start3A_450 = arith.constant 0 : i32
        %dma_start3A_451 = tpu.memref_slice %arg2[%add3A, %multiple_of3A_446, %dma_start3A_450] : memref<16x20000x91xf32, #tpu.memory_space<hbm>> -> memref<1x200x91xf32, #tpu.memory_space<hbm>>
        %dma_start3A_452 = tpu.memref_squeeze %dma_start3A_451 : memref<1x200x91xf32, #tpu.memory_space<hbm>> -> memref<200x91xf32, #tpu.memory_space<hbm>>
        tpu.enqueue_dma source(%dma_start3A_452 : memref<200x91xf32, #tpu.memory_space<hbm>>) target(%arg7 : memref<200x91xf32, #tpu.memory_space<vmem>>) target_semaphore(%arg16 : memref<!tpu.dma_semaphore, #tpu.memory_space<semaphore_mem>>)
        %mul3A_453 = arith.constant 2 : i32
        %mul3A_454 = arith.muli %mul3A_453, %scan3A_397 : i32
        %add3A_455 = arith.constant 2 : i32
        %add3A_456 = arith.addi %mul3A_454, %add3A_455 : i32
        %scan3A_457 = arith.constant 0 : i32
        %scan3A_458 = arith.constant 0 : i32
        %scan3A_459 = arith.constant 10 : i32
        %scan3A_460 = arith.addi %scan3A_458, %scan3A_459 : i32
        %scan3A_461 = arith.constant 1 : i32
        scf.for %scan3A_473 = %scan3A_458 to %scan3A_460 step %scan3A_461  : i32 {
          %mul3A_474 = arith.constant 20 : i32
          %mul3A_475 = arith.muli %scan3A_473, %mul3A_474 : i32
          %scan3A_476 = arith.constant 0 : i32
          %scan3A_477 = arith.constant 20 : i32
          %scan3A_478 = arith.addi %scan3A_476, %scan3A_477 : i32
          %scan3A_479 = arith.constant 2 : i32
          %scan3A_480 = scf.for %scan3A_491 = %scan3A_476 to %scan3A_478 step %scan3A_479 iter_args(%scan3A_492 = %broadcast_in_dim3A_20) -> (vector<16xf32>)  : i32 {
            %add3A_493 = arith.addi %mul3A_475, %scan3A_491 : i32
            %get3A_494 = arith.index_cast %add3A_493 : i32 to index
            %get3A_495 = arith.constant 0 : index
            %get3A_496 = tpu.vector_load %arg6[%get3A_494, %get3A_495] {strides = array<i32>} : memref<200x91xf32, #tpu.memory_space<vmem>>, vector<16xf32>,
            %get3A_497 = arith.index_cast %add3A_493 : i32 to index
            %get3A_498 = arith.constant 16 : index
            %get3A_499 = tpu.vector_load %arg6[%get3A_497, %get3A_498] {strides = array<i32>} : memref<200x91xf32, #tpu.memory_space<vmem>>, vector<16xf32>,
            %get3A_500 = arith.index_cast %add3A_493 : i32 to index
            %get3A_501 = arith.constant 32 : index
            %get3A_502 = tpu.vector_load %arg6[%get3A_500, %get3A_501] {strides = array<i32>} : memref<200x91xf32, #tpu.memory_space<vmem>>, vector<16xf32>,
            %get3A_503 = arith.index_cast %add3A_493 : i32 to index
            %get3A_504 = arith.constant 48 : index
            %get3A_505 = tpu.vector_load %arg6[%get3A_503, %get3A_504] {strides = array<i32>} : memref<200x91xf32, #tpu.memory_space<vmem>>, vector<16xf32>,
            %get3A_506 = arith.index_cast %add3A_493 : i32 to index
            %get3A_507 = arith.constant 64 : index
            %get3A_508 = tpu.vector_load %arg6[%get3A_506, %get3A_507] {strides = array<i32>} : memref<200x91xf32, #tpu.memory_space<vmem>>, vector<16xf32>,
            %get3A_509 = arith.index_cast %add3A_493 : i32 to index
            %get3A_510 = arith.constant 75 : index
            %get3A_511 = tpu.vector_load %arg6[%get3A_509, %get3A_510] {strides = array<i32>} : memref<200x91xf32, #tpu.memory_space<vmem>>, vector<16xf32>,
            %bitcast_convert_type3A = tpu.bitcast %get3A_496 : vector<16xf32> -> vector<16xi32>
            %shift_right_arithmetic3A = arith.constant 17 : i32
            %shift_right_arithmetic3A_512 = vector.broadcast %shift_right_arithmetic3A : i32 to vector<16xi32>
            %shift_right_arithmetic3A_513 = arith.shrsi %bitcast_convert_type3A, %shift_right_arithmetic3A_512 : vector<16xi32>
            %and3A = arith.constant 32752 : i32
            %and3A_514 = vector.broadcast %and3A : i32 to vector<16xi32>
            %and3A_515 = arith.andi %shift_right_arithmetic3A_513, %and3A_514 : vector<16xi32>
            %or3A_516 = arith.ori %and3A_515, %iota3A : vector<16xi32>
            %bitcast_convert_type3A_517 = tpu.bitcast %get3A_499 : vector<16xf32> -> vector<16xi32>
            %shift_right_arithmetic3A_518 = arith.constant 17 : i32
            %shift_right_arithmetic3A_519 = vector.broadcast %shift_right_arithmetic3A_518 : i32 to vector<16xi32>
            %shift_right_arithmetic3A_520 = arith.shrsi %bitcast_convert_type3A_517, %shift_right_arithmetic3A_519 : vector<16xi32>
            %and3A_521 = arith.constant 32752 : i32
            %and3A_522 = vector.broadcast %and3A_521 : i32 to vector<16xi32>
            %and3A_523 = arith.andi %shift_right_arithmetic3A_520, %and3A_522 : vector<16xi32>
            %or3A_524 = arith.ori %and3A_523, %iota3A : vector<16xi32>
            %bitcast_convert_type3A_525 = tpu.bitcast %get3A_502 : vector<16xf32> -> vector<16xi32>
            %shift_right_arithmetic3A_526 = arith.constant 17 : i32
            %shift_right_arithmetic3A_527 = vector.broadcast %shift_right_arithmetic3A_526 : i32 to vector<16xi32>
            %shift_right_arithmetic3A_528 = arith.shrsi %bitcast_convert_type3A_525, %shift_right_arithmetic3A_527 : vector<16xi32>
            %and3A_529 = arith.constant 32752 : i32
            %and3A_530 = vector.broadcast %and3A_529 : i32 to vector<16xi32>
            %and3A_531 = arith.andi %shift_right_arithmetic3A_528, %and3A_530 : vector<16xi32>
            %or3A_532 = arith.ori %and3A_531, %iota3A : vector<16xi32>
            %bitcast_convert_type3A_533 = tpu.bitcast %get3A_505 : vector<16xf32> -> vector<16xi32>
            %shift_right_arithmetic3A_534 = arith.constant 17 : i32
            %shift_right_arithmetic3A_535 = vector.broadcast %shift_right_arithmetic3A_534 : i32 to vector<16xi32>
            %shift_right_arithmetic3A_536 = arith.shrsi %bitcast_convert_type3A_533, %shift_right_arithmetic3A_535 : vector<16xi32>
            %and3A_537 = arith.constant 32752 : i32
            %and3A_538 = vector.broadcast %and3A_537 : i32 to vector<16xi32>
            %and3A_539 = arith.andi %shift_right_arithmetic3A_536, %and3A_538 : vector<16xi32>
            %or3A_540 = arith.ori %and3A_539, %iota3A : vector<16xi32>
            %bitcast_convert_type3A_541 = tpu.bitcast %get3A_508 : vector<16xf32> -> vector<16xi32>
            %shift_right_arithmetic3A_542 = arith.constant 17 : i32
            %shift_right_arithmetic3A_543 = vector.broadcast %shift_right_arithmetic3A_542 : i32 to vector<16xi32>
            %shift_right_arithmetic3A_544 = arith.shrsi %bitcast_convert_type3A_541, %shift_right_arithmetic3A_543 : vector<16xi32>
            %and3A_545 = arith.constant 32752 : i32
            %and3A_546 = vector.broadcast %and3A_545 : i32 to vector<16xi32>
            %and3A_547 = arith.andi %shift_right_arithmetic3A_544, %and3A_546 : vector<16xi32>
            %or3A_548 = arith.ori %and3A_547, %iota3A : vector<16xi32>
            %bitcast_convert_type3A_549 = tpu.bitcast %get3A_511 : vector<16xf32> -> vector<16xi32>
            %shift_right_arithmetic3A_550 = arith.constant 17 : i32
            %shift_right_arithmetic3A_551 = vector.broadcast %shift_right_arithmetic3A_550 : i32 to vector<16xi32>
            %shift_right_arithmetic3A_552 = arith.shrsi %bitcast_convert_type3A_549, %shift_right_arithmetic3A_551 : vector<16xi32>
            %and3A_553 = arith.constant 32752 : i32
            %and3A_554 = vector.broadcast %and3A_553 : i32 to vector<16xi32>
            %and3A_555 = arith.andi %shift_right_arithmetic3A_552, %and3A_554 : vector<16xi32>
            %or3A_556 = arith.ori %and3A_555, %iota3A : vector<16xi32>
            tpu.vector_store_idx %arg8[%or3A_516], %broadcast_in_dim3A_5 {add = true} : memref<32768xi32, #tpu.memory_space<vmem>>[vector<16xi32>], vector<16xi32>,
            tpu.vector_store_idx %arg8[%or3A_524], %broadcast_in_dim3A_5 {add = true} : memref<32768xi32, #tpu.memory_space<vmem>>[vector<16xi32>], vector<16xi32>,
            tpu.vector_store_idx %arg8[%or3A_532], %broadcast_in_dim3A_5 {add = true} : memref<32768xi32, #tpu.memory_space<vmem>>[vector<16xi32>], vector<16xi32>,
            tpu.vector_store_idx %arg8[%or3A_540], %broadcast_in_dim3A_5 {add = true} : memref<32768xi32, #tpu.memory_space<vmem>>[vector<16xi32>], vector<16xi32>,
            tpu.vector_store_idx %arg8[%or3A_548], %broadcast_in_dim3A_5 {add = true} : memref<32768xi32, #tpu.memory_space<vmem>>[vector<16xi32>], vector<16xi32>,
            tpu.vector_store_idx %arg8[%or3A_556], %broadcast_in_dim3A_5 masked %ge3A_7 {add = true} : memref<32768xi32, #tpu.memory_space<vmem>>[vector<16xi32>], vector<16xi32>, vector<16xi1>
            %max3A = arith.maximumf %get3A_496, %get3A_499 : vector<16xf32>
            %max3A_557 = arith.maximumf %max3A, %get3A_502 : vector<16xf32>
            %max3A_558 = arith.maximumf %max3A_557, %get3A_505 : vector<16xf32>
            %max3A_559 = arith.maximumf %max3A_558, %get3A_508 : vector<16xf32>
            %select_n3A_560 = arith.select %ge3A_7, %get3A_511, %broadcast_in_dim3A_20 : vector<16xi1>, vector<16xf32>
            %max3A_561 = arith.maximumf %max3A_559, %select_n3A_560 : vector<16xf32>
            %max3A_562 = arith.maximumf %scan3A_492, %max3A_561 : vector<16xf32>
            %scan3A_563 = arith.constant 1 : i32
            %scan3A_564 = arith.addi %scan3A_491, %scan3A_563 : i32
            %add3A_565 = arith.addi %mul3A_475, %scan3A_564 : i32
            %get3A_566 = arith.index_cast %add3A_565 : i32 to index
            %get3A_567 = arith.constant 0 : index
            %get3A_568 = tpu.vector_load %arg6[%get3A_566, %get3A_567] {strides = array<i32>} : memref<200x91xf32, #tpu.memory_space<vmem>>, vector<16xf32>,
            %get3A_569 = arith.index_cast %add3A_565 : i32 to index
            %get3A_570 = arith.constant 16 : index
            %get3A_571 = tpu.vector_load %arg6[%get3A_569, %get3A_570] {strides = array<i32>} : memref<200x91xf32, #tpu.memory_space<vmem>>, vector<16xf32>,
            %get3A_572 = arith.index_cast %add3A_565 : i32 to index
            %get3A_573 = arith.constant 32 : index
            %get3A_574 = tpu.vector_load %arg6[%get3A_572, %get3A_573] {strides = array<i32>} : memref<200x91xf32, #tpu.memory_space<vmem>>, vector<16xf32>,
            %get3A_575 = arith.index_cast %add3A_565 : i32 to index
            %get3A_576 = arith.constant 48 : index
            %get3A_577 = tpu.vector_load %arg6[%get3A_575, %get3A_576] {strides = array<i32>} : memref<200x91xf32, #tpu.memory_space<vmem>>, vector<16xf32>,
            %get3A_578 = arith.index_cast %add3A_565 : i32 to index
            %get3A_579 = arith.constant 64 : index
            %get3A_580 = tpu.vector_load %arg6[%get3A_578, %get3A_579] {strides = array<i32>} : memref<200x91xf32, #tpu.memory_space<vmem>>, vector<16xf32>,
            %get3A_581 = arith.index_cast %add3A_565 : i32 to index
            %get3A_582 = arith.constant 75 : index
            %get3A_583 = tpu.vector_load %arg6[%get3A_581, %get3A_582] {strides = array<i32>} : memref<200x91xf32, #tpu.memory_space<vmem>>, vector<16xf32>,
            %bitcast_convert_type3A_584 = tpu.bitcast %get3A_568 : vector<16xf32> -> vector<16xi32>
            %shift_right_arithmetic3A_585 = arith.constant 17 : i32
            %shift_right_arithmetic3A_586 = vector.broadcast %shift_right_arithmetic3A_585 : i32 to vector<16xi32>
            %shift_right_arithmetic3A_587 = arith.shrsi %bitcast_convert_type3A_584, %shift_right_arithmetic3A_586 : vector<16xi32>
            %and3A_588 = arith.constant 32752 : i32
            %and3A_589 = vector.broadcast %and3A_588 : i32 to vector<16xi32>
            %and3A_590 = arith.andi %shift_right_arithmetic3A_587, %and3A_589 : vector<16xi32>
            %or3A_591 = arith.ori %and3A_590, %iota3A : vector<16xi32>
            %bitcast_convert_type3A_592 = tpu.bitcast %get3A_571 : vector<16xf32> -> vector<16xi32>
            %shift_right_arithmetic3A_593 = arith.constant 17 : i32
            %shift_right_arithmetic3A_594 = vector.broadcast %shift_right_arithmetic3A_593 : i32 to vector<16xi32>
            %shift_right_arithmetic3A_595 = arith.shrsi %bitcast_convert_type3A_592, %shift_right_arithmetic3A_594 : vector<16xi32>
            %and3A_596 = arith.constant 32752 : i32
            %and3A_597 = vector.broadcast %and3A_596 : i32 to vector<16xi32>
            %and3A_598 = arith.andi %shift_right_arithmetic3A_595, %and3A_597 : vector<16xi32>
            %or3A_599 = arith.ori %and3A_598, %iota3A : vector<16xi32>
            %bitcast_convert_type3A_600 = tpu.bitcast %get3A_574 : vector<16xf32> -> vector<16xi32>
            %shift_right_arithmetic3A_601 = arith.constant 17 : i32
            %shift_right_arithmetic3A_602 = vector.broadcast %shift_right_arithmetic3A_601 : i32 to vector<16xi32>
            %shift_right_arithmetic3A_603 = arith.shrsi %bitcast_convert_type3A_600, %shift_right_arithmetic3A_602 : vector<16xi32>
            %and3A_604 = arith.constant 32752 : i32
            %and3A_605 = vector.broadcast %and3A_604 : i32 to vector<16xi32>
            %and3A_606 = arith.andi %shift_right_arithmetic3A_603, %and3A_605 : vector<16xi32>
            %or3A_607 = arith.ori %and3A_606, %iota3A : vector<16xi32>
            %bitcast_convert_type3A_608 = tpu.bitcast %get3A_577 : vector<16xf32> -> vector<16xi32>
            %shift_right_arithmetic3A_609 = arith.constant 17 : i32
            %shift_right_arithmetic3A_610 = vector.broadcast %shift_right_arithmetic3A_609 : i32 to vector<16xi32>
            %shift_right_arithmetic3A_611 = arith.shrsi %bitcast_convert_type3A_608, %shift_right_arithmetic3A_610 : vector<16xi32>
            %and3A_612 = arith.constant 32752 : i32
            %and3A_613 = vector.broadcast %and3A_612 : i32 to vector<16xi32>
            %and3A_614 = arith.andi %shift_right_arithmetic3A_611, %and3A_613 : vector<16xi32>
            %or3A_615 = arith.ori %and3A_614, %iota3A : vector<16xi32>
            %bitcast_convert_type3A_616 = tpu.bitcast %get3A_580 : vector<16xf32> -> vector<16xi32>
            %shift_right_arithmetic3A_617 = arith.constant 17 : i32
            %shift_right_arithmetic3A_618 = vector.broadcast %shift_right_arithmetic3A_617 : i32 to vector<16xi32>
            %shift_right_arithmetic3A_619 = arith.shrsi %bitcast_convert_type3A_616, %shift_right_arithmetic3A_618 : vector<16xi32>
            %and3A_620 = arith.constant 32752 : i32
            %and3A_621 = vector.broadcast %and3A_620 : i32 to vector<16xi32>
            %and3A_622 = arith.andi %shift_right_arithmetic3A_619, %and3A_621 : vector<16xi32>
            %or3A_623 = arith.ori %and3A_622, %iota3A : vector<16xi32>
            %bitcast_convert_type3A_624 = tpu.bitcast %get3A_583 : vector<16xf32> -> vector<16xi32>
            %shift_right_arithmetic3A_625 = arith.constant 17 : i32
            %shift_right_arithmetic3A_626 = vector.broadcast %shift_right_arithmetic3A_625 : i32 to vector<16xi32>
            %shift_right_arithmetic3A_627 = arith.shrsi %bitcast_convert_type3A_624, %shift_right_arithmetic3A_626 : vector<16xi32>
            %and3A_628 = arith.constant 32752 : i32
            %and3A_629 = vector.broadcast %and3A_628 : i32 to vector<16xi32>
            %and3A_630 = arith.andi %shift_right_arithmetic3A_627, %and3A_629 : vector<16xi32>
            %or3A_631 = arith.ori %and3A_630, %iota3A : vector<16xi32>
            tpu.vector_store_idx %arg8[%or3A_591], %broadcast_in_dim3A_5 {add = true} : memref<32768xi32, #tpu.memory_space<vmem>>[vector<16xi32>], vector<16xi32>,
            tpu.vector_store_idx %arg8[%or3A_599], %broadcast_in_dim3A_5 {add = true} : memref<32768xi32, #tpu.memory_space<vmem>>[vector<16xi32>], vector<16xi32>,
            tpu.vector_store_idx %arg8[%or3A_607], %broadcast_in_dim3A_5 {add = true} : memref<32768xi32, #tpu.memory_space<vmem>>[vector<16xi32>], vector<16xi32>,
            tpu.vector_store_idx %arg8[%or3A_615], %broadcast_in_dim3A_5 {add = true} : memref<32768xi32, #tpu.memory_space<vmem>>[vector<16xi32>], vector<16xi32>,
            tpu.vector_store_idx %arg8[%or3A_623], %broadcast_in_dim3A_5 {add = true} : memref<32768xi32, #tpu.memory_space<vmem>>[vector<16xi32>], vector<16xi32>,
            tpu.vector_store_idx %arg8[%or3A_631], %broadcast_in_dim3A_5 masked %ge3A_7 {add = true} : memref<32768xi32, #tpu.memory_space<vmem>>[vector<16xi32>], vector<16xi32>, vector<16xi1>
            %max3A_632 = arith.maximumf %get3A_568, %get3A_571 : vector<16xf32>
            %max3A_633 = arith.maximumf %max3A_632, %get3A_574 : vector<16xf32>
            %max3A_634 = arith.maximumf %max3A_633, %get3A_577 : vector<16xf32>
            %max3A_635 = arith.maximumf %max3A_634, %get3A_580 : vector<16xf32>
            %select_n3A_636 = arith.select %ge3A_7, %get3A_583, %broadcast_in_dim3A_20 : vector<16xi1>, vector<16xf32>
            %max3A_637 = arith.maximumf %max3A_635, %select_n3A_636 : vector<16xf32>
            %max3A_638 = arith.maximumf %max3A_562, %max3A_637 : vector<16xf32>
            scf.yield %max3A_638 : vector<16xf32>
          }
          %scan3A_481 = arith.constant 20 : i32
          %ge3A_482 = arith.cmpf oge, %scan3A_480, %scan3A_398 : vector<16xf32>
          %convert_element_type3A_483 = arith.extui %ge3A_482 : vector<16xi1> to vector<16xi32>
          %reduce_sum3A = arith.constant true
          %reduce_sum3A_484 = vector.broadcast %reduce_sum3A : i1 to vector<16xi1>
          %reduce_sum3A_485 = tpu.scan <sum>, %convert_element_type3A_483 masked %reduce_sum3A_484 : vector<16xi32>, vector<16xi1> -> vector<16xi32>
          %reduce_sum3A_486 = vector.extract %reduce_sum3A_485[15] : i32 from vector<16xi32>
          %gt3A = arith.constant 0 : i32
          %gt3A_487 = arith.cmpi sgt, %reduce_sum3A_486, %gt3A : i32
          %convert_element_type3A_488 = arith.extui %gt3A_487 : i1 to i32
          %cond3A_489 = arith.constant 0 : i32
          %cond3A_490 = arith.cmpi ne, %convert_element_type3A_488, %cond3A_489 : i32
          scf.if %cond3A_490 {
            %get3A_491 = arith.constant 0 : index
            %get3A_492 = tpu.vector_load %arg13[%get3A_491] {strides = array<i32>} : memref<16xi32, #tpu.memory_space<vmem>>, vector<16xi32>,
            %scan3A_493 = arith.constant 0 : i32
            %scan3A_494 = arith.constant 20 : i32
            %scan3A_495 = arith.addi %scan3A_493, %scan3A_494 : i32
            %scan3A_496 = arith.constant 1 : i32
            %scan3A_497 = scf.for %scan3A_501 = %scan3A_493 to %scan3A_495 step %scan3A_496 iter_args(%scan3A_502 = %get3A_492) -> (vector<16xi32>)  : i32 {
              %add3A_503 = arith.addi %mul3A_475, %scan3A_501 : i32
              %get3A_504 = arith.index_cast %add3A_503 : i32 to index
              %get3A_505 = arith.constant 0 : index
              %get3A_506 = tpu.vector_load %arg6[%get3A_504, %get3A_505] {strides = array<i32>} : memref<200x91xf32, #tpu.memory_space<vmem>>, vector<16xf32>,
              %get3A_507 = arith.index_cast %add3A_503 : i32 to index
              %get3A_508 = arith.constant 16 : index
              %get3A_509 = tpu.vector_load %arg6[%get3A_507, %get3A_508] {strides = array<i32>} : memref<200x91xf32, #tpu.memory_space<vmem>>, vector<16xf32>,
              %get3A_510 = arith.index_cast %add3A_503 : i32 to index
              %get3A_511 = arith.constant 32 : index
              %get3A_512 = tpu.vector_load %arg6[%get3A_510, %get3A_511] {strides = array<i32>} : memref<200x91xf32, #tpu.memory_space<vmem>>, vector<16xf32>,
              %get3A_513 = arith.index_cast %add3A_503 : i32 to index
              %get3A_514 = arith.constant 48 : index
              %get3A_515 = tpu.vector_load %arg6[%get3A_513, %get3A_514] {strides = array<i32>} : memref<200x91xf32, #tpu.memory_space<vmem>>, vector<16xf32>,
              %get3A_516 = arith.index_cast %add3A_503 : i32 to index
              %get3A_517 = arith.constant 64 : index
              %get3A_518 = tpu.vector_load %arg6[%get3A_516, %get3A_517] {strides = array<i32>} : memref<200x91xf32, #tpu.memory_space<vmem>>, vector<16xf32>,
              %get3A_519 = arith.index_cast %add3A_503 : i32 to index
              %get3A_520 = arith.constant 75 : index
              %get3A_521 = tpu.vector_load %arg6[%get3A_519, %get3A_520] {strides = array<i32>} : memref<200x91xf32, #tpu.memory_space<vmem>>, vector<16xf32>,
              %mul3A_522 = arith.constant 200 : i32
              %mul3A_523 = arith.muli %add3A_456, %mul3A_522 : i32
              %add3A_524 = arith.addi %mul3A_523, %mul3A_475 : i32
              %add3A_525 = arith.addi %add3A_524, %scan3A_501 : i32
              %mul3A_526 = arith.constant 91 : i32
              %mul3A_527 = arith.muli %add3A_525, %mul3A_526 : i32
              %ge3A_528 = arith.cmpf oge, %get3A_506, %scan3A_398 : vector<16xf32>
              %add3A_529 = arith.addi %shift_left3A_22, %scan3A_502 : vector<16xi32>
              %add3A_530 = arith.constant 0 : i32
              %add3A_531 = arith.addi %mul3A_527, %add3A_530 : i32
              %add3A_532 = vector.broadcast %add3A_531 : i32 to vector<16xi32>
              %add3A_533 = arith.addi %add3A_532, %iota3A : vector<16xi32>
              tpu.vector_store_idx %arg9[%add3A_529], %add3A_533 masked %ge3A_528 : memref<8192xi32, #tpu.memory_space<vmem>>[vector<16xi32>], vector<16xi32>, vector<16xi1>
              tpu.vector_store_idx %arg10[%add3A_529], %get3A_506 masked %ge3A_528 : memref<8192xf32, #tpu.memory_space<vmem>>[vector<16xi32>], vector<16xf32>, vector<16xi1>
              %convert_element_type3A_534 = arith.extui %ge3A_528 : vector<16xi1> to vector<16xi32>
              %add3A_535 = arith.addi %scan3A_502, %convert_element_type3A_534 : vector<16xi32>
              %min3A = arith.constant 511 : i32
              %min3A_536 = vector.broadcast %min3A : i32 to vector<16xi32>
              %min3A_537 = arith.minsi %add3A_535, %min3A_536 : vector<16xi32>
              %ge3A_538 = arith.cmpf oge, %get3A_509, %scan3A_398 : vector<16xf32>
              %add3A_539 = arith.addi %shift_left3A_22, %min3A_537 : vector<16xi32>
              %add3A_540 = arith.constant 16 : i32
              %add3A_541 = arith.addi %mul3A_527, %add3A_540 : i32
              %add3A_542 = vector.broadcast %add3A_541 : i32 to vector<16xi32>
              %add3A_543 = arith.addi %add3A_542, %iota3A : vector<16xi32>
              tpu.vector_store_idx %arg9[%add3A_539], %add3A_543 masked %ge3A_538 : memref<8192xi32, #tpu.memory_space<vmem>>[vector<16xi32>], vector<16xi32>, vector<16xi1>
              tpu.vector_store_idx %arg10[%add3A_539], %get3A_509 masked %ge3A_538 : memref<8192xf32, #tpu.memory_space<vmem>>[vector<16xi32>], vector<16xf32>, vector<16xi1>
              %convert_element_type3A_544 = arith.extui %ge3A_538 : vector<16xi1> to vector<16xi32>
              %add3A_545 = arith.addi %min3A_537, %convert_element_type3A_544 : vector<16xi32>
              %min3A_546 = arith.constant 511 : i32
              %min3A_547 = vector.broadcast %min3A_546 : i32 to vector<16xi32>
              %min3A_548 = arith.minsi %add3A_545, %min3A_547 : vector<16xi32>
              %ge3A_549 = arith.cmpf oge, %get3A_512, %scan3A_398 : vector<16xf32>
              %add3A_550 = arith.addi %shift_left3A_22, %min3A_548 : vector<16xi32>
              %add3A_551 = arith.constant 32 : i32
              %add3A_552 = arith.addi %mul3A_527, %add3A_551 : i32
              %add3A_553 = vector.broadcast %add3A_552 : i32 to vector<16xi32>
              %add3A_554 = arith.addi %add3A_553, %iota3A : vector<16xi32>
              tpu.vector_store_idx %arg9[%add3A_550], %add3A_554 masked %ge3A_549 : memref<8192xi32, #tpu.memory_space<vmem>>[vector<16xi32>], vector<16xi32>, vector<16xi1>
              tpu.vector_store_idx %arg10[%add3A_550], %get3A_512 masked %ge3A_549 : memref<8192xf32, #tpu.memory_space<vmem>>[vector<16xi32>], vector<16xf32>, vector<16xi1>
              %convert_element_type3A_555 = arith.extui %ge3A_549 : vector<16xi1> to vector<16xi32>
              %add3A_556 = arith.addi %min3A_548, %convert_element_type3A_555 : vector<16xi32>
              %min3A_557 = arith.constant 511 : i32
              %min3A_558 = vector.broadcast %min3A_557 : i32 to vector<16xi32>
              %min3A_559 = arith.minsi %add3A_556, %min3A_558 : vector<16xi32>
              %ge3A_560 = arith.cmpf oge, %get3A_515, %scan3A_398 : vector<16xf32>
              %add3A_561 = arith.addi %shift_left3A_22, %min3A_559 : vector<16xi32>
              %add3A_562 = arith.constant 48 : i32
              %add3A_563 = arith.addi %mul3A_527, %add3A_562 : i32
              %add3A_564 = vector.broadcast %add3A_563 : i32 to vector<16xi32>
              %add3A_565 = arith.addi %add3A_564, %iota3A : vector<16xi32>
              tpu.vector_store_idx %arg9[%add3A_561], %add3A_565 masked %ge3A_560 : memref<8192xi32, #tpu.memory_space<vmem>>[vector<16xi32>], vector<16xi32>, vector<16xi1>
              tpu.vector_store_idx %arg10[%add3A_561], %get3A_515 masked %ge3A_560 : memref<8192xf32, #tpu.memory_space<vmem>>[vector<16xi32>], vector<16xf32>, vector<16xi1>
              %convert_element_type3A_566 = arith.extui %ge3A_560 : vector<16xi1> to vector<16xi32>
              %add3A_567 = arith.addi %min3A_559, %convert_element_type3A_566 : vector<16xi32>
              %min3A_568 = arith.constant 511 : i32
              %min3A_569 = vector.broadcast %min3A_568 : i32 to vector<16xi32>
              %min3A_570 = arith.minsi %add3A_567, %min3A_569 : vector<16xi32>
              %ge3A_571 = arith.cmpf oge, %get3A_518, %scan3A_398 : vector<16xf32>
              %add3A_572 = arith.addi %shift_left3A_22, %min3A_570 : vector<16xi32>
              %add3A_573 = arith.constant 64 : i32
              %add3A_574 = arith.addi %mul3A_527, %add3A_573 : i32
              %add3A_575 = vector.broadcast %add3A_574 : i32 to vector<16xi32>
              %add3A_576 = arith.addi %add3A_575, %iota3A : vector<16xi32>
              tpu.vector_store_idx %arg9[%add3A_572], %add3A_576 masked %ge3A_571 : memref<8192xi32, #tpu.memory_space<vmem>>[vector<16xi32>], vector<16xi32>, vector<16xi1>
              tpu.vector_store_idx %arg10[%add3A_572], %get3A_518 masked %ge3A_571 : memref<8192xf32, #tpu.memory_space<vmem>>[vector<16xi32>], vector<16xf32>, vector<16xi1>
              %convert_element_type3A_577 = arith.extui %ge3A_571 : vector<16xi1> to vector<16xi32>
              %add3A_578 = arith.addi %min3A_570, %convert_element_type3A_577 : vector<16xi32>
              %min3A_579 = arith.constant 511 : i32
              %min3A_580 = vector.broadcast %min3A_579 : i32 to vector<16xi32>
              %min3A_581 = arith.minsi %add3A_578, %min3A_580 : vector<16xi32>
              %ge3A_582 = arith.cmpf oge, %get3A_521, %scan3A_398 : vector<16xf32>
              %and3A = arith.andi %ge3A_582, %ge3A_7 : vector<16xi1>
              %add3A_583 = arith.addi %shift_left3A_22, %min3A_581 : vector<16xi32>
              %add3A_584 = arith.constant 75 : i32
              %add3A_585 = arith.addi %mul3A_527, %add3A_584 : i32
              %add3A_586 = vector.broadcast %add3A_585 : i32 to vector<16xi32>
              %add3A_587 = arith.addi %add3A_586, %iota3A : vector<16xi32>
              tpu.vector_store_idx %arg9[%add3A_583], %add3A_587 masked %and3A : memref<8192xi32, #tpu.memory_space<vmem>>[vector<16xi32>], vector<16xi32>, vector<16xi1>
              tpu.vector_store_idx %arg10[%add3A_583], %get3A_521 masked %and3A : memref<8192xf32, #tpu.memory_space<vmem>>[vector<16xi32>], vector<16xf32>, vector<16xi1>
              %convert_element_type3A_588 = arith.extui %and3A : vector<16xi1> to vector<16xi32>
              %add3A_589 = arith.addi %min3A_581, %convert_element_type3A_588 : vector<16xi32>
              %min3A_590 = arith.constant 511 : i32
              %min3A_591 = vector.broadcast %min3A_590 : i32 to vector<16xi32>
              %min3A_592 = arith.minsi %add3A_589, %min3A_591 : vector<16xi32>
              scf.yield %min3A_592 : vector<16xi32>
            }
            %scan3A_498 = arith.constant 20 : i32
            %swap3A_499 = arith.constant 0 : index
            %swap3A_500 = tpu.vector_load %arg13[%swap3A_499] {strides = array<i32>} : memref<16xi32, #tpu.memory_space<vmem>>, vector<16xi32>,
            tpu.vector_store %arg13[%swap3A_499], %scan3A_497 {strides = array<i32>} : memref<16xi32, #tpu.memory_space<vmem>>, vector<16xi32>,
          } else {
          }
        }
        %scan3A_462 = arith.constant 10 : i32
        %lt3A_463 = arith.constant 2 : i32
        %lt3A_464 = arith.cmpi slt, %scan3A_397, %lt3A_463 : i32
        %rem3A = arith.constant 4 : i32
        %rem3A_465 = arith.remsi %scan3A_397, %rem3A : i32
        %eq3A_466 = arith.constant 3 : i32
        %eq3A_467 = arith.cmpi eq, %rem3A_465, %eq3A_466 : i32
        %or3A = arith.ori %lt3A_464, %eq3A_467 : i1
        %convert_element_type3A_468 = arith.extui %or3A : i1 to i32
        %cond3A_469 = arith.constant 0 : i32
        %cond3A_470 = arith.constant 0 : i32
        %cond3A_471 = arith.cmpi ne, %convert_element_type3A_468, %cond3A_470 : i32
        %cond3A_472 = scf.if %cond3A_471 -> (vector<16xf32>) {
          %while3A_473 = arith.constant 64 : i32
          %while3A_474 = arith.constant 0 : i32
          %while3A_475:2 = scf.while (%while3A_483 = %while3A_473, %while3A_484 = %while3A_474) : (i32, i32) -> (i32, i32) {
            %lt3A_485 = arith.constant 100 : i32
            %lt3A_486 = arith.cmpi slt, %while3A_484, %lt3A_485 : i32
            %gt3A = arith.constant 0 : i32
            %gt3A_487 = arith.cmpi sgt, %while3A_483, %gt3A : i32
            %and3A = arith.andi %lt3A_486, %gt3A_487 : i1
            scf.condition(%and3A) %while3A_483, %while3A_484 : i32, i32
          } do {
          ^bb0(%while3A_483: i32, %while3A_484: i32):
            %sub3A_485 = arith.constant 1 : i32
            %sub3A_486 = arith.subi %while3A_483, %sub3A_485 : i32
            %scan3A_487 = arith.constant 0 : i32
            %scan3A_488 = arith.constant 16 : i32
            %scan3A_489 = arith.addi %scan3A_487, %scan3A_488 : i32
            %scan3A_490 = arith.constant 1 : i32
            %scan3A_491 = scf.for %scan3A_497 = %scan3A_487 to %scan3A_489 step %scan3A_490 iter_args(%scan3A_498 = %broadcast_in_dim3A_3) -> (vector<16xi32>)  : i32 {
              %mul3A_499 = arith.constant 16 : i32
              %mul3A_500 = arith.muli %sub3A_486, %mul3A_499 : i32
              %add3A_501 = arith.addi %mul3A_500, %scan3A_497 : i32
              %mul3A_502 = arith.constant 16 : i32
              %mul3A_503 = arith.muli %add3A_501, %mul3A_502 : i32
              %get3A_504 = arith.index_cast %mul3A_503 : i32 to index
              %get3A_505 = tpu.vector_load %arg8[%get3A_504] {strides = array<i32>} : memref<32768xi32, #tpu.memory_space<vmem>>, vector<16xi32>,
              %add3A_506 = arith.addi %scan3A_498, %get3A_505 : vector<16xi32>
              scf.yield %add3A_506 : vector<16xi32>
            }
            %scan3A_492 = arith.constant 16 : i32
            %reduce_sum3A = arith.constant true
            %reduce_sum3A_493 = vector.broadcast %reduce_sum3A : i1 to vector<16xi1>
            %reduce_sum3A_494 = tpu.scan <sum>, %scan3A_491 masked %reduce_sum3A_493 : vector<16xi32>, vector<16xi1> -> vector<16xi32>
            %reduce_sum3A_495 = vector.extract %reduce_sum3A_494[15] : i32 from vector<16xi32>
            %add3A_496 = arith.addi %while3A_484, %reduce_sum3A_495 : i32
            scf.yield %sub3A_486, %add3A_496 : i32, i32
          }
          %ge3A_476 = arith.constant 100 : i32
          %ge3A_477 = arith.cmpi sge, %while3A_475#1, %ge3A_476 : i32
          %convert_element_type3A_478 = arith.extui %ge3A_477 : i1 to i32
          %cond3A_479 = arith.constant 0 : i32
          %cond3A_480 = arith.constant 0 : i32
          %cond3A_481 = arith.cmpi ne, %convert_element_type3A_478, %cond3A_480 : i32
          %cond3A_482 = scf.if %cond3A_481 -> (vector<16xf32>) {
            %scan3A_483 = arith.constant 0 : i32
            %scan3A_484 = arith.constant 16 : i32
            %scan3A_485 = arith.addi %scan3A_483, %scan3A_484 : i32
            %scan3A_486 = arith.constant 1 : i32
            %scan3A_487 = scf.for %scan3A_522 = %scan3A_483 to %scan3A_485 step %scan3A_486 iter_args(%scan3A_523 = %broadcast_in_dim3A_3) -> (vector<16xi32>)  : i32 {
              %mul3A_524 = arith.constant 16 : i32
              %mul3A_525 = arith.muli %while3A_475#0, %mul3A_524 : i32
              %add3A_526 = arith.addi %mul3A_525, %scan3A_522 : i32
              %mul3A_527 = arith.constant 16 : i32
              %mul3A_528 = arith.muli %add3A_526, %mul3A_527 : i32
              %get3A_529 = arith.index_cast %mul3A_528 : i32 to index
              %get3A_530 = tpu.vector_load %arg8[%get3A_529] {strides = array<i32>} : memref<32768xi32, #tpu.memory_space<vmem>>, vector<16xi32>,
              %reduce_sum3A_531 = arith.constant true
              %reduce_sum3A_532 = vector.broadcast %reduce_sum3A_531 : i1 to vector<16xi1>
              %reduce_sum3A_533 = tpu.scan <sum>, %get3A_530 masked %reduce_sum3A_532 : vector<16xi32>, vector<16xi1> -> vector<16xi32>
              %reduce_sum3A_534 = vector.extract %reduce_sum3A_533[15] : i32 from vector<16xi32>
              %eq3A_535 = vector.broadcast %scan3A_522 : i32 to vector<16xi32>
              %eq3A_536 = arith.cmpi eq, %iota3A, %eq3A_535 : vector<16xi32>
              %broadcast_in_dim3A_537 = vector.broadcast %reduce_sum3A_534 : i32 to vector<16xi32>
              %select_n3A_538 = arith.select %eq3A_536, %broadcast_in_dim3A_537, %scan3A_523 : vector<16xi1>, vector<16xi32>
              scf.yield %select_n3A_538 : vector<16xi32>
            }
            %scan3A_488 = arith.constant 16 : i32
            %reduce_sum3A = arith.constant true
            %reduce_sum3A_489 = vector.broadcast %reduce_sum3A : i1 to vector<16xi1>
            %reduce_sum3A_490 = tpu.scan <sum>, %scan3A_487 masked %reduce_sum3A_489 : vector<16xi32>, vector<16xi1> -> vector<16xi32>
            %reduce_sum3A_491 = vector.extract %reduce_sum3A_490[15] : i32 from vector<16xi32>
            %sub3A_492 = arith.subi %while3A_475#1, %reduce_sum3A_491 : i32
            %rev3A = arith.constant 15 : i32
            %rev3A_493 = vector.broadcast %rev3A : i32 to vector<16xi32>
            %rev3A_494 = tpu.iota {dimensions = array<i32: 0>} : vector<16xi32>
            %rev3A_495 = arith.subi %rev3A_493, %rev3A_494 : vector<16xi32>
            %rev3A_496 = tpu.dynamic_gather %scan3A_487[%rev3A_495] in [0] : vector<16xi32>, vector<16xi32> -> vector<16xi32>
            %cumsum3A_497 = arith.constant true
            %cumsum3A_498 = vector.broadcast %cumsum3A_497 : i1 to vector<16xi1>
            %cumsum3A_499 = tpu.scan <sum>, %rev3A_496 masked %cumsum3A_498 : vector<16xi32>, vector<16xi1> -> vector<16xi32>
            %add3A_500 = vector.broadcast %sub3A_492 : i32 to vector<16xi32>
            %add3A_501 = arith.addi %cumsum3A_499, %add3A_500 : vector<16xi32>
            %ge3A_502 = arith.constant 100 : i32
            %ge3A_503 = vector.broadcast %ge3A_502 : i32 to vector<16xi32>
            %ge3A_504 = arith.cmpi sge, %add3A_501, %ge3A_503 : vector<16xi32>
            %all_reduce_ffs3A = tpu.all_reduce %ge3A_504 {dim = 0 : i64, kind = #tpu.reduction_kind<find_first_set>} : vector<16xi1> -> vector<16xi32>
            %reduce_max3A_505 = arith.constant true
            %reduce_max3A_506 = vector.broadcast %reduce_max3A_505 : i1 to vector<16xi1>
            %reduce_max3A_507 = arith.constant -2147483648 : i32
            %reduce_max3A_508 = vector.broadcast %reduce_max3A_507 : i32 to vector<16xi32>
            %reduce_max3A_509 = arith.xori %all_reduce_ffs3A, %reduce_max3A_508 : vector<16xi32>
            %reduce_max3A_510 = tpu.scan <max>, %reduce_max3A_509 masked %reduce_max3A_506 : vector<16xi32>, vector<16xi1> -> vector<16xi32>
            %reduce_max3A_511 = arith.xori %reduce_max3A_510, %reduce_max3A_508 : vector<16xi32>
            %reduce_max3A_512 = vector.extract %reduce_max3A_511[15] : i32 from vector<16xi32>
            %mul3A_513 = arith.constant 16 : i32
            %mul3A_514 = arith.muli %while3A_475#0, %mul3A_513 : i32
            %add3A_515 = arith.constant 15 : i32
            %add3A_516 = arith.addi %mul3A_514, %add3A_515 : i32
            %sub3A_517 = arith.subi %add3A_516, %reduce_max3A_512 : i32
            %broadcast_in_dim3A_518 = vector.broadcast %sub3A_517 : i32 to vector<16xi32>
            %shift_left3A_519 = arith.constant 21 : i32
            %shift_left3A_520 = vector.broadcast %shift_left3A_519 : i32 to vector<16xi32>
            %shift_left3A_521 = arith.shli %broadcast_in_dim3A_518, %shift_left3A_520 : vector<16xi32>
            %bitcast_convert_type3A = tpu.bitcast %shift_left3A_521 : vector<16xi32> -> vector<16xf32>
            scf.yield %bitcast_convert_type3A : vector<16xf32>
          } else {
            %while3A_483 = arith.constant 64 : i32
            %while3A_484:2 = scf.while (%while3A_523 = %while3A_483, %while3A_524 = %while3A_475#1) : (i32, i32) -> (i32, i32) {
              %lt3A_525 = arith.constant 100 : i32
              %lt3A_526 = arith.cmpi slt, %while3A_524, %lt3A_525 : i32
              %lt3A_527 = arith.constant 128 : i32
              %lt3A_528 = arith.cmpi slt, %while3A_523, %lt3A_527 : i32
              %and3A = arith.andi %lt3A_526, %lt3A_528 : i1
              scf.condition(%and3A) %while3A_523, %while3A_524 : i32, i32
            } do {
            ^bb0(%while3A_523: i32, %while3A_524: i32):
              %add3A_525 = arith.constant 1 : i32
              %add3A_526 = arith.addi %while3A_523, %add3A_525 : i32
              %scan3A_527 = arith.constant 0 : i32
              %scan3A_528 = arith.constant 16 : i32
              %scan3A_529 = arith.addi %scan3A_527, %scan3A_528 : i32
              %scan3A_530 = arith.constant 1 : i32
              %scan3A_531 = scf.for %scan3A_538 = %scan3A_527 to %scan3A_529 step %scan3A_530 iter_args(%scan3A_539 = %broadcast_in_dim3A_3) -> (vector<16xi32>)  : i32 {
                %mul3A_540 = arith.constant 16 : i32
                %mul3A_541 = arith.muli %while3A_523, %mul3A_540 : i32
                %add3A_542 = arith.addi %mul3A_541, %scan3A_538 : i32
                %mul3A_543 = arith.constant 16 : i32
                %mul3A_544 = arith.muli %add3A_542, %mul3A_543 : i32
                %get3A_545 = arith.index_cast %mul3A_544 : i32 to index
                %get3A_546 = tpu.vector_load %arg8[%get3A_545] {strides = array<i32>} : memref<32768xi32, #tpu.memory_space<vmem>>, vector<16xi32>,
                %add3A_547 = arith.addi %scan3A_539, %get3A_546 : vector<16xi32>
                scf.yield %add3A_547 : vector<16xi32>
              }
              %scan3A_532 = arith.constant 16 : i32
              %reduce_sum3A_533 = arith.constant true
              %reduce_sum3A_534 = vector.broadcast %reduce_sum3A_533 : i1 to vector<16xi1>
              %reduce_sum3A_535 = tpu.scan <sum>, %scan3A_531 masked %reduce_sum3A_534 : vector<16xi32>, vector<16xi1> -> vector<16xi32>
              %reduce_sum3A_536 = vector.extract %reduce_sum3A_535[15] : i32 from vector<16xi32>
              %add3A_537 = arith.addi %while3A_524, %reduce_sum3A_536 : i32
              scf.yield %add3A_526, %add3A_537 : i32, i32
            }
            %sub3A_485 = arith.constant 1 : i32
            %sub3A_486 = arith.subi %while3A_484#0, %sub3A_485 : i32
            %scan3A_487 = arith.constant 0 : i32
            %scan3A_488 = arith.constant 16 : i32
            %scan3A_489 = arith.addi %scan3A_487, %scan3A_488 : i32
            %scan3A_490 = arith.constant 1 : i32
            %scan3A_491 = scf.for %scan3A_523 = %scan3A_487 to %scan3A_489 step %scan3A_490 iter_args(%scan3A_524 = %broadcast_in_dim3A_3) -> (vector<16xi32>)  : i32 {
              %mul3A_525 = arith.constant 16 : i32
              %mul3A_526 = arith.muli %sub3A_486, %mul3A_525 : i32
              %add3A_527 = arith.addi %mul3A_526, %scan3A_523 : i32
              %mul3A_528 = arith.constant 16 : i32
              %mul3A_529 = arith.muli %add3A_527, %mul3A_528 : i32
              %get3A_530 = arith.index_cast %mul3A_529 : i32 to index
              %get3A_531 = tpu.vector_load %arg8[%get3A_530] {strides = array<i32>} : memref<32768xi32, #tpu.memory_space<vmem>>, vector<16xi32>,
              %reduce_sum3A_532 = arith.constant true
              %reduce_sum3A_533 = vector.broadcast %reduce_sum3A_532 : i1 to vector<16xi1>
              %reduce_sum3A_534 = tpu.scan <sum>, %get3A_531 masked %reduce_sum3A_533 : vector<16xi32>, vector<16xi1> -> vector<16xi32>
              %reduce_sum3A_535 = vector.extract %reduce_sum3A_534[15] : i32 from vector<16xi32>
              %eq3A_536 = vector.broadcast %scan3A_523 : i32 to vector<16xi32>
              %eq3A_537 = arith.cmpi eq, %iota3A, %eq3A_536 : vector<16xi32>
              %broadcast_in_dim3A_538 = vector.broadcast %reduce_sum3A_535 : i32 to vector<16xi32>
              %select_n3A_539 = arith.select %eq3A_537, %broadcast_in_dim3A_538, %scan3A_524 : vector<16xi1>, vector<16xi32>
              scf.yield %select_n3A_539 : vector<16xi32>
            }
            %scan3A_492 = arith.constant 16 : i32
            %reduce_sum3A = arith.constant true
            %reduce_sum3A_493 = vector.broadcast %reduce_sum3A : i1 to vector<16xi1>
            %reduce_sum3A_494 = tpu.scan <sum>, %scan3A_491 masked %reduce_sum3A_493 : vector<16xi32>, vector<16xi1> -> vector<16xi32>
            %reduce_sum3A_495 = vector.extract %reduce_sum3A_494[15] : i32 from vector<16xi32>
            %sub3A_496 = arith.subi %while3A_484#1, %reduce_sum3A_495 : i32
            %cumsum3A_497 = arith.constant true
            %cumsum3A_498 = vector.broadcast %cumsum3A_497 : i1 to vector<16xi1>
            %cumsum3A_499 = tpu.scan <sum>, %scan3A_491 masked %cumsum3A_498 : vector<16xi32>, vector<16xi1> -> vector<16xi32>
            %add3A_500 = vector.broadcast %sub3A_496 : i32 to vector<16xi32>
            %add3A_501 = arith.addi %cumsum3A_499, %add3A_500 : vector<16xi32>
            %ge3A_502 = arith.constant 100 : i32
            %ge3A_503 = vector.broadcast %ge3A_502 : i32 to vector<16xi32>
            %ge3A_504 = arith.cmpi sge, %add3A_501, %ge3A_503 : vector<16xi32>
            %all_reduce_ffs3A = tpu.all_reduce %ge3A_504 {dim = 0 : i64, kind = #tpu.reduction_kind<find_first_set>} : vector<16xi1> -> vector<16xi32>
            %reduce_max3A_505 = arith.constant true
            %reduce_max3A_506 = vector.broadcast %reduce_max3A_505 : i1 to vector<16xi1>
            %reduce_max3A_507 = arith.constant -2147483648 : i32
            %reduce_max3A_508 = vector.broadcast %reduce_max3A_507 : i32 to vector<16xi32>
            %reduce_max3A_509 = arith.xori %all_reduce_ffs3A, %reduce_max3A_508 : vector<16xi32>
            %reduce_max3A_510 = tpu.scan <max>, %reduce_max3A_509 masked %reduce_max3A_506 : vector<16xi32>, vector<16xi1> -> vector<16xi32>
            %reduce_max3A_511 = arith.xori %reduce_max3A_510, %reduce_max3A_508 : vector<16xi32>
            %reduce_max3A_512 = vector.extract %reduce_max3A_511[15] : i32 from vector<16xi32>
            %mul3A_513 = arith.constant 16 : i32
            %mul3A_514 = arith.muli %sub3A_486, %mul3A_513 : i32
            %add3A_515 = arith.addi %mul3A_514, %reduce_max3A_512 : i32
            %broadcast_in_dim3A_516 = vector.broadcast %add3A_515 : i32 to vector<16xi32>
            %shift_left3A_517 = arith.constant 21 : i32
            %shift_left3A_518 = vector.broadcast %shift_left3A_517 : i32 to vector<16xi32>
            %shift_left3A_519 = arith.shli %broadcast_in_dim3A_516, %shift_left3A_518 : vector<16xi32>
            %or3A_520 = arith.constant 2097151 : i32
            %or3A_521 = vector.broadcast %or3A_520 : i32 to vector<16xi32>
            %or3A_522 = arith.ori %shift_left3A_519, %or3A_521 : vector<16xi32>
            %bitcast_convert_type3A = tpu.bitcast %or3A_522 : vector<16xi32> -> vector<16xf32>
            scf.yield %bitcast_convert_type3A : vector<16xf32>
          }
          scf.yield %cond3A_482 : vector<16xf32>
        } else {
          scf.yield %scan3A_398 : vector<16xf32>
        }
        scf.yield %cond3A_472 : vector<16xf32>
      }
      %scan3A_73 = arith.constant 49 : i32
      %dma_wait3A_74 = arith.constant 0 : i32
      %dma_wait3A_75 = arith.constant 0 : i32
      %dma_wait3A_76 = arith.constant 0 : i32
      %dma_wait3A_77 = tpu.memref_slice %arg2[%dma_wait3A_74, %dma_wait3A_75, %dma_wait3A_76] : memref<16x20000x91xf32, #tpu.memory_space<hbm>> -> memref<1x200x91xf32, #tpu.memory_space<hbm>>
      %dma_wait3A_78 = tpu.memref_squeeze %dma_wait3A_77 : memref<1x200x91xf32, #tpu.memory_space<hbm>> -> memref<200x91xf32, #tpu.memory_space<hbm>>
      %dma_wait3A_79 = arith.constant 0 : i32
      %dma_wait3A_80 = arith.constant 0 : i32
      %dma_wait3A_81 = tpu.memref_slice %arg2[%dma_wait3A_74, %dma_wait3A_79, %dma_wait3A_80] : memref<16x20000x91xf32, #tpu.memory_space<hbm>> -> memref<1x200x91xf32, #tpu.memory_space<hbm>>
      %dma_wait3A_82 = tpu.memref_squeeze %dma_wait3A_81 : memref<1x200x91xf32, #tpu.memory_space<hbm>> -> memref<200x91xf32, #tpu.memory_space<hbm>>
      tpu.wait_dma2 semaphore(%arg16 : memref<!tpu.dma_semaphore, #tpu.memory_space<semaphore_mem>>) src(%dma_wait3A_82 : memref<200x91xf32, #tpu.memory_space<hbm>>) dst(%arg7 : memref<200x91xf32, #tpu.memory_space<vmem>>)
      %scan3A_83 = arith.constant 0 : i32
      %scan3A_84 = arith.constant 99 : i32
      %scan3A_85 = arith.constant 0 : i32
      %scan3A_86 = arith.constant 10 : i32
      %scan3A_87 = arith.addi %scan3A_85, %scan3A_86 : i32
      %scan3A_88 = arith.constant 1 : i32
      scf.for %scan3A_397 = %scan3A_85 to %scan3A_87 step %scan3A_88  : i32 {
        %mul3A_398 = arith.constant 20 : i32
        %mul3A_399 = arith.muli %scan3A_397, %mul3A_398 : i32
        %scan3A_400 = arith.constant 0 : i32
        %scan3A_401 = arith.constant 20 : i32
        %scan3A_402 = arith.addi %scan3A_400, %scan3A_401 : i32
        %scan3A_403 = arith.constant 2 : i32
        %scan3A_404 = scf.for %scan3A_415 = %scan3A_400 to %scan3A_402 step %scan3A_403 iter_args(%scan3A_416 = %broadcast_in_dim3A_20) -> (vector<16xf32>)  : i32 {
          %add3A_417 = arith.addi %mul3A_399, %scan3A_415 : i32
          %get3A_418 = arith.index_cast %add3A_417 : i32 to index
          %get3A_419 = arith.constant 0 : index
          %get3A_420 = tpu.vector_load %arg7[%get3A_418, %get3A_419] {strides = array<i32>} : memref<200x91xf32, #tpu.memory_space<vmem>>, vector<16xf32>,
          %get3A_421 = arith.index_cast %add3A_417 : i32 to index
          %get3A_422 = arith.constant 16 : index
          %get3A_423 = tpu.vector_load %arg7[%get3A_421, %get3A_422] {strides = array<i32>} : memref<200x91xf32, #tpu.memory_space<vmem>>, vector<16xf32>,
          %get3A_424 = arith.index_cast %add3A_417 : i32 to index
          %get3A_425 = arith.constant 32 : index
          %get3A_426 = tpu.vector_load %arg7[%get3A_424, %get3A_425] {strides = array<i32>} : memref<200x91xf32, #tpu.memory_space<vmem>>, vector<16xf32>,
          %get3A_427 = arith.index_cast %add3A_417 : i32 to index
          %get3A_428 = arith.constant 48 : index
          %get3A_429 = tpu.vector_load %arg7[%get3A_427, %get3A_428] {strides = array<i32>} : memref<200x91xf32, #tpu.memory_space<vmem>>, vector<16xf32>,
          %get3A_430 = arith.index_cast %add3A_417 : i32 to index
          %get3A_431 = arith.constant 64 : index
          %get3A_432 = tpu.vector_load %arg7[%get3A_430, %get3A_431] {strides = array<i32>} : memref<200x91xf32, #tpu.memory_space<vmem>>, vector<16xf32>,
          %get3A_433 = arith.index_cast %add3A_417 : i32 to index
          %get3A_434 = arith.constant 75 : index
          %get3A_435 = tpu.vector_load %arg7[%get3A_433, %get3A_434] {strides = array<i32>} : memref<200x91xf32, #tpu.memory_space<vmem>>, vector<16xf32>,
          %bitcast_convert_type3A = tpu.bitcast %get3A_420 : vector<16xf32> -> vector<16xi32>
          %shift_right_arithmetic3A = arith.constant 17 : i32
          %shift_right_arithmetic3A_436 = vector.broadcast %shift_right_arithmetic3A : i32 to vector<16xi32>
          %shift_right_arithmetic3A_437 = arith.shrsi %bitcast_convert_type3A, %shift_right_arithmetic3A_436 : vector<16xi32>
          %and3A = arith.constant 32752 : i32
          %and3A_438 = vector.broadcast %and3A : i32 to vector<16xi32>
          %and3A_439 = arith.andi %shift_right_arithmetic3A_437, %and3A_438 : vector<16xi32>
          %or3A = arith.ori %and3A_439, %iota3A : vector<16xi32>
          %bitcast_convert_type3A_440 = tpu.bitcast %get3A_423 : vector<16xf32> -> vector<16xi32>
          %shift_right_arithmetic3A_441 = arith.constant 17 : i32
          %shift_right_arithmetic3A_442 = vector.broadcast %shift_right_arithmetic3A_441 : i32 to vector<16xi32>
          %shift_right_arithmetic3A_443 = arith.shrsi %bitcast_convert_type3A_440, %shift_right_arithmetic3A_442 : vector<16xi32>
          %and3A_444 = arith.constant 32752 : i32
          %and3A_445 = vector.broadcast %and3A_444 : i32 to vector<16xi32>
          %and3A_446 = arith.andi %shift_right_arithmetic3A_443, %and3A_445 : vector<16xi32>
          %or3A_447 = arith.ori %and3A_446, %iota3A : vector<16xi32>
          %bitcast_convert_type3A_448 = tpu.bitcast %get3A_426 : vector<16xf32> -> vector<16xi32>
          %shift_right_arithmetic3A_449 = arith.constant 17 : i32
          %shift_right_arithmetic3A_450 = vector.broadcast %shift_right_arithmetic3A_449 : i32 to vector<16xi32>
          %shift_right_arithmetic3A_451 = arith.shrsi %bitcast_convert_type3A_448, %shift_right_arithmetic3A_450 : vector<16xi32>
          %and3A_452 = arith.constant 32752 : i32
          %and3A_453 = vector.broadcast %and3A_452 : i32 to vector<16xi32>
          %and3A_454 = arith.andi %shift_right_arithmetic3A_451, %and3A_453 : vector<16xi32>
          %or3A_455 = arith.ori %and3A_454, %iota3A : vector<16xi32>
          %bitcast_convert_type3A_456 = tpu.bitcast %get3A_429 : vector<16xf32> -> vector<16xi32>
          %shift_right_arithmetic3A_457 = arith.constant 17 : i32
          %shift_right_arithmetic3A_458 = vector.broadcast %shift_right_arithmetic3A_457 : i32 to vector<16xi32>
          %shift_right_arithmetic3A_459 = arith.shrsi %bitcast_convert_type3A_456, %shift_right_arithmetic3A_458 : vector<16xi32>
          %and3A_460 = arith.constant 32752 : i32
          %and3A_461 = vector.broadcast %and3A_460 : i32 to vector<16xi32>
          %and3A_462 = arith.andi %shift_right_arithmetic3A_459, %and3A_461 : vector<16xi32>
          %or3A_463 = arith.ori %and3A_462, %iota3A : vector<16xi32>
          %bitcast_convert_type3A_464 = tpu.bitcast %get3A_432 : vector<16xf32> -> vector<16xi32>
          %shift_right_arithmetic3A_465 = arith.constant 17 : i32
          %shift_right_arithmetic3A_466 = vector.broadcast %shift_right_arithmetic3A_465 : i32 to vector<16xi32>
          %shift_right_arithmetic3A_467 = arith.shrsi %bitcast_convert_type3A_464, %shift_right_arithmetic3A_466 : vector<16xi32>
          %and3A_468 = arith.constant 32752 : i32
          %and3A_469 = vector.broadcast %and3A_468 : i32 to vector<16xi32>
          %and3A_470 = arith.andi %shift_right_arithmetic3A_467, %and3A_469 : vector<16xi32>
          %or3A_471 = arith.ori %and3A_470, %iota3A : vector<16xi32>
          %bitcast_convert_type3A_472 = tpu.bitcast %get3A_435 : vector<16xf32> -> vector<16xi32>
          %shift_right_arithmetic3A_473 = arith.constant 17 : i32
          %shift_right_arithmetic3A_474 = vector.broadcast %shift_right_arithmetic3A_473 : i32 to vector<16xi32>
          %shift_right_arithmetic3A_475 = arith.shrsi %bitcast_convert_type3A_472, %shift_right_arithmetic3A_474 : vector<16xi32>
          %and3A_476 = arith.constant 32752 : i32
          %and3A_477 = vector.broadcast %and3A_476 : i32 to vector<16xi32>
          %and3A_478 = arith.andi %shift_right_arithmetic3A_475, %and3A_477 : vector<16xi32>
          %or3A_479 = arith.ori %and3A_478, %iota3A : vector<16xi32>
          tpu.vector_store_idx %arg8[%or3A], %broadcast_in_dim3A_5 {add = true} : memref<32768xi32, #tpu.memory_space<vmem>>[vector<16xi32>], vector<16xi32>,
          tpu.vector_store_idx %arg8[%or3A_447], %broadcast_in_dim3A_5 {add = true} : memref<32768xi32, #tpu.memory_space<vmem>>[vector<16xi32>], vector<16xi32>,
          tpu.vector_store_idx %arg8[%or3A_455], %broadcast_in_dim3A_5 {add = true} : memref<32768xi32, #tpu.memory_space<vmem>>[vector<16xi32>], vector<16xi32>,
          tpu.vector_store_idx %arg8[%or3A_463], %broadcast_in_dim3A_5 {add = true} : memref<32768xi32, #tpu.memory_space<vmem>>[vector<16xi32>], vector<16xi32>,
          tpu.vector_store_idx %arg8[%or3A_471], %broadcast_in_dim3A_5 {add = true} : memref<32768xi32, #tpu.memory_space<vmem>>[vector<16xi32>], vector<16xi32>,
          tpu.vector_store_idx %arg8[%or3A_479], %broadcast_in_dim3A_5 masked %ge3A_7 {add = true} : memref<32768xi32, #tpu.memory_space<vmem>>[vector<16xi32>], vector<16xi32>, vector<16xi1>
          %max3A = arith.maximumf %get3A_420, %get3A_423 : vector<16xf32>
          %max3A_480 = arith.maximumf %max3A, %get3A_426 : vector<16xf32>
          %max3A_481 = arith.maximumf %max3A_480, %get3A_429 : vector<16xf32>
          %max3A_482 = arith.maximumf %max3A_481, %get3A_432 : vector<16xf32>
          %select_n3A_483 = arith.select %ge3A_7, %get3A_435, %broadcast_in_dim3A_20 : vector<16xi1>, vector<16xf32>
          %max3A_484 = arith.maximumf %max3A_482, %select_n3A_483 : vector<16xf32>
          %max3A_485 = arith.maximumf %scan3A_416, %max3A_484 : vector<16xf32>
          %scan3A_486 = arith.constant 1 : i32
          %scan3A_487 = arith.addi %scan3A_415, %scan3A_486 : i32
          %add3A_488 = arith.addi %mul3A_399, %scan3A_487 : i32
          %get3A_489 = arith.index_cast %add3A_488 : i32 to index
          %get3A_490 = arith.constant 0 : index
          %get3A_491 = tpu.vector_load %arg7[%get3A_489, %get3A_490] {strides = array<i32>} : memref<200x91xf32, #tpu.memory_space<vmem>>, vector<16xf32>,
          %get3A_492 = arith.index_cast %add3A_488 : i32 to index
          %get3A_493 = arith.constant 16 : index
          %get3A_494 = tpu.vector_load %arg7[%get3A_492, %get3A_493] {strides = array<i32>} : memref<200x91xf32, #tpu.memory_space<vmem>>, vector<16xf32>,
          %get3A_495 = arith.index_cast %add3A_488 : i32 to index
          %get3A_496 = arith.constant 32 : index
          %get3A_497 = tpu.vector_load %arg7[%get3A_495, %get3A_496] {strides = array<i32>} : memref<200x91xf32, #tpu.memory_space<vmem>>, vector<16xf32>,
          %get3A_498 = arith.index_cast %add3A_488 : i32 to index
          %get3A_499 = arith.constant 48 : index
          %get3A_500 = tpu.vector_load %arg7[%get3A_498, %get3A_499] {strides = array<i32>} : memref<200x91xf32, #tpu.memory_space<vmem>>, vector<16xf32>,
          %get3A_501 = arith.index_cast %add3A_488 : i32 to index
          %get3A_502 = arith.constant 64 : index
          %get3A_503 = tpu.vector_load %arg7[%get3A_501, %get3A_502] {strides = array<i32>} : memref<200x91xf32, #tpu.memory_space<vmem>>, vector<16xf32>,
          %get3A_504 = arith.index_cast %add3A_488 : i32 to index
          %get3A_505 = arith.constant 75 : index
          %get3A_506 = tpu.vector_load %arg7[%get3A_504, %get3A_505] {strides = array<i32>} : memref<200x91xf32, #tpu.memory_space<vmem>>, vector<16xf32>,
          %bitcast_convert_type3A_507 = tpu.bitcast %get3A_491 : vector<16xf32> -> vector<16xi32>
          %shift_right_arithmetic3A_508 = arith.constant 17 : i32
          %shift_right_arithmetic3A_509 = vector.broadcast %shift_right_arithmetic3A_508 : i32 to vector<16xi32>
          %shift_right_arithmetic3A_510 = arith.shrsi %bitcast_convert_type3A_507, %shift_right_arithmetic3A_509 : vector<16xi32>
          %and3A_511 = arith.constant 32752 : i32
          %and3A_512 = vector.broadcast %and3A_511 : i32 to vector<16xi32>
          %and3A_513 = arith.andi %shift_right_arithmetic3A_510, %and3A_512 : vector<16xi32>
          %or3A_514 = arith.ori %and3A_513, %iota3A : vector<16xi32>
          %bitcast_convert_type3A_515 = tpu.bitcast %get3A_494 : vector<16xf32> -> vector<16xi32>
          %shift_right_arithmetic3A_516 = arith.constant 17 : i32
          %shift_right_arithmetic3A_517 = vector.broadcast %shift_right_arithmetic3A_516 : i32 to vector<16xi32>
          %shift_right_arithmetic3A_518 = arith.shrsi %bitcast_convert_type3A_515, %shift_right_arithmetic3A_517 : vector<16xi32>
          %and3A_519 = arith.constant 32752 : i32
          %and3A_520 = vector.broadcast %and3A_519 : i32 to vector<16xi32>
          %and3A_521 = arith.andi %shift_right_arithmetic3A_518, %and3A_520 : vector<16xi32>
          %or3A_522 = arith.ori %and3A_521, %iota3A : vector<16xi32>
          %bitcast_convert_type3A_523 = tpu.bitcast %get3A_497 : vector<16xf32> -> vector<16xi32>
          %shift_right_arithmetic3A_524 = arith.constant 17 : i32
          %shift_right_arithmetic3A_525 = vector.broadcast %shift_right_arithmetic3A_524 : i32 to vector<16xi32>
          %shift_right_arithmetic3A_526 = arith.shrsi %bitcast_convert_type3A_523, %shift_right_arithmetic3A_525 : vector<16xi32>
          %and3A_527 = arith.constant 32752 : i32
          %and3A_528 = vector.broadcast %and3A_527 : i32 to vector<16xi32>
          %and3A_529 = arith.andi %shift_right_arithmetic3A_526, %and3A_528 : vector<16xi32>
          %or3A_530 = arith.ori %and3A_529, %iota3A : vector<16xi32>
          %bitcast_convert_type3A_531 = tpu.bitcast %get3A_500 : vector<16xf32> -> vector<16xi32>
          %shift_right_arithmetic3A_532 = arith.constant 17 : i32
          %shift_right_arithmetic3A_533 = vector.broadcast %shift_right_arithmetic3A_532 : i32 to vector<16xi32>
          %shift_right_arithmetic3A_534 = arith.shrsi %bitcast_convert_type3A_531, %shift_right_arithmetic3A_533 : vector<16xi32>
          %and3A_535 = arith.constant 32752 : i32
          %and3A_536 = vector.broadcast %and3A_535 : i32 to vector<16xi32>
          %and3A_537 = arith.andi %shift_right_arithmetic3A_534, %and3A_536 : vector<16xi32>
          %or3A_538 = arith.ori %and3A_537, %iota3A : vector<16xi32>
          %bitcast_convert_type3A_539 = tpu.bitcast %get3A_503 : vector<16xf32> -> vector<16xi32>
          %shift_right_arithmetic3A_540 = arith.constant 17 : i32
          %shift_right_arithmetic3A_541 = vector.broadcast %shift_right_arithmetic3A_540 : i32 to vector<16xi32>
          %shift_right_arithmetic3A_542 = arith.shrsi %bitcast_convert_type3A_539, %shift_right_arithmetic3A_541 : vector<16xi32>
          %and3A_543 = arith.constant 32752 : i32
          %and3A_544 = vector.broadcast %and3A_543 : i32 to vector<16xi32>
          %and3A_545 = arith.andi %shift_right_arithmetic3A_542, %and3A_544 : vector<16xi32>
          %or3A_546 = arith.ori %and3A_545, %iota3A : vector<16xi32>
          %bitcast_convert_type3A_547 = tpu.bitcast %get3A_506 : vector<16xf32> -> vector<16xi32>
          %shift_right_arithmetic3A_548 = arith.constant 17 : i32
          %shift_right_arithmetic3A_549 = vector.broadcast %shift_right_arithmetic3A_548 : i32 to vector<16xi32>
          %shift_right_arithmetic3A_550 = arith.shrsi %bitcast_convert_type3A_547, %shift_right_arithmetic3A_549 : vector<16xi32>
          %and3A_551 = arith.constant 32752 : i32
          %and3A_552 = vector.broadcast %and3A_551 : i32 to vector<16xi32>
          %and3A_553 = arith.andi %shift_right_arithmetic3A_550, %and3A_552 : vector<16xi32>
          %or3A_554 = arith.ori %and3A_553, %iota3A : vector<16xi32>
          tpu.vector_store_idx %arg8[%or3A_514], %broadcast_in_dim3A_5 {add = true} : memref<32768xi32, #tpu.memory_space<vmem>>[vector<16xi32>], vector<16xi32>,
          tpu.vector_store_idx %arg8[%or3A_522], %broadcast_in_dim3A_5 {add = true} : memref<32768xi32, #tpu.memory_space<vmem>>[vector<16xi32>], vector<16xi32>,
          tpu.vector_store_idx %arg8[%or3A_530], %broadcast_in_dim3A_5 {add = true} : memref<32768xi32, #tpu.memory_space<vmem>>[vector<16xi32>], vector<16xi32>,
          tpu.vector_store_idx %arg8[%or3A_538], %broadcast_in_dim3A_5 {add = true} : memref<32768xi32, #tpu.memory_space<vmem>>[vector<16xi32>], vector<16xi32>,
          tpu.vector_store_idx %arg8[%or3A_546], %broadcast_in_dim3A_5 {add = true} : memref<32768xi32, #tpu.memory_space<vmem>>[vector<16xi32>], vector<16xi32>,
          tpu.vector_store_idx %arg8[%or3A_554], %broadcast_in_dim3A_5 masked %ge3A_7 {add = true} : memref<32768xi32, #tpu.memory_space<vmem>>[vector<16xi32>], vector<16xi32>, vector<16xi1>
          %max3A_555 = arith.maximumf %get3A_491, %get3A_494 : vector<16xf32>
          %max3A_556 = arith.maximumf %max3A_555, %get3A_497 : vector<16xf32>
          %max3A_557 = arith.maximumf %max3A_556, %get3A_500 : vector<16xf32>
          %max3A_558 = arith.maximumf %max3A_557, %get3A_503 : vector<16xf32>
          %select_n3A_559 = arith.select %ge3A_7, %get3A_506, %broadcast_in_dim3A_20 : vector<16xi1>, vector<16xf32>
          %max3A_560 = arith.maximumf %max3A_558, %select_n3A_559 : vector<16xf32>
          %max3A_561 = arith.maximumf %max3A_485, %max3A_560 : vector<16xf32>
          scf.yield %max3A_561 : vector<16xf32>
        }
        %scan3A_405 = arith.constant 20 : i32
        %ge3A_406 = arith.cmpf oge, %scan3A_404, %scan3A_72 : vector<16xf32>
        %convert_element_type3A_407 = arith.extui %ge3A_406 : vector<16xi1> to vector<16xi32>
        %reduce_sum3A = arith.constant true
        %reduce_sum3A_408 = vector.broadcast %reduce_sum3A : i1 to vector<16xi1>
        %reduce_sum3A_409 = tpu.scan <sum>, %convert_element_type3A_407 masked %reduce_sum3A_408 : vector<16xi32>, vector<16xi1> -> vector<16xi32>
        %reduce_sum3A_410 = vector.extract %reduce_sum3A_409[15] : i32 from vector<16xi32>
        %gt3A = arith.constant 0 : i32
        %gt3A_411 = arith.cmpi sgt, %reduce_sum3A_410, %gt3A : i32
        %convert_element_type3A_412 = arith.extui %gt3A_411 : i1 to i32
        %cond3A_413 = arith.constant 0 : i32
        %cond3A_414 = arith.cmpi ne, %convert_element_type3A_412, %cond3A_413 : i32
        scf.if %cond3A_414 {
          %get3A_415 = arith.constant 0 : index
          %get3A_416 = tpu.vector_load %arg13[%get3A_415] {strides = array<i32>} : memref<16xi32, #tpu.memory_space<vmem>>, vector<16xi32>,
          %scan3A_417 = arith.constant 0 : i32
          %scan3A_418 = arith.constant 20 : i32
          %scan3A_419 = arith.addi %scan3A_417, %scan3A_418 : i32
          %scan3A_420 = arith.constant 1 : i32
          %scan3A_421 = scf.for %scan3A_425 = %scan3A_417 to %scan3A_419 step %scan3A_420 iter_args(%scan3A_426 = %get3A_416) -> (vector<16xi32>)  : i32 {
            %add3A_427 = arith.addi %mul3A_399, %scan3A_425 : i32
            %get3A_428 = arith.index_cast %add3A_427 : i32 to index
            %get3A_429 = arith.constant 0 : index
            %get3A_430 = tpu.vector_load %arg7[%get3A_428, %get3A_429] {strides = array<i32>} : memref<200x91xf32, #tpu.memory_space<vmem>>, vector<16xf32>,
            %get3A_431 = arith.index_cast %add3A_427 : i32 to index
            %get3A_432 = arith.constant 16 : index
            %get3A_433 = tpu.vector_load %arg7[%get3A_431, %get3A_432] {strides = array<i32>} : memref<200x91xf32, #tpu.memory_space<vmem>>, vector<16xf32>,
            %get3A_434 = arith.index_cast %add3A_427 : i32 to index
            %get3A_435 = arith.constant 32 : index
            %get3A_436 = tpu.vector_load %arg7[%get3A_434, %get3A_435] {strides = array<i32>} : memref<200x91xf32, #tpu.memory_space<vmem>>, vector<16xf32>,
            %get3A_437 = arith.index_cast %add3A_427 : i32 to index
            %get3A_438 = arith.constant 48 : index
            %get3A_439 = tpu.vector_load %arg7[%get3A_437, %get3A_438] {strides = array<i32>} : memref<200x91xf32, #tpu.memory_space<vmem>>, vector<16xf32>,
            %get3A_440 = arith.index_cast %add3A_427 : i32 to index
            %get3A_441 = arith.constant 64 : index
            %get3A_442 = tpu.vector_load %arg7[%get3A_440, %get3A_441] {strides = array<i32>} : memref<200x91xf32, #tpu.memory_space<vmem>>, vector<16xf32>,
            %get3A_443 = arith.index_cast %add3A_427 : i32 to index
            %get3A_444 = arith.constant 75 : index
            %get3A_445 = tpu.vector_load %arg7[%get3A_443, %get3A_444] {strides = array<i32>} : memref<200x91xf32, #tpu.memory_space<vmem>>, vector<16xf32>,
            %mul3A_446 = arith.constant 200 : i32
            %mul3A_447 = arith.muli %scan3A_84, %mul3A_446 : i32
            %add3A_448 = arith.addi %mul3A_447, %mul3A_399 : i32
            %add3A_449 = arith.addi %add3A_448, %scan3A_425 : i32
            %mul3A_450 = arith.constant 91 : i32
            %mul3A_451 = arith.muli %add3A_449, %mul3A_450 : i32
            %ge3A_452 = arith.cmpf oge, %get3A_430, %scan3A_72 : vector<16xf32>
            %add3A_453 = arith.addi %shift_left3A_22, %scan3A_426 : vector<16xi32>
            %add3A_454 = arith.constant 0 : i32
            %add3A_455 = arith.addi %mul3A_451, %add3A_454 : i32
            %add3A_456 = vector.broadcast %add3A_455 : i32 to vector<16xi32>
            %add3A_457 = arith.addi %add3A_456, %iota3A : vector<16xi32>
            tpu.vector_store_idx %arg9[%add3A_453], %add3A_457 masked %ge3A_452 : memref<8192xi32, #tpu.memory_space<vmem>>[vector<16xi32>], vector<16xi32>, vector<16xi1>
            tpu.vector_store_idx %arg10[%add3A_453], %get3A_430 masked %ge3A_452 : memref<8192xf32, #tpu.memory_space<vmem>>[vector<16xi32>], vector<16xf32>, vector<16xi1>
            %convert_element_type3A_458 = arith.extui %ge3A_452 : vector<16xi1> to vector<16xi32>
            %add3A_459 = arith.addi %scan3A_426, %convert_element_type3A_458 : vector<16xi32>
            %min3A = arith.constant 511 : i32
            %min3A_460 = vector.broadcast %min3A : i32 to vector<16xi32>
            %min3A_461 = arith.minsi %add3A_459, %min3A_460 : vector<16xi32>
            %ge3A_462 = arith.cmpf oge, %get3A_433, %scan3A_72 : vector<16xf32>
            %add3A_463 = arith.addi %shift_left3A_22, %min3A_461 : vector<16xi32>
            %add3A_464 = arith.constant 16 : i32
            %add3A_465 = arith.addi %mul3A_451, %add3A_464 : i32
            %add3A_466 = vector.broadcast %add3A_465 : i32 to vector<16xi32>
            %add3A_467 = arith.addi %add3A_466, %iota3A : vector<16xi32>
            tpu.vector_store_idx %arg9[%add3A_463], %add3A_467 masked %ge3A_462 : memref<8192xi32, #tpu.memory_space<vmem>>[vector<16xi32>], vector<16xi32>, vector<16xi1>
            tpu.vector_store_idx %arg10[%add3A_463], %get3A_433 masked %ge3A_462 : memref<8192xf32, #tpu.memory_space<vmem>>[vector<16xi32>], vector<16xf32>, vector<16xi1>
            %convert_element_type3A_468 = arith.extui %ge3A_462 : vector<16xi1> to vector<16xi32>
            %add3A_469 = arith.addi %min3A_461, %convert_element_type3A_468 : vector<16xi32>
            %min3A_470 = arith.constant 511 : i32
            %min3A_471 = vector.broadcast %min3A_470 : i32 to vector<16xi32>
            %min3A_472 = arith.minsi %add3A_469, %min3A_471 : vector<16xi32>
            %ge3A_473 = arith.cmpf oge, %get3A_436, %scan3A_72 : vector<16xf32>
            %add3A_474 = arith.addi %shift_left3A_22, %min3A_472 : vector<16xi32>
            %add3A_475 = arith.constant 32 : i32
            %add3A_476 = arith.addi %mul3A_451, %add3A_475 : i32
            %add3A_477 = vector.broadcast %add3A_476 : i32 to vector<16xi32>
            %add3A_478 = arith.addi %add3A_477, %iota3A : vector<16xi32>
            tpu.vector_store_idx %arg9[%add3A_474], %add3A_478 masked %ge3A_473 : memref<8192xi32, #tpu.memory_space<vmem>>[vector<16xi32>], vector<16xi32>, vector<16xi1>
            tpu.vector_store_idx %arg10[%add3A_474], %get3A_436 masked %ge3A_473 : memref<8192xf32, #tpu.memory_space<vmem>>[vector<16xi32>], vector<16xf32>, vector<16xi1>
            %convert_element_type3A_479 = arith.extui %ge3A_473 : vector<16xi1> to vector<16xi32>
            %add3A_480 = arith.addi %min3A_472, %convert_element_type3A_479 : vector<16xi32>
            %min3A_481 = arith.constant 511 : i32
            %min3A_482 = vector.broadcast %min3A_481 : i32 to vector<16xi32>
            %min3A_483 = arith.minsi %add3A_480, %min3A_482 : vector<16xi32>
            %ge3A_484 = arith.cmpf oge, %get3A_439, %scan3A_72 : vector<16xf32>
            %add3A_485 = arith.addi %shift_left3A_22, %min3A_483 : vector<16xi32>
            %add3A_486 = arith.constant 48 : i32
            %add3A_487 = arith.addi %mul3A_451, %add3A_486 : i32
            %add3A_488 = vector.broadcast %add3A_487 : i32 to vector<16xi32>
            %add3A_489 = arith.addi %add3A_488, %iota3A : vector<16xi32>
            tpu.vector_store_idx %arg9[%add3A_485], %add3A_489 masked %ge3A_484 : memref<8192xi32, #tpu.memory_space<vmem>>[vector<16xi32>], vector<16xi32>, vector<16xi1>
            tpu.vector_store_idx %arg10[%add3A_485], %get3A_439 masked %ge3A_484 : memref<8192xf32, #tpu.memory_space<vmem>>[vector<16xi32>], vector<16xf32>, vector<16xi1>
            %convert_element_type3A_490 = arith.extui %ge3A_484 : vector<16xi1> to vector<16xi32>
            %add3A_491 = arith.addi %min3A_483, %convert_element_type3A_490 : vector<16xi32>
            %min3A_492 = arith.constant 511 : i32
            %min3A_493 = vector.broadcast %min3A_492 : i32 to vector<16xi32>
            %min3A_494 = arith.minsi %add3A_491, %min3A_493 : vector<16xi32>
            %ge3A_495 = arith.cmpf oge, %get3A_442, %scan3A_72 : vector<16xf32>
            %add3A_496 = arith.addi %shift_left3A_22, %min3A_494 : vector<16xi32>
            %add3A_497 = arith.constant 64 : i32
            %add3A_498 = arith.addi %mul3A_451, %add3A_497 : i32
            %add3A_499 = vector.broadcast %add3A_498 : i32 to vector<16xi32>
            %add3A_500 = arith.addi %add3A_499, %iota3A : vector<16xi32>
            tpu.vector_store_idx %arg9[%add3A_496], %add3A_500 masked %ge3A_495 : memref<8192xi32, #tpu.memory_space<vmem>>[vector<16xi32>], vector<16xi32>, vector<16xi1>
            tpu.vector_store_idx %arg10[%add3A_496], %get3A_442 masked %ge3A_495 : memref<8192xf32, #tpu.memory_space<vmem>>[vector<16xi32>], vector<16xf32>, vector<16xi1>
            %convert_element_type3A_501 = arith.extui %ge3A_495 : vector<16xi1> to vector<16xi32>
            %add3A_502 = arith.addi %min3A_494, %convert_element_type3A_501 : vector<16xi32>
            %min3A_503 = arith.constant 511 : i32
            %min3A_504 = vector.broadcast %min3A_503 : i32 to vector<16xi32>
            %min3A_505 = arith.minsi %add3A_502, %min3A_504 : vector<16xi32>
            %ge3A_506 = arith.cmpf oge, %get3A_445, %scan3A_72 : vector<16xf32>
            %and3A = arith.andi %ge3A_506, %ge3A_7 : vector<16xi1>
            %add3A_507 = arith.addi %shift_left3A_22, %min3A_505 : vector<16xi32>
            %add3A_508 = arith.constant 75 : i32
            %add3A_509 = arith.addi %mul3A_451, %add3A_508 : i32
            %add3A_510 = vector.broadcast %add3A_509 : i32 to vector<16xi32>
            %add3A_511 = arith.addi %add3A_510, %iota3A : vector<16xi32>
            tpu.vector_store_idx %arg9[%add3A_507], %add3A_511 masked %and3A : memref<8192xi32, #tpu.memory_space<vmem>>[vector<16xi32>], vector<16xi32>, vector<16xi1>
            tpu.vector_store_idx %arg10[%add3A_507], %get3A_445 masked %and3A : memref<8192xf32, #tpu.memory_space<vmem>>[vector<16xi32>], vector<16xf32>, vector<16xi1>
            %convert_element_type3A_512 = arith.extui %and3A : vector<16xi1> to vector<16xi32>
            %add3A_513 = arith.addi %min3A_505, %convert_element_type3A_512 : vector<16xi32>
            %min3A_514 = arith.constant 511 : i32
            %min3A_515 = vector.broadcast %min3A_514 : i32 to vector<16xi32>
            %min3A_516 = arith.minsi %add3A_513, %min3A_515 : vector<16xi32>
            scf.yield %min3A_516 : vector<16xi32>
          }
          %scan3A_422 = arith.constant 20 : i32
          %swap3A_423 = arith.constant 0 : index
          %swap3A_424 = tpu.vector_load %arg13[%swap3A_423] {strides = array<i32>} : memref<16xi32, #tpu.memory_space<vmem>>, vector<16xi32>,
          tpu.vector_store %arg13[%swap3A_423], %scan3A_421 {strides = array<i32>} : memref<16xi32, #tpu.memory_space<vmem>>, vector<16xi32>,
        } else {
        }
      }
      %scan3A_89 = arith.constant 10 : i32
      %get3A = arith.constant 0 : index
      %get3A_90 = tpu.vector_load %arg13[%get3A] {strides = array<i32>} : memref<16xi32, #tpu.memory_space<vmem>>, vector<16xi32>,
      %cumsum3A = arith.constant true
      %cumsum3A_91 = vector.broadcast %cumsum3A : i1 to vector<16xi1>
      %cumsum3A_92 = tpu.scan <sum>, %get3A_90 masked %cumsum3A_91 : vector<16xi32>, vector<16xi1> -> vector<16xi32>
      %reduce_max3A = arith.constant true
      %reduce_max3A_93 = vector.broadcast %reduce_max3A : i1 to vector<16xi1>
      %reduce_max3A_94 = arith.constant -2147483648 : i32
      %reduce_max3A_95 = vector.broadcast %reduce_max3A_94 : i32 to vector<16xi32>
      %reduce_max3A_96 = arith.xori %cumsum3A_92, %reduce_max3A_95 : vector<16xi32>
      %reduce_max3A_97 = tpu.scan <max>, %reduce_max3A_96 masked %reduce_max3A_93 : vector<16xi32>, vector<16xi1> -> vector<16xi32>
      %reduce_max3A_98 = arith.xori %reduce_max3A_97, %reduce_max3A_95 : vector<16xi32>
      %reduce_max3A_99 = vector.extract %reduce_max3A_98[15] : i32 from vector<16xi32>
      %sub3A = arith.subi %cumsum3A_92, %get3A_90 : vector<16xi32>
      %slice3A = vector.extract_strided_slice %get3A_90 {offsets = [0], sizes = [1], strides = [1]} : vector<16xi32> to vector<1xi32>
      %squeeze3A = vector.extract %slice3A[0] : i32 from vector<1xi32>
      %slice3A_100 = vector.extract_strided_slice %sub3A {offsets = [0], sizes = [1], strides = [1]} : vector<16xi32> to vector<1xi32>
      %squeeze3A_101 = vector.extract %slice3A_100[0] : i32 from vector<1xi32>
      %add3A_102 = arith.constant 15 : i32
      %add3A_103 = arith.addi %squeeze3A, %add3A_102 : i32
      %div3A = arith.constant 16 : i32
      %div3A_104 = arith.divsi %add3A_103, %div3A : i32
      %while3A_105 = arith.constant 0 : i32
      %while3A_106 = arith.constant 0 : i32
      %while3A_107 = arith.subi %div3A_104, %while3A_106 : i32
      %while3A_108 = arith.addi %while3A_106, %while3A_107 : i32
      %while3A_109 = arith.constant 1 : i32
      %while3A_110 = arith.divsi %while3A_107, %while3A_109 : i32
      %while3A_111 = arith.muli %while3A_110, %while3A_109 : i32
      %while3A_112 = arith.addi %while3A_106, %while3A_111 : i32
      %while3A_113 = arith.constant 1 : i32
      scf.for %while3A_397 = %while3A_106 to %while3A_112 step %while3A_113  : i32 {
        %mul3A_398 = arith.constant 16 : i32
        %mul3A_399 = arith.muli %while3A_397, %mul3A_398 : i32
        %add3A_400 = arith.constant 0 : i32
        %add3A_401 = arith.addi %add3A_400, %mul3A_399 : i32
        %get3A_402 = arith.index_cast %add3A_401 : i32 to index
        %get3A_403 = tpu.vector_load %arg9[%get3A_402] {strides = array<i32>} : memref<8192xi32, #tpu.memory_space<vmem>>, vector<16xi32>,
        %mul3A_404 = arith.constant 16 : i32
        %mul3A_405 = arith.muli %while3A_397, %mul3A_404 : i32
        %add3A_406 = arith.constant 0 : i32
        %add3A_407 = arith.addi %add3A_406, %mul3A_405 : i32
        %get3A_408 = arith.index_cast %add3A_407 : i32 to index
        %get3A_409 = tpu.vector_load %arg10[%get3A_408] {strides = array<i32>} : memref<8192xf32, #tpu.memory_space<vmem>>, vector<16xf32>,
        %mul3A_410 = arith.constant 16 : i32
        %mul3A_411 = arith.muli %while3A_397, %mul3A_410 : i32
        %add3A_412 = vector.broadcast %mul3A_411 : i32 to vector<16xi32>
        %add3A_413 = arith.addi %add3A_412, %iota3A : vector<16xi32>
        %lt3A_414 = vector.broadcast %squeeze3A : i32 to vector<16xi32>
        %lt3A_415 = arith.cmpi slt, %add3A_413, %lt3A_414 : vector<16xi32>
        %jit3A_416 = arith.constant 0 : i32
        %broadcast_in_dim3A_417 = vector.broadcast %jit3A_416 : i32 to vector<16xi32>
        %select_n3A_418 = arith.select %lt3A_415, %get3A_403, %broadcast_in_dim3A_417 : vector<16xi1>, vector<16xi32>
        %mul3A_419 = arith.constant 16 : i32
        %mul3A_420 = arith.muli %while3A_397, %mul3A_419 : i32
        %add3A_421 = arith.addi %squeeze3A_101, %mul3A_420 : i32
        %swap3A_422 = arith.index_cast %add3A_421 : i32 to index
        %swap3A_423 = tpu.vector_load %arg11[%swap3A_422] {strides = array<i32>} : memref<8208xi32, #tpu.memory_space<vmem>>, vector<16xi32>,
        tpu.vector_store %arg11[%swap3A_422], %select_n3A_418 {strides = array<i32>} : memref<8208xi32, #tpu.memory_space<vmem>>, vector<16xi32>,
        %jit3A_424 = arith.constant 0.000000e+00 : f32
        %broadcast_in_dim3A_425 = vector.broadcast %jit3A_424 : f32 to vector<16xf32>
        %select_n3A_426 = arith.select %lt3A_415, %get3A_409, %broadcast_in_dim3A_425 : vector<16xi1>, vector<16xf32>
        %mul3A_427 = arith.constant 16 : i32
        %mul3A_428 = arith.muli %while3A_397, %mul3A_427 : i32
        %add3A_429 = arith.addi %squeeze3A_101, %mul3A_428 : i32
        %swap3A_430 = arith.index_cast %add3A_429 : i32 to index
        %swap3A_431 = tpu.vector_load %arg12[%swap3A_430] {strides = array<i32>} : memref<8208xf32, #tpu.memory_space<vmem>>, vector<16xf32>,
        tpu.vector_store %arg12[%swap3A_430], %select_n3A_426 {strides = array<i32>} : memref<8208xf32, #tpu.memory_space<vmem>>, vector<16xf32>,
      }
      %while3A_114 = arith.constant 1 : i32
      scf.for %while3A_397 = %while3A_112 to %while3A_108 step %while3A_114  : i32 {
        %mul3A_398 = arith.constant 16 : i32
        %mul3A_399 = arith.muli %while3A_397, %mul3A_398 : i32
        %add3A_400 = arith.constant 0 : i32
        %add3A_401 = arith.addi %add3A_400, %mul3A_399 : i32
        %get3A_402 = arith.index_cast %add3A_401 : i32 to index
        %get3A_403 = tpu.vector_load %arg9[%get3A_402] {strides = array<i32>} : memref<8192xi32, #tpu.memory_space<vmem>>, vector<16xi32>,
        %mul3A_404 = arith.constant 16 : i32
        %mul3A_405 = arith.muli %while3A_397, %mul3A_404 : i32
        %add3A_406 = arith.constant 0 : i32
        %add3A_407 = arith.addi %add3A_406, %mul3A_405 : i32
        %get3A_408 = arith.index_cast %add3A_407 : i32 to index
        %get3A_409 = tpu.vector_load %arg10[%get3A_408] {strides = array<i32>} : memref<8192xf32, #tpu.memory_space<vmem>>, vector<16xf32>,
        %mul3A_410 = arith.constant 16 : i32
        %mul3A_411 = arith.muli %while3A_397, %mul3A_410 : i32
        %add3A_412 = vector.broadcast %mul3A_411 : i32 to vector<16xi32>
        %add3A_413 = arith.addi %add3A_412, %iota3A : vector<16xi32>
        %lt3A_414 = vector.broadcast %squeeze3A : i32 to vector<16xi32>
        %lt3A_415 = arith.cmpi slt, %add3A_413, %lt3A_414 : vector<16xi32>
        %jit3A_416 = arith.constant 0 : i32
        %broadcast_in_dim3A_417 = vector.broadcast %jit3A_416 : i32 to vector<16xi32>
        %select_n3A_418 = arith.select %lt3A_415, %get3A_403, %broadcast_in_dim3A_417 : vector<16xi1>, vector<16xi32>
        %mul3A_419 = arith.constant 16 : i32
        %mul3A_420 = arith.muli %while3A_397, %mul3A_419 : i32
        %add3A_421 = arith.addi %squeeze3A_101, %mul3A_420 : i32
        %swap3A_422 = arith.index_cast %add3A_421 : i32 to index
        %swap3A_423 = tpu.vector_load %arg11[%swap3A_422] {strides = array<i32>} : memref<8208xi32, #tpu.memory_space<vmem>>, vector<16xi32>,
        tpu.vector_store %arg11[%swap3A_422], %select_n3A_418 {strides = array<i32>} : memref<8208xi32, #tpu.memory_space<vmem>>, vector<16xi32>,
        %jit3A_424 = arith.constant 0.000000e+00 : f32
        %broadcast_in_dim3A_425 = vector.broadcast %jit3A_424 : f32 to vector<16xf32>
        %select_n3A_426 = arith.select %lt3A_415, %get3A_409, %broadcast_in_dim3A_425 : vector<16xi1>, vector<16xf32>
        %mul3A_427 = arith.constant 16 : i32
        %mul3A_428 = arith.muli %while3A_397, %mul3A_427 : i32
        %add3A_429 = arith.addi %squeeze3A_101, %mul3A_428 : i32
        %swap3A_430 = arith.index_cast %add3A_429 : i32 to index
        %swap3A_431 = tpu.vector_load %arg12[%swap3A_430] {strides = array<i32>} : memref<8208xf32, #tpu.memory_space<vmem>>, vector<16xf32>,
        tpu.vector_store %arg12[%swap3A_430], %select_n3A_426 {strides = array<i32>} : memref<8208xf32, #tpu.memory_space<vmem>>, vector<16xf32>,
      }
      %slice3A_115 = vector.extract_strided_slice %get3A_90 {offsets = [1], sizes = [1], strides = [1]} : vector<16xi32> to vector<1xi32>
      %squeeze3A_116 = vector.extract %slice3A_115[0] : i32 from vector<1xi32>
      %slice3A_117 = vector.extract_strided_slice %sub3A {offsets = [1], sizes = [1], strides = [1]} : vector<16xi32> to vector<1xi32>
      %squeeze3A_118 = vector.extract %slice3A_117[0] : i32 from vector<1xi32>
      %add3A_119 = arith.constant 15 : i32
      %add3A_120 = arith.addi %squeeze3A_116, %add3A_119 : i32
      %div3A_121 = arith.constant 16 : i32
      %div3A_122 = arith.divsi %add3A_120, %div3A_121 : i32
      %while3A_123 = arith.constant 0 : i32
      %while3A_124 = arith.constant 0 : i32
      %while3A_125 = arith.subi %div3A_122, %while3A_124 : i32
      %while3A_126 = arith.addi %while3A_124, %while3A_125 : i32
      %while3A_127 = arith.constant 1 : i32
      %while3A_128 = arith.divsi %while3A_125, %while3A_127 : i32
      %while3A_129 = arith.muli %while3A_128, %while3A_127 : i32
      %while3A_130 = arith.addi %while3A_124, %while3A_129 : i32
      %while3A_131 = arith.constant 1 : i32
      scf.for %while3A_397 = %while3A_124 to %while3A_130 step %while3A_131  : i32 {
        %mul3A_398 = arith.constant 16 : i32
        %mul3A_399 = arith.muli %while3A_397, %mul3A_398 : i32
        %add3A_400 = arith.constant 512 : i32
        %add3A_401 = arith.addi %add3A_400, %mul3A_399 : i32
        %get3A_402 = arith.index_cast %add3A_401 : i32 to index
        %get3A_403 = tpu.vector_load %arg9[%get3A_402] {strides = array<i32>} : memref<8192xi32, #tpu.memory_space<vmem>>, vector<16xi32>,
        %mul3A_404 = arith.constant 16 : i32
        %mul3A_405 = arith.muli %while3A_397, %mul3A_404 : i32
        %add3A_406 = arith.constant 512 : i32
        %add3A_407 = arith.addi %add3A_406, %mul3A_405 : i32
        %get3A_408 = arith.index_cast %add3A_407 : i32 to index
        %get3A_409 = tpu.vector_load %arg10[%get3A_408] {strides = array<i32>} : memref<8192xf32, #tpu.memory_space<vmem>>, vector<16xf32>,
        %mul3A_410 = arith.constant 16 : i32
        %mul3A_411 = arith.muli %while3A_397, %mul3A_410 : i32
        %add3A_412 = vector.broadcast %mul3A_411 : i32 to vector<16xi32>
        %add3A_413 = arith.addi %add3A_412, %iota3A : vector<16xi32>
        %lt3A_414 = vector.broadcast %squeeze3A_116 : i32 to vector<16xi32>
        %lt3A_415 = arith.cmpi slt, %add3A_413, %lt3A_414 : vector<16xi32>
        %jit3A_416 = arith.constant 0 : i32
        %broadcast_in_dim3A_417 = vector.broadcast %jit3A_416 : i32 to vector<16xi32>
        %select_n3A_418 = arith.select %lt3A_415, %get3A_403, %broadcast_in_dim3A_417 : vector<16xi1>, vector<16xi32>
        %mul3A_419 = arith.constant 16 : i32
        %mul3A_420 = arith.muli %while3A_397, %mul3A_419 : i32
        %add3A_421 = arith.addi %squeeze3A_118, %mul3A_420 : i32
        %swap3A_422 = arith.index_cast %add3A_421 : i32 to index
        %swap3A_423 = tpu.vector_load %arg11[%swap3A_422] {strides = array<i32>} : memref<8208xi32, #tpu.memory_space<vmem>>, vector<16xi32>,
        tpu.vector_store %arg11[%swap3A_422], %select_n3A_418 {strides = array<i32>} : memref<8208xi32, #tpu.memory_space<vmem>>, vector<16xi32>,
        %jit3A_424 = arith.constant 0.000000e+00 : f32
        %broadcast_in_dim3A_425 = vector.broadcast %jit3A_424 : f32 to vector<16xf32>
        %select_n3A_426 = arith.select %lt3A_415, %get3A_409, %broadcast_in_dim3A_425 : vector<16xi1>, vector<16xf32>
        %mul3A_427 = arith.constant 16 : i32
        %mul3A_428 = arith.muli %while3A_397, %mul3A_427 : i32
        %add3A_429 = arith.addi %squeeze3A_118, %mul3A_428 : i32
        %swap3A_430 = arith.index_cast %add3A_429 : i32 to index
        %swap3A_431 = tpu.vector_load %arg12[%swap3A_430] {strides = array<i32>} : memref<8208xf32, #tpu.memory_space<vmem>>, vector<16xf32>,
        tpu.vector_store %arg12[%swap3A_430], %select_n3A_426 {strides = array<i32>} : memref<8208xf32, #tpu.memory_space<vmem>>, vector<16xf32>,
      }
      %while3A_132 = arith.constant 1 : i32
      scf.for %while3A_397 = %while3A_130 to %while3A_126 step %while3A_132  : i32 {
        %mul3A_398 = arith.constant 16 : i32
        %mul3A_399 = arith.muli %while3A_397, %mul3A_398 : i32
        %add3A_400 = arith.constant 512 : i32
        %add3A_401 = arith.addi %add3A_400, %mul3A_399 : i32
        %get3A_402 = arith.index_cast %add3A_401 : i32 to index
        %get3A_403 = tpu.vector_load %arg9[%get3A_402] {strides = array<i32>} : memref<8192xi32, #tpu.memory_space<vmem>>, vector<16xi32>,
        %mul3A_404 = arith.constant 16 : i32
        %mul3A_405 = arith.muli %while3A_397, %mul3A_404 : i32
        %add3A_406 = arith.constant 512 : i32
        %add3A_407 = arith.addi %add3A_406, %mul3A_405 : i32
        %get3A_408 = arith.index_cast %add3A_407 : i32 to index
        %get3A_409 = tpu.vector_load %arg10[%get3A_408] {strides = array<i32>} : memref<8192xf32, #tpu.memory_space<vmem>>, vector<16xf32>,
        %mul3A_410 = arith.constant 16 : i32
        %mul3A_411 = arith.muli %while3A_397, %mul3A_410 : i32
        %add3A_412 = vector.broadcast %mul3A_411 : i32 to vector<16xi32>
        %add3A_413 = arith.addi %add3A_412, %iota3A : vector<16xi32>
        %lt3A_414 = vector.broadcast %squeeze3A_116 : i32 to vector<16xi32>
        %lt3A_415 = arith.cmpi slt, %add3A_413, %lt3A_414 : vector<16xi32>
        %jit3A_416 = arith.constant 0 : i32
        %broadcast_in_dim3A_417 = vector.broadcast %jit3A_416 : i32 to vector<16xi32>
        %select_n3A_418 = arith.select %lt3A_415, %get3A_403, %broadcast_in_dim3A_417 : vector<16xi1>, vector<16xi32>
        %mul3A_419 = arith.constant 16 : i32
        %mul3A_420 = arith.muli %while3A_397, %mul3A_419 : i32
        %add3A_421 = arith.addi %squeeze3A_118, %mul3A_420 : i32
        %swap3A_422 = arith.index_cast %add3A_421 : i32 to index
        %swap3A_423 = tpu.vector_load %arg11[%swap3A_422] {strides = array<i32>} : memref<8208xi32, #tpu.memory_space<vmem>>, vector<16xi32>,
        tpu.vector_store %arg11[%swap3A_422], %select_n3A_418 {strides = array<i32>} : memref<8208xi32, #tpu.memory_space<vmem>>, vector<16xi32>,
        %jit3A_424 = arith.constant 0.000000e+00 : f32
        %broadcast_in_dim3A_425 = vector.broadcast %jit3A_424 : f32 to vector<16xf32>
        %select_n3A_426 = arith.select %lt3A_415, %get3A_409, %broadcast_in_dim3A_425 : vector<16xi1>, vector<16xf32>
        %mul3A_427 = arith.constant 16 : i32
        %mul3A_428 = arith.muli %while3A_397, %mul3A_427 : i32
        %add3A_429 = arith.addi %squeeze3A_118, %mul3A_428 : i32
        %swap3A_430 = arith.index_cast %add3A_429 : i32 to index
        %swap3A_431 = tpu.vector_load %arg12[%swap3A_430] {strides = array<i32>} : memref<8208xf32, #tpu.memory_space<vmem>>, vector<16xf32>,
        tpu.vector_store %arg12[%swap3A_430], %select_n3A_426 {strides = array<i32>} : memref<8208xf32, #tpu.memory_space<vmem>>, vector<16xf32>,
      }
      %slice3A_133 = vector.extract_strided_slice %get3A_90 {offsets = [2], sizes = [1], strides = [1]} : vector<16xi32> to vector<1xi32>
      %squeeze3A_134 = vector.extract %slice3A_133[0] : i32 from vector<1xi32>
      %slice3A_135 = vector.extract_strided_slice %sub3A {offsets = [2], sizes = [1], strides = [1]} : vector<16xi32> to vector<1xi32>
      %squeeze3A_136 = vector.extract %slice3A_135[0] : i32 from vector<1xi32>
      %add3A_137 = arith.constant 15 : i32
      %add3A_138 = arith.addi %squeeze3A_134, %add3A_137 : i32
      %div3A_139 = arith.constant 16 : i32
      %div3A_140 = arith.divsi %add3A_138, %div3A_139 : i32
      %while3A_141 = arith.constant 0 : i32
      %while3A_142 = arith.constant 0 : i32
      %while3A_143 = arith.subi %div3A_140, %while3A_142 : i32
      %while3A_144 = arith.addi %while3A_142, %while3A_143 : i32
      %while3A_145 = arith.constant 1 : i32
      %while3A_146 = arith.divsi %while3A_143, %while3A_145 : i32
      %while3A_147 = arith.muli %while3A_146, %while3A_145 : i32
      %while3A_148 = arith.addi %while3A_142, %while3A_147 : i32
      %while3A_149 = arith.constant 1 : i32
      scf.for %while3A_397 = %while3A_142 to %while3A_148 step %while3A_149  : i32 {
        %mul3A_398 = arith.constant 16 : i32
        %mul3A_399 = arith.muli %while3A_397, %mul3A_398 : i32
        %add3A_400 = arith.constant 1024 : i32
        %add3A_401 = arith.addi %add3A_400, %mul3A_399 : i32
        %get3A_402 = arith.index_cast %add3A_401 : i32 to index
        %get3A_403 = tpu.vector_load %arg9[%get3A_402] {strides = array<i32>} : memref<8192xi32, #tpu.memory_space<vmem>>, vector<16xi32>,
        %mul3A_404 = arith.constant 16 : i32
        %mul3A_405 = arith.muli %while3A_397, %mul3A_404 : i32
        %add3A_406 = arith.constant 1024 : i32
        %add3A_407 = arith.addi %add3A_406, %mul3A_405 : i32
        %get3A_408 = arith.index_cast %add3A_407 : i32 to index
        %get3A_409 = tpu.vector_load %arg10[%get3A_408] {strides = array<i32>} : memref<8192xf32, #tpu.memory_space<vmem>>, vector<16xf32>,
        %mul3A_410 = arith.constant 16 : i32
        %mul3A_411 = arith.muli %while3A_397, %mul3A_410 : i32
        %add3A_412 = vector.broadcast %mul3A_411 : i32 to vector<16xi32>
        %add3A_413 = arith.addi %add3A_412, %iota3A : vector<16xi32>
        %lt3A_414 = vector.broadcast %squeeze3A_134 : i32 to vector<16xi32>
        %lt3A_415 = arith.cmpi slt, %add3A_413, %lt3A_414 : vector<16xi32>
        %jit3A_416 = arith.constant 0 : i32
        %broadcast_in_dim3A_417 = vector.broadcast %jit3A_416 : i32 to vector<16xi32>
        %select_n3A_418 = arith.select %lt3A_415, %get3A_403, %broadcast_in_dim3A_417 : vector<16xi1>, vector<16xi32>
        %mul3A_419 = arith.constant 16 : i32
        %mul3A_420 = arith.muli %while3A_397, %mul3A_419 : i32
        %add3A_421 = arith.addi %squeeze3A_136, %mul3A_420 : i32
        %swap3A_422 = arith.index_cast %add3A_421 : i32 to index
        %swap3A_423 = tpu.vector_load %arg11[%swap3A_422] {strides = array<i32>} : memref<8208xi32, #tpu.memory_space<vmem>>, vector<16xi32>,
        tpu.vector_store %arg11[%swap3A_422], %select_n3A_418 {strides = array<i32>} : memref<8208xi32, #tpu.memory_space<vmem>>, vector<16xi32>,
        %jit3A_424 = arith.constant 0.000000e+00 : f32
        %broadcast_in_dim3A_425 = vector.broadcast %jit3A_424 : f32 to vector<16xf32>
        %select_n3A_426 = arith.select %lt3A_415, %get3A_409, %broadcast_in_dim3A_425 : vector<16xi1>, vector<16xf32>
        %mul3A_427 = arith.constant 16 : i32
        %mul3A_428 = arith.muli %while3A_397, %mul3A_427 : i32
        %add3A_429 = arith.addi %squeeze3A_136, %mul3A_428 : i32
        %swap3A_430 = arith.index_cast %add3A_429 : i32 to index
        %swap3A_431 = tpu.vector_load %arg12[%swap3A_430] {strides = array<i32>} : memref<8208xf32, #tpu.memory_space<vmem>>, vector<16xf32>,
        tpu.vector_store %arg12[%swap3A_430], %select_n3A_426 {strides = array<i32>} : memref<8208xf32, #tpu.memory_space<vmem>>, vector<16xf32>,
      }
      %while3A_150 = arith.constant 1 : i32
      scf.for %while3A_397 = %while3A_148 to %while3A_144 step %while3A_150  : i32 {
        %mul3A_398 = arith.constant 16 : i32
        %mul3A_399 = arith.muli %while3A_397, %mul3A_398 : i32
        %add3A_400 = arith.constant 1024 : i32
        %add3A_401 = arith.addi %add3A_400, %mul3A_399 : i32
        %get3A_402 = arith.index_cast %add3A_401 : i32 to index
        %get3A_403 = tpu.vector_load %arg9[%get3A_402] {strides = array<i32>} : memref<8192xi32, #tpu.memory_space<vmem>>, vector<16xi32>,
        %mul3A_404 = arith.constant 16 : i32
        %mul3A_405 = arith.muli %while3A_397, %mul3A_404 : i32
        %add3A_406 = arith.constant 1024 : i32
        %add3A_407 = arith.addi %add3A_406, %mul3A_405 : i32
        %get3A_408 = arith.index_cast %add3A_407 : i32 to index
        %get3A_409 = tpu.vector_load %arg10[%get3A_408] {strides = array<i32>} : memref<8192xf32, #tpu.memory_space<vmem>>, vector<16xf32>,
        %mul3A_410 = arith.constant 16 : i32
        %mul3A_411 = arith.muli %while3A_397, %mul3A_410 : i32
        %add3A_412 = vector.broadcast %mul3A_411 : i32 to vector<16xi32>
        %add3A_413 = arith.addi %add3A_412, %iota3A : vector<16xi32>
        %lt3A_414 = vector.broadcast %squeeze3A_134 : i32 to vector<16xi32>
        %lt3A_415 = arith.cmpi slt, %add3A_413, %lt3A_414 : vector<16xi32>
        %jit3A_416 = arith.constant 0 : i32
        %broadcast_in_dim3A_417 = vector.broadcast %jit3A_416 : i32 to vector<16xi32>
        %select_n3A_418 = arith.select %lt3A_415, %get3A_403, %broadcast_in_dim3A_417 : vector<16xi1>, vector<16xi32>
        %mul3A_419 = arith.constant 16 : i32
        %mul3A_420 = arith.muli %while3A_397, %mul3A_419 : i32
        %add3A_421 = arith.addi %squeeze3A_136, %mul3A_420 : i32
        %swap3A_422 = arith.index_cast %add3A_421 : i32 to index
        %swap3A_423 = tpu.vector_load %arg11[%swap3A_422] {strides = array<i32>} : memref<8208xi32, #tpu.memory_space<vmem>>, vector<16xi32>,
        tpu.vector_store %arg11[%swap3A_422], %select_n3A_418 {strides = array<i32>} : memref<8208xi32, #tpu.memory_space<vmem>>, vector<16xi32>,
        %jit3A_424 = arith.constant 0.000000e+00 : f32
        %broadcast_in_dim3A_425 = vector.broadcast %jit3A_424 : f32 to vector<16xf32>
        %select_n3A_426 = arith.select %lt3A_415, %get3A_409, %broadcast_in_dim3A_425 : vector<16xi1>, vector<16xf32>
        %mul3A_427 = arith.constant 16 : i32
        %mul3A_428 = arith.muli %while3A_397, %mul3A_427 : i32
        %add3A_429 = arith.addi %squeeze3A_136, %mul3A_428 : i32
        %swap3A_430 = arith.index_cast %add3A_429 : i32 to index
        %swap3A_431 = tpu.vector_load %arg12[%swap3A_430] {strides = array<i32>} : memref<8208xf32, #tpu.memory_space<vmem>>, vector<16xf32>,
        tpu.vector_store %arg12[%swap3A_430], %select_n3A_426 {strides = array<i32>} : memref<8208xf32, #tpu.memory_space<vmem>>, vector<16xf32>,
      }
      %slice3A_151 = vector.extract_strided_slice %get3A_90 {offsets = [3], sizes = [1], strides = [1]} : vector<16xi32> to vector<1xi32>
      %squeeze3A_152 = vector.extract %slice3A_151[0] : i32 from vector<1xi32>
      %slice3A_153 = vector.extract_strided_slice %sub3A {offsets = [3], sizes = [1], strides = [1]} : vector<16xi32> to vector<1xi32>
      %squeeze3A_154 = vector.extract %slice3A_153[0] : i32 from vector<1xi32>
      %add3A_155 = arith.constant 15 : i32
      %add3A_156 = arith.addi %squeeze3A_152, %add3A_155 : i32
      %div3A_157 = arith.constant 16 : i32
      %div3A_158 = arith.divsi %add3A_156, %div3A_157 : i32
      %while3A_159 = arith.constant 0 : i32
      %while3A_160 = arith.constant 0 : i32
      %while3A_161 = arith.subi %div3A_158, %while3A_160 : i32
      %while3A_162 = arith.addi %while3A_160, %while3A_161 : i32
      %while3A_163 = arith.constant 1 : i32
      %while3A_164 = arith.divsi %while3A_161, %while3A_163 : i32
      %while3A_165 = arith.muli %while3A_164, %while3A_163 : i32
      %while3A_166 = arith.addi %while3A_160, %while3A_165 : i32
      %while3A_167 = arith.constant 1 : i32
      scf.for %while3A_397 = %while3A_160 to %while3A_166 step %while3A_167  : i32 {
        %mul3A_398 = arith.constant 16 : i32
        %mul3A_399 = arith.muli %while3A_397, %mul3A_398 : i32
        %add3A_400 = arith.constant 1536 : i32
        %add3A_401 = arith.addi %add3A_400, %mul3A_399 : i32
        %get3A_402 = arith.index_cast %add3A_401 : i32 to index
        %get3A_403 = tpu.vector_load %arg9[%get3A_402] {strides = array<i32>} : memref<8192xi32, #tpu.memory_space<vmem>>, vector<16xi32>,
        %mul3A_404 = arith.constant 16 : i32
        %mul3A_405 = arith.muli %while3A_397, %mul3A_404 : i32
        %add3A_406 = arith.constant 1536 : i32
        %add3A_407 = arith.addi %add3A_406, %mul3A_405 : i32
        %get3A_408 = arith.index_cast %add3A_407 : i32 to index
        %get3A_409 = tpu.vector_load %arg10[%get3A_408] {strides = array<i32>} : memref<8192xf32, #tpu.memory_space<vmem>>, vector<16xf32>,
        %mul3A_410 = arith.constant 16 : i32
        %mul3A_411 = arith.muli %while3A_397, %mul3A_410 : i32
        %add3A_412 = vector.broadcast %mul3A_411 : i32 to vector<16xi32>
        %add3A_413 = arith.addi %add3A_412, %iota3A : vector<16xi32>
        %lt3A_414 = vector.broadcast %squeeze3A_152 : i32 to vector<16xi32>
        %lt3A_415 = arith.cmpi slt, %add3A_413, %lt3A_414 : vector<16xi32>
        %jit3A_416 = arith.constant 0 : i32
        %broadcast_in_dim3A_417 = vector.broadcast %jit3A_416 : i32 to vector<16xi32>
        %select_n3A_418 = arith.select %lt3A_415, %get3A_403, %broadcast_in_dim3A_417 : vector<16xi1>, vector<16xi32>
        %mul3A_419 = arith.constant 16 : i32
        %mul3A_420 = arith.muli %while3A_397, %mul3A_419 : i32
        %add3A_421 = arith.addi %squeeze3A_154, %mul3A_420 : i32
        %swap3A_422 = arith.index_cast %add3A_421 : i32 to index
        %swap3A_423 = tpu.vector_load %arg11[%swap3A_422] {strides = array<i32>} : memref<8208xi32, #tpu.memory_space<vmem>>, vector<16xi32>,
        tpu.vector_store %arg11[%swap3A_422], %select_n3A_418 {strides = array<i32>} : memref<8208xi32, #tpu.memory_space<vmem>>, vector<16xi32>,
        %jit3A_424 = arith.constant 0.000000e+00 : f32
        %broadcast_in_dim3A_425 = vector.broadcast %jit3A_424 : f32 to vector<16xf32>
        %select_n3A_426 = arith.select %lt3A_415, %get3A_409, %broadcast_in_dim3A_425 : vector<16xi1>, vector<16xf32>
        %mul3A_427 = arith.constant 16 : i32
        %mul3A_428 = arith.muli %while3A_397, %mul3A_427 : i32
        %add3A_429 = arith.addi %squeeze3A_154, %mul3A_428 : i32
        %swap3A_430 = arith.index_cast %add3A_429 : i32 to index
        %swap3A_431 = tpu.vector_load %arg12[%swap3A_430] {strides = array<i32>} : memref<8208xf32, #tpu.memory_space<vmem>>, vector<16xf32>,
        tpu.vector_store %arg12[%swap3A_430], %select_n3A_426 {strides = array<i32>} : memref<8208xf32, #tpu.memory_space<vmem>>, vector<16xf32>,
      }
      %while3A_168 = arith.constant 1 : i32
      scf.for %while3A_397 = %while3A_166 to %while3A_162 step %while3A_168  : i32 {
        %mul3A_398 = arith.constant 16 : i32
        %mul3A_399 = arith.muli %while3A_397, %mul3A_398 : i32
        %add3A_400 = arith.constant 1536 : i32
        %add3A_401 = arith.addi %add3A_400, %mul3A_399 : i32
        %get3A_402 = arith.index_cast %add3A_401 : i32 to index
        %get3A_403 = tpu.vector_load %arg9[%get3A_402] {strides = array<i32>} : memref<8192xi32, #tpu.memory_space<vmem>>, vector<16xi32>,
        %mul3A_404 = arith.constant 16 : i32
        %mul3A_405 = arith.muli %while3A_397, %mul3A_404 : i32
        %add3A_406 = arith.constant 1536 : i32
        %add3A_407 = arith.addi %add3A_406, %mul3A_405 : i32
        %get3A_408 = arith.index_cast %add3A_407 : i32 to index
        %get3A_409 = tpu.vector_load %arg10[%get3A_408] {strides = array<i32>} : memref<8192xf32, #tpu.memory_space<vmem>>, vector<16xf32>,
        %mul3A_410 = arith.constant 16 : i32
        %mul3A_411 = arith.muli %while3A_397, %mul3A_410 : i32
        %add3A_412 = vector.broadcast %mul3A_411 : i32 to vector<16xi32>
        %add3A_413 = arith.addi %add3A_412, %iota3A : vector<16xi32>
        %lt3A_414 = vector.broadcast %squeeze3A_152 : i32 to vector<16xi32>
        %lt3A_415 = arith.cmpi slt, %add3A_413, %lt3A_414 : vector<16xi32>
        %jit3A_416 = arith.constant 0 : i32
        %broadcast_in_dim3A_417 = vector.broadcast %jit3A_416 : i32 to vector<16xi32>
        %select_n3A_418 = arith.select %lt3A_415, %get3A_403, %broadcast_in_dim3A_417 : vector<16xi1>, vector<16xi32>
        %mul3A_419 = arith.constant 16 : i32
        %mul3A_420 = arith.muli %while3A_397, %mul3A_419 : i32
        %add3A_421 = arith.addi %squeeze3A_154, %mul3A_420 : i32
        %swap3A_422 = arith.index_cast %add3A_421 : i32 to index
        %swap3A_423 = tpu.vector_load %arg11[%swap3A_422] {strides = array<i32>} : memref<8208xi32, #tpu.memory_space<vmem>>, vector<16xi32>,
        tpu.vector_store %arg11[%swap3A_422], %select_n3A_418 {strides = array<i32>} : memref<8208xi32, #tpu.memory_space<vmem>>, vector<16xi32>,
        %jit3A_424 = arith.constant 0.000000e+00 : f32
        %broadcast_in_dim3A_425 = vector.broadcast %jit3A_424 : f32 to vector<16xf32>
        %select_n3A_426 = arith.select %lt3A_415, %get3A_409, %broadcast_in_dim3A_425 : vector<16xi1>, vector<16xf32>
        %mul3A_427 = arith.constant 16 : i32
        %mul3A_428 = arith.muli %while3A_397, %mul3A_427 : i32
        %add3A_429 = arith.addi %squeeze3A_154, %mul3A_428 : i32
        %swap3A_430 = arith.index_cast %add3A_429 : i32 to index
        %swap3A_431 = tpu.vector_load %arg12[%swap3A_430] {strides = array<i32>} : memref<8208xf32, #tpu.memory_space<vmem>>, vector<16xf32>,
        tpu.vector_store %arg12[%swap3A_430], %select_n3A_426 {strides = array<i32>} : memref<8208xf32, #tpu.memory_space<vmem>>, vector<16xf32>,
      }
      %slice3A_169 = vector.extract_strided_slice %get3A_90 {offsets = [4], sizes = [1], strides = [1]} : vector<16xi32> to vector<1xi32>
      %squeeze3A_170 = vector.extract %slice3A_169[0] : i32 from vector<1xi32>
      %slice3A_171 = vector.extract_strided_slice %sub3A {offsets = [4], sizes = [1], strides = [1]} : vector<16xi32> to vector<1xi32>
      %squeeze3A_172 = vector.extract %slice3A_171[0] : i32 from vector<1xi32>
      %add3A_173 = arith.constant 15 : i32
      %add3A_174 = arith.addi %squeeze3A_170, %add3A_173 : i32
      %div3A_175 = arith.constant 16 : i32
      %div3A_176 = arith.divsi %add3A_174, %div3A_175 : i32
      %while3A_177 = arith.constant 0 : i32
      %while3A_178 = arith.constant 0 : i32
      %while3A_179 = arith.subi %div3A_176, %while3A_178 : i32
      %while3A_180 = arith.addi %while3A_178, %while3A_179 : i32
      %while3A_181 = arith.constant 1 : i32
      %while3A_182 = arith.divsi %while3A_179, %while3A_181 : i32
      %while3A_183 = arith.muli %while3A_182, %while3A_181 : i32
      %while3A_184 = arith.addi %while3A_178, %while3A_183 : i32
      %while3A_185 = arith.constant 1 : i32
      scf.for %while3A_397 = %while3A_178 to %while3A_184 step %while3A_185  : i32 {
        %mul3A_398 = arith.constant 16 : i32
        %mul3A_399 = arith.muli %while3A_397, %mul3A_398 : i32
        %add3A_400 = arith.constant 2048 : i32
        %add3A_401 = arith.addi %add3A_400, %mul3A_399 : i32
        %get3A_402 = arith.index_cast %add3A_401 : i32 to index
        %get3A_403 = tpu.vector_load %arg9[%get3A_402] {strides = array<i32>} : memref<8192xi32, #tpu.memory_space<vmem>>, vector<16xi32>,
        %mul3A_404 = arith.constant 16 : i32
        %mul3A_405 = arith.muli %while3A_397, %mul3A_404 : i32
        %add3A_406 = arith.constant 2048 : i32
        %add3A_407 = arith.addi %add3A_406, %mul3A_405 : i32
        %get3A_408 = arith.index_cast %add3A_407 : i32 to index
        %get3A_409 = tpu.vector_load %arg10[%get3A_408] {strides = array<i32>} : memref<8192xf32, #tpu.memory_space<vmem>>, vector<16xf32>,
        %mul3A_410 = arith.constant 16 : i32
        %mul3A_411 = arith.muli %while3A_397, %mul3A_410 : i32
        %add3A_412 = vector.broadcast %mul3A_411 : i32 to vector<16xi32>
        %add3A_413 = arith.addi %add3A_412, %iota3A : vector<16xi32>
        %lt3A_414 = vector.broadcast %squeeze3A_170 : i32 to vector<16xi32>
        %lt3A_415 = arith.cmpi slt, %add3A_413, %lt3A_414 : vector<16xi32>
        %jit3A_416 = arith.constant 0 : i32
        %broadcast_in_dim3A_417 = vector.broadcast %jit3A_416 : i32 to vector<16xi32>
        %select_n3A_418 = arith.select %lt3A_415, %get3A_403, %broadcast_in_dim3A_417 : vector<16xi1>, vector<16xi32>
        %mul3A_419 = arith.constant 16 : i32
        %mul3A_420 = arith.muli %while3A_397, %mul3A_419 : i32
        %add3A_421 = arith.addi %squeeze3A_172, %mul3A_420 : i32
        %swap3A_422 = arith.index_cast %add3A_421 : i32 to index
        %swap3A_423 = tpu.vector_load %arg11[%swap3A_422] {strides = array<i32>} : memref<8208xi32, #tpu.memory_space<vmem>>, vector<16xi32>,
        tpu.vector_store %arg11[%swap3A_422], %select_n3A_418 {strides = array<i32>} : memref<8208xi32, #tpu.memory_space<vmem>>, vector<16xi32>,
        %jit3A_424 = arith.constant 0.000000e+00 : f32
        %broadcast_in_dim3A_425 = vector.broadcast %jit3A_424 : f32 to vector<16xf32>
        %select_n3A_426 = arith.select %lt3A_415, %get3A_409, %broadcast_in_dim3A_425 : vector<16xi1>, vector<16xf32>
        %mul3A_427 = arith.constant 16 : i32
        %mul3A_428 = arith.muli %while3A_397, %mul3A_427 : i32
        %add3A_429 = arith.addi %squeeze3A_172, %mul3A_428 : i32
        %swap3A_430 = arith.index_cast %add3A_429 : i32 to index
        %swap3A_431 = tpu.vector_load %arg12[%swap3A_430] {strides = array<i32>} : memref<8208xf32, #tpu.memory_space<vmem>>, vector<16xf32>,
        tpu.vector_store %arg12[%swap3A_430], %select_n3A_426 {strides = array<i32>} : memref<8208xf32, #tpu.memory_space<vmem>>, vector<16xf32>,
      }
      %while3A_186 = arith.constant 1 : i32
      scf.for %while3A_397 = %while3A_184 to %while3A_180 step %while3A_186  : i32 {
        %mul3A_398 = arith.constant 16 : i32
        %mul3A_399 = arith.muli %while3A_397, %mul3A_398 : i32
        %add3A_400 = arith.constant 2048 : i32
        %add3A_401 = arith.addi %add3A_400, %mul3A_399 : i32
        %get3A_402 = arith.index_cast %add3A_401 : i32 to index
        %get3A_403 = tpu.vector_load %arg9[%get3A_402] {strides = array<i32>} : memref<8192xi32, #tpu.memory_space<vmem>>, vector<16xi32>,
        %mul3A_404 = arith.constant 16 : i32
        %mul3A_405 = arith.muli %while3A_397, %mul3A_404 : i32
        %add3A_406 = arith.constant 2048 : i32
        %add3A_407 = arith.addi %add3A_406, %mul3A_405 : i32
        %get3A_408 = arith.index_cast %add3A_407 : i32 to index
        %get3A_409 = tpu.vector_load %arg10[%get3A_408] {strides = array<i32>} : memref<8192xf32, #tpu.memory_space<vmem>>, vector<16xf32>,
        %mul3A_410 = arith.constant 16 : i32
        %mul3A_411 = arith.muli %while3A_397, %mul3A_410 : i32
        %add3A_412 = vector.broadcast %mul3A_411 : i32 to vector<16xi32>
        %add3A_413 = arith.addi %add3A_412, %iota3A : vector<16xi32>
        %lt3A_414 = vector.broadcast %squeeze3A_170 : i32 to vector<16xi32>
        %lt3A_415 = arith.cmpi slt, %add3A_413, %lt3A_414 : vector<16xi32>
        %jit3A_416 = arith.constant 0 : i32
        %broadcast_in_dim3A_417 = vector.broadcast %jit3A_416 : i32 to vector<16xi32>
        %select_n3A_418 = arith.select %lt3A_415, %get3A_403, %broadcast_in_dim3A_417 : vector<16xi1>, vector<16xi32>
        %mul3A_419 = arith.constant 16 : i32
        %mul3A_420 = arith.muli %while3A_397, %mul3A_419 : i32
        %add3A_421 = arith.addi %squeeze3A_172, %mul3A_420 : i32
        %swap3A_422 = arith.index_cast %add3A_421 : i32 to index
        %swap3A_423 = tpu.vector_load %arg11[%swap3A_422] {strides = array<i32>} : memref<8208xi32, #tpu.memory_space<vmem>>, vector<16xi32>,
        tpu.vector_store %arg11[%swap3A_422], %select_n3A_418 {strides = array<i32>} : memref<8208xi32, #tpu.memory_space<vmem>>, vector<16xi32>,
        %jit3A_424 = arith.constant 0.000000e+00 : f32
        %broadcast_in_dim3A_425 = vector.broadcast %jit3A_424 : f32 to vector<16xf32>
        %select_n3A_426 = arith.select %lt3A_415, %get3A_409, %broadcast_in_dim3A_425 : vector<16xi1>, vector<16xf32>
        %mul3A_427 = arith.constant 16 : i32
        %mul3A_428 = arith.muli %while3A_397, %mul3A_427 : i32
        %add3A_429 = arith.addi %squeeze3A_172, %mul3A_428 : i32
        %swap3A_430 = arith.index_cast %add3A_429 : i32 to index
        %swap3A_431 = tpu.vector_load %arg12[%swap3A_430] {strides = array<i32>} : memref<8208xf32, #tpu.memory_space<vmem>>, vector<16xf32>,
        tpu.vector_store %arg12[%swap3A_430], %select_n3A_426 {strides = array<i32>} : memref<8208xf32, #tpu.memory_space<vmem>>, vector<16xf32>,
      }
      %slice3A_187 = vector.extract_strided_slice %get3A_90 {offsets = [5], sizes = [1], strides = [1]} : vector<16xi32> to vector<1xi32>
      %squeeze3A_188 = vector.extract %slice3A_187[0] : i32 from vector<1xi32>
      %slice3A_189 = vector.extract_strided_slice %sub3A {offsets = [5], sizes = [1], strides = [1]} : vector<16xi32> to vector<1xi32>
      %squeeze3A_190 = vector.extract %slice3A_189[0] : i32 from vector<1xi32>
      %add3A_191 = arith.constant 15 : i32
      %add3A_192 = arith.addi %squeeze3A_188, %add3A_191 : i32
      %div3A_193 = arith.constant 16 : i32
      %div3A_194 = arith.divsi %add3A_192, %div3A_193 : i32
      %while3A_195 = arith.constant 0 : i32
      %while3A_196 = arith.constant 0 : i32
      %while3A_197 = arith.subi %div3A_194, %while3A_196 : i32
      %while3A_198 = arith.addi %while3A_196, %while3A_197 : i32
      %while3A_199 = arith.constant 1 : i32
      %while3A_200 = arith.divsi %while3A_197, %while3A_199 : i32
      %while3A_201 = arith.muli %while3A_200, %while3A_199 : i32
      %while3A_202 = arith.addi %while3A_196, %while3A_201 : i32
      %while3A_203 = arith.constant 1 : i32
      scf.for %while3A_397 = %while3A_196 to %while3A_202 step %while3A_203  : i32 {
        %mul3A_398 = arith.constant 16 : i32
        %mul3A_399 = arith.muli %while3A_397, %mul3A_398 : i32
        %add3A_400 = arith.constant 2560 : i32
        %add3A_401 = arith.addi %add3A_400, %mul3A_399 : i32
        %get3A_402 = arith.index_cast %add3A_401 : i32 to index
        %get3A_403 = tpu.vector_load %arg9[%get3A_402] {strides = array<i32>} : memref<8192xi32, #tpu.memory_space<vmem>>, vector<16xi32>,
        %mul3A_404 = arith.constant 16 : i32
        %mul3A_405 = arith.muli %while3A_397, %mul3A_404 : i32
        %add3A_406 = arith.constant 2560 : i32
        %add3A_407 = arith.addi %add3A_406, %mul3A_405 : i32
        %get3A_408 = arith.index_cast %add3A_407 : i32 to index
        %get3A_409 = tpu.vector_load %arg10[%get3A_408] {strides = array<i32>} : memref<8192xf32, #tpu.memory_space<vmem>>, vector<16xf32>,
        %mul3A_410 = arith.constant 16 : i32
        %mul3A_411 = arith.muli %while3A_397, %mul3A_410 : i32
        %add3A_412 = vector.broadcast %mul3A_411 : i32 to vector<16xi32>
        %add3A_413 = arith.addi %add3A_412, %iota3A : vector<16xi32>
        %lt3A_414 = vector.broadcast %squeeze3A_188 : i32 to vector<16xi32>
        %lt3A_415 = arith.cmpi slt, %add3A_413, %lt3A_414 : vector<16xi32>
        %jit3A_416 = arith.constant 0 : i32
        %broadcast_in_dim3A_417 = vector.broadcast %jit3A_416 : i32 to vector<16xi32>
        %select_n3A_418 = arith.select %lt3A_415, %get3A_403, %broadcast_in_dim3A_417 : vector<16xi1>, vector<16xi32>
        %mul3A_419 = arith.constant 16 : i32
        %mul3A_420 = arith.muli %while3A_397, %mul3A_419 : i32
        %add3A_421 = arith.addi %squeeze3A_190, %mul3A_420 : i32
        %swap3A_422 = arith.index_cast %add3A_421 : i32 to index
        %swap3A_423 = tpu.vector_load %arg11[%swap3A_422] {strides = array<i32>} : memref<8208xi32, #tpu.memory_space<vmem>>, vector<16xi32>,
        tpu.vector_store %arg11[%swap3A_422], %select_n3A_418 {strides = array<i32>} : memref<8208xi32, #tpu.memory_space<vmem>>, vector<16xi32>,
        %jit3A_424 = arith.constant 0.000000e+00 : f32
        %broadcast_in_dim3A_425 = vector.broadcast %jit3A_424 : f32 to vector<16xf32>
        %select_n3A_426 = arith.select %lt3A_415, %get3A_409, %broadcast_in_dim3A_425 : vector<16xi1>, vector<16xf32>
        %mul3A_427 = arith.constant 16 : i32
        %mul3A_428 = arith.muli %while3A_397, %mul3A_427 : i32
        %add3A_429 = arith.addi %squeeze3A_190, %mul3A_428 : i32
        %swap3A_430 = arith.index_cast %add3A_429 : i32 to index
        %swap3A_431 = tpu.vector_load %arg12[%swap3A_430] {strides = array<i32>} : memref<8208xf32, #tpu.memory_space<vmem>>, vector<16xf32>,
        tpu.vector_store %arg12[%swap3A_430], %select_n3A_426 {strides = array<i32>} : memref<8208xf32, #tpu.memory_space<vmem>>, vector<16xf32>,
      }
      %while3A_204 = arith.constant 1 : i32
      scf.for %while3A_397 = %while3A_202 to %while3A_198 step %while3A_204  : i32 {
        %mul3A_398 = arith.constant 16 : i32
        %mul3A_399 = arith.muli %while3A_397, %mul3A_398 : i32
        %add3A_400 = arith.constant 2560 : i32
        %add3A_401 = arith.addi %add3A_400, %mul3A_399 : i32
        %get3A_402 = arith.index_cast %add3A_401 : i32 to index
        %get3A_403 = tpu.vector_load %arg9[%get3A_402] {strides = array<i32>} : memref<8192xi32, #tpu.memory_space<vmem>>, vector<16xi32>,
        %mul3A_404 = arith.constant 16 : i32
        %mul3A_405 = arith.muli %while3A_397, %mul3A_404 : i32
        %add3A_406 = arith.constant 2560 : i32
        %add3A_407 = arith.addi %add3A_406, %mul3A_405 : i32
        %get3A_408 = arith.index_cast %add3A_407 : i32 to index
        %get3A_409 = tpu.vector_load %arg10[%get3A_408] {strides = array<i32>} : memref<8192xf32, #tpu.memory_space<vmem>>, vector<16xf32>,
        %mul3A_410 = arith.constant 16 : i32
        %mul3A_411 = arith.muli %while3A_397, %mul3A_410 : i32
        %add3A_412 = vector.broadcast %mul3A_411 : i32 to vector<16xi32>
        %add3A_413 = arith.addi %add3A_412, %iota3A : vector<16xi32>
        %lt3A_414 = vector.broadcast %squeeze3A_188 : i32 to vector<16xi32>
        %lt3A_415 = arith.cmpi slt, %add3A_413, %lt3A_414 : vector<16xi32>
        %jit3A_416 = arith.constant 0 : i32
        %broadcast_in_dim3A_417 = vector.broadcast %jit3A_416 : i32 to vector<16xi32>
        %select_n3A_418 = arith.select %lt3A_415, %get3A_403, %broadcast_in_dim3A_417 : vector<16xi1>, vector<16xi32>
        %mul3A_419 = arith.constant 16 : i32
        %mul3A_420 = arith.muli %while3A_397, %mul3A_419 : i32
        %add3A_421 = arith.addi %squeeze3A_190, %mul3A_420 : i32
        %swap3A_422 = arith.index_cast %add3A_421 : i32 to index
        %swap3A_423 = tpu.vector_load %arg11[%swap3A_422] {strides = array<i32>} : memref<8208xi32, #tpu.memory_space<vmem>>, vector<16xi32>,
        tpu.vector_store %arg11[%swap3A_422], %select_n3A_418 {strides = array<i32>} : memref<8208xi32, #tpu.memory_space<vmem>>, vector<16xi32>,
        %jit3A_424 = arith.constant 0.000000e+00 : f32
        %broadcast_in_dim3A_425 = vector.broadcast %jit3A_424 : f32 to vector<16xf32>
        %select_n3A_426 = arith.select %lt3A_415, %get3A_409, %broadcast_in_dim3A_425 : vector<16xi1>, vector<16xf32>
        %mul3A_427 = arith.constant 16 : i32
        %mul3A_428 = arith.muli %while3A_397, %mul3A_427 : i32
        %add3A_429 = arith.addi %squeeze3A_190, %mul3A_428 : i32
        %swap3A_430 = arith.index_cast %add3A_429 : i32 to index
        %swap3A_431 = tpu.vector_load %arg12[%swap3A_430] {strides = array<i32>} : memref<8208xf32, #tpu.memory_space<vmem>>, vector<16xf32>,
        tpu.vector_store %arg12[%swap3A_430], %select_n3A_426 {strides = array<i32>} : memref<8208xf32, #tpu.memory_space<vmem>>, vector<16xf32>,
      }
      %slice3A_205 = vector.extract_strided_slice %get3A_90 {offsets = [6], sizes = [1], strides = [1]} : vector<16xi32> to vector<1xi32>
      %squeeze3A_206 = vector.extract %slice3A_205[0] : i32 from vector<1xi32>
      %slice3A_207 = vector.extract_strided_slice %sub3A {offsets = [6], sizes = [1], strides = [1]} : vector<16xi32> to vector<1xi32>
      %squeeze3A_208 = vector.extract %slice3A_207[0] : i32 from vector<1xi32>
      %add3A_209 = arith.constant 15 : i32
      %add3A_210 = arith.addi %squeeze3A_206, %add3A_209 : i32
      %div3A_211 = arith.constant 16 : i32
      %div3A_212 = arith.divsi %add3A_210, %div3A_211 : i32
      %while3A_213 = arith.constant 0 : i32
      %while3A_214 = arith.constant 0 : i32
      %while3A_215 = arith.subi %div3A_212, %while3A_214 : i32
      %while3A_216 = arith.addi %while3A_214, %while3A_215 : i32
      %while3A_217 = arith.constant 1 : i32
      %while3A_218 = arith.divsi %while3A_215, %while3A_217 : i32
      %while3A_219 = arith.muli %while3A_218, %while3A_217 : i32
      %while3A_220 = arith.addi %while3A_214, %while3A_219 : i32
      %while3A_221 = arith.constant 1 : i32
      scf.for %while3A_397 = %while3A_214 to %while3A_220 step %while3A_221  : i32 {
        %mul3A_398 = arith.constant 16 : i32
        %mul3A_399 = arith.muli %while3A_397, %mul3A_398 : i32
        %add3A_400 = arith.constant 3072 : i32
        %add3A_401 = arith.addi %add3A_400, %mul3A_399 : i32
        %get3A_402 = arith.index_cast %add3A_401 : i32 to index
        %get3A_403 = tpu.vector_load %arg9[%get3A_402] {strides = array<i32>} : memref<8192xi32, #tpu.memory_space<vmem>>, vector<16xi32>,
        %mul3A_404 = arith.constant 16 : i32
        %mul3A_405 = arith.muli %while3A_397, %mul3A_404 : i32
        %add3A_406 = arith.constant 3072 : i32
        %add3A_407 = arith.addi %add3A_406, %mul3A_405 : i32
        %get3A_408 = arith.index_cast %add3A_407 : i32 to index
        %get3A_409 = tpu.vector_load %arg10[%get3A_408] {strides = array<i32>} : memref<8192xf32, #tpu.memory_space<vmem>>, vector<16xf32>,
        %mul3A_410 = arith.constant 16 : i32
        %mul3A_411 = arith.muli %while3A_397, %mul3A_410 : i32
        %add3A_412 = vector.broadcast %mul3A_411 : i32 to vector<16xi32>
        %add3A_413 = arith.addi %add3A_412, %iota3A : vector<16xi32>
        %lt3A_414 = vector.broadcast %squeeze3A_206 : i32 to vector<16xi32>
        %lt3A_415 = arith.cmpi slt, %add3A_413, %lt3A_414 : vector<16xi32>
        %jit3A_416 = arith.constant 0 : i32
        %broadcast_in_dim3A_417 = vector.broadcast %jit3A_416 : i32 to vector<16xi32>
        %select_n3A_418 = arith.select %lt3A_415, %get3A_403, %broadcast_in_dim3A_417 : vector<16xi1>, vector<16xi32>
        %mul3A_419 = arith.constant 16 : i32
        %mul3A_420 = arith.muli %while3A_397, %mul3A_419 : i32
        %add3A_421 = arith.addi %squeeze3A_208, %mul3A_420 : i32
        %swap3A_422 = arith.index_cast %add3A_421 : i32 to index
        %swap3A_423 = tpu.vector_load %arg11[%swap3A_422] {strides = array<i32>} : memref<8208xi32, #tpu.memory_space<vmem>>, vector<16xi32>,
        tpu.vector_store %arg11[%swap3A_422], %select_n3A_418 {strides = array<i32>} : memref<8208xi32, #tpu.memory_space<vmem>>, vector<16xi32>,
        %jit3A_424 = arith.constant 0.000000e+00 : f32
        %broadcast_in_dim3A_425 = vector.broadcast %jit3A_424 : f32 to vector<16xf32>
        %select_n3A_426 = arith.select %lt3A_415, %get3A_409, %broadcast_in_dim3A_425 : vector<16xi1>, vector<16xf32>
        %mul3A_427 = arith.constant 16 : i32
        %mul3A_428 = arith.muli %while3A_397, %mul3A_427 : i32
        %add3A_429 = arith.addi %squeeze3A_208, %mul3A_428 : i32
        %swap3A_430 = arith.index_cast %add3A_429 : i32 to index
        %swap3A_431 = tpu.vector_load %arg12[%swap3A_430] {strides = array<i32>} : memref<8208xf32, #tpu.memory_space<vmem>>, vector<16xf32>,
        tpu.vector_store %arg12[%swap3A_430], %select_n3A_426 {strides = array<i32>} : memref<8208xf32, #tpu.memory_space<vmem>>, vector<16xf32>,
      }
      %while3A_222 = arith.constant 1 : i32
      scf.for %while3A_397 = %while3A_220 to %while3A_216 step %while3A_222  : i32 {
        %mul3A_398 = arith.constant 16 : i32
        %mul3A_399 = arith.muli %while3A_397, %mul3A_398 : i32
        %add3A_400 = arith.constant 3072 : i32
        %add3A_401 = arith.addi %add3A_400, %mul3A_399 : i32
        %get3A_402 = arith.index_cast %add3A_401 : i32 to index
        %get3A_403 = tpu.vector_load %arg9[%get3A_402] {strides = array<i32>} : memref<8192xi32, #tpu.memory_space<vmem>>, vector<16xi32>,
        %mul3A_404 = arith.constant 16 : i32
        %mul3A_405 = arith.muli %while3A_397, %mul3A_404 : i32
        %add3A_406 = arith.constant 3072 : i32
        %add3A_407 = arith.addi %add3A_406, %mul3A_405 : i32
        %get3A_408 = arith.index_cast %add3A_407 : i32 to index
        %get3A_409 = tpu.vector_load %arg10[%get3A_408] {strides = array<i32>} : memref<8192xf32, #tpu.memory_space<vmem>>, vector<16xf32>,
        %mul3A_410 = arith.constant 16 : i32
        %mul3A_411 = arith.muli %while3A_397, %mul3A_410 : i32
        %add3A_412 = vector.broadcast %mul3A_411 : i32 to vector<16xi32>
        %add3A_413 = arith.addi %add3A_412, %iota3A : vector<16xi32>
        %lt3A_414 = vector.broadcast %squeeze3A_206 : i32 to vector<16xi32>
        %lt3A_415 = arith.cmpi slt, %add3A_413, %lt3A_414 : vector<16xi32>
        %jit3A_416 = arith.constant 0 : i32
        %broadcast_in_dim3A_417 = vector.broadcast %jit3A_416 : i32 to vector<16xi32>
        %select_n3A_418 = arith.select %lt3A_415, %get3A_403, %broadcast_in_dim3A_417 : vector<16xi1>, vector<16xi32>
        %mul3A_419 = arith.constant 16 : i32
        %mul3A_420 = arith.muli %while3A_397, %mul3A_419 : i32
        %add3A_421 = arith.addi %squeeze3A_208, %mul3A_420 : i32
        %swap3A_422 = arith.index_cast %add3A_421 : i32 to index
        %swap3A_423 = tpu.vector_load %arg11[%swap3A_422] {strides = array<i32>} : memref<8208xi32, #tpu.memory_space<vmem>>, vector<16xi32>,
        tpu.vector_store %arg11[%swap3A_422], %select_n3A_418 {strides = array<i32>} : memref<8208xi32, #tpu.memory_space<vmem>>, vector<16xi32>,
        %jit3A_424 = arith.constant 0.000000e+00 : f32
        %broadcast_in_dim3A_425 = vector.broadcast %jit3A_424 : f32 to vector<16xf32>
        %select_n3A_426 = arith.select %lt3A_415, %get3A_409, %broadcast_in_dim3A_425 : vector<16xi1>, vector<16xf32>
        %mul3A_427 = arith.constant 16 : i32
        %mul3A_428 = arith.muli %while3A_397, %mul3A_427 : i32
        %add3A_429 = arith.addi %squeeze3A_208, %mul3A_428 : i32
        %swap3A_430 = arith.index_cast %add3A_429 : i32 to index
        %swap3A_431 = tpu.vector_load %arg12[%swap3A_430] {strides = array<i32>} : memref<8208xf32, #tpu.memory_space<vmem>>, vector<16xf32>,
        tpu.vector_store %arg12[%swap3A_430], %select_n3A_426 {strides = array<i32>} : memref<8208xf32, #tpu.memory_space<vmem>>, vector<16xf32>,
      }
      %slice3A_223 = vector.extract_strided_slice %get3A_90 {offsets = [7], sizes = [1], strides = [1]} : vector<16xi32> to vector<1xi32>
      %squeeze3A_224 = vector.extract %slice3A_223[0] : i32 from vector<1xi32>
      %slice3A_225 = vector.extract_strided_slice %sub3A {offsets = [7], sizes = [1], strides = [1]} : vector<16xi32> to vector<1xi32>
      %squeeze3A_226 = vector.extract %slice3A_225[0] : i32 from vector<1xi32>
      %add3A_227 = arith.constant 15 : i32
      %add3A_228 = arith.addi %squeeze3A_224, %add3A_227 : i32
      %div3A_229 = arith.constant 16 : i32
      %div3A_230 = arith.divsi %add3A_228, %div3A_229 : i32
      %while3A_231 = arith.constant 0 : i32
      %while3A_232 = arith.constant 0 : i32
      %while3A_233 = arith.subi %div3A_230, %while3A_232 : i32
      %while3A_234 = arith.addi %while3A_232, %while3A_233 : i32
      %while3A_235 = arith.constant 1 : i32
      %while3A_236 = arith.divsi %while3A_233, %while3A_235 : i32
      %while3A_237 = arith.muli %while3A_236, %while3A_235 : i32
      %while3A_238 = arith.addi %while3A_232, %while3A_237 : i32
      %while3A_239 = arith.constant 1 : i32
      scf.for %while3A_397 = %while3A_232 to %while3A_238 step %while3A_239  : i32 {
        %mul3A_398 = arith.constant 16 : i32
        %mul3A_399 = arith.muli %while3A_397, %mul3A_398 : i32
        %add3A_400 = arith.constant 3584 : i32
        %add3A_401 = arith.addi %add3A_400, %mul3A_399 : i32
        %get3A_402 = arith.index_cast %add3A_401 : i32 to index
        %get3A_403 = tpu.vector_load %arg9[%get3A_402] {strides = array<i32>} : memref<8192xi32, #tpu.memory_space<vmem>>, vector<16xi32>,
        %mul3A_404 = arith.constant 16 : i32
        %mul3A_405 = arith.muli %while3A_397, %mul3A_404 : i32
        %add3A_406 = arith.constant 3584 : i32
        %add3A_407 = arith.addi %add3A_406, %mul3A_405 : i32
        %get3A_408 = arith.index_cast %add3A_407 : i32 to index
        %get3A_409 = tpu.vector_load %arg10[%get3A_408] {strides = array<i32>} : memref<8192xf32, #tpu.memory_space<vmem>>, vector<16xf32>,
        %mul3A_410 = arith.constant 16 : i32
        %mul3A_411 = arith.muli %while3A_397, %mul3A_410 : i32
        %add3A_412 = vector.broadcast %mul3A_411 : i32 to vector<16xi32>
        %add3A_413 = arith.addi %add3A_412, %iota3A : vector<16xi32>
        %lt3A_414 = vector.broadcast %squeeze3A_224 : i32 to vector<16xi32>
        %lt3A_415 = arith.cmpi slt, %add3A_413, %lt3A_414 : vector<16xi32>
        %jit3A_416 = arith.constant 0 : i32
        %broadcast_in_dim3A_417 = vector.broadcast %jit3A_416 : i32 to vector<16xi32>
        %select_n3A_418 = arith.select %lt3A_415, %get3A_403, %broadcast_in_dim3A_417 : vector<16xi1>, vector<16xi32>
        %mul3A_419 = arith.constant 16 : i32
        %mul3A_420 = arith.muli %while3A_397, %mul3A_419 : i32
        %add3A_421 = arith.addi %squeeze3A_226, %mul3A_420 : i32
        %swap3A_422 = arith.index_cast %add3A_421 : i32 to index
        %swap3A_423 = tpu.vector_load %arg11[%swap3A_422] {strides = array<i32>} : memref<8208xi32, #tpu.memory_space<vmem>>, vector<16xi32>,
        tpu.vector_store %arg11[%swap3A_422], %select_n3A_418 {strides = array<i32>} : memref<8208xi32, #tpu.memory_space<vmem>>, vector<16xi32>,
        %jit3A_424 = arith.constant 0.000000e+00 : f32
        %broadcast_in_dim3A_425 = vector.broadcast %jit3A_424 : f32 to vector<16xf32>
        %select_n3A_426 = arith.select %lt3A_415, %get3A_409, %broadcast_in_dim3A_425 : vector<16xi1>, vector<16xf32>
        %mul3A_427 = arith.constant 16 : i32
        %mul3A_428 = arith.muli %while3A_397, %mul3A_427 : i32
        %add3A_429 = arith.addi %squeeze3A_226, %mul3A_428 : i32
        %swap3A_430 = arith.index_cast %add3A_429 : i32 to index
        %swap3A_431 = tpu.vector_load %arg12[%swap3A_430] {strides = array<i32>} : memref<8208xf32, #tpu.memory_space<vmem>>, vector<16xf32>,
        tpu.vector_store %arg12[%swap3A_430], %select_n3A_426 {strides = array<i32>} : memref<8208xf32, #tpu.memory_space<vmem>>, vector<16xf32>,
      }
      %while3A_240 = arith.constant 1 : i32
      scf.for %while3A_397 = %while3A_238 to %while3A_234 step %while3A_240  : i32 {
        %mul3A_398 = arith.constant 16 : i32
        %mul3A_399 = arith.muli %while3A_397, %mul3A_398 : i32
        %add3A_400 = arith.constant 3584 : i32
        %add3A_401 = arith.addi %add3A_400, %mul3A_399 : i32
        %get3A_402 = arith.index_cast %add3A_401 : i32 to index
        %get3A_403 = tpu.vector_load %arg9[%get3A_402] {strides = array<i32>} : memref<8192xi32, #tpu.memory_space<vmem>>, vector<16xi32>,
        %mul3A_404 = arith.constant 16 : i32
        %mul3A_405 = arith.muli %while3A_397, %mul3A_404 : i32
        %add3A_406 = arith.constant 3584 : i32
        %add3A_407 = arith.addi %add3A_406, %mul3A_405 : i32
        %get3A_408 = arith.index_cast %add3A_407 : i32 to index
        %get3A_409 = tpu.vector_load %arg10[%get3A_408] {strides = array<i32>} : memref<8192xf32, #tpu.memory_space<vmem>>, vector<16xf32>,
        %mul3A_410 = arith.constant 16 : i32
        %mul3A_411 = arith.muli %while3A_397, %mul3A_410 : i32
        %add3A_412 = vector.broadcast %mul3A_411 : i32 to vector<16xi32>
        %add3A_413 = arith.addi %add3A_412, %iota3A : vector<16xi32>
        %lt3A_414 = vector.broadcast %squeeze3A_224 : i32 to vector<16xi32>
        %lt3A_415 = arith.cmpi slt, %add3A_413, %lt3A_414 : vector<16xi32>
        %jit3A_416 = arith.constant 0 : i32
        %broadcast_in_dim3A_417 = vector.broadcast %jit3A_416 : i32 to vector<16xi32>
        %select_n3A_418 = arith.select %lt3A_415, %get3A_403, %broadcast_in_dim3A_417 : vector<16xi1>, vector<16xi32>
        %mul3A_419 = arith.constant 16 : i32
        %mul3A_420 = arith.muli %while3A_397, %mul3A_419 : i32
        %add3A_421 = arith.addi %squeeze3A_226, %mul3A_420 : i32
        %swap3A_422 = arith.index_cast %add3A_421 : i32 to index
        %swap3A_423 = tpu.vector_load %arg11[%swap3A_422] {strides = array<i32>} : memref<8208xi32, #tpu.memory_space<vmem>>, vector<16xi32>,
        tpu.vector_store %arg11[%swap3A_422], %select_n3A_418 {strides = array<i32>} : memref<8208xi32, #tpu.memory_space<vmem>>, vector<16xi32>,
        %jit3A_424 = arith.constant 0.000000e+00 : f32
        %broadcast_in_dim3A_425 = vector.broadcast %jit3A_424 : f32 to vector<16xf32>
        %select_n3A_426 = arith.select %lt3A_415, %get3A_409, %broadcast_in_dim3A_425 : vector<16xi1>, vector<16xf32>
        %mul3A_427 = arith.constant 16 : i32
        %mul3A_428 = arith.muli %while3A_397, %mul3A_427 : i32
        %add3A_429 = arith.addi %squeeze3A_226, %mul3A_428 : i32
        %swap3A_430 = arith.index_cast %add3A_429 : i32 to index
        %swap3A_431 = tpu.vector_load %arg12[%swap3A_430] {strides = array<i32>} : memref<8208xf32, #tpu.memory_space<vmem>>, vector<16xf32>,
        tpu.vector_store %arg12[%swap3A_430], %select_n3A_426 {strides = array<i32>} : memref<8208xf32, #tpu.memory_space<vmem>>, vector<16xf32>,
      }
      %slice3A_241 = vector.extract_strided_slice %get3A_90 {offsets = [8], sizes = [1], strides = [1]} : vector<16xi32> to vector<1xi32>
      %squeeze3A_242 = vector.extract %slice3A_241[0] : i32 from vector<1xi32>
      %slice3A_243 = vector.extract_strided_slice %sub3A {offsets = [8], sizes = [1], strides = [1]} : vector<16xi32> to vector<1xi32>
      %squeeze3A_244 = vector.extract %slice3A_243[0] : i32 from vector<1xi32>
      %add3A_245 = arith.constant 15 : i32
      %add3A_246 = arith.addi %squeeze3A_242, %add3A_245 : i32
      %div3A_247 = arith.constant 16 : i32
      %div3A_248 = arith.divsi %add3A_246, %div3A_247 : i32
      %while3A_249 = arith.constant 0 : i32
      %while3A_250 = arith.constant 0 : i32
      %while3A_251 = arith.subi %div3A_248, %while3A_250 : i32
      %while3A_252 = arith.addi %while3A_250, %while3A_251 : i32
      %while3A_253 = arith.constant 1 : i32
      %while3A_254 = arith.divsi %while3A_251, %while3A_253 : i32
      %while3A_255 = arith.muli %while3A_254, %while3A_253 : i32
      %while3A_256 = arith.addi %while3A_250, %while3A_255 : i32
      %while3A_257 = arith.constant 1 : i32
      scf.for %while3A_397 = %while3A_250 to %while3A_256 step %while3A_257  : i32 {
        %mul3A_398 = arith.constant 16 : i32
        %mul3A_399 = arith.muli %while3A_397, %mul3A_398 : i32
        %add3A_400 = arith.constant 4096 : i32
        %add3A_401 = arith.addi %add3A_400, %mul3A_399 : i32
        %get3A_402 = arith.index_cast %add3A_401 : i32 to index
        %get3A_403 = tpu.vector_load %arg9[%get3A_402] {strides = array<i32>} : memref<8192xi32, #tpu.memory_space<vmem>>, vector<16xi32>,
        %mul3A_404 = arith.constant 16 : i32
        %mul3A_405 = arith.muli %while3A_397, %mul3A_404 : i32
        %add3A_406 = arith.constant 4096 : i32
        %add3A_407 = arith.addi %add3A_406, %mul3A_405 : i32
        %get3A_408 = arith.index_cast %add3A_407 : i32 to index
        %get3A_409 = tpu.vector_load %arg10[%get3A_408] {strides = array<i32>} : memref<8192xf32, #tpu.memory_space<vmem>>, vector<16xf32>,
        %mul3A_410 = arith.constant 16 : i32
        %mul3A_411 = arith.muli %while3A_397, %mul3A_410 : i32
        %add3A_412 = vector.broadcast %mul3A_411 : i32 to vector<16xi32>
        %add3A_413 = arith.addi %add3A_412, %iota3A : vector<16xi32>
        %lt3A_414 = vector.broadcast %squeeze3A_242 : i32 to vector<16xi32>
        %lt3A_415 = arith.cmpi slt, %add3A_413, %lt3A_414 : vector<16xi32>
        %jit3A_416 = arith.constant 0 : i32
        %broadcast_in_dim3A_417 = vector.broadcast %jit3A_416 : i32 to vector<16xi32>
        %select_n3A_418 = arith.select %lt3A_415, %get3A_403, %broadcast_in_dim3A_417 : vector<16xi1>, vector<16xi32>
        %mul3A_419 = arith.constant 16 : i32
        %mul3A_420 = arith.muli %while3A_397, %mul3A_419 : i32
        %add3A_421 = arith.addi %squeeze3A_244, %mul3A_420 : i32
        %swap3A_422 = arith.index_cast %add3A_421 : i32 to index
        %swap3A_423 = tpu.vector_load %arg11[%swap3A_422] {strides = array<i32>} : memref<8208xi32, #tpu.memory_space<vmem>>, vector<16xi32>,
        tpu.vector_store %arg11[%swap3A_422], %select_n3A_418 {strides = array<i32>} : memref<8208xi32, #tpu.memory_space<vmem>>, vector<16xi32>,
        %jit3A_424 = arith.constant 0.000000e+00 : f32
        %broadcast_in_dim3A_425 = vector.broadcast %jit3A_424 : f32 to vector<16xf32>
        %select_n3A_426 = arith.select %lt3A_415, %get3A_409, %broadcast_in_dim3A_425 : vector<16xi1>, vector<16xf32>
        %mul3A_427 = arith.constant 16 : i32
        %mul3A_428 = arith.muli %while3A_397, %mul3A_427 : i32
        %add3A_429 = arith.addi %squeeze3A_244, %mul3A_428 : i32
        %swap3A_430 = arith.index_cast %add3A_429 : i32 to index
        %swap3A_431 = tpu.vector_load %arg12[%swap3A_430] {strides = array<i32>} : memref<8208xf32, #tpu.memory_space<vmem>>, vector<16xf32>,
        tpu.vector_store %arg12[%swap3A_430], %select_n3A_426 {strides = array<i32>} : memref<8208xf32, #tpu.memory_space<vmem>>, vector<16xf32>,
      }
      %while3A_258 = arith.constant 1 : i32
      scf.for %while3A_397 = %while3A_256 to %while3A_252 step %while3A_258  : i32 {
        %mul3A_398 = arith.constant 16 : i32
        %mul3A_399 = arith.muli %while3A_397, %mul3A_398 : i32
        %add3A_400 = arith.constant 4096 : i32
        %add3A_401 = arith.addi %add3A_400, %mul3A_399 : i32
        %get3A_402 = arith.index_cast %add3A_401 : i32 to index
        %get3A_403 = tpu.vector_load %arg9[%get3A_402] {strides = array<i32>} : memref<8192xi32, #tpu.memory_space<vmem>>, vector<16xi32>,
        %mul3A_404 = arith.constant 16 : i32
        %mul3A_405 = arith.muli %while3A_397, %mul3A_404 : i32
        %add3A_406 = arith.constant 4096 : i32
        %add3A_407 = arith.addi %add3A_406, %mul3A_405 : i32
        %get3A_408 = arith.index_cast %add3A_407 : i32 to index
        %get3A_409 = tpu.vector_load %arg10[%get3A_408] {strides = array<i32>} : memref<8192xf32, #tpu.memory_space<vmem>>, vector<16xf32>,
        %mul3A_410 = arith.constant 16 : i32
        %mul3A_411 = arith.muli %while3A_397, %mul3A_410 : i32
        %add3A_412 = vector.broadcast %mul3A_411 : i32 to vector<16xi32>
        %add3A_413 = arith.addi %add3A_412, %iota3A : vector<16xi32>
        %lt3A_414 = vector.broadcast %squeeze3A_242 : i32 to vector<16xi32>
        %lt3A_415 = arith.cmpi slt, %add3A_413, %lt3A_414 : vector<16xi32>
        %jit3A_416 = arith.constant 0 : i32
        %broadcast_in_dim3A_417 = vector.broadcast %jit3A_416 : i32 to vector<16xi32>
        %select_n3A_418 = arith.select %lt3A_415, %get3A_403, %broadcast_in_dim3A_417 : vector<16xi1>, vector<16xi32>
        %mul3A_419 = arith.constant 16 : i32
        %mul3A_420 = arith.muli %while3A_397, %mul3A_419 : i32
        %add3A_421 = arith.addi %squeeze3A_244, %mul3A_420 : i32
        %swap3A_422 = arith.index_cast %add3A_421 : i32 to index
        %swap3A_423 = tpu.vector_load %arg11[%swap3A_422] {strides = array<i32>} : memref<8208xi32, #tpu.memory_space<vmem>>, vector<16xi32>,
        tpu.vector_store %arg11[%swap3A_422], %select_n3A_418 {strides = array<i32>} : memref<8208xi32, #tpu.memory_space<vmem>>, vector<16xi32>,
        %jit3A_424 = arith.constant 0.000000e+00 : f32
        %broadcast_in_dim3A_425 = vector.broadcast %jit3A_424 : f32 to vector<16xf32>
        %select_n3A_426 = arith.select %lt3A_415, %get3A_409, %broadcast_in_dim3A_425 : vector<16xi1>, vector<16xf32>
        %mul3A_427 = arith.constant 16 : i32
        %mul3A_428 = arith.muli %while3A_397, %mul3A_427 : i32
        %add3A_429 = arith.addi %squeeze3A_244, %mul3A_428 : i32
        %swap3A_430 = arith.index_cast %add3A_429 : i32 to index
        %swap3A_431 = tpu.vector_load %arg12[%swap3A_430] {strides = array<i32>} : memref<8208xf32, #tpu.memory_space<vmem>>, vector<16xf32>,
        tpu.vector_store %arg12[%swap3A_430], %select_n3A_426 {strides = array<i32>} : memref<8208xf32, #tpu.memory_space<vmem>>, vector<16xf32>,
      }
      %slice3A_259 = vector.extract_strided_slice %get3A_90 {offsets = [9], sizes = [1], strides = [1]} : vector<16xi32> to vector<1xi32>
      %squeeze3A_260 = vector.extract %slice3A_259[0] : i32 from vector<1xi32>
      %slice3A_261 = vector.extract_strided_slice %sub3A {offsets = [9], sizes = [1], strides = [1]} : vector<16xi32> to vector<1xi32>
      %squeeze3A_262 = vector.extract %slice3A_261[0] : i32 from vector<1xi32>
      %add3A_263 = arith.constant 15 : i32
      %add3A_264 = arith.addi %squeeze3A_260, %add3A_263 : i32
      %div3A_265 = arith.constant 16 : i32
      %div3A_266 = arith.divsi %add3A_264, %div3A_265 : i32
      %while3A_267 = arith.constant 0 : i32
      %while3A_268 = arith.constant 0 : i32
      %while3A_269 = arith.subi %div3A_266, %while3A_268 : i32
      %while3A_270 = arith.addi %while3A_268, %while3A_269 : i32
      %while3A_271 = arith.constant 1 : i32
      %while3A_272 = arith.divsi %while3A_269, %while3A_271 : i32
      %while3A_273 = arith.muli %while3A_272, %while3A_271 : i32
      %while3A_274 = arith.addi %while3A_268, %while3A_273 : i32
      %while3A_275 = arith.constant 1 : i32
      scf.for %while3A_397 = %while3A_268 to %while3A_274 step %while3A_275  : i32 {
        %mul3A_398 = arith.constant 16 : i32
        %mul3A_399 = arith.muli %while3A_397, %mul3A_398 : i32
        %add3A_400 = arith.constant 4608 : i32
        %add3A_401 = arith.addi %add3A_400, %mul3A_399 : i32
        %get3A_402 = arith.index_cast %add3A_401 : i32 to index
        %get3A_403 = tpu.vector_load %arg9[%get3A_402] {strides = array<i32>} : memref<8192xi32, #tpu.memory_space<vmem>>, vector<16xi32>,
        %mul3A_404 = arith.constant 16 : i32
        %mul3A_405 = arith.muli %while3A_397, %mul3A_404 : i32
        %add3A_406 = arith.constant 4608 : i32
        %add3A_407 = arith.addi %add3A_406, %mul3A_405 : i32
        %get3A_408 = arith.index_cast %add3A_407 : i32 to index
        %get3A_409 = tpu.vector_load %arg10[%get3A_408] {strides = array<i32>} : memref<8192xf32, #tpu.memory_space<vmem>>, vector<16xf32>,
        %mul3A_410 = arith.constant 16 : i32
        %mul3A_411 = arith.muli %while3A_397, %mul3A_410 : i32
        %add3A_412 = vector.broadcast %mul3A_411 : i32 to vector<16xi32>
        %add3A_413 = arith.addi %add3A_412, %iota3A : vector<16xi32>
        %lt3A_414 = vector.broadcast %squeeze3A_260 : i32 to vector<16xi32>
        %lt3A_415 = arith.cmpi slt, %add3A_413, %lt3A_414 : vector<16xi32>
        %jit3A_416 = arith.constant 0 : i32
        %broadcast_in_dim3A_417 = vector.broadcast %jit3A_416 : i32 to vector<16xi32>
        %select_n3A_418 = arith.select %lt3A_415, %get3A_403, %broadcast_in_dim3A_417 : vector<16xi1>, vector<16xi32>
        %mul3A_419 = arith.constant 16 : i32
        %mul3A_420 = arith.muli %while3A_397, %mul3A_419 : i32
        %add3A_421 = arith.addi %squeeze3A_262, %mul3A_420 : i32
        %swap3A_422 = arith.index_cast %add3A_421 : i32 to index
        %swap3A_423 = tpu.vector_load %arg11[%swap3A_422] {strides = array<i32>} : memref<8208xi32, #tpu.memory_space<vmem>>, vector<16xi32>,
        tpu.vector_store %arg11[%swap3A_422], %select_n3A_418 {strides = array<i32>} : memref<8208xi32, #tpu.memory_space<vmem>>, vector<16xi32>,
        %jit3A_424 = arith.constant 0.000000e+00 : f32
        %broadcast_in_dim3A_425 = vector.broadcast %jit3A_424 : f32 to vector<16xf32>
        %select_n3A_426 = arith.select %lt3A_415, %get3A_409, %broadcast_in_dim3A_425 : vector<16xi1>, vector<16xf32>
        %mul3A_427 = arith.constant 16 : i32
        %mul3A_428 = arith.muli %while3A_397, %mul3A_427 : i32
        %add3A_429 = arith.addi %squeeze3A_262, %mul3A_428 : i32
        %swap3A_430 = arith.index_cast %add3A_429 : i32 to index
        %swap3A_431 = tpu.vector_load %arg12[%swap3A_430] {strides = array<i32>} : memref<8208xf32, #tpu.memory_space<vmem>>, vector<16xf32>,
        tpu.vector_store %arg12[%swap3A_430], %select_n3A_426 {strides = array<i32>} : memref<8208xf32, #tpu.memory_space<vmem>>, vector<16xf32>,
      }
      %while3A_276 = arith.constant 1 : i32
      scf.for %while3A_397 = %while3A_274 to %while3A_270 step %while3A_276  : i32 {
        %mul3A_398 = arith.constant 16 : i32
        %mul3A_399 = arith.muli %while3A_397, %mul3A_398 : i32
        %add3A_400 = arith.constant 4608 : i32
        %add3A_401 = arith.addi %add3A_400, %mul3A_399 : i32
        %get3A_402 = arith.index_cast %add3A_401 : i32 to index
        %get3A_403 = tpu.vector_load %arg9[%get3A_402] {strides = array<i32>} : memref<8192xi32, #tpu.memory_space<vmem>>, vector<16xi32>,
        %mul3A_404 = arith.constant 16 : i32
        %mul3A_405 = arith.muli %while3A_397, %mul3A_404 : i32
        %add3A_406 = arith.constant 4608 : i32
        %add3A_407 = arith.addi %add3A_406, %mul3A_405 : i32
        %get3A_408 = arith.index_cast %add3A_407 : i32 to index
        %get3A_409 = tpu.vector_load %arg10[%get3A_408] {strides = array<i32>} : memref<8192xf32, #tpu.memory_space<vmem>>, vector<16xf32>,
        %mul3A_410 = arith.constant 16 : i32
        %mul3A_411 = arith.muli %while3A_397, %mul3A_410 : i32
        %add3A_412 = vector.broadcast %mul3A_411 : i32 to vector<16xi32>
        %add3A_413 = arith.addi %add3A_412, %iota3A : vector<16xi32>
        %lt3A_414 = vector.broadcast %squeeze3A_260 : i32 to vector<16xi32>
        %lt3A_415 = arith.cmpi slt, %add3A_413, %lt3A_414 : vector<16xi32>
        %jit3A_416 = arith.constant 0 : i32
        %broadcast_in_dim3A_417 = vector.broadcast %jit3A_416 : i32 to vector<16xi32>
        %select_n3A_418 = arith.select %lt3A_415, %get3A_403, %broadcast_in_dim3A_417 : vector<16xi1>, vector<16xi32>
        %mul3A_419 = arith.constant 16 : i32
        %mul3A_420 = arith.muli %while3A_397, %mul3A_419 : i32
        %add3A_421 = arith.addi %squeeze3A_262, %mul3A_420 : i32
        %swap3A_422 = arith.index_cast %add3A_421 : i32 to index
        %swap3A_423 = tpu.vector_load %arg11[%swap3A_422] {strides = array<i32>} : memref<8208xi32, #tpu.memory_space<vmem>>, vector<16xi32>,
        tpu.vector_store %arg11[%swap3A_422], %select_n3A_418 {strides = array<i32>} : memref<8208xi32, #tpu.memory_space<vmem>>, vector<16xi32>,
        %jit3A_424 = arith.constant 0.000000e+00 : f32
        %broadcast_in_dim3A_425 = vector.broadcast %jit3A_424 : f32 to vector<16xf32>
        %select_n3A_426 = arith.select %lt3A_415, %get3A_409, %broadcast_in_dim3A_425 : vector<16xi1>, vector<16xf32>
        %mul3A_427 = arith.constant 16 : i32
        %mul3A_428 = arith.muli %while3A_397, %mul3A_427 : i32
        %add3A_429 = arith.addi %squeeze3A_262, %mul3A_428 : i32
        %swap3A_430 = arith.index_cast %add3A_429 : i32 to index
        %swap3A_431 = tpu.vector_load %arg12[%swap3A_430] {strides = array<i32>} : memref<8208xf32, #tpu.memory_space<vmem>>, vector<16xf32>,
        tpu.vector_store %arg12[%swap3A_430], %select_n3A_426 {strides = array<i32>} : memref<8208xf32, #tpu.memory_space<vmem>>, vector<16xf32>,
      }
      %slice3A_277 = vector.extract_strided_slice %get3A_90 {offsets = [10], sizes = [1], strides = [1]} : vector<16xi32> to vector<1xi32>
      %squeeze3A_278 = vector.extract %slice3A_277[0] : i32 from vector<1xi32>
      %slice3A_279 = vector.extract_strided_slice %sub3A {offsets = [10], sizes = [1], strides = [1]} : vector<16xi32> to vector<1xi32>
      %squeeze3A_280 = vector.extract %slice3A_279[0] : i32 from vector<1xi32>
      %add3A_281 = arith.constant 15 : i32
      %add3A_282 = arith.addi %squeeze3A_278, %add3A_281 : i32
      %div3A_283 = arith.constant 16 : i32
      %div3A_284 = arith.divsi %add3A_282, %div3A_283 : i32
      %while3A_285 = arith.constant 0 : i32
      %while3A_286 = arith.constant 0 : i32
      %while3A_287 = arith.subi %div3A_284, %while3A_286 : i32
      %while3A_288 = arith.addi %while3A_286, %while3A_287 : i32
      %while3A_289 = arith.constant 1 : i32
      %while3A_290 = arith.divsi %while3A_287, %while3A_289 : i32
      %while3A_291 = arith.muli %while3A_290, %while3A_289 : i32
      %while3A_292 = arith.addi %while3A_286, %while3A_291 : i32
      %while3A_293 = arith.constant 1 : i32
      scf.for %while3A_397 = %while3A_286 to %while3A_292 step %while3A_293  : i32 {
        %mul3A_398 = arith.constant 16 : i32
        %mul3A_399 = arith.muli %while3A_397, %mul3A_398 : i32
        %add3A_400 = arith.constant 5120 : i32
        %add3A_401 = arith.addi %add3A_400, %mul3A_399 : i32
        %get3A_402 = arith.index_cast %add3A_401 : i32 to index
        %get3A_403 = tpu.vector_load %arg9[%get3A_402] {strides = array<i32>} : memref<8192xi32, #tpu.memory_space<vmem>>, vector<16xi32>,
        %mul3A_404 = arith.constant 16 : i32
        %mul3A_405 = arith.muli %while3A_397, %mul3A_404 : i32
        %add3A_406 = arith.constant 5120 : i32
        %add3A_407 = arith.addi %add3A_406, %mul3A_405 : i32
        %get3A_408 = arith.index_cast %add3A_407 : i32 to index
        %get3A_409 = tpu.vector_load %arg10[%get3A_408] {strides = array<i32>} : memref<8192xf32, #tpu.memory_space<vmem>>, vector<16xf32>,
        %mul3A_410 = arith.constant 16 : i32
        %mul3A_411 = arith.muli %while3A_397, %mul3A_410 : i32
        %add3A_412 = vector.broadcast %mul3A_411 : i32 to vector<16xi32>
        %add3A_413 = arith.addi %add3A_412, %iota3A : vector<16xi32>
        %lt3A_414 = vector.broadcast %squeeze3A_278 : i32 to vector<16xi32>
        %lt3A_415 = arith.cmpi slt, %add3A_413, %lt3A_414 : vector<16xi32>
        %jit3A_416 = arith.constant 0 : i32
        %broadcast_in_dim3A_417 = vector.broadcast %jit3A_416 : i32 to vector<16xi32>
        %select_n3A_418 = arith.select %lt3A_415, %get3A_403, %broadcast_in_dim3A_417 : vector<16xi1>, vector<16xi32>
        %mul3A_419 = arith.constant 16 : i32
        %mul3A_420 = arith.muli %while3A_397, %mul3A_419 : i32
        %add3A_421 = arith.addi %squeeze3A_280, %mul3A_420 : i32
        %swap3A_422 = arith.index_cast %add3A_421 : i32 to index
        %swap3A_423 = tpu.vector_load %arg11[%swap3A_422] {strides = array<i32>} : memref<8208xi32, #tpu.memory_space<vmem>>, vector<16xi32>,
        tpu.vector_store %arg11[%swap3A_422], %select_n3A_418 {strides = array<i32>} : memref<8208xi32, #tpu.memory_space<vmem>>, vector<16xi32>,
        %jit3A_424 = arith.constant 0.000000e+00 : f32
        %broadcast_in_dim3A_425 = vector.broadcast %jit3A_424 : f32 to vector<16xf32>
        %select_n3A_426 = arith.select %lt3A_415, %get3A_409, %broadcast_in_dim3A_425 : vector<16xi1>, vector<16xf32>
        %mul3A_427 = arith.constant 16 : i32
        %mul3A_428 = arith.muli %while3A_397, %mul3A_427 : i32
        %add3A_429 = arith.addi %squeeze3A_280, %mul3A_428 : i32
        %swap3A_430 = arith.index_cast %add3A_429 : i32 to index
        %swap3A_431 = tpu.vector_load %arg12[%swap3A_430] {strides = array<i32>} : memref<8208xf32, #tpu.memory_space<vmem>>, vector<16xf32>,
        tpu.vector_store %arg12[%swap3A_430], %select_n3A_426 {strides = array<i32>} : memref<8208xf32, #tpu.memory_space<vmem>>, vector<16xf32>,
      }
      %while3A_294 = arith.constant 1 : i32
      scf.for %while3A_397 = %while3A_292 to %while3A_288 step %while3A_294  : i32 {
        %mul3A_398 = arith.constant 16 : i32
        %mul3A_399 = arith.muli %while3A_397, %mul3A_398 : i32
        %add3A_400 = arith.constant 5120 : i32
        %add3A_401 = arith.addi %add3A_400, %mul3A_399 : i32
        %get3A_402 = arith.index_cast %add3A_401 : i32 to index
        %get3A_403 = tpu.vector_load %arg9[%get3A_402] {strides = array<i32>} : memref<8192xi32, #tpu.memory_space<vmem>>, vector<16xi32>,
        %mul3A_404 = arith.constant 16 : i32
        %mul3A_405 = arith.muli %while3A_397, %mul3A_404 : i32
        %add3A_406 = arith.constant 5120 : i32
        %add3A_407 = arith.addi %add3A_406, %mul3A_405 : i32
        %get3A_408 = arith.index_cast %add3A_407 : i32 to index
        %get3A_409 = tpu.vector_load %arg10[%get3A_408] {strides = array<i32>} : memref<8192xf32, #tpu.memory_space<vmem>>, vector<16xf32>,
        %mul3A_410 = arith.constant 16 : i32
        %mul3A_411 = arith.muli %while3A_397, %mul3A_410 : i32
        %add3A_412 = vector.broadcast %mul3A_411 : i32 to vector<16xi32>
        %add3A_413 = arith.addi %add3A_412, %iota3A : vector<16xi32>
        %lt3A_414 = vector.broadcast %squeeze3A_278 : i32 to vector<16xi32>
        %lt3A_415 = arith.cmpi slt, %add3A_413, %lt3A_414 : vector<16xi32>
        %jit3A_416 = arith.constant 0 : i32
        %broadcast_in_dim3A_417 = vector.broadcast %jit3A_416 : i32 to vector<16xi32>
        %select_n3A_418 = arith.select %lt3A_415, %get3A_403, %broadcast_in_dim3A_417 : vector<16xi1>, vector<16xi32>
        %mul3A_419 = arith.constant 16 : i32
        %mul3A_420 = arith.muli %while3A_397, %mul3A_419 : i32
        %add3A_421 = arith.addi %squeeze3A_280, %mul3A_420 : i32
        %swap3A_422 = arith.index_cast %add3A_421 : i32 to index
        %swap3A_423 = tpu.vector_load %arg11[%swap3A_422] {strides = array<i32>} : memref<8208xi32, #tpu.memory_space<vmem>>, vector<16xi32>,
        tpu.vector_store %arg11[%swap3A_422], %select_n3A_418 {strides = array<i32>} : memref<8208xi32, #tpu.memory_space<vmem>>, vector<16xi32>,
        %jit3A_424 = arith.constant 0.000000e+00 : f32
        %broadcast_in_dim3A_425 = vector.broadcast %jit3A_424 : f32 to vector<16xf32>
        %select_n3A_426 = arith.select %lt3A_415, %get3A_409, %broadcast_in_dim3A_425 : vector<16xi1>, vector<16xf32>
        %mul3A_427 = arith.constant 16 : i32
        %mul3A_428 = arith.muli %while3A_397, %mul3A_427 : i32
        %add3A_429 = arith.addi %squeeze3A_280, %mul3A_428 : i32
        %swap3A_430 = arith.index_cast %add3A_429 : i32 to index
        %swap3A_431 = tpu.vector_load %arg12[%swap3A_430] {strides = array<i32>} : memref<8208xf32, #tpu.memory_space<vmem>>, vector<16xf32>,
        tpu.vector_store %arg12[%swap3A_430], %select_n3A_426 {strides = array<i32>} : memref<8208xf32, #tpu.memory_space<vmem>>, vector<16xf32>,
      }
      %slice3A_295 = vector.extract_strided_slice %get3A_90 {offsets = [11], sizes = [1], strides = [1]} : vector<16xi32> to vector<1xi32>
      %squeeze3A_296 = vector.extract %slice3A_295[0] : i32 from vector<1xi32>
      %slice3A_297 = vector.extract_strided_slice %sub3A {offsets = [11], sizes = [1], strides = [1]} : vector<16xi32> to vector<1xi32>
      %squeeze3A_298 = vector.extract %slice3A_297[0] : i32 from vector<1xi32>
      %add3A_299 = arith.constant 15 : i32
      %add3A_300 = arith.addi %squeeze3A_296, %add3A_299 : i32
      %div3A_301 = arith.constant 16 : i32
      %div3A_302 = arith.divsi %add3A_300, %div3A_301 : i32
      %while3A_303 = arith.constant 0 : i32
      %while3A_304 = arith.constant 0 : i32
      %while3A_305 = arith.subi %div3A_302, %while3A_304 : i32
      %while3A_306 = arith.addi %while3A_304, %while3A_305 : i32
      %while3A_307 = arith.constant 1 : i32
      %while3A_308 = arith.divsi %while3A_305, %while3A_307 : i32
      %while3A_309 = arith.muli %while3A_308, %while3A_307 : i32
      %while3A_310 = arith.addi %while3A_304, %while3A_309 : i32
      %while3A_311 = arith.constant 1 : i32
      scf.for %while3A_397 = %while3A_304 to %while3A_310 step %while3A_311  : i32 {
        %mul3A_398 = arith.constant 16 : i32
        %mul3A_399 = arith.muli %while3A_397, %mul3A_398 : i32
        %add3A_400 = arith.constant 5632 : i32
        %add3A_401 = arith.addi %add3A_400, %mul3A_399 : i32
        %get3A_402 = arith.index_cast %add3A_401 : i32 to index
        %get3A_403 = tpu.vector_load %arg9[%get3A_402] {strides = array<i32>} : memref<8192xi32, #tpu.memory_space<vmem>>, vector<16xi32>,
        %mul3A_404 = arith.constant 16 : i32
        %mul3A_405 = arith.muli %while3A_397, %mul3A_404 : i32
        %add3A_406 = arith.constant 5632 : i32
        %add3A_407 = arith.addi %add3A_406, %mul3A_405 : i32
        %get3A_408 = arith.index_cast %add3A_407 : i32 to index
        %get3A_409 = tpu.vector_load %arg10[%get3A_408] {strides = array<i32>} : memref<8192xf32, #tpu.memory_space<vmem>>, vector<16xf32>,
        %mul3A_410 = arith.constant 16 : i32
        %mul3A_411 = arith.muli %while3A_397, %mul3A_410 : i32
        %add3A_412 = vector.broadcast %mul3A_411 : i32 to vector<16xi32>
        %add3A_413 = arith.addi %add3A_412, %iota3A : vector<16xi32>
        %lt3A_414 = vector.broadcast %squeeze3A_296 : i32 to vector<16xi32>
        %lt3A_415 = arith.cmpi slt, %add3A_413, %lt3A_414 : vector<16xi32>
        %jit3A_416 = arith.constant 0 : i32
        %broadcast_in_dim3A_417 = vector.broadcast %jit3A_416 : i32 to vector<16xi32>
        %select_n3A_418 = arith.select %lt3A_415, %get3A_403, %broadcast_in_dim3A_417 : vector<16xi1>, vector<16xi32>
        %mul3A_419 = arith.constant 16 : i32
        %mul3A_420 = arith.muli %while3A_397, %mul3A_419 : i32
        %add3A_421 = arith.addi %squeeze3A_298, %mul3A_420 : i32
        %swap3A_422 = arith.index_cast %add3A_421 : i32 to index
        %swap3A_423 = tpu.vector_load %arg11[%swap3A_422] {strides = array<i32>} : memref<8208xi32, #tpu.memory_space<vmem>>, vector<16xi32>,
        tpu.vector_store %arg11[%swap3A_422], %select_n3A_418 {strides = array<i32>} : memref<8208xi32, #tpu.memory_space<vmem>>, vector<16xi32>,
        %jit3A_424 = arith.constant 0.000000e+00 : f32
        %broadcast_in_dim3A_425 = vector.broadcast %jit3A_424 : f32 to vector<16xf32>
        %select_n3A_426 = arith.select %lt3A_415, %get3A_409, %broadcast_in_dim3A_425 : vector<16xi1>, vector<16xf32>
        %mul3A_427 = arith.constant 16 : i32
        %mul3A_428 = arith.muli %while3A_397, %mul3A_427 : i32
        %add3A_429 = arith.addi %squeeze3A_298, %mul3A_428 : i32
        %swap3A_430 = arith.index_cast %add3A_429 : i32 to index
        %swap3A_431 = tpu.vector_load %arg12[%swap3A_430] {strides = array<i32>} : memref<8208xf32, #tpu.memory_space<vmem>>, vector<16xf32>,
        tpu.vector_store %arg12[%swap3A_430], %select_n3A_426 {strides = array<i32>} : memref<8208xf32, #tpu.memory_space<vmem>>, vector<16xf32>,
      }
      %while3A_312 = arith.constant 1 : i32
      scf.for %while3A_397 = %while3A_310 to %while3A_306 step %while3A_312  : i32 {
        %mul3A_398 = arith.constant 16 : i32
        %mul3A_399 = arith.muli %while3A_397, %mul3A_398 : i32
        %add3A_400 = arith.constant 5632 : i32
        %add3A_401 = arith.addi %add3A_400, %mul3A_399 : i32
        %get3A_402 = arith.index_cast %add3A_401 : i32 to index
        %get3A_403 = tpu.vector_load %arg9[%get3A_402] {strides = array<i32>} : memref<8192xi32, #tpu.memory_space<vmem>>, vector<16xi32>,
        %mul3A_404 = arith.constant 16 : i32
        %mul3A_405 = arith.muli %while3A_397, %mul3A_404 : i32
        %add3A_406 = arith.constant 5632 : i32
        %add3A_407 = arith.addi %add3A_406, %mul3A_405 : i32
        %get3A_408 = arith.index_cast %add3A_407 : i32 to index
        %get3A_409 = tpu.vector_load %arg10[%get3A_408] {strides = array<i32>} : memref<8192xf32, #tpu.memory_space<vmem>>, vector<16xf32>,
        %mul3A_410 = arith.constant 16 : i32
        %mul3A_411 = arith.muli %while3A_397, %mul3A_410 : i32
        %add3A_412 = vector.broadcast %mul3A_411 : i32 to vector<16xi32>
        %add3A_413 = arith.addi %add3A_412, %iota3A : vector<16xi32>
        %lt3A_414 = vector.broadcast %squeeze3A_296 : i32 to vector<16xi32>
        %lt3A_415 = arith.cmpi slt, %add3A_413, %lt3A_414 : vector<16xi32>
        %jit3A_416 = arith.constant 0 : i32
        %broadcast_in_dim3A_417 = vector.broadcast %jit3A_416 : i32 to vector<16xi32>
        %select_n3A_418 = arith.select %lt3A_415, %get3A_403, %broadcast_in_dim3A_417 : vector<16xi1>, vector<16xi32>
        %mul3A_419 = arith.constant 16 : i32
        %mul3A_420 = arith.muli %while3A_397, %mul3A_419 : i32
        %add3A_421 = arith.addi %squeeze3A_298, %mul3A_420 : i32
        %swap3A_422 = arith.index_cast %add3A_421 : i32 to index
        %swap3A_423 = tpu.vector_load %arg11[%swap3A_422] {strides = array<i32>} : memref<8208xi32, #tpu.memory_space<vmem>>, vector<16xi32>,
        tpu.vector_store %arg11[%swap3A_422], %select_n3A_418 {strides = array<i32>} : memref<8208xi32, #tpu.memory_space<vmem>>, vector<16xi32>,
        %jit3A_424 = arith.constant 0.000000e+00 : f32
        %broadcast_in_dim3A_425 = vector.broadcast %jit3A_424 : f32 to vector<16xf32>
        %select_n3A_426 = arith.select %lt3A_415, %get3A_409, %broadcast_in_dim3A_425 : vector<16xi1>, vector<16xf32>
        %mul3A_427 = arith.constant 16 : i32
        %mul3A_428 = arith.muli %while3A_397, %mul3A_427 : i32
        %add3A_429 = arith.addi %squeeze3A_298, %mul3A_428 : i32
        %swap3A_430 = arith.index_cast %add3A_429 : i32 to index
        %swap3A_431 = tpu.vector_load %arg12[%swap3A_430] {strides = array<i32>} : memref<8208xf32, #tpu.memory_space<vmem>>, vector<16xf32>,
        tpu.vector_store %arg12[%swap3A_430], %select_n3A_426 {strides = array<i32>} : memref<8208xf32, #tpu.memory_space<vmem>>, vector<16xf32>,
      }
      %slice3A_313 = vector.extract_strided_slice %get3A_90 {offsets = [12], sizes = [1], strides = [1]} : vector<16xi32> to vector<1xi32>
      %squeeze3A_314 = vector.extract %slice3A_313[0] : i32 from vector<1xi32>
      %slice3A_315 = vector.extract_strided_slice %sub3A {offsets = [12], sizes = [1], strides = [1]} : vector<16xi32> to vector<1xi32>
      %squeeze3A_316 = vector.extract %slice3A_315[0] : i32 from vector<1xi32>
      %add3A_317 = arith.constant 15 : i32
      %add3A_318 = arith.addi %squeeze3A_314, %add3A_317 : i32
      %div3A_319 = arith.constant 16 : i32
      %div3A_320 = arith.divsi %add3A_318, %div3A_319 : i32
      %while3A_321 = arith.constant 0 : i32
      %while3A_322 = arith.constant 0 : i32
      %while3A_323 = arith.subi %div3A_320, %while3A_322 : i32
      %while3A_324 = arith.addi %while3A_322, %while3A_323 : i32
      %while3A_325 = arith.constant 1 : i32
      %while3A_326 = arith.divsi %while3A_323, %while3A_325 : i32
      %while3A_327 = arith.muli %while3A_326, %while3A_325 : i32
      %while3A_328 = arith.addi %while3A_322, %while3A_327 : i32
      %while3A_329 = arith.constant 1 : i32
      scf.for %while3A_397 = %while3A_322 to %while3A_328 step %while3A_329  : i32 {
        %mul3A_398 = arith.constant 16 : i32
        %mul3A_399 = arith.muli %while3A_397, %mul3A_398 : i32
        %add3A_400 = arith.constant 6144 : i32
        %add3A_401 = arith.addi %add3A_400, %mul3A_399 : i32
        %get3A_402 = arith.index_cast %add3A_401 : i32 to index
        %get3A_403 = tpu.vector_load %arg9[%get3A_402] {strides = array<i32>} : memref<8192xi32, #tpu.memory_space<vmem>>, vector<16xi32>,
        %mul3A_404 = arith.constant 16 : i32
        %mul3A_405 = arith.muli %while3A_397, %mul3A_404 : i32
        %add3A_406 = arith.constant 6144 : i32
        %add3A_407 = arith.addi %add3A_406, %mul3A_405 : i32
        %get3A_408 = arith.index_cast %add3A_407 : i32 to index
        %get3A_409 = tpu.vector_load %arg10[%get3A_408] {strides = array<i32>} : memref<8192xf32, #tpu.memory_space<vmem>>, vector<16xf32>,
        %mul3A_410 = arith.constant 16 : i32
        %mul3A_411 = arith.muli %while3A_397, %mul3A_410 : i32
        %add3A_412 = vector.broadcast %mul3A_411 : i32 to vector<16xi32>
        %add3A_413 = arith.addi %add3A_412, %iota3A : vector<16xi32>
        %lt3A_414 = vector.broadcast %squeeze3A_314 : i32 to vector<16xi32>
        %lt3A_415 = arith.cmpi slt, %add3A_413, %lt3A_414 : vector<16xi32>
        %jit3A_416 = arith.constant 0 : i32
        %broadcast_in_dim3A_417 = vector.broadcast %jit3A_416 : i32 to vector<16xi32>
        %select_n3A_418 = arith.select %lt3A_415, %get3A_403, %broadcast_in_dim3A_417 : vector<16xi1>, vector<16xi32>
        %mul3A_419 = arith.constant 16 : i32
        %mul3A_420 = arith.muli %while3A_397, %mul3A_419 : i32
        %add3A_421 = arith.addi %squeeze3A_316, %mul3A_420 : i32
        %swap3A_422 = arith.index_cast %add3A_421 : i32 to index
        %swap3A_423 = tpu.vector_load %arg11[%swap3A_422] {strides = array<i32>} : memref<8208xi32, #tpu.memory_space<vmem>>, vector<16xi32>,
        tpu.vector_store %arg11[%swap3A_422], %select_n3A_418 {strides = array<i32>} : memref<8208xi32, #tpu.memory_space<vmem>>, vector<16xi32>,
        %jit3A_424 = arith.constant 0.000000e+00 : f32
        %broadcast_in_dim3A_425 = vector.broadcast %jit3A_424 : f32 to vector<16xf32>
        %select_n3A_426 = arith.select %lt3A_415, %get3A_409, %broadcast_in_dim3A_425 : vector<16xi1>, vector<16xf32>
        %mul3A_427 = arith.constant 16 : i32
        %mul3A_428 = arith.muli %while3A_397, %mul3A_427 : i32
        %add3A_429 = arith.addi %squeeze3A_316, %mul3A_428 : i32
        %swap3A_430 = arith.index_cast %add3A_429 : i32 to index
        %swap3A_431 = tpu.vector_load %arg12[%swap3A_430] {strides = array<i32>} : memref<8208xf32, #tpu.memory_space<vmem>>, vector<16xf32>,
        tpu.vector_store %arg12[%swap3A_430], %select_n3A_426 {strides = array<i32>} : memref<8208xf32, #tpu.memory_space<vmem>>, vector<16xf32>,
      }
      %while3A_330 = arith.constant 1 : i32
      scf.for %while3A_397 = %while3A_328 to %while3A_324 step %while3A_330  : i32 {
        %mul3A_398 = arith.constant 16 : i32
        %mul3A_399 = arith.muli %while3A_397, %mul3A_398 : i32
        %add3A_400 = arith.constant 6144 : i32
        %add3A_401 = arith.addi %add3A_400, %mul3A_399 : i32
        %get3A_402 = arith.index_cast %add3A_401 : i32 to index
        %get3A_403 = tpu.vector_load %arg9[%get3A_402] {strides = array<i32>} : memref<8192xi32, #tpu.memory_space<vmem>>, vector<16xi32>,
        %mul3A_404 = arith.constant 16 : i32
        %mul3A_405 = arith.muli %while3A_397, %mul3A_404 : i32
        %add3A_406 = arith.constant 6144 : i32
        %add3A_407 = arith.addi %add3A_406, %mul3A_405 : i32
        %get3A_408 = arith.index_cast %add3A_407 : i32 to index
        %get3A_409 = tpu.vector_load %arg10[%get3A_408] {strides = array<i32>} : memref<8192xf32, #tpu.memory_space<vmem>>, vector<16xf32>,
        %mul3A_410 = arith.constant 16 : i32
        %mul3A_411 = arith.muli %while3A_397, %mul3A_410 : i32
        %add3A_412 = vector.broadcast %mul3A_411 : i32 to vector<16xi32>
        %add3A_413 = arith.addi %add3A_412, %iota3A : vector<16xi32>
        %lt3A_414 = vector.broadcast %squeeze3A_314 : i32 to vector<16xi32>
        %lt3A_415 = arith.cmpi slt, %add3A_413, %lt3A_414 : vector<16xi32>
        %jit3A_416 = arith.constant 0 : i32
        %broadcast_in_dim3A_417 = vector.broadcast %jit3A_416 : i32 to vector<16xi32>
        %select_n3A_418 = arith.select %lt3A_415, %get3A_403, %broadcast_in_dim3A_417 : vector<16xi1>, vector<16xi32>
        %mul3A_419 = arith.constant 16 : i32
        %mul3A_420 = arith.muli %while3A_397, %mul3A_419 : i32
        %add3A_421 = arith.addi %squeeze3A_316, %mul3A_420 : i32
        %swap3A_422 = arith.index_cast %add3A_421 : i32 to index
        %swap3A_423 = tpu.vector_load %arg11[%swap3A_422] {strides = array<i32>} : memref<8208xi32, #tpu.memory_space<vmem>>, vector<16xi32>,
        tpu.vector_store %arg11[%swap3A_422], %select_n3A_418 {strides = array<i32>} : memref<8208xi32, #tpu.memory_space<vmem>>, vector<16xi32>,
        %jit3A_424 = arith.constant 0.000000e+00 : f32
        %broadcast_in_dim3A_425 = vector.broadcast %jit3A_424 : f32 to vector<16xf32>
        %select_n3A_426 = arith.select %lt3A_415, %get3A_409, %broadcast_in_dim3A_425 : vector<16xi1>, vector<16xf32>
        %mul3A_427 = arith.constant 16 : i32
        %mul3A_428 = arith.muli %while3A_397, %mul3A_427 : i32
        %add3A_429 = arith.addi %squeeze3A_316, %mul3A_428 : i32
        %swap3A_430 = arith.index_cast %add3A_429 : i32 to index
        %swap3A_431 = tpu.vector_load %arg12[%swap3A_430] {strides = array<i32>} : memref<8208xf32, #tpu.memory_space<vmem>>, vector<16xf32>,
        tpu.vector_store %arg12[%swap3A_430], %select_n3A_426 {strides = array<i32>} : memref<8208xf32, #tpu.memory_space<vmem>>, vector<16xf32>,
      }
      %slice3A_331 = vector.extract_strided_slice %get3A_90 {offsets = [13], sizes = [1], strides = [1]} : vector<16xi32> to vector<1xi32>
      %squeeze3A_332 = vector.extract %slice3A_331[0] : i32 from vector<1xi32>
      %slice3A_333 = vector.extract_strided_slice %sub3A {offsets = [13], sizes = [1], strides = [1]} : vector<16xi32> to vector<1xi32>
      %squeeze3A_334 = vector.extract %slice3A_333[0] : i32 from vector<1xi32>
      %add3A_335 = arith.constant 15 : i32
      %add3A_336 = arith.addi %squeeze3A_332, %add3A_335 : i32
      %div3A_337 = arith.constant 16 : i32
      %div3A_338 = arith.divsi %add3A_336, %div3A_337 : i32
      %while3A_339 = arith.constant 0 : i32
      %while3A_340 = arith.constant 0 : i32
      %while3A_341 = arith.subi %div3A_338, %while3A_340 : i32
      %while3A_342 = arith.addi %while3A_340, %while3A_341 : i32
      %while3A_343 = arith.constant 1 : i32
      %while3A_344 = arith.divsi %while3A_341, %while3A_343 : i32
      %while3A_345 = arith.muli %while3A_344, %while3A_343 : i32
      %while3A_346 = arith.addi %while3A_340, %while3A_345 : i32
      %while3A_347 = arith.constant 1 : i32
      scf.for %while3A_397 = %while3A_340 to %while3A_346 step %while3A_347  : i32 {
        %mul3A_398 = arith.constant 16 : i32
        %mul3A_399 = arith.muli %while3A_397, %mul3A_398 : i32
        %add3A_400 = arith.constant 6656 : i32
        %add3A_401 = arith.addi %add3A_400, %mul3A_399 : i32
        %get3A_402 = arith.index_cast %add3A_401 : i32 to index
        %get3A_403 = tpu.vector_load %arg9[%get3A_402] {strides = array<i32>} : memref<8192xi32, #tpu.memory_space<vmem>>, vector<16xi32>,
        %mul3A_404 = arith.constant 16 : i32
        %mul3A_405 = arith.muli %while3A_397, %mul3A_404 : i32
        %add3A_406 = arith.constant 6656 : i32
        %add3A_407 = arith.addi %add3A_406, %mul3A_405 : i32
        %get3A_408 = arith.index_cast %add3A_407 : i32 to index
        %get3A_409 = tpu.vector_load %arg10[%get3A_408] {strides = array<i32>} : memref<8192xf32, #tpu.memory_space<vmem>>, vector<16xf32>,
        %mul3A_410 = arith.constant 16 : i32
        %mul3A_411 = arith.muli %while3A_397, %mul3A_410 : i32
        %add3A_412 = vector.broadcast %mul3A_411 : i32 to vector<16xi32>
        %add3A_413 = arith.addi %add3A_412, %iota3A : vector<16xi32>
        %lt3A_414 = vector.broadcast %squeeze3A_332 : i32 to vector<16xi32>
        %lt3A_415 = arith.cmpi slt, %add3A_413, %lt3A_414 : vector<16xi32>
        %jit3A_416 = arith.constant 0 : i32
        %broadcast_in_dim3A_417 = vector.broadcast %jit3A_416 : i32 to vector<16xi32>
        %select_n3A_418 = arith.select %lt3A_415, %get3A_403, %broadcast_in_dim3A_417 : vector<16xi1>, vector<16xi32>
        %mul3A_419 = arith.constant 16 : i32
        %mul3A_420 = arith.muli %while3A_397, %mul3A_419 : i32
        %add3A_421 = arith.addi %squeeze3A_334, %mul3A_420 : i32
        %swap3A_422 = arith.index_cast %add3A_421 : i32 to index
        %swap3A_423 = tpu.vector_load %arg11[%swap3A_422] {strides = array<i32>} : memref<8208xi32, #tpu.memory_space<vmem>>, vector<16xi32>,
        tpu.vector_store %arg11[%swap3A_422], %select_n3A_418 {strides = array<i32>} : memref<8208xi32, #tpu.memory_space<vmem>>, vector<16xi32>,
        %jit3A_424 = arith.constant 0.000000e+00 : f32
        %broadcast_in_dim3A_425 = vector.broadcast %jit3A_424 : f32 to vector<16xf32>
        %select_n3A_426 = arith.select %lt3A_415, %get3A_409, %broadcast_in_dim3A_425 : vector<16xi1>, vector<16xf32>
        %mul3A_427 = arith.constant 16 : i32
        %mul3A_428 = arith.muli %while3A_397, %mul3A_427 : i32
        %add3A_429 = arith.addi %squeeze3A_334, %mul3A_428 : i32
        %swap3A_430 = arith.index_cast %add3A_429 : i32 to index
        %swap3A_431 = tpu.vector_load %arg12[%swap3A_430] {strides = array<i32>} : memref<8208xf32, #tpu.memory_space<vmem>>, vector<16xf32>,
        tpu.vector_store %arg12[%swap3A_430], %select_n3A_426 {strides = array<i32>} : memref<8208xf32, #tpu.memory_space<vmem>>, vector<16xf32>,
      }
      %while3A_348 = arith.constant 1 : i32
      scf.for %while3A_397 = %while3A_346 to %while3A_342 step %while3A_348  : i32 {
        %mul3A_398 = arith.constant 16 : i32
        %mul3A_399 = arith.muli %while3A_397, %mul3A_398 : i32
        %add3A_400 = arith.constant 6656 : i32
        %add3A_401 = arith.addi %add3A_400, %mul3A_399 : i32
        %get3A_402 = arith.index_cast %add3A_401 : i32 to index
        %get3A_403 = tpu.vector_load %arg9[%get3A_402] {strides = array<i32>} : memref<8192xi32, #tpu.memory_space<vmem>>, vector<16xi32>,
        %mul3A_404 = arith.constant 16 : i32
        %mul3A_405 = arith.muli %while3A_397, %mul3A_404 : i32
        %add3A_406 = arith.constant 6656 : i32
        %add3A_407 = arith.addi %add3A_406, %mul3A_405 : i32
        %get3A_408 = arith.index_cast %add3A_407 : i32 to index
        %get3A_409 = tpu.vector_load %arg10[%get3A_408] {strides = array<i32>} : memref<8192xf32, #tpu.memory_space<vmem>>, vector<16xf32>,
        %mul3A_410 = arith.constant 16 : i32
        %mul3A_411 = arith.muli %while3A_397, %mul3A_410 : i32
        %add3A_412 = vector.broadcast %mul3A_411 : i32 to vector<16xi32>
        %add3A_413 = arith.addi %add3A_412, %iota3A : vector<16xi32>
        %lt3A_414 = vector.broadcast %squeeze3A_332 : i32 to vector<16xi32>
        %lt3A_415 = arith.cmpi slt, %add3A_413, %lt3A_414 : vector<16xi32>
        %jit3A_416 = arith.constant 0 : i32
        %broadcast_in_dim3A_417 = vector.broadcast %jit3A_416 : i32 to vector<16xi32>
        %select_n3A_418 = arith.select %lt3A_415, %get3A_403, %broadcast_in_dim3A_417 : vector<16xi1>, vector<16xi32>
        %mul3A_419 = arith.constant 16 : i32
        %mul3A_420 = arith.muli %while3A_397, %mul3A_419 : i32
        %add3A_421 = arith.addi %squeeze3A_334, %mul3A_420 : i32
        %swap3A_422 = arith.index_cast %add3A_421 : i32 to index
        %swap3A_423 = tpu.vector_load %arg11[%swap3A_422] {strides = array<i32>} : memref<8208xi32, #tpu.memory_space<vmem>>, vector<16xi32>,
        tpu.vector_store %arg11[%swap3A_422], %select_n3A_418 {strides = array<i32>} : memref<8208xi32, #tpu.memory_space<vmem>>, vector<16xi32>,
        %jit3A_424 = arith.constant 0.000000e+00 : f32
        %broadcast_in_dim3A_425 = vector.broadcast %jit3A_424 : f32 to vector<16xf32>
        %select_n3A_426 = arith.select %lt3A_415, %get3A_409, %broadcast_in_dim3A_425 : vector<16xi1>, vector<16xf32>
        %mul3A_427 = arith.constant 16 : i32
        %mul3A_428 = arith.muli %while3A_397, %mul3A_427 : i32
        %add3A_429 = arith.addi %squeeze3A_334, %mul3A_428 : i32
        %swap3A_430 = arith.index_cast %add3A_429 : i32 to index
        %swap3A_431 = tpu.vector_load %arg12[%swap3A_430] {strides = array<i32>} : memref<8208xf32, #tpu.memory_space<vmem>>, vector<16xf32>,
        tpu.vector_store %arg12[%swap3A_430], %select_n3A_426 {strides = array<i32>} : memref<8208xf32, #tpu.memory_space<vmem>>, vector<16xf32>,
      }
      %slice3A_349 = vector.extract_strided_slice %get3A_90 {offsets = [14], sizes = [1], strides = [1]} : vector<16xi32> to vector<1xi32>
      %squeeze3A_350 = vector.extract %slice3A_349[0] : i32 from vector<1xi32>
      %slice3A_351 = vector.extract_strided_slice %sub3A {offsets = [14], sizes = [1], strides = [1]} : vector<16xi32> to vector<1xi32>
      %squeeze3A_352 = vector.extract %slice3A_351[0] : i32 from vector<1xi32>
      %add3A_353 = arith.constant 15 : i32
      %add3A_354 = arith.addi %squeeze3A_350, %add3A_353 : i32
      %div3A_355 = arith.constant 16 : i32
      %div3A_356 = arith.divsi %add3A_354, %div3A_355 : i32
      %while3A_357 = arith.constant 0 : i32
      %while3A_358 = arith.constant 0 : i32
      %while3A_359 = arith.subi %div3A_356, %while3A_358 : i32
      %while3A_360 = arith.addi %while3A_358, %while3A_359 : i32
      %while3A_361 = arith.constant 1 : i32
      %while3A_362 = arith.divsi %while3A_359, %while3A_361 : i32
      %while3A_363 = arith.muli %while3A_362, %while3A_361 : i32
      %while3A_364 = arith.addi %while3A_358, %while3A_363 : i32
      %while3A_365 = arith.constant 1 : i32
      scf.for %while3A_397 = %while3A_358 to %while3A_364 step %while3A_365  : i32 {
        %mul3A_398 = arith.constant 16 : i32
        %mul3A_399 = arith.muli %while3A_397, %mul3A_398 : i32
        %add3A_400 = arith.constant 7168 : i32
        %add3A_401 = arith.addi %add3A_400, %mul3A_399 : i32
        %get3A_402 = arith.index_cast %add3A_401 : i32 to index
        %get3A_403 = tpu.vector_load %arg9[%get3A_402] {strides = array<i32>} : memref<8192xi32, #tpu.memory_space<vmem>>, vector<16xi32>,
        %mul3A_404 = arith.constant 16 : i32
        %mul3A_405 = arith.muli %while3A_397, %mul3A_404 : i32
        %add3A_406 = arith.constant 7168 : i32
        %add3A_407 = arith.addi %add3A_406, %mul3A_405 : i32
        %get3A_408 = arith.index_cast %add3A_407 : i32 to index
        %get3A_409 = tpu.vector_load %arg10[%get3A_408] {strides = array<i32>} : memref<8192xf32, #tpu.memory_space<vmem>>, vector<16xf32>,
        %mul3A_410 = arith.constant 16 : i32
        %mul3A_411 = arith.muli %while3A_397, %mul3A_410 : i32
        %add3A_412 = vector.broadcast %mul3A_411 : i32 to vector<16xi32>
        %add3A_413 = arith.addi %add3A_412, %iota3A : vector<16xi32>
        %lt3A_414 = vector.broadcast %squeeze3A_350 : i32 to vector<16xi32>
        %lt3A_415 = arith.cmpi slt, %add3A_413, %lt3A_414 : vector<16xi32>
        %jit3A_416 = arith.constant 0 : i32
        %broadcast_in_dim3A_417 = vector.broadcast %jit3A_416 : i32 to vector<16xi32>
        %select_n3A_418 = arith.select %lt3A_415, %get3A_403, %broadcast_in_dim3A_417 : vector<16xi1>, vector<16xi32>
        %mul3A_419 = arith.constant 16 : i32
        %mul3A_420 = arith.muli %while3A_397, %mul3A_419 : i32
        %add3A_421 = arith.addi %squeeze3A_352, %mul3A_420 : i32
        %swap3A_422 = arith.index_cast %add3A_421 : i32 to index
        %swap3A_423 = tpu.vector_load %arg11[%swap3A_422] {strides = array<i32>} : memref<8208xi32, #tpu.memory_space<vmem>>, vector<16xi32>,
        tpu.vector_store %arg11[%swap3A_422], %select_n3A_418 {strides = array<i32>} : memref<8208xi32, #tpu.memory_space<vmem>>, vector<16xi32>,
        %jit3A_424 = arith.constant 0.000000e+00 : f32
        %broadcast_in_dim3A_425 = vector.broadcast %jit3A_424 : f32 to vector<16xf32>
        %select_n3A_426 = arith.select %lt3A_415, %get3A_409, %broadcast_in_dim3A_425 : vector<16xi1>, vector<16xf32>
        %mul3A_427 = arith.constant 16 : i32
        %mul3A_428 = arith.muli %while3A_397, %mul3A_427 : i32
        %add3A_429 = arith.addi %squeeze3A_352, %mul3A_428 : i32
        %swap3A_430 = arith.index_cast %add3A_429 : i32 to index
        %swap3A_431 = tpu.vector_load %arg12[%swap3A_430] {strides = array<i32>} : memref<8208xf32, #tpu.memory_space<vmem>>, vector<16xf32>,
        tpu.vector_store %arg12[%swap3A_430], %select_n3A_426 {strides = array<i32>} : memref<8208xf32, #tpu.memory_space<vmem>>, vector<16xf32>,
      }
      %while3A_366 = arith.constant 1 : i32
      scf.for %while3A_397 = %while3A_364 to %while3A_360 step %while3A_366  : i32 {
        %mul3A_398 = arith.constant 16 : i32
        %mul3A_399 = arith.muli %while3A_397, %mul3A_398 : i32
        %add3A_400 = arith.constant 7168 : i32
        %add3A_401 = arith.addi %add3A_400, %mul3A_399 : i32
        %get3A_402 = arith.index_cast %add3A_401 : i32 to index
        %get3A_403 = tpu.vector_load %arg9[%get3A_402] {strides = array<i32>} : memref<8192xi32, #tpu.memory_space<vmem>>, vector<16xi32>,
        %mul3A_404 = arith.constant 16 : i32
        %mul3A_405 = arith.muli %while3A_397, %mul3A_404 : i32
        %add3A_406 = arith.constant 7168 : i32
        %add3A_407 = arith.addi %add3A_406, %mul3A_405 : i32
        %get3A_408 = arith.index_cast %add3A_407 : i32 to index
        %get3A_409 = tpu.vector_load %arg10[%get3A_408] {strides = array<i32>} : memref<8192xf32, #tpu.memory_space<vmem>>, vector<16xf32>,
        %mul3A_410 = arith.constant 16 : i32
        %mul3A_411 = arith.muli %while3A_397, %mul3A_410 : i32
        %add3A_412 = vector.broadcast %mul3A_411 : i32 to vector<16xi32>
        %add3A_413 = arith.addi %add3A_412, %iota3A : vector<16xi32>
        %lt3A_414 = vector.broadcast %squeeze3A_350 : i32 to vector<16xi32>
        %lt3A_415 = arith.cmpi slt, %add3A_413, %lt3A_414 : vector<16xi32>
        %jit3A_416 = arith.constant 0 : i32
        %broadcast_in_dim3A_417 = vector.broadcast %jit3A_416 : i32 to vector<16xi32>
        %select_n3A_418 = arith.select %lt3A_415, %get3A_403, %broadcast_in_dim3A_417 : vector<16xi1>, vector<16xi32>
        %mul3A_419 = arith.constant 16 : i32
        %mul3A_420 = arith.muli %while3A_397, %mul3A_419 : i32
        %add3A_421 = arith.addi %squeeze3A_352, %mul3A_420 : i32
        %swap3A_422 = arith.index_cast %add3A_421 : i32 to index
        %swap3A_423 = tpu.vector_load %arg11[%swap3A_422] {strides = array<i32>} : memref<8208xi32, #tpu.memory_space<vmem>>, vector<16xi32>,
        tpu.vector_store %arg11[%swap3A_422], %select_n3A_418 {strides = array<i32>} : memref<8208xi32, #tpu.memory_space<vmem>>, vector<16xi32>,
        %jit3A_424 = arith.constant 0.000000e+00 : f32
        %broadcast_in_dim3A_425 = vector.broadcast %jit3A_424 : f32 to vector<16xf32>
        %select_n3A_426 = arith.select %lt3A_415, %get3A_409, %broadcast_in_dim3A_425 : vector<16xi1>, vector<16xf32>
        %mul3A_427 = arith.constant 16 : i32
        %mul3A_428 = arith.muli %while3A_397, %mul3A_427 : i32
        %add3A_429 = arith.addi %squeeze3A_352, %mul3A_428 : i32
        %swap3A_430 = arith.index_cast %add3A_429 : i32 to index
        %swap3A_431 = tpu.vector_load %arg12[%swap3A_430] {strides = array<i32>} : memref<8208xf32, #tpu.memory_space<vmem>>, vector<16xf32>,
        tpu.vector_store %arg12[%swap3A_430], %select_n3A_426 {strides = array<i32>} : memref<8208xf32, #tpu.memory_space<vmem>>, vector<16xf32>,
      }
      %slice3A_367 = vector.extract_strided_slice %get3A_90 {offsets = [15], sizes = [1], strides = [1]} : vector<16xi32> to vector<1xi32>
      %squeeze3A_368 = vector.extract %slice3A_367[0] : i32 from vector<1xi32>
      %slice3A_369 = vector.extract_strided_slice %sub3A {offsets = [15], sizes = [1], strides = [1]} : vector<16xi32> to vector<1xi32>
      %squeeze3A_370 = vector.extract %slice3A_369[0] : i32 from vector<1xi32>
      %add3A_371 = arith.constant 15 : i32
      %add3A_372 = arith.addi %squeeze3A_368, %add3A_371 : i32
      %div3A_373 = arith.constant 16 : i32
      %div3A_374 = arith.divsi %add3A_372, %div3A_373 : i32
      %while3A_375 = arith.constant 0 : i32
      %while3A_376 = arith.constant 0 : i32
      %while3A_377 = arith.subi %div3A_374, %while3A_376 : i32
      %while3A_378 = arith.addi %while3A_376, %while3A_377 : i32
      %while3A_379 = arith.constant 1 : i32
      %while3A_380 = arith.divsi %while3A_377, %while3A_379 : i32
      %while3A_381 = arith.muli %while3A_380, %while3A_379 : i32
      %while3A_382 = arith.addi %while3A_376, %while3A_381 : i32
      %while3A_383 = arith.constant 1 : i32
      scf.for %while3A_397 = %while3A_376 to %while3A_382 step %while3A_383  : i32 {
        %mul3A_398 = arith.constant 16 : i32
        %mul3A_399 = arith.muli %while3A_397, %mul3A_398 : i32
        %add3A_400 = arith.constant 7680 : i32
        %add3A_401 = arith.addi %add3A_400, %mul3A_399 : i32
        %get3A_402 = arith.index_cast %add3A_401 : i32 to index
        %get3A_403 = tpu.vector_load %arg9[%get3A_402] {strides = array<i32>} : memref<8192xi32, #tpu.memory_space<vmem>>, vector<16xi32>,
        %mul3A_404 = arith.constant 16 : i32
        %mul3A_405 = arith.muli %while3A_397, %mul3A_404 : i32
        %add3A_406 = arith.constant 7680 : i32
        %add3A_407 = arith.addi %add3A_406, %mul3A_405 : i32
        %get3A_408 = arith.index_cast %add3A_407 : i32 to index
        %get3A_409 = tpu.vector_load %arg10[%get3A_408] {strides = array<i32>} : memref<8192xf32, #tpu.memory_space<vmem>>, vector<16xf32>,
        %mul3A_410 = arith.constant 16 : i32
        %mul3A_411 = arith.muli %while3A_397, %mul3A_410 : i32
        %add3A_412 = vector.broadcast %mul3A_411 : i32 to vector<16xi32>
        %add3A_413 = arith.addi %add3A_412, %iota3A : vector<16xi32>
        %lt3A_414 = vector.broadcast %squeeze3A_368 : i32 to vector<16xi32>
        %lt3A_415 = arith.cmpi slt, %add3A_413, %lt3A_414 : vector<16xi32>
        %jit3A_416 = arith.constant 0 : i32
        %broadcast_in_dim3A_417 = vector.broadcast %jit3A_416 : i32 to vector<16xi32>
        %select_n3A_418 = arith.select %lt3A_415, %get3A_403, %broadcast_in_dim3A_417 : vector<16xi1>, vector<16xi32>
        %mul3A_419 = arith.constant 16 : i32
        %mul3A_420 = arith.muli %while3A_397, %mul3A_419 : i32
        %add3A_421 = arith.addi %squeeze3A_370, %mul3A_420 : i32
        %swap3A_422 = arith.index_cast %add3A_421 : i32 to index
        %swap3A_423 = tpu.vector_load %arg11[%swap3A_422] {strides = array<i32>} : memref<8208xi32, #tpu.memory_space<vmem>>, vector<16xi32>,
        tpu.vector_store %arg11[%swap3A_422], %select_n3A_418 {strides = array<i32>} : memref<8208xi32, #tpu.memory_space<vmem>>, vector<16xi32>,
        %jit3A_424 = arith.constant 0.000000e+00 : f32
        %broadcast_in_dim3A_425 = vector.broadcast %jit3A_424 : f32 to vector<16xf32>
        %select_n3A_426 = arith.select %lt3A_415, %get3A_409, %broadcast_in_dim3A_425 : vector<16xi1>, vector<16xf32>
        %mul3A_427 = arith.constant 16 : i32
        %mul3A_428 = arith.muli %while3A_397, %mul3A_427 : i32
        %add3A_429 = arith.addi %squeeze3A_370, %mul3A_428 : i32
        %swap3A_430 = arith.index_cast %add3A_429 : i32 to index
        %swap3A_431 = tpu.vector_load %arg12[%swap3A_430] {strides = array<i32>} : memref<8208xf32, #tpu.memory_space<vmem>>, vector<16xf32>,
        tpu.vector_store %arg12[%swap3A_430], %select_n3A_426 {strides = array<i32>} : memref<8208xf32, #tpu.memory_space<vmem>>, vector<16xf32>,
      }
      %while3A_384 = arith.constant 1 : i32
      scf.for %while3A_397 = %while3A_382 to %while3A_378 step %while3A_384  : i32 {
        %mul3A_398 = arith.constant 16 : i32
        %mul3A_399 = arith.muli %while3A_397, %mul3A_398 : i32
        %add3A_400 = arith.constant 7680 : i32
        %add3A_401 = arith.addi %add3A_400, %mul3A_399 : i32
        %get3A_402 = arith.index_cast %add3A_401 : i32 to index
        %get3A_403 = tpu.vector_load %arg9[%get3A_402] {strides = array<i32>} : memref<8192xi32, #tpu.memory_space<vmem>>, vector<16xi32>,
        %mul3A_404 = arith.constant 16 : i32
        %mul3A_405 = arith.muli %while3A_397, %mul3A_404 : i32
        %add3A_406 = arith.constant 7680 : i32
        %add3A_407 = arith.addi %add3A_406, %mul3A_405 : i32
        %get3A_408 = arith.index_cast %add3A_407 : i32 to index
        %get3A_409 = tpu.vector_load %arg10[%get3A_408] {strides = array<i32>} : memref<8192xf32, #tpu.memory_space<vmem>>, vector<16xf32>,
        %mul3A_410 = arith.constant 16 : i32
        %mul3A_411 = arith.muli %while3A_397, %mul3A_410 : i32
        %add3A_412 = vector.broadcast %mul3A_411 : i32 to vector<16xi32>
        %add3A_413 = arith.addi %add3A_412, %iota3A : vector<16xi32>
        %lt3A_414 = vector.broadcast %squeeze3A_368 : i32 to vector<16xi32>
        %lt3A_415 = arith.cmpi slt, %add3A_413, %lt3A_414 : vector<16xi32>
        %jit3A_416 = arith.constant 0 : i32
        %broadcast_in_dim3A_417 = vector.broadcast %jit3A_416 : i32 to vector<16xi32>
        %select_n3A_418 = arith.select %lt3A_415, %get3A_403, %broadcast_in_dim3A_417 : vector<16xi1>, vector<16xi32>
        %mul3A_419 = arith.constant 16 : i32
        %mul3A_420 = arith.muli %while3A_397, %mul3A_419 : i32
        %add3A_421 = arith.addi %squeeze3A_370, %mul3A_420 : i32
        %swap3A_422 = arith.index_cast %add3A_421 : i32 to index
        %swap3A_423 = tpu.vector_load %arg11[%swap3A_422] {strides = array<i32>} : memref<8208xi32, #tpu.memory_space<vmem>>, vector<16xi32>,
        tpu.vector_store %arg11[%swap3A_422], %select_n3A_418 {strides = array<i32>} : memref<8208xi32, #tpu.memory_space<vmem>>, vector<16xi32>,
        %jit3A_424 = arith.constant 0.000000e+00 : f32
        %broadcast_in_dim3A_425 = vector.broadcast %jit3A_424 : f32 to vector<16xf32>
        %select_n3A_426 = arith.select %lt3A_415, %get3A_409, %broadcast_in_dim3A_425 : vector<16xi1>, vector<16xf32>
        %mul3A_427 = arith.constant 16 : i32
        %mul3A_428 = arith.muli %while3A_397, %mul3A_427 : i32
        %add3A_429 = arith.addi %squeeze3A_370, %mul3A_428 : i32
        %swap3A_430 = arith.index_cast %add3A_429 : i32 to index
        %swap3A_431 = tpu.vector_load %arg12[%swap3A_430] {strides = array<i32>} : memref<8208xf32, #tpu.memory_space<vmem>>, vector<16xf32>,
        tpu.vector_store %arg12[%swap3A_430], %select_n3A_426 {strides = array<i32>} : memref<8208xf32, #tpu.memory_space<vmem>>, vector<16xf32>,
      }
      %eq3A = arith.constant 0 : i32
      %eq3A_385 = vector.broadcast %eq3A : i32 to vector<16xi32>
      %eq3A_386 = arith.cmpi eq, %iota3A, %eq3A_385 : vector<16xi32>
      %jit3A = arith.constant 0 : i32
      %broadcast_in_dim3A_387 = vector.broadcast %reduce_max3A_99 : i32 to vector<16xi32>
      %broadcast_in_dim3A_388 = vector.broadcast %jit3A : i32 to vector<16xi32>
      %select_n3A = arith.select %eq3A_386, %broadcast_in_dim3A_387, %broadcast_in_dim3A_388 : vector<16xi1>, vector<16xi32>
      %swap3A_389 = arith.constant 0 : index
      %swap3A_390 = tpu.vector_load %arg14[%swap3A_389] {strides = array<i32>} : memref<16xi32, #tpu.memory_space<vmem>>, vector<16xi32>,
      tpu.vector_store %arg14[%swap3A_389], %select_n3A {strides = array<i32>} : memref<16xi32, #tpu.memory_space<vmem>>, vector<16xi32>,
      %mul3A_391 = arith.constant 8192 : i32
      %mul3A_392 = arith.muli %add3A, %mul3A_391 : i32
      %multiple_of3A_393 = tpu.assume_multiple %mul3A_392, 8 : i32
      %mul3A_394 = arith.constant 16 : i32
      %mul3A_395 = arith.muli %add3A, %mul3A_394 : i32
      %multiple_of3A_396 = tpu.assume_multiple %mul3A_395, 8 : i32
      "tpu.region"() ({
        %run_scoped3A = tpu.sem_alloc : memref<!tpu.dma_semaphore, #tpu.memory_space<semaphore_mem>>
        %dma_start3A_397 = arith.constant 0 : i32
        %dma_start3A_398 = tpu.memref_slice %arg11[%dma_start3A_397] : memref<8208xi32, #tpu.memory_space<vmem>> -> memref<8192xi32, #tpu.memory_space<vmem>>
        %dma_start3A_399 = tpu.memref_slice %arg3[%multiple_of3A_393] : memref<131072xi32, #tpu.memory_space<hbm>> -> memref<8192xi32, #tpu.memory_space<hbm>>
        %dma_start3A_400 = tpu.memref_slice %arg3[%multiple_of3A_393] : memref<131072xi32, #tpu.memory_space<hbm>> -> memref<8192xi32, #tpu.memory_space<hbm>>
        %dma_start3A_401 = arith.constant 0 : i32
        %dma_start3A_402 = tpu.memref_slice %arg11[%dma_start3A_401] : memref<8208xi32, #tpu.memory_space<vmem>> -> memref<8192xi32, #tpu.memory_space<vmem>>
        tpu.enqueue_dma source(%dma_start3A_402 : memref<8192xi32, #tpu.memory_space<vmem>>) target(%dma_start3A_400 : memref<8192xi32, #tpu.memory_space<hbm>>) target_semaphore(%run_scoped3A : memref<!tpu.dma_semaphore, #tpu.memory_space<semaphore_mem>>)
        %dma_wait3A_403 = arith.constant 0 : i32
        %dma_wait3A_404 = tpu.memref_slice %arg11[%dma_wait3A_403] : memref<8208xi32, #tpu.memory_space<vmem>> -> memref<8192xi32, #tpu.memory_space<vmem>>
        %dma_wait3A_405 = tpu.memref_slice %arg3[%multiple_of3A_393] : memref<131072xi32, #tpu.memory_space<hbm>> -> memref<8192xi32, #tpu.memory_space<hbm>>
        %dma_wait3A_406 = tpu.memref_slice %arg3[%multiple_of3A_393] : memref<131072xi32, #tpu.memory_space<hbm>> -> memref<8192xi32, #tpu.memory_space<hbm>>
        %dma_wait3A_407 = arith.constant 0 : i32
        %dma_wait3A_408 = tpu.memref_slice %arg11[%dma_wait3A_407] : memref<8208xi32, #tpu.memory_space<vmem>> -> memref<8192xi32, #tpu.memory_space<vmem>>
        tpu.wait_dma2 semaphore(%run_scoped3A : memref<!tpu.dma_semaphore, #tpu.memory_space<semaphore_mem>>) src(%dma_wait3A_408 : memref<8192xi32, #tpu.memory_space<vmem>>) dst(%dma_wait3A_406 : memref<8192xi32, #tpu.memory_space<hbm>>)
        tpu.yield
      }) : () -> ()
      "tpu.region"() ({
        %run_scoped3A = tpu.sem_alloc : memref<!tpu.dma_semaphore, #tpu.memory_space<semaphore_mem>>
        %dma_start3A_397 = arith.constant 0 : i32
        %dma_start3A_398 = tpu.memref_slice %arg12[%dma_start3A_397] : memref<8208xf32, #tpu.memory_space<vmem>> -> memref<8192xf32, #tpu.memory_space<vmem>>
        %dma_start3A_399 = tpu.memref_slice %arg4[%multiple_of3A_393] : memref<131072xf32, #tpu.memory_space<hbm>> -> memref<8192xf32, #tpu.memory_space<hbm>>
        %dma_start3A_400 = tpu.memref_slice %arg4[%multiple_of3A_393] : memref<131072xf32, #tpu.memory_space<hbm>> -> memref<8192xf32, #tpu.memory_space<hbm>>
        %dma_start3A_401 = arith.constant 0 : i32
        %dma_start3A_402 = tpu.memref_slice %arg12[%dma_start3A_401] : memref<8208xf32, #tpu.memory_space<vmem>> -> memref<8192xf32, #tpu.memory_space<vmem>>
        tpu.enqueue_dma source(%dma_start3A_402 : memref<8192xf32, #tpu.memory_space<vmem>>) target(%dma_start3A_400 : memref<8192xf32, #tpu.memory_space<hbm>>) target_semaphore(%run_scoped3A : memref<!tpu.dma_semaphore, #tpu.memory_space<semaphore_mem>>)
        %dma_wait3A_403 = arith.constant 0 : i32
        %dma_wait3A_404 = tpu.memref_slice %arg12[%dma_wait3A_403] : memref<8208xf32, #tpu.memory_space<vmem>> -> memref<8192xf32, #tpu.memory_space<vmem>>
        %dma_wait3A_405 = tpu.memref_slice %arg4[%multiple_of3A_393] : memref<131072xf32, #tpu.memory_space<hbm>> -> memref<8192xf32, #tpu.memory_space<hbm>>
        %dma_wait3A_406 = tpu.memref_slice %arg4[%multiple_of3A_393] : memref<131072xf32, #tpu.memory_space<hbm>> -> memref<8192xf32, #tpu.memory_space<hbm>>
        %dma_wait3A_407 = arith.constant 0 : i32
        %dma_wait3A_408 = tpu.memref_slice %arg12[%dma_wait3A_407] : memref<8208xf32, #tpu.memory_space<vmem>> -> memref<8192xf32, #tpu.memory_space<vmem>>
        tpu.wait_dma2 semaphore(%run_scoped3A : memref<!tpu.dma_semaphore, #tpu.memory_space<semaphore_mem>>) src(%dma_wait3A_408 : memref<8192xf32, #tpu.memory_space<vmem>>) dst(%dma_wait3A_406 : memref<8192xf32, #tpu.memory_space<hbm>>)
        tpu.yield
      }) : () -> ()
      "tpu.region"() ({
        %run_scoped3A = tpu.sem_alloc : memref<!tpu.dma_semaphore, #tpu.memory_space<semaphore_mem>>
        %dma_start3A_397 = tpu.memref_slice %arg5[%multiple_of3A_396] : memref<256xi32, #tpu.memory_space<hbm>> -> memref<16xi32, #tpu.memory_space<hbm>>
        %dma_start3A_398 = tpu.memref_slice %arg5[%multiple_of3A_396] : memref<256xi32, #tpu.memory_space<hbm>> -> memref<16xi32, #tpu.memory_space<hbm>>
        tpu.enqueue_dma source(%arg14 : memref<16xi32, #tpu.memory_space<vmem>>) target(%dma_start3A_398 : memref<16xi32, #tpu.memory_space<hbm>>) target_semaphore(%run_scoped3A : memref<!tpu.dma_semaphore, #tpu.memory_space<semaphore_mem>>)
        %dma_wait3A_399 = tpu.memref_slice %arg5[%multiple_of3A_396] : memref<256xi32, #tpu.memory_space<hbm>> -> memref<16xi32, #tpu.memory_space<hbm>>
        %dma_wait3A_400 = tpu.memref_slice %arg5[%multiple_of3A_396] : memref<256xi32, #tpu.memory_space<hbm>> -> memref<16xi32, #tpu.memory_space<hbm>>
        tpu.wait_dma2 semaphore(%run_scoped3A : memref<!tpu.dma_semaphore, #tpu.memory_space<semaphore_mem>>) src(%arg14 : memref<16xi32, #tpu.memory_space<vmem>>) dst(%dma_wait3A_400 : memref<16xi32, #tpu.memory_space<hbm>>)
        tpu.yield
      }) : () -> ()
    } else {
    }
    return
  }
}

#map = affine_map<(d0, d1) -> (0)>
module attributes {stable_mosaic.version = 14 : i64} {
  func.func @_stage_b_body(%arg0: i32, %arg1: i32, %arg2: memref<131072xf32, #tpu.memory_space<hbm>>, %arg3: memref<131072xi32, #tpu.memory_space<hbm>>, %arg4: memref<256xi32, #tpu.memory_space<hbm>>, %arg5: memref<1280000xf32, #tpu.memory_space<hbm>>, %arg6: memref<256xf32, #tpu.memory_space<hbm>>, %arg7: memref<2048xf32, #tpu.memory_space<hbm>>, %arg8: memref<2048xi32, #tpu.memory_space<hbm>>, %arg9: memref<8192xf32, #tpu.memory_space<hbm>>, %arg10: memref<8192xf32, #tpu.memory_space<vmem>>, %arg11: memref<8192xi32, #tpu.memory_space<vmem>>, %arg12: memref<128xf32, #tpu.memory_space<vmem>>, %arg13: memref<128xi32, #tpu.memory_space<vmem>>, %arg14: memref<128xi32, #tpu.memory_space<vmem>>, %arg15: memref<512xi32, #tpu.memory_space<vmem>>, %arg16: memref<512xf32, #tpu.memory_space<vmem>>, %arg17: memref<512xf32, #tpu.memory_space<vmem>>, %arg18: memref<16xi32, #tpu.memory_space<vmem>>, %arg19: memref<16xf32, #tpu.memory_space<vmem>>, %arg20: memref<!tpu.dma_semaphore, #tpu.memory_space<semaphore_mem>>) attributes {dimension_semantics = [#tpu.dimension_semantics<core_parallel>, #tpu.dimension_semantics<subcore_parallel>], iteration_bounds = array<i64: 2, 16>, scalar_prefetch = 0 : i64, scratch_operands = 11 : i64, tpu.core_type = #tpu.core_type<sc_vector_subcore>, window_params = [{transform_indices = #map}, {transform_indices = #map}, {transform_indices = #map}, {transform_indices = #map}, {transform_indices = #map}, {transform_indices = #map}, {transform_indices = #map}, {transform_indices = #map}]} {
    %mul3A = arith.constant 2 : i32
    %mul3A_0 = arith.muli %arg1, %mul3A : i32
    %add3A = arith.addi %mul3A_0, %arg0 : i32
    %lt3A = arith.constant 16 : i32
    %lt3A_1 = arith.cmpi slt, %add3A, %lt3A : i32
    %convert_element_type3A = arith.extui %lt3A_1 : i1 to i32
    %cond3A = arith.constant 0 : i32
    %cond3A_2 = arith.cmpi ne, %convert_element_type3A, %cond3A : i32
    scf.if %cond3A_2 {
      %iota3A = tpu.iota {dimensions = array<i32: 0>} : vector<16xi32>
      %mul3A_3 = arith.constant 8192 : i32
      %mul3A_4 = arith.muli %add3A, %mul3A_3 : i32
      %multiple_of3A = tpu.assume_multiple %mul3A_4, 8 : i32
      %mul3A_5 = arith.constant 16 : i32
      %mul3A_6 = arith.muli %add3A, %mul3A_5 : i32
      %multiple_of3A_7 = tpu.assume_multiple %mul3A_6, 8 : i32
      "tpu.region"() ({
        %run_scoped3A = tpu.sem_alloc : memref<!tpu.dma_semaphore, #tpu.memory_space<semaphore_mem>>
        %dma_start3A_53 = tpu.memref_slice %arg2[%multiple_of3A] : memref<131072xf32, #tpu.memory_space<hbm>> -> memref<8192xf32, #tpu.memory_space<hbm>>
        %dma_start3A_54 = tpu.memref_slice %arg2[%multiple_of3A] : memref<131072xf32, #tpu.memory_space<hbm>> -> memref<8192xf32, #tpu.memory_space<hbm>>
        tpu.enqueue_dma source(%dma_start3A_54 : memref<8192xf32, #tpu.memory_space<hbm>>) target(%arg10 : memref<8192xf32, #tpu.memory_space<vmem>>) target_semaphore(%run_scoped3A : memref<!tpu.dma_semaphore, #tpu.memory_space<semaphore_mem>>)
        %dma_wait3A_55 = tpu.memref_slice %arg2[%multiple_of3A] : memref<131072xf32, #tpu.memory_space<hbm>> -> memref<8192xf32, #tpu.memory_space<hbm>>
        %dma_wait3A_56 = tpu.memref_slice %arg2[%multiple_of3A] : memref<131072xf32, #tpu.memory_space<hbm>> -> memref<8192xf32, #tpu.memory_space<hbm>>
        tpu.wait_dma2 semaphore(%run_scoped3A : memref<!tpu.dma_semaphore, #tpu.memory_space<semaphore_mem>>) src(%dma_wait3A_56 : memref<8192xf32, #tpu.memory_space<hbm>>) dst(%arg10 : memref<8192xf32, #tpu.memory_space<vmem>>)
        tpu.yield
      }) : () -> ()
      "tpu.region"() ({
        %run_scoped3A = tpu.sem_alloc : memref<!tpu.dma_semaphore, #tpu.memory_space<semaphore_mem>>
        %dma_start3A_53 = tpu.memref_slice %arg3[%multiple_of3A] : memref<131072xi32, #tpu.memory_space<hbm>> -> memref<8192xi32, #tpu.memory_space<hbm>>
        %dma_start3A_54 = tpu.memref_slice %arg3[%multiple_of3A] : memref<131072xi32, #tpu.memory_space<hbm>> -> memref<8192xi32, #tpu.memory_space<hbm>>
        tpu.enqueue_dma source(%dma_start3A_54 : memref<8192xi32, #tpu.memory_space<hbm>>) target(%arg11 : memref<8192xi32, #tpu.memory_space<vmem>>) target_semaphore(%run_scoped3A : memref<!tpu.dma_semaphore, #tpu.memory_space<semaphore_mem>>)
        %dma_wait3A_55 = tpu.memref_slice %arg3[%multiple_of3A] : memref<131072xi32, #tpu.memory_space<hbm>> -> memref<8192xi32, #tpu.memory_space<hbm>>
        %dma_wait3A_56 = tpu.memref_slice %arg3[%multiple_of3A] : memref<131072xi32, #tpu.memory_space<hbm>> -> memref<8192xi32, #tpu.memory_space<hbm>>
        tpu.wait_dma2 semaphore(%run_scoped3A : memref<!tpu.dma_semaphore, #tpu.memory_space<semaphore_mem>>) src(%dma_wait3A_56 : memref<8192xi32, #tpu.memory_space<hbm>>) dst(%arg11 : memref<8192xi32, #tpu.memory_space<vmem>>)
        tpu.yield
      }) : () -> ()
      "tpu.region"() ({
        %run_scoped3A = tpu.sem_alloc : memref<!tpu.dma_semaphore, #tpu.memory_space<semaphore_mem>>
        %dma_start3A_53 = tpu.memref_slice %arg4[%multiple_of3A_7] : memref<256xi32, #tpu.memory_space<hbm>> -> memref<16xi32, #tpu.memory_space<hbm>>
        %dma_start3A_54 = tpu.memref_slice %arg4[%multiple_of3A_7] : memref<256xi32, #tpu.memory_space<hbm>> -> memref<16xi32, #tpu.memory_space<hbm>>
        tpu.enqueue_dma source(%dma_start3A_54 : memref<16xi32, #tpu.memory_space<hbm>>) target(%arg18 : memref<16xi32, #tpu.memory_space<vmem>>) target_semaphore(%run_scoped3A : memref<!tpu.dma_semaphore, #tpu.memory_space<semaphore_mem>>)
        %dma_wait3A_55 = tpu.memref_slice %arg4[%multiple_of3A_7] : memref<256xi32, #tpu.memory_space<hbm>> -> memref<16xi32, #tpu.memory_space<hbm>>
        %dma_wait3A_56 = tpu.memref_slice %arg4[%multiple_of3A_7] : memref<256xi32, #tpu.memory_space<hbm>> -> memref<16xi32, #tpu.memory_space<hbm>>
        tpu.wait_dma2 semaphore(%run_scoped3A : memref<!tpu.dma_semaphore, #tpu.memory_space<semaphore_mem>>) src(%dma_wait3A_56 : memref<16xi32, #tpu.memory_space<hbm>>) dst(%arg18 : memref<16xi32, #tpu.memory_space<vmem>>)
        tpu.yield
      }) : () -> ()
      "tpu.region"() ({
        %run_scoped3A = tpu.sem_alloc : memref<!tpu.dma_semaphore, #tpu.memory_space<semaphore_mem>>
        %dma_start3A_53 = tpu.memref_slice %arg6[%multiple_of3A_7] : memref<256xf32, #tpu.memory_space<hbm>> -> memref<16xf32, #tpu.memory_space<hbm>>
        %dma_start3A_54 = tpu.memref_slice %arg6[%multiple_of3A_7] : memref<256xf32, #tpu.memory_space<hbm>> -> memref<16xf32, #tpu.memory_space<hbm>>
        tpu.enqueue_dma source(%dma_start3A_54 : memref<16xf32, #tpu.memory_space<hbm>>) target(%arg19 : memref<16xf32, #tpu.memory_space<vmem>>) target_semaphore(%run_scoped3A : memref<!tpu.dma_semaphore, #tpu.memory_space<semaphore_mem>>)
        %dma_wait3A_55 = tpu.memref_slice %arg6[%multiple_of3A_7] : memref<256xf32, #tpu.memory_space<hbm>> -> memref<16xf32, #tpu.memory_space<hbm>>
        %dma_wait3A_56 = tpu.memref_slice %arg6[%multiple_of3A_7] : memref<256xf32, #tpu.memory_space<hbm>> -> memref<16xf32, #tpu.memory_space<hbm>>
        tpu.wait_dma2 semaphore(%run_scoped3A : memref<!tpu.dma_semaphore, #tpu.memory_space<semaphore_mem>>) src(%dma_wait3A_56 : memref<16xf32, #tpu.memory_space<hbm>>) dst(%arg19 : memref<16xf32, #tpu.memory_space<vmem>>)
        tpu.yield
      }) : () -> ()
      %get3A = arith.constant 0 : index
      %get3A_8 = tpu.vector_load %arg18[%get3A] {strides = array<i32>} : memref<16xi32, #tpu.memory_space<vmem>>, vector<16xi32>,
      %slice3A = vector.extract_strided_slice %get3A_8 {offsets = [0], sizes = [1], strides = [1]} : vector<16xi32> to vector<1xi32>
      %squeeze3A = vector.extract %slice3A[0] : i32 from vector<1xi32>
      %add3A_9 = arith.constant 15 : i32
      %add3A_10 = arith.addi %squeeze3A, %add3A_9 : i32
      %div3A = arith.constant 16 : i32
      %div3A_11 = arith.divsi %add3A_10, %div3A : i32
      %get3A_12 = arith.constant 0 : index
      %get3A_13 = tpu.vector_load %arg19[%get3A_12] {strides = array<i32>} : memref<16xf32, #tpu.memory_space<vmem>>, vector<16xf32>,
      %slice3A_14 = vector.extract_strided_slice %get3A_13 {offsets = [0], sizes = [1], strides = [1]} : vector<16xf32> to vector<1xf32>
      %squeeze3A_15 = vector.extract %slice3A_14[0] : f32 from vector<1xf32>
      %slice3A_16 = vector.extract_strided_slice %get3A_13 {offsets = [1], sizes = [1], strides = [1]} : vector<16xf32> to vector<1xf32>
      %squeeze3A_17 = vector.extract %slice3A_16[0] : f32 from vector<1xf32>
      %scan3A = arith.constant 0 : i32
      %scan3A_18 = arith.constant 0 : i32
      %scan3A_19 = arith.constant 8 : i32
      %scan3A_20 = arith.addi %scan3A_18, %scan3A_19 : i32
      %scan3A_21 = arith.constant 1 : i32
      scf.for %scan3A_53 = %scan3A_18 to %scan3A_20 step %scan3A_21  : i32 {
        %broadcast_in_dim3A = arith.constant 0.000000e+00 : f32
        %broadcast_in_dim3A_54 = vector.broadcast %broadcast_in_dim3A : f32 to vector<16xf32>
        %mul3A_55 = arith.constant 16 : i32
        %mul3A_56 = arith.muli %scan3A_53, %mul3A_55 : i32
        %swap3A = arith.index_cast %mul3A_56 : i32 to index
        %swap3A_57 = tpu.vector_load %arg12[%swap3A] {strides = array<i32>} : memref<128xf32, #tpu.memory_space<vmem>>, vector<16xf32>,
        tpu.vector_store %arg12[%swap3A], %broadcast_in_dim3A_54 {strides = array<i32>} : memref<128xf32, #tpu.memory_space<vmem>>, vector<16xf32>,
        %broadcast_in_dim3A_58 = arith.constant 0 : i32
        %broadcast_in_dim3A_59 = vector.broadcast %broadcast_in_dim3A_58 : i32 to vector<16xi32>
        %mul3A_60 = arith.constant 16 : i32
        %mul3A_61 = arith.muli %scan3A_53, %mul3A_60 : i32
        %swap3A_62 = arith.index_cast %mul3A_61 : i32 to index
        %swap3A_63 = tpu.vector_load %arg13[%swap3A_62] {strides = array<i32>} : memref<128xi32, #tpu.memory_space<vmem>>, vector<16xi32>,
        tpu.vector_store %arg13[%swap3A_62], %broadcast_in_dim3A_59 {strides = array<i32>} : memref<128xi32, #tpu.memory_space<vmem>>, vector<16xi32>,
      }
      %scan3A_22 = arith.constant 8 : i32
      %scan3A_23 = arith.constant 2.000000e+00 : f32
      %scan3A_24 = arith.constant -1 : i32
      %scan3A_25 = arith.constant 0 : i32
      %scan3A_26 = arith.constant 100 : i32
      %scan3A_27 = arith.addi %scan3A_25, %scan3A_26 : i32
      %scan3A_28 = arith.constant 1 : i32
      %scan3A_29:2 = scf.for %scan3A_53 = %scan3A_25 to %scan3A_27 step %scan3A_28 iter_args(%scan3A_54 = %scan3A_23, %scan3A_55 = %scan3A_24) -> (f32, i32)  : i32 {
        %broadcast_in_dim3A = arith.constant -1.000000e+00 : f32
        %broadcast_in_dim3A_56 = vector.broadcast %broadcast_in_dim3A : f32 to vector<16xf32>
        %broadcast_in_dim3A_57 = arith.constant 2147483647 : i32
        %broadcast_in_dim3A_58 = vector.broadcast %broadcast_in_dim3A_57 : i32 to vector<16xi32>
        %while3A = arith.constant 0 : i32
        %while3A_59 = arith.subi %div3A_11, %while3A : i32
        %while3A_60 = arith.addi %while3A, %while3A_59 : i32
        %while3A_61 = arith.constant 1 : i32
        %while3A_62 = arith.divsi %while3A_59, %while3A_61 : i32
        %while3A_63 = arith.muli %while3A_62, %while3A_61 : i32
        %while3A_64 = arith.addi %while3A, %while3A_63 : i32
        %while3A_65 = arith.constant 1 : i32
        %while3A_66:2 = scf.for %while3A_87 = %while3A to %while3A_64 step %while3A_65 iter_args(%while3A_88 = %broadcast_in_dim3A_56, %while3A_89 = %broadcast_in_dim3A_58) -> (vector<16xf32>, vector<16xi32>)  : i32 {
          %mul3A_90 = arith.constant 16 : i32
          %mul3A_91 = arith.muli %while3A_87, %mul3A_90 : i32
          %get3A_92 = arith.index_cast %mul3A_91 : i32 to index
          %get3A_93 = tpu.vector_load %arg10[%get3A_92] {strides = array<i32>} : memref<8192xf32, #tpu.memory_space<vmem>>, vector<16xf32>,
          %mul3A_94 = arith.constant 16 : i32
          %mul3A_95 = arith.muli %while3A_87, %mul3A_94 : i32
          %get3A_96 = arith.index_cast %mul3A_95 : i32 to index
          %get3A_97 = tpu.vector_load %arg11[%get3A_96] {strides = array<i32>} : memref<8192xi32, #tpu.memory_space<vmem>>, vector<16xi32>,
          %mul3A_98 = arith.constant 16 : i32
          %mul3A_99 = arith.muli %while3A_87, %mul3A_98 : i32
          %add3A_100 = vector.broadcast %mul3A_99 : i32 to vector<16xi32>
          %add3A_101 = arith.addi %add3A_100, %iota3A : vector<16xi32>
          %lt3A_102 = vector.broadcast %squeeze3A : i32 to vector<16xi32>
          %lt3A_103 = arith.cmpi slt, %add3A_101, %lt3A_102 : vector<16xi32>
          %lt3A_104 = vector.broadcast %scan3A_54 : f32 to vector<16xf32>
          %lt3A_105 = arith.cmpf olt, %get3A_93, %lt3A_104 : vector<16xf32>
          %eq3A_106 = vector.broadcast %scan3A_54 : f32 to vector<16xf32>
          %eq3A_107 = arith.cmpf oeq, %get3A_93, %eq3A_106 : vector<16xf32>
          %gt3A = vector.broadcast %scan3A_55 : i32 to vector<16xi32>
          %gt3A_108 = arith.cmpi sgt, %get3A_97, %gt3A : vector<16xi32>
          %and3A = arith.andi %eq3A_107, %gt3A_108 : vector<16xi1>
          %or3A = arith.ori %lt3A_105, %and3A : vector<16xi1>
          %and3A_109 = arith.andi %lt3A_103, %or3A : vector<16xi1>
          %gt3A_110 = arith.cmpf ogt, %get3A_93, %while3A_88 : vector<16xf32>
          %eq3A_111 = arith.cmpf oeq, %get3A_93, %while3A_88 : vector<16xf32>
          %lt3A_112 = arith.cmpi slt, %get3A_97, %while3A_89 : vector<16xi32>
          %and3A_113 = arith.andi %eq3A_111, %lt3A_112 : vector<16xi1>
          %or3A_114 = arith.ori %gt3A_110, %and3A_113 : vector<16xi1>
          %and3A_115 = arith.andi %and3A_109, %or3A_114 : vector<16xi1>
          %select_n3A_116 = arith.select %and3A_115, %get3A_93, %while3A_88 : vector<16xi1>, vector<16xf32>
          %select_n3A_117 = arith.select %and3A_115, %get3A_97, %while3A_89 : vector<16xi1>, vector<16xi32>
          scf.yield %select_n3A_116, %select_n3A_117 : vector<16xf32>, vector<16xi32>
        }
        %while3A_67 = arith.constant 1 : i32
        %while3A_68:2 = scf.for %while3A_87 = %while3A_64 to %while3A_60 step %while3A_67 iter_args(%while3A_88 = %while3A_66#0, %while3A_89 = %while3A_66#1) -> (vector<16xf32>, vector<16xi32>)  : i32 {
          %mul3A_90 = arith.constant 16 : i32
          %mul3A_91 = arith.muli %while3A_87, %mul3A_90 : i32
          %get3A_92 = arith.index_cast %mul3A_91 : i32 to index
          %get3A_93 = tpu.vector_load %arg10[%get3A_92] {strides = array<i32>} : memref<8192xf32, #tpu.memory_space<vmem>>, vector<16xf32>,
          %mul3A_94 = arith.constant 16 : i32
          %mul3A_95 = arith.muli %while3A_87, %mul3A_94 : i32
          %get3A_96 = arith.index_cast %mul3A_95 : i32 to index
          %get3A_97 = tpu.vector_load %arg11[%get3A_96] {strides = array<i32>} : memref<8192xi32, #tpu.memory_space<vmem>>, vector<16xi32>,
          %mul3A_98 = arith.constant 16 : i32
          %mul3A_99 = arith.muli %while3A_87, %mul3A_98 : i32
          %add3A_100 = vector.broadcast %mul3A_99 : i32 to vector<16xi32>
          %add3A_101 = arith.addi %add3A_100, %iota3A : vector<16xi32>
          %lt3A_102 = vector.broadcast %squeeze3A : i32 to vector<16xi32>
          %lt3A_103 = arith.cmpi slt, %add3A_101, %lt3A_102 : vector<16xi32>
          %lt3A_104 = vector.broadcast %scan3A_54 : f32 to vector<16xf32>
          %lt3A_105 = arith.cmpf olt, %get3A_93, %lt3A_104 : vector<16xf32>
          %eq3A_106 = vector.broadcast %scan3A_54 : f32 to vector<16xf32>
          %eq3A_107 = arith.cmpf oeq, %get3A_93, %eq3A_106 : vector<16xf32>
          %gt3A = vector.broadcast %scan3A_55 : i32 to vector<16xi32>
          %gt3A_108 = arith.cmpi sgt, %get3A_97, %gt3A : vector<16xi32>
          %and3A = arith.andi %eq3A_107, %gt3A_108 : vector<16xi1>
          %or3A = arith.ori %lt3A_105, %and3A : vector<16xi1>
          %and3A_109 = arith.andi %lt3A_103, %or3A : vector<16xi1>
          %gt3A_110 = arith.cmpf ogt, %get3A_93, %while3A_88 : vector<16xf32>
          %eq3A_111 = arith.cmpf oeq, %get3A_93, %while3A_88 : vector<16xf32>
          %lt3A_112 = arith.cmpi slt, %get3A_97, %while3A_89 : vector<16xi32>
          %and3A_113 = arith.andi %eq3A_111, %lt3A_112 : vector<16xi1>
          %or3A_114 = arith.ori %gt3A_110, %and3A_113 : vector<16xi1>
          %and3A_115 = arith.andi %and3A_109, %or3A_114 : vector<16xi1>
          %select_n3A_116 = arith.select %and3A_115, %get3A_93, %while3A_88 : vector<16xi1>, vector<16xf32>
          %select_n3A_117 = arith.select %and3A_115, %get3A_97, %while3A_89 : vector<16xi1>, vector<16xi32>
          scf.yield %select_n3A_116, %select_n3A_117 : vector<16xf32>, vector<16xi32>
        }
        %reduce_max3A = arith.constant true
        %reduce_max3A_69 = vector.broadcast %reduce_max3A : i1 to vector<16xi1>
        %reduce_max3A_70 = tpu.scan <max>, %while3A_68#0 masked %reduce_max3A_69 : vector<16xf32>, vector<16xi1> -> vector<16xf32>
        %reduce_max3A_71 = vector.extract %reduce_max3A_70[15] : f32 from vector<16xf32>
        %eq3A = vector.broadcast %reduce_max3A_71 : f32 to vector<16xf32>
        %eq3A_72 = arith.cmpf oeq, %while3A_68#0, %eq3A : vector<16xf32>
        %jit3A = arith.constant 2147483647 : i32
        %broadcast_in_dim3A_73 = vector.broadcast %jit3A : i32 to vector<16xi32>
        %select_n3A = arith.select %eq3A_72, %while3A_68#1, %broadcast_in_dim3A_73 : vector<16xi1>, vector<16xi32>
        %reduce_min3A = arith.constant true
        %reduce_min3A_74 = vector.broadcast %reduce_min3A : i1 to vector<16xi1>
        %reduce_min3A_75 = arith.constant -2147483648 : i32
        %reduce_min3A_76 = vector.broadcast %reduce_min3A_75 : i32 to vector<16xi32>
        %reduce_min3A_77 = arith.xori %select_n3A, %reduce_min3A_76 : vector<16xi32>
        %reduce_min3A_78 = tpu.scan <min>, %reduce_min3A_77 masked %reduce_min3A_74 : vector<16xi32>, vector<16xi1> -> vector<16xi32>
        %reduce_min3A_79 = arith.xori %reduce_min3A_78, %reduce_min3A_76 : vector<16xi32>
        %reduce_min3A_80 = vector.extract %reduce_min3A_79[15] : i32 from vector<16xi32>
        %broadcast_in_dim3A_81 = vector.broadcast %scan3A_53 : i32 to vector<16xi32>
        %eq3A_82 = arith.constant 0 : i32
        %eq3A_83 = vector.broadcast %eq3A_82 : i32 to vector<16xi32>
        %eq3A_84 = arith.cmpi eq, %iota3A, %eq3A_83 : vector<16xi32>
        %broadcast_in_dim3A_85 = vector.broadcast %reduce_max3A_71 : f32 to vector<16xf32>
        tpu.vector_store_idx %arg12[%broadcast_in_dim3A_81], %broadcast_in_dim3A_85 masked %eq3A_84 : memref<128xf32, #tpu.memory_space<vmem>>[vector<16xi32>], vector<16xf32>, vector<16xi1>
        %broadcast_in_dim3A_86 = vector.broadcast %reduce_min3A_80 : i32 to vector<16xi32>
        tpu.vector_store_idx %arg13[%broadcast_in_dim3A_81], %broadcast_in_dim3A_86 masked %eq3A_84 : memref<128xi32, #tpu.memory_space<vmem>>[vector<16xi32>], vector<16xi32>, vector<16xi1>
        scf.yield %reduce_max3A_71, %reduce_min3A_80 : f32, i32
      }
      %scan3A_30 = arith.constant 100 : i32
      %scan3A_31 = arith.constant 0 : i32
      %scan3A_32 = arith.constant 0 : i32
      %scan3A_33 = arith.constant 8 : i32
      %scan3A_34 = arith.addi %scan3A_32, %scan3A_33 : i32
      %scan3A_35 = arith.constant 1 : i32
      scf.for %scan3A_53 = %scan3A_32 to %scan3A_34 step %scan3A_35  : i32 {
        %mul3A_54 = arith.constant 16 : i32
        %mul3A_55 = arith.muli %scan3A_53, %mul3A_54 : i32
        %get3A_56 = arith.index_cast %mul3A_55 : i32 to index
        %get3A_57 = tpu.vector_load %arg13[%get3A_56] {strides = array<i32>} : memref<128xi32, #tpu.memory_space<vmem>>, vector<16xi32>,
        %rem3A = arith.constant 91 : i32
        %rem3A_58 = vector.broadcast %rem3A : i32 to vector<16xi32>
        %rem3A_59 = arith.remsi %get3A_57, %rem3A_58 : vector<16xi32>
        %mul3A_60 = arith.constant 16 : i32
        %mul3A_61 = arith.muli %scan3A_53, %mul3A_60 : i32
        %swap3A = arith.index_cast %mul3A_61 : i32 to index
        %swap3A_62 = tpu.vector_load %arg14[%swap3A] {strides = array<i32>} : memref<128xi32, #tpu.memory_space<vmem>>, vector<16xi32>,
        tpu.vector_store %arg14[%swap3A], %rem3A_59 {strides = array<i32>} : memref<128xi32, #tpu.memory_space<vmem>>, vector<16xi32>,
        %mul3A_63 = arith.constant 80000 : i32
        %mul3A_64 = arith.muli %add3A, %mul3A_63 : i32
        %div3A_65 = arith.constant 91 : i32
        %div3A_66 = vector.broadcast %div3A_65 : i32 to vector<16xi32>
        %div3A_67 = arith.divsi %get3A_57, %div3A_66 : vector<16xi32>
        %mul3A_68 = arith.constant 4 : i32
        %mul3A_69 = vector.broadcast %mul3A_68 : i32 to vector<16xi32>
        %mul3A_70 = arith.muli %div3A_67, %mul3A_69 : vector<16xi32>
        %add3A_71 = vector.broadcast %mul3A_64 : i32 to vector<16xi32>
        %add3A_72 = arith.addi %add3A_71, %mul3A_70 : vector<16xi32>
        %mul3A_73 = arith.constant 16 : i32
        %mul3A_74 = arith.muli %scan3A_53, %mul3A_73 : i32
        %add3A_75 = arith.constant 0 : i32
        %add3A_76 = arith.addi %add3A_75, %mul3A_74 : i32
        %swap3A_77 = arith.index_cast %add3A_76 : i32 to index
        %swap3A_78 = tpu.vector_load %arg15[%swap3A_77] {strides = array<i32>} : memref<512xi32, #tpu.memory_space<vmem>>, vector<16xi32>,
        tpu.vector_store %arg15[%swap3A_77], %add3A_72 {strides = array<i32>} : memref<512xi32, #tpu.memory_space<vmem>>, vector<16xi32>,
        %add3A_79 = arith.constant 1 : i32
        %add3A_80 = vector.broadcast %add3A_79 : i32 to vector<16xi32>
        %add3A_81 = arith.addi %add3A_72, %add3A_80 : vector<16xi32>
        %mul3A_82 = arith.constant 16 : i32
        %mul3A_83 = arith.muli %scan3A_53, %mul3A_82 : i32
        %add3A_84 = arith.constant 128 : i32
        %add3A_85 = arith.addi %add3A_84, %mul3A_83 : i32
        %swap3A_86 = arith.index_cast %add3A_85 : i32 to index
        %swap3A_87 = tpu.vector_load %arg15[%swap3A_86] {strides = array<i32>} : memref<512xi32, #tpu.memory_space<vmem>>, vector<16xi32>,
        tpu.vector_store %arg15[%swap3A_86], %add3A_81 {strides = array<i32>} : memref<512xi32, #tpu.memory_space<vmem>>, vector<16xi32>,
        %add3A_88 = arith.constant 2 : i32
        %add3A_89 = vector.broadcast %add3A_88 : i32 to vector<16xi32>
        %add3A_90 = arith.addi %add3A_72, %add3A_89 : vector<16xi32>
        %mul3A_91 = arith.constant 16 : i32
        %mul3A_92 = arith.muli %scan3A_53, %mul3A_91 : i32
        %add3A_93 = arith.constant 256 : i32
        %add3A_94 = arith.addi %add3A_93, %mul3A_92 : i32
        %swap3A_95 = arith.index_cast %add3A_94 : i32 to index
        %swap3A_96 = tpu.vector_load %arg15[%swap3A_95] {strides = array<i32>} : memref<512xi32, #tpu.memory_space<vmem>>, vector<16xi32>,
        tpu.vector_store %arg15[%swap3A_95], %add3A_90 {strides = array<i32>} : memref<512xi32, #tpu.memory_space<vmem>>, vector<16xi32>,
        %add3A_97 = arith.constant 3 : i32
        %add3A_98 = vector.broadcast %add3A_97 : i32 to vector<16xi32>
        %add3A_99 = arith.addi %add3A_72, %add3A_98 : vector<16xi32>
        %mul3A_100 = arith.constant 16 : i32
        %mul3A_101 = arith.muli %scan3A_53, %mul3A_100 : i32
        %add3A_102 = arith.constant 384 : i32
        %add3A_103 = arith.addi %add3A_102, %mul3A_101 : i32
        %swap3A_104 = arith.index_cast %add3A_103 : i32 to index
        %swap3A_105 = tpu.vector_load %arg15[%swap3A_104] {strides = array<i32>} : memref<512xi32, #tpu.memory_space<vmem>>, vector<16xi32>,
        tpu.vector_store %arg15[%swap3A_104], %add3A_99 {strides = array<i32>} : memref<512xi32, #tpu.memory_space<vmem>>, vector<16xi32>,
      }
      %scan3A_36 = arith.constant 8 : i32
      %dma_start3A = arith.constant 0 : i32
      %dma_start3A_37 = tpu.memref_slice %arg5[%dma_start3A] : memref<1280000xf32, #tpu.memory_space<hbm>> -> memref<1280000xf32, #tpu.memory_space<hbm>>
      tpu.enqueue_indirect_dma source(%dma_start3A_37 : memref<1280000xf32, #tpu.memory_space<hbm>>) target(%arg16 : memref<512xf32, #tpu.memory_space<vmem>>) offsets(%arg15 : memref<512xi32, #tpu.memory_space<vmem>>) semaphore(%arg20 : memref<!tpu.dma_semaphore, #tpu.memory_space<semaphore_mem>>)
      %dma_wait3A = arith.constant 0 : i32
      %dma_wait3A_38 = tpu.memref_slice %arg5[%dma_wait3A] : memref<1280000xf32, #tpu.memory_space<hbm>> -> memref<1280000xf32, #tpu.memory_space<hbm>>
      tpu.wait_indirect_dma semaphore(%arg20 : memref<!tpu.dma_semaphore, #tpu.memory_space<semaphore_mem>>) src(%dma_wait3A_38 : memref<1280000xf32, #tpu.memory_space<hbm>>) dst(%arg16 : memref<512xf32, #tpu.memory_space<vmem>>)
      %scan3A_39 = arith.constant 0 : i32
      %scan3A_40 = arith.constant 0 : i32
      %scan3A_41 = arith.constant 8 : i32
      %scan3A_42 = arith.addi %scan3A_40, %scan3A_41 : i32
      %scan3A_43 = arith.constant 1 : i32
      scf.for %scan3A_53 = %scan3A_40 to %scan3A_42 step %scan3A_43  : i32 {
        %mul3A_54 = arith.constant 16 : i32
        %mul3A_55 = arith.muli %scan3A_53, %mul3A_54 : i32
        %add3A_56 = arith.constant 0 : i32
        %add3A_57 = arith.addi %add3A_56, %mul3A_55 : i32
        %get3A_58 = arith.index_cast %add3A_57 : i32 to index
        %get3A_59 = tpu.vector_load %arg16[%get3A_58] {strides = array<i32>} : memref<512xf32, #tpu.memory_space<vmem>>, vector<16xf32>,
        %mul3A_60 = arith.constant 16 : i32
        %mul3A_61 = arith.muli %scan3A_53, %mul3A_60 : i32
        %add3A_62 = arith.constant 128 : i32
        %add3A_63 = arith.addi %add3A_62, %mul3A_61 : i32
        %get3A_64 = arith.index_cast %add3A_63 : i32 to index
        %get3A_65 = tpu.vector_load %arg16[%get3A_64] {strides = array<i32>} : memref<512xf32, #tpu.memory_space<vmem>>, vector<16xf32>,
        %mul3A_66 = arith.constant 16 : i32
        %mul3A_67 = arith.muli %scan3A_53, %mul3A_66 : i32
        %add3A_68 = arith.constant 256 : i32
        %add3A_69 = arith.addi %add3A_68, %mul3A_67 : i32
        %get3A_70 = arith.index_cast %add3A_69 : i32 to index
        %get3A_71 = tpu.vector_load %arg16[%get3A_70] {strides = array<i32>} : memref<512xf32, #tpu.memory_space<vmem>>, vector<16xf32>,
        %mul3A_72 = arith.constant 16 : i32
        %mul3A_73 = arith.muli %scan3A_53, %mul3A_72 : i32
        %add3A_74 = arith.constant 384 : i32
        %add3A_75 = arith.addi %add3A_74, %mul3A_73 : i32
        %get3A_76 = arith.index_cast %add3A_75 : i32 to index
        %get3A_77 = tpu.vector_load %arg16[%get3A_76] {strides = array<i32>} : memref<512xf32, #tpu.memory_space<vmem>>, vector<16xf32>,
        %mul3A_78 = arith.constant 5.000000e-01 : f32
        %mul3A_79 = vector.broadcast %mul3A_78 : f32 to vector<16xf32>
        %mul3A_80 = arith.mulf %mul3A_79, %get3A_71 : vector<16xf32>
        %sub3A = arith.subf %get3A_59, %mul3A_80 : vector<16xf32>
        %mul3A_81 = vector.broadcast %squeeze3A_17 : f32 to vector<16xf32>
        %mul3A_82 = arith.mulf %sub3A, %mul3A_81 : vector<16xf32>
        %mul3A_83 = arith.constant 5.000000e-01 : f32
        %mul3A_84 = vector.broadcast %mul3A_83 : f32 to vector<16xf32>
        %mul3A_85 = arith.mulf %mul3A_84, %get3A_77 : vector<16xf32>
        %sub3A_86 = arith.subf %get3A_65, %mul3A_85 : vector<16xf32>
        %mul3A_87 = vector.broadcast %squeeze3A_15 : f32 to vector<16xf32>
        %mul3A_88 = arith.mulf %sub3A_86, %mul3A_87 : vector<16xf32>
        %mul3A_89 = arith.constant 5.000000e-01 : f32
        %mul3A_90 = vector.broadcast %mul3A_89 : f32 to vector<16xf32>
        %mul3A_91 = arith.mulf %mul3A_90, %get3A_71 : vector<16xf32>
        %add3A_92 = arith.addf %get3A_59, %mul3A_91 : vector<16xf32>
        %mul3A_93 = vector.broadcast %squeeze3A_17 : f32 to vector<16xf32>
        %mul3A_94 = arith.mulf %add3A_92, %mul3A_93 : vector<16xf32>
        %mul3A_95 = arith.constant 5.000000e-01 : f32
        %mul3A_96 = vector.broadcast %mul3A_95 : f32 to vector<16xf32>
        %mul3A_97 = arith.mulf %mul3A_96, %get3A_77 : vector<16xf32>
        %add3A_98 = arith.addf %get3A_65, %mul3A_97 : vector<16xf32>
        %mul3A_99 = vector.broadcast %squeeze3A_15 : f32 to vector<16xf32>
        %mul3A_100 = arith.mulf %add3A_98, %mul3A_99 : vector<16xf32>
        %mul3A_101 = arith.constant 64 : i32
        %mul3A_102 = arith.muli %scan3A_53, %mul3A_101 : i32
        %mul3A_103 = arith.constant 4 : i32
        %mul3A_104 = vector.broadcast %mul3A_103 : i32 to vector<16xi32>
        %mul3A_105 = arith.muli %iota3A, %mul3A_104 : vector<16xi32>
        %add3A_106 = vector.broadcast %mul3A_102 : i32 to vector<16xi32>
        %add3A_107 = arith.addi %add3A_106, %mul3A_105 : vector<16xi32>
        tpu.vector_store_idx %arg17[%add3A_107], %mul3A_82 : memref<512xf32, #tpu.memory_space<vmem>>[vector<16xi32>], vector<16xf32>,
        %add3A_108 = arith.constant 1 : i32
        %add3A_109 = vector.broadcast %add3A_108 : i32 to vector<16xi32>
        %add3A_110 = arith.addi %add3A_107, %add3A_109 : vector<16xi32>
        tpu.vector_store_idx %arg17[%add3A_110], %mul3A_88 : memref<512xf32, #tpu.memory_space<vmem>>[vector<16xi32>], vector<16xf32>,
        %add3A_111 = arith.constant 2 : i32
        %add3A_112 = vector.broadcast %add3A_111 : i32 to vector<16xi32>
        %add3A_113 = arith.addi %add3A_107, %add3A_112 : vector<16xi32>
        tpu.vector_store_idx %arg17[%add3A_113], %mul3A_94 : memref<512xf32, #tpu.memory_space<vmem>>[vector<16xi32>], vector<16xf32>,
        %add3A_114 = arith.constant 3 : i32
        %add3A_115 = vector.broadcast %add3A_114 : i32 to vector<16xi32>
        %add3A_116 = arith.addi %add3A_107, %add3A_115 : vector<16xi32>
        tpu.vector_store_idx %arg17[%add3A_116], %mul3A_100 : memref<512xf32, #tpu.memory_space<vmem>>[vector<16xi32>], vector<16xf32>,
      }
      %scan3A_44 = arith.constant 8 : i32
      %mul3A_45 = arith.constant 128 : i32
      %mul3A_46 = arith.muli %add3A, %mul3A_45 : i32
      %multiple_of3A_47 = tpu.assume_multiple %mul3A_46, 8 : i32
      %mul3A_48 = arith.constant 128 : i32
      %mul3A_49 = arith.muli %add3A, %mul3A_48 : i32
      %mul3A_50 = arith.constant 4 : i32
      %mul3A_51 = arith.muli %mul3A_49, %mul3A_50 : i32
      %multiple_of3A_52 = tpu.assume_multiple %mul3A_51, 8 : i32
      "tpu.region"() ({
        %run_scoped3A = tpu.sem_alloc : memref<!tpu.dma_semaphore, #tpu.memory_space<semaphore_mem>>
        %dma_start3A_53 = tpu.memref_slice %arg7[%multiple_of3A_47] : memref<2048xf32, #tpu.memory_space<hbm>> -> memref<128xf32, #tpu.memory_space<hbm>>
        %dma_start3A_54 = tpu.memref_slice %arg7[%multiple_of3A_47] : memref<2048xf32, #tpu.memory_space<hbm>> -> memref<128xf32, #tpu.memory_space<hbm>>
        tpu.enqueue_dma source(%arg12 : memref<128xf32, #tpu.memory_space<vmem>>) target(%dma_start3A_54 : memref<128xf32, #tpu.memory_space<hbm>>) target_semaphore(%run_scoped3A : memref<!tpu.dma_semaphore, #tpu.memory_space<semaphore_mem>>)
        %dma_wait3A_55 = tpu.memref_slice %arg7[%multiple_of3A_47] : memref<2048xf32, #tpu.memory_space<hbm>> -> memref<128xf32, #tpu.memory_space<hbm>>
        %dma_wait3A_56 = tpu.memref_slice %arg7[%multiple_of3A_47] : memref<2048xf32, #tpu.memory_space<hbm>> -> memref<128xf32, #tpu.memory_space<hbm>>
        tpu.wait_dma2 semaphore(%run_scoped3A : memref<!tpu.dma_semaphore, #tpu.memory_space<semaphore_mem>>) src(%arg12 : memref<128xf32, #tpu.memory_space<vmem>>) dst(%dma_wait3A_56 : memref<128xf32, #tpu.memory_space<hbm>>)
        tpu.yield
      }) : () -> ()
      "tpu.region"() ({
        %run_scoped3A = tpu.sem_alloc : memref<!tpu.dma_semaphore, #tpu.memory_space<semaphore_mem>>
        %dma_start3A_53 = tpu.memref_slice %arg8[%multiple_of3A_47] : memref<2048xi32, #tpu.memory_space<hbm>> -> memref<128xi32, #tpu.memory_space<hbm>>
        %dma_start3A_54 = tpu.memref_slice %arg8[%multiple_of3A_47] : memref<2048xi32, #tpu.memory_space<hbm>> -> memref<128xi32, #tpu.memory_space<hbm>>
        tpu.enqueue_dma source(%arg14 : memref<128xi32, #tpu.memory_space<vmem>>) target(%dma_start3A_54 : memref<128xi32, #tpu.memory_space<hbm>>) target_semaphore(%run_scoped3A : memref<!tpu.dma_semaphore, #tpu.memory_space<semaphore_mem>>)
        %dma_wait3A_55 = tpu.memref_slice %arg8[%multiple_of3A_47] : memref<2048xi32, #tpu.memory_space<hbm>> -> memref<128xi32, #tpu.memory_space<hbm>>
        %dma_wait3A_56 = tpu.memref_slice %arg8[%multiple_of3A_47] : memref<2048xi32, #tpu.memory_space<hbm>> -> memref<128xi32, #tpu.memory_space<hbm>>
        tpu.wait_dma2 semaphore(%run_scoped3A : memref<!tpu.dma_semaphore, #tpu.memory_space<semaphore_mem>>) src(%arg14 : memref<128xi32, #tpu.memory_space<vmem>>) dst(%dma_wait3A_56 : memref<128xi32, #tpu.memory_space<hbm>>)
        tpu.yield
      }) : () -> ()
      "tpu.region"() ({
        %run_scoped3A = tpu.sem_alloc : memref<!tpu.dma_semaphore, #tpu.memory_space<semaphore_mem>>
        %dma_start3A_53 = tpu.memref_slice %arg9[%multiple_of3A_52] : memref<8192xf32, #tpu.memory_space<hbm>> -> memref<512xf32, #tpu.memory_space<hbm>>
        %dma_start3A_54 = tpu.memref_slice %arg9[%multiple_of3A_52] : memref<8192xf32, #tpu.memory_space<hbm>> -> memref<512xf32, #tpu.memory_space<hbm>>
        tpu.enqueue_dma source(%arg17 : memref<512xf32, #tpu.memory_space<vmem>>) target(%dma_start3A_54 : memref<512xf32, #tpu.memory_space<hbm>>) target_semaphore(%run_scoped3A : memref<!tpu.dma_semaphore, #tpu.memory_space<semaphore_mem>>)
        %dma_wait3A_55 = tpu.memref_slice %arg9[%multiple_of3A_52] : memref<8192xf32, #tpu.memory_space<hbm>> -> memref<512xf32, #tpu.memory_space<hbm>>
        %dma_wait3A_56 = tpu.memref_slice %arg9[%multiple_of3A_52] : memref<8192xf32, #tpu.memory_space<hbm>> -> memref<512xf32, #tpu.memory_space<hbm>>
        tpu.wait_dma2 semaphore(%run_scoped3A : memref<!tpu.dma_semaphore, #tpu.memory_space<semaphore_mem>>) src(%arg17 : memref<512xf32, #tpu.memory_space<vmem>>) dst(%dma_wait3A_56 : memref<512xf32, #tpu.memory_space<hbm>>)
        tpu.yield
      }) : () -> ()
    } else {
    }
    return
  }
}

</mosaic_0001>

<sc_bundles>
// kernel: kernel.4.cloned.1.call-start
scs
__scs_entry_jumppad:
0x0: {  	(pc) =	sbr.rel $0x88, $3  }
0x1: {  	(tag) =	ssettag $0x0;
	lr =	simm.s32 $0x1  }
0x2: {  	[smem:$0x3F9E] =	sst lr;
	_ =	strace $0xD0000000  }
0x3: {  	_ = 	snop  }
0x4: {  	_ = 	snop  }
0x5: {  	_ = 	snop  }
0x6: {  	_ = 	snop  }
0x7: {  	_ = 	snop  }
__scs_overlays_trampoline_lowered:
0x8: {  	[smem:$0x3FAD] =	sst s0  }
0x9: {  	[smem:$0x3FAE] =	sst s1  }
0xa: {  	[smem:$0x3FAF] =	sst s2  }
0xb: {  	[smem:$0x3FB0] =	sst s3  }
0xc: {  	[smem:$0x3FB1] =	sst s4  }
0xd: {  	[smem:$0x3FB2] =	sst s5  }
0xe: {  	[smem:$0x3FB3] =	sst s6  }
0xf: {  	[smem:$0x3FB4] =	sst s7  }
0x10: {  	[smem:$0x3FB5] =	sst s8  }
0x11: {  	[smem:$0x3FB6] =	sst s9;
	s0 =	simm.s32 @!p0 $0x0  }
0x12: {  	s1 =	sld [smem:$0x3F9C];
	s0 =	simm.s32 @p0 $0x1  }
0x13: {  	[smem:$0x3FB7] =	sst s0;
	s0 =	simm.s32 @!p1 $0x0  }
0x14: {  	s2 =	sld [smem:$0x3F9B];
	s0 =	simm.s32 @p1 $0x1  }
0x15: {  	[smem:$0x3FB8] =	sst s0;
	s0 =	simm.s32 @!p2 $0x0  }
0x16: {  	s3 =	sld [smem:$0x3FDB];
	s0 =	simm.s32 @p2 $0x1  }
0x17: {  	s4 =	simm.s32 $0x1BF5;
	[smem:$0x3FBA] =	sst s0  }
0x18: {  	s0 =	sld [smem:$0x3F9D];
	_ =	swait.ge [sflag:s4], $0x0  }
0x19: {  	s7 =	sld [smem:$0x3F9E]  }
0x1a: {  	s8 =	sadd.s32 $0xFFFFE003, lr  }
0x1b: {  	s9 =	sadd.s32 $0xFFFFFEF7, lr;
	s5 =	simm.s32 $0xFFFFFFFF;
	p2 =	slt.u32 s8, $0xFFFFF086  }
0x1c: {  	p1 =	slt.u32 s9, $0xF7A;
	s5 =	simm.s32 @!p2 $0x0  }
0x1d: {  	s5 =	simm.s32 @p1 $0x1;
	p0 =	seq.s32 s7, s2  }
0x1e: {  	s7 =	smul.u32 @!p0 $0xF7A, s2;
	p2 =	seq.s32 @!p0 s5, $0x0  }
0x1f: {  	s9 =	smul.u32 $0xF7A, s1;
	s8 =	simm.s32 @!p0 $0x1BF5;
	p2 =	por !p2, p0  }
0x20: {  	[sflag:s8] =	ssyncset.s32 @!p0 $0xFFFFF086;
	s6 =	sadd.s32 @!p0 s3, s7;
	s7 =	simm.s32 @!p0 $0x108  }
0x21: {  	s3 =	sadd.s32 s3, s9;
	s6 =	sadd.s32 @!p0 $0x88, s6;
	s7 =	simm.s32 @p2 $0x1082  }
0x22: {  	[simem:s7], [sflag:s8] =	dma.local @!p0 [hbm:s6], $0xF7A  }
0x23: {  	s9 =	sor.u32 $0xD0000000, s2;
	s6 =	simm.s32 $0x108;
	_ =	swait.ge @!p0 [sflag:s8], $0x0  }
0x24: {  	s3 =	sadd.s32 $0x88, s3;
	s6 =	simm.s32 @!p1 $0x1082;
	[sflag:s4] =	ssyncset.s32 $0xFFFFF086  }
0x25: {  	[simem:s6], [sflag:s4] =	dma.local [hbm:s3], $0xF7A  }
0x26: {  	[smem:$0x3F9E] =	sst s1;
	(tag) =	ssettag s2;
	_ =	strace s9  }
0x27: {  	s1 =	sld [smem:$0x3FAE]  }
0x28: {  	s2 =	sld [smem:$0x3FAF]  }
0x29: {  	s4 =	sld [smem:$0x3FB1]  }
0x2a: {  	p0 =	seq.s32 s5, $0x0;
	s5 =	sld [smem:$0x3FB2]  }
0x2b: {  	s6 =	sld [smem:$0x3FB3]  }
0x2c: {  	s7 =	sld [smem:$0x3FB4]  }
0x2d: {  	s3 =	simm.s32 $0x108;
	s8 =	sld [smem:$0x3FB5]  }
0x2e: {  	s3 =	simm.s32 @!p0 $0x1082;
	s9 =	sld [smem:$0x3FB6]  }
0x2f: {  	lr =	sadd.s32 s0, s3;
	s0 =	sld [smem:$0x3FAD]  }
0x30: {  	s3 =	sld [smem:$0x3FB0]  }
0x31: {  	[smem:$0x3FB9] =	sst s10  }
0x32: {  	s10 =	sld [smem:$0x3FB7];
	_ =	sdelay $0x3  }
0x33: {  	p0 =	seq.s32 s10, $0x1;
	s10 =	sld [smem:$0x3FB9];
	_ =	sdelay $0x3  }
0x34: {  	[smem:$0x3FB9] =	sst s10  }
0x35: {  	s10 =	sld [smem:$0x3FB8];
	_ =	sdelay $0x3  }
0x36: {  	p1 =	seq.s32 s10, $0x1;
	s10 =	sld [smem:$0x3FB9];
	_ =	sdelay $0x3  }
0x37: {  	[smem:$0x3FB9] =	sst s10  }
0x38: {  	s10 =	sld [smem:$0x3FBA]  }
0x39: {  	_ = 	snop;
	(pc) =	sbr.ind lr, $3  }
0x3a: {  	_ = 	snop  }
0x3b: {  	_ = 	snop  }
0x3c: {  	p2 =	seq.s32 s10, $0x1;
	s10 =	sld [smem:$0x3FB9]  }
0x3d: {  	_ =	shalt  }
0x3e: {  	_ =	shalt  }
0x3f: {  	_ =	shalt  }
0x40: {  	_ =	shalt  }
0x41: {  	_ =	shalt  }
0x42: {  	_ =	shalt  }
0x43: {  	_ =	shalt  }
0x44: {  	_ =	shalt  }
0x45: {  	_ =	shalt  }
0x46: {  	_ =	shalt  }
0x47: {  	_ =	shalt  }
0x48: {  	_ =	shalt  }
0x49: {  	_ =	shalt  }
0x4a: {  	_ =	shalt  }
0x4b: {  	_ =	shalt  }
0x4c: {  	_ =	shalt  }
0x4d: {  	_ =	shalt  }
0x4e: {  	_ =	shalt  }
0x4f: {  	_ =	shalt  }
0x50: {  	_ =	shalt  }
0x51: {  	_ =	shalt  }
0x52: {  	_ =	shalt  }
0x53: {  	_ =	shalt  }
0x54: {  	_ =	shalt  }
0x55: {  	_ =	shalt  }
0x56: {  	_ =	shalt  }
0x57: {  	_ =	shalt  }
0x58: {  	_ =	shalt  }
0x59: {  	_ =	shalt  }
0x5a: {  	_ =	shalt  }
0x5b: {  	_ =	shalt  }
0x5c: {  	_ =	shalt  }
0x5d: {  	_ =	shalt  }
0x5e: {  	_ =	shalt  }
0x5f: {  	_ =	shalt  }
0x60: {  	_ =	shalt  }
0x61: {  	_ =	shalt  }
0x62: {  	_ =	shalt  }
0x63: {  	_ =	shalt  }
0x64: {  	_ =	shalt  }
0x65: {  	_ =	shalt  }
0x66: {  	_ =	shalt  }
0x67: {  	_ =	shalt  }
0x68: {  	_ =	shalt  }
0x69: {  	_ =	shalt  }
0x6a: {  	_ =	shalt  }
0x6b: {  	_ =	shalt  }
0x6c: {  	_ =	shalt  }
0x6d: {  	_ =	shalt  }
0x6e: {  	_ =	shalt  }
0x6f: {  	_ =	shalt  }
0x70: {  	_ =	shalt  }
0x71: {  	_ =	shalt  }
0x72: {  	_ =	shalt  }
0x73: {  	_ =	shalt  }
0x74: {  	_ =	shalt  }
0x75: {  	_ =	shalt  }
0x76: {  	_ =	shalt  }
0x77: {  	_ =	shalt  }
0x78: {  	_ =	shalt  }
0x79: {  	_ =	shalt  }
0x7a: {  	_ =	shalt  }
0x7b: {  	_ =	shalt  }
0x7c: {  	_ =	shalt  }
0x7d: {  	_ =	shalt  }
0x7e: {  	_ =	shalt  }
0x7f: {  	_ =	shalt  }
0x80: {  	_ =	shalt  }
0x81: {  	_ =	shalt  }
0x82: {  	_ =	shalt  }
0x83: {  	_ =	shalt  }
0x84: {  	_ =	shalt  }
0x85: {  	_ =	shalt  }
0x86: {  	_ =	shalt  }
0x87: {  	_ =	shalt  }
.Lfunc_end0:
.L_simem_size_0:
called_computation_lowered:
.L_overlay_start_0:
0x88: {  	s2 =	sld [smem:$0x3FD9]  }
0x89: {  	s3 =	sld [smem:$0x3FFE];
	_ =	sdelay $0x1  }
0x8a: {  	s1 =	srdreg.scid  }
0x8b: {  	s0 =	sand.u32 $0x1, s1  }
0x8c: {  	s16 =	sshll.u32 s0, $0xA;
	s2 =	sadd.s32 s3, s2  }
0x8d: {  	s2 =	sadd.s32 s2, s16  }
0x8e: {  	[smem:$0x3FC5] =	sst s2  }
0x8f: {  	_ = 	snop  }
0x90: {  	(tm) =	ssettm $0x1  }
0x91: {  	s17 =	sld [smem:$0x3FFB];
	_ =	sdelay $0x3  }
0x92: {  	_ =	strace s17  }
0x93: {  	s2 =	sld [smem:$0x3FFC];
	_ =	sdelay $0x3  }
0x94: {  	_ =	strace s2  }
0x95: {  	s2 =	sld [smem:$0x3FFD];
	_ =	sdelay $0x3  }
0x96: {  	_ =	strace s2  }
0x97: {  	_ =	strace $0x8FFFFFFF  }
0x98: {  	s18 =	sld [smem:$0x3FDB];
	_ =	sdelay $0x1  }
0x99: {  	s19 =	simm.s32 $_scs_section_size  }
0x9a: {  	s4 =	simm.s32 $_size__tile_overlayer_lowered;
	s5 =	simm.s32 $_tile_overlayer_lowered  }
0x9b: {  	s22 =	simm.s32 $0x1BFF;
	s21 =	sshll.u32 s5, $0x1;
	s2 =	sadd.s32 s19, s18  }
0x9c: {  	s6 =	simm.s32 $0x0;
	s20 =	sshll.u32 s4, $0x1;
	s4 =	sadd.s32 s21, s2  }
0x9d: {  	[timem:s6], [sflag:s22] =	dma.local [hbm:s4], s20  }
0x9e: {  	_ =	swait.ge [sflag:s22], s20  }
0x9f: {  	s3 =	ssub.s32 $0x0, s20;
	[sflag:s22] =	ssyncset.done $0x0  }
0xa0: {  	[sflag:s22] =	ssyncadd.s32 s3;
	_ =	sdelay $0x1  }
0xa1: {  	s23 =	simm.s32 $0x1B8B  }
0xa2: {  	_ =	swait.ge [sflag:s23], $0x1  }
0xa3: {  	[sflag:s23] =	ssyncset.done $0x0  }
0xa4: {  	s25 =	simm.s32 $0x1B8E;
	s24 =	sld [smem:$0x3FFE];
	[sflag:s23] =	ssyncadd.s32 $0xFFFFFFFF  }
0xa5: {  	s26 =	simm.s32 $execute0_lowered;
	[smem:$0x3FD2] =	sst s25  }
0xa6: {  	s4 =	sshll.u32 s26, $0x1;
	_ =	strace $0x80000046;
	[dreg:$0x1] =	wrdreg $0xFFFFFFFF  }
0xa7: {  	s28 =	simm.s32 $_size_execute0_lowered;
	s2 =	sadd.s32 s2, s4;
	[dreg:$0x0] =	wrdreg $0x0  }
0xa8: {  	s4 =	sshll.u32 s28, $0x1;
	[dreg:$0x2] =	wrdreg s2  }
0xa9: {  	[dreg:$0x3] =	wrdreg s4  }
0xaa: {  	[dreg:$0x4] =	wrdreg $0xC0  }
0xab: {  	_ =	task [dreg:s6], $0x5FFFF  }
0xac: {  	[dreg:$0x1] =	wrdreg $0xFFFFFFFF  }
0xad: {  	[dreg:$0x0] =	wrdreg $0x60  }
0xae: {  	[dreg:$0x2] =	wrdreg s24  }
0xaf: {  	[dreg:$0x3] =	wrdreg $0x9  }
0xb0: {  	_ =	task.clear_ibuf [dreg:s6], $0x4FFFF;
	_ =	strace $0x90000046  }
0xb1: {  	s29 =	simm.s32 $0x9;
	_ =	strace $0x80000048  }
0xb2: {  	_ =	swait.ge [sflag:s29], $0x1  }
0xb3: {  	[sflag:s29] =	ssyncadd.s32 $0xFFFFFFFF  }
0xb4: {  	_ =	strace $0x90000048  }
0xb5: {  	_ =	sfence  }
0xb6: {  	s30 =	sld [smem:$0x0];
	_ =	sdelay $0x2  }
0xb7: {  	s31 =	sshll.u32 s1, $0xD;
	s1 =	sshrl.u32 s1, $0x2  }
0xb8: {  	s3 =	sand.u32 $0x4000, s31;
	s1 =	sadd.s32 s1, s30  }
0xb9: {  	s0 =	sor.u32 s3, s0;
	s1 =	sshll.u32 s1, $0x11  }
0xba: {  	s0 =	sor.u32 s1, s0  }
0xbb: {  	s0 =	sadd.s32 $0x8F2B, s0  }
0xbc: {  	[sflag:s0] =	ssyncadd.remote.s32 $0x1  }
0xbd: {  	_ =	sfence.sel $0xFFFF  }
0xbe: {  	[dreg:$0x0] =	wrdreg $0xFFFFFFFF;
	(pc) =	sbr.abs _section_cstart, $3  }
0xbf: {  	[dreg:$0x1] =	wrdreg $0xFFFFFFFF  }
0xc0: {  	_ =	task.clear_ibuf [dreg:s6], $0x2FFFF;
	_ =	strace $0x9FFFFFFF  }
0xc1: {  	(tm) =	ssettm $0x7FFFFFFF  }
tec
execute0_lowered:
.L_overlay_start_1:
0x0: {  	(tag) =	ssettag $0x1  }
0x1: {  	s1 =	stileid.u32  }
0x2: {  	p0 =	sgt.u32 s1, $0x7  }
.Ltmp0:
0x3: {  	_ = 	snop;
	(pc) =	sbr.rel @p0 .LBB2_189-.Ltmp0, $4  }
0x4: {  	_ = 	snop  }
0x5: {  	s2 =	simm.s32 $0x0  }
0x6: {  	[smem:$0x7FF] =	sst s2  }
0x7: {  	s0 =	rddreg [dreg:$0x0];
	_ =	strace $0x80000047  }
0x8: {  	s1 =	srdreg.scid;
	s3 =	stileid.u32;
	s4 =	sadd.s32 $0x1400, s0  }
0x9: {  	s12 =	simm.s32 $0x1;
	s13 =	simm.s32 $0x6400;
	s14 =	simm.s32 $0xC800  }
0xa: {  	s15 =	simm.s32 $0x14800;
	s16 =	simm.s32 $0x16800;
	s17 =	simm.s32 $0x2  }
0xb: {  	s19 =	simm.s32 $0x3;
	s1 =	sand.u32 $0x1, s1;
	s3 =	sshll.u32 s3, $0x1  }
0xc: {  	s22 =	simm.s32 $0x0;
	s5 =	sor.u32 s1, s3;
	s1 =	ssub.s32 $0x2, s1  }
0xd: {  	vm0 =	vcmask $0x3F14;
	s3 =	smul.u32 $0x271000, s5;
	s6 =	sshll.u32 s5, $0xA;
	s26 =	sshll.u32 s5, $0x1  }
.Ltmp1:
0xe: {  	s11 =	sshrl.u32 s1, $0x1;
	s9 =	sadd.s32 s6, s0;
	(pc) =	sbr.rel .LBB2_2-.Ltmp1, $4  }
0xf: {  	v0 =	vlaneseq.u32;
	s28 =	sadd.s32 s26, s0;
	s31 =	ssub.s32 s1, s11;
	s7 =	sshrl.u32 s3, $0x3  }
0x10: {  	v1 =	vimm.s32 $0x0;
	v4 =	vmul.u32 $0xFFFFFFFF, v0;
	s30 =	sadd.s32 $0x4E7400, s9;
	s9 =	sadd.s32 $0x4E3400, s9;
	s5 =	sadd.s32 s4, s7  }
0x11: {  	v2 =	vimm.f32 $0.0e+00;
	v3 =	vimm.s32 $0x1;
	vm1 =	vmmov $0x1f;
	s10 =	sadd.s32 $0x4EB400, s28;
	[dreg:$0x3] =	wrdreg s30;
	s29 =	sadd.s32 $0xC80, s5  }
0x12: {  	vm2 =	vcmask $0x300;
	v5 =	vmul.u32 $0x200, v0;
	v4 =	vadd.s32 $0xF, v4;
	s11 =	smax.u32 s31, $0x1;
	s7 =	sadd.s32 $0x12C00, s3;
	[dreg:$0x2] =	wrdreg s29  }
.LBB2_183:
0x13: {  	s25 =	smov.u32 s0;
	s26 =	smov.u32 s1  }
.LBB2_187:
0x14: {  	v8 =	vld [tilespmem:s28+$0x18600];
	_ =	sdelay $0x1  }
0x15: {  	v9 =	vor.u32 s24, v0  }
0x16: {  	s6 =	sadd.s32 @p0 $0x10, s25;
	vm3 =	vlt.s32 v9, v6  }
0x17: {  	s0 =	smov.u32 @p0 s6;
	s6 =	sadd.s32 @p0 $0x10, s26;
	v6 =	vnsel vm3, $0x0, v7  }
0x18: {  	s1 =	smov.u32 @p0 s6;
	[tilespmem:s0+$0x0] =	vst v6;
	v6 =	vnsel vm3, $0x0, v8  }
0x19: {  	[tilespmem:s1+$0x0] =	vst v6  }
.LBB2_188:
0x1a: {  	s0 =	sxor.u32 $0x80000000, s23  }
0x1b: {  	v6 =	vmov s0  }
0x1c: {  	v6 =	vnsel vm2, $0x0, v6  }
0x1d: {  	s29 =	rddreg [dreg:$0x3];
	s1 =	simm.s32 $0x18800;
	[tilespmem:$0x1C980] =	vst v6  }
0x1e: {  	[hbm4b:s29+s2] =	stream.linear.scatter [tilespmem:s1], [sflag:$0x3], $0x2000, $0x38;
	[tilespmem:$0x1CA00] =	vst v63  }
0x1f: {  	_ =	swait.ge [sflag:s19], $0x2000  }
0x20: {  	[sflag:s19] =	ssyncset.done $0x0  }
0x21: {  	s30 =	simm.s32 $0x1A880;
	[sflag:s19] =	ssyncadd.s32 $0xFFFFE000  }
0x22: {  	[hbm4b:s9+s2] =	stream.linear.scatter [tilespmem:s30], [sflag:$0x3], $0x2000, $0x38;
	[tilespmem:$0x1CA00] =	vst v63  }
0x23: {  	s22 =	sadd.s32 $0x1, s22;
	_ =	swait.ge [sflag:s19], $0x2000  }
0x24: {  	p0 =	sne.s32 s22, s11;
	[sflag:s19] =	ssyncset.done $0x0  }
.Ltmp2:
0x25: {  	s31 =	simm.s32 $0x1C980;
	[sflag:s19] =	ssyncadd.s32 $0xFFFFE000;
	(pc) =	sbr.rel @!p0 .LBB2_189-.Ltmp2, $4  }
0x26: {  	[hbm4b:s10+s2] =	stream.linear.scatter [tilespmem:s31], [sflag:$0x3], $0x10, $0x38;
	[tilespmem:$0x1CA00] =	vst v63  }
0x27: {  	_ =	swait.ge [sflag:s19], $0x10  }
0x28: {  	[sflag:s19] =	ssyncset.done $0x0  }
0x29: {  	[sflag:s19] =	ssyncadd.s32 $0xFFFFFFF0  }
.LBB2_2:
0x2a: {  	s0 =	simm.s32 $0x40;
	s1 =	simm.s32 $0x0  }
.LBB2_3:
0x2b: {  	p0 =	sne.s32 s0, $0x1FFC0;
	[tilespmem:s1+$0xC800] =	vst v1;
	s1 =	smov.u32 s0;
	s0 =	sadd.s32 $0x40, s0  }
.Ltmp3:
0x2c: {  	(pc) =	sbr.rel @p0 .LBB2_3-.Ltmp3, $2  }
0x2d: {  	_ =	sdelay $0x2  }
0x2e: {  	s1 =	sshra.s32 s1, $0x2  }
0x2f: {  	[tilespmem:s1+$0xC800] =	vst v1;
	s0 =	simm.s32 $0x40;
	s1 =	simm.s32 $0x0  }
.LBB2_5:
0x30: {  	p0 =	sne.s32 s0, $0x8000;
	[tilespmem:s1+$0x18800] =	vst v1;
	s23 =	smov.u32 s0;
	s0 =	sadd.s32 $0x40, s0  }
.Ltmp4:
0x31: {  	[tilespmem:s1+$0x1A880] =	vst v2;
	(pc) =	sbr.rel @p0 .LBB2_5-.Ltmp4, $2  }
0x32: {  	_ =	sdelay $0x2  }
0x33: {  	s1 =	sshra.s32 s23, $0x2  }
0x34: {  	[tilespmem:s1+$0x18800] =	vst v1  }
0x35: {  	[tilespmem:s1+$0x1A880] =	vst v2  }
0x36: {  	[tilespmem:$0x1C900] =	vst v1  }
0x37: {  	[tilespmem:s2], [sflag:$0x1] =	stream.linear.gather [hbm4b:s5+s2], $0x6400, $0x38;
	[tilespmem:$0x1CA00] =	vst v63  }
0x38: {  	_ =	swait.ge [sflag:s12], $0x6400  }
0x39: {  	[sflag:s12] =	ssyncset.done $0x0  }
0x3a: {  	s0 =	rddreg [dreg:$0x2];
	[sflag:s12] =	ssyncadd.s32 $0xFFFF9C00  }
0x3b: {  	[tilespmem:s13], [sflag:$0x2] =	stream.linear.gather [hbm4b:s0+s2], $0x6400, $0x38;
	[tilespmem:$0x1CA00] =	vst v63  }
0x3c: {  	s1 =	simm.s32 $0x80;
	s0 =	simm.s32 $0xFFFFFFFE  }
.LBB2_7:
0x3d: {  	v6 =	vld [tilespmem:s1+$0xFFFFFF80]  }
0x3e: {  	v7 =	vld [tilespmem:s1+$0xFFFFFF90]  }
0x3f: {  	v8 =	vld [tilespmem:s1+$0xFFFFFFA0]  }
0x40: {  	v9 =	vld [tilespmem:s1+$0xFFFFFFB0]  }
0x41: {  	v10 =	vld [tilespmem:s1+$0xFFFFFFC0]  }
0x42: {  	v11 =	vld [tilespmem:s1+$0xFFFFFFCB];
	v6 =	vshrl.u32 v6, $0x11  }
0x43: {  	v7 =	vshrl.u32 v7, $0x11;
	v6 =	vand.u32 $0x7FF0, v6  }
0x44: {  	v8 =	vshrl.u32 v8, $0x11;
	v7 =	vand.u32 $0x7FF0, v7;
	v6 =	vor.u32 v0, v6  }
0x45: {  	v9 =	vshrl.u32 v9, $0x11;
	v8 =	vand.u32 $0x7FF0, v8;
	v7 =	vor.u32 v0, v7  }
0x46: {  	v10 =	vshrl.u32 v10, $0x11;
	v9 =	vand.u32 $0x7FF0, v9;
	v8 =	vor.u32 v0, v8  }
0x47: {  	v11 =	vshrl.u32 v11, $0x11;
	v10 =	vand.u32 $0x7FF0, v10;
	v9 =	vor.u32 v0, v9  }
0x48: {  	v11 =	vand.u32 $0x7FF0, v11;
	v10 =	vor.u32 v0, v10  }
0x49: {  	[tilespmem:v6+s14+$0x0] =	vst.idx.add.s32.msk $0xffff, v3;
	v6 =	vor.u32 v0, v11  }
0x4a: {  	[tilespmem:v7+s14+$0x0] =	vst.idx.add.s32.msk $0xffff, v3  }
0x4b: {  	[tilespmem:v8+s14+$0x0] =	vst.idx.add.s32.msk $0xffff, v3  }
0x4c: {  	[tilespmem:v9+s14+$0x0] =	vst.idx.add.s32.msk $0xffff, v3  }
0x4d: {  	[tilespmem:v10+s14+$0x0] =	vst.idx.add.s32.msk $0xffff, v3  }
0x4e: {  	[tilespmem:v6+s14+$0x0] =	vst.idx.add.s32.msk vm0, v3  }
0x4f: {  	v6 =	vld [tilespmem:s1+$0x0]  }
0x50: {  	v7 =	vld [tilespmem:s1+$0x10]  }
0x51: {  	v8 =	vld [tilespmem:s1+$0x20]  }
0x52: {  	v9 =	vld [tilespmem:s1+$0x30]  }
0x53: {  	v10 =	vld [tilespmem:s1+$0x40]  }
0x54: {  	v63 =	vld [tilespmem:s1+$0x4B];
	v6 =	vshrl.u32 v6, $0x11  }
0x55: {  	v7 =	vshrl.u32 v7, $0x11;
	v6 =	vand.u32 $0x7FF0, v6  }
0x56: {  	v8 =	vshrl.u32 v8, $0x11;
	v7 =	vand.u32 $0x7FF0, v7;
	v6 =	vor.u32 v0, v6  }
0x57: {  	v9 =	vshrl.u32 v9, $0x11;
	v8 =	vand.u32 $0x7FF0, v8;
	v7 =	vor.u32 v0, v7  }
0x58: {  	v10 =	vshrl.u32 v10, $0x11;
	v9 =	vand.u32 $0x7FF0, v9;
	v8 =	vor.u32 v0, v8  }
0x59: {  	v11 =	vshrl.u32 v63, $0x11;
	v10 =	vand.u32 $0x7FF0, v10;
	v9 =	vor.u32 v0, v9  }
0x5a: {  	s0 =	sadd.s32 $0x2, s0;
	v11 =	vand.u32 $0x7FF0, v11;
	v10 =	vor.u32 v0, v10  }
0x5b: {  	p0 =	slt.u32 s0, $0xC6;
	[tilespmem:v6+s14+$0x0] =	vst.idx.add.s32.msk $0xffff, v3;
	v6 =	vor.u32 v0, v11  }
.Ltmp5:
0x5c: {  	[tilespmem:v7+s14+$0x0] =	vst.idx.add.s32.msk $0xffff, v3;
	(pc) =	sbr.rel @p0 .LBB2_7-.Ltmp5, $4  }
0x5d: {  	[tilespmem:v8+s14+$0x0] =	vst.idx.add.s32.msk $0xffff, v3  }
0x5e: {  	[tilespmem:v9+s14+$0x0] =	vst.idx.add.s32.msk $0xffff, v3  }
0x5f: {  	s25 =	simm.s32 $0x40;
	s23 =	simm.s32 $0x0;
	[tilespmem:v10+s14+$0x0] =	vst.idx.add.s32.msk $0xffff, v3  }
0x60: {  	s24 =	simm.s32 $0x410;
	s26 =	simm.s32 $0x10800;
	s1 =	sadd.s32 $0x100, s1;
	[tilespmem:v6+s14+$0x0] =	vst.idx.add.s32.msk vm0, v3  }
.LBB2_8:
0x61: {  	v6 =	vld [tilespmem:s26+$0xFFFFFF00]  }
0x62: {  	v7 =	vld [tilespmem:s26+$0xFFFFFF10]  }
0x63: {  	v8 =	vld [tilespmem:s26+$0xFFFFFF20]  }
0x64: {  	v9 =	vld [tilespmem:s26+$0xFFFFFF30]  }
0x65: {  	v10 =	vld [tilespmem:s26+$0xFFFFFF40]  }
0x66: {  	v11 =	vld [tilespmem:s26+$0xFFFFFF50]  }
0x67: {  	v6 =	vadd.s32 v6, v7;
	v7 =	vld [tilespmem:s26+$0xFFFFFF60]  }
0x68: {  	v56 =	vld [tilespmem:s26+$0xFFFFFF70];
	v6 =	vadd.s32 v6, v8  }
0x69: {  	v57 =	vld [tilespmem:s26+$0xFFFFFF80];
	v6 =	vadd.s32 v6, v9  }
0x6a: {  	v58 =	vld [tilespmem:s26+$0xFFFFFF90];
	v6 =	vadd.s32 v6, v10  }
0x6b: {  	v59 =	vld [tilespmem:s26+$0xFFFFFFA0];
	v6 =	vadd.s32 v6, v11  }
0x6c: {  	v6 =	vadd.s32 v6, v7;
	v7 =	vld [tilespmem:s26+$0xFFFFFFB0]  }
0x6d: {  	v60 =	vld [tilespmem:s26+$0xFFFFFFC0];
	v6 =	vadd.s32 v6, v56  }
0x6e: {  	v61 =	vld [tilespmem:s26+$0xFFFFFFD0];
	v6 =	vadd.s32 v6, v57  }
0x6f: {  	v62 =	vld [tilespmem:s26+$0xFFFFFFE0];
	v6 =	vadd.s32 v6, v58  }
0x70: {  	v63 =	vld [tilespmem:s26+$0xFFFFFFF0];
	v6 =	vadd.s32 v6, v59  }
0x71: {  	v6 =	vadd.s32 v6, v7  }
0x72: {  	v6 =	vadd.s32 v6, v60  }
0x73: {  	v6 =	vadd.s32 v6, v61  }
0x74: {  	v6 =	vadd.s32 v6, v62  }
0x75: {  	v6 =	vadd.s32 v6, v63  }
0x76: {  	(xrf0) =	vadd.scan.msk.s32 $0xffff, v6;
	_ =	sdelay $0x5  }
0x77: {  	v6, _, _ =	vpop (xrf0)  }
0x78: {  	(v2sf) =	vpush v6, $0xF;
	_ =	sdelay $0xe  }
0x79: {  	s0 =	spop (v2sf)  }
0x7a: {  	p0 =	slt.u32 s25, $0x2;
	s23 =	sadd.s32 s23, s0  }
0x7b: {  	p1 =	slt.s32 @!p0 s23, $0x64  }
0x7c: {  	p0 =	por p0, !p1  }
.Ltmp6:
0x7d: {  	_ = 	snop;
	(pc) =	sbr.rel @!p0 .LBB2_8-.Ltmp6, $2  }
0x7e: {  	_ =	sdelay $0x2  }
0x7f: {  	s25 =	sadd.s32 $0xFFFFFFFF, s25;
	s24 =	sadd.s32 $0xFFFFFFF0, s24;
	s26 =	sadd.s32 $0xFFFFFF00, s26  }
0x80: {  	p0 =	slt.s32 s23, $0x64  }
.Ltmp7:
0x81: {  	_ = 	snop;
	(pc) =	sbr.rel @p0 .LBB2_10-.Ltmp7, $1  }
0x82: {  	_ =	sdelay $0x3  }
0x83: {  	s0 =	simm.s32 $0x0;
	v6 =	vmov s26  }
0x84: {  	s1 =	simm.s32 $0x0;
	s25 =	sand.u32 $0x7, s0  }
0x85: {  	s1 =	sand.u32 $0xFFFFFE00, s1;
	s25 =	sshll.u32 s25, $0x6  }
0x86: {  	s1 =	sor.u32 s25, s1  }
0x87: {  	s1 =	sshrl.u32 s1, $0x2  }
0x88: {  	v7 =	vld.idx.msk [tilespmem:v6+s1+$0x0 ss:$0x1], $0xffff  }
0x89: {  	s28 =	simm.s32 $0x1  }
0x8a: {  	s29 =	simm.s32 $0x40;
	s1 =	sand.u32 $0x7, s28  }
0x8b: {  	s25 =	sand.u32 $0xFFFFFE00, s29;
	s1 =	sshll.u32 s1, $0x6  }
0x8c: {  	s1 =	sor.u32 s1, s25  }
0x8d: {  	s1 =	sshrl.u32 s1, $0x2;
	(xrf0) =	vadd.scan.msk.s32 $0xffff, v7  }
0x8e: {  	v9 =	vld.idx.msk [tilespmem:v6+s1+$0x0 ss:$0x1], $0xffff;
	s1 =	simm.s32 $0x2  }
0x8f: {  	s30 =	simm.s32 $0x80;
	s31 =	sand.u32 $0x7, s1  }
0x90: {  	s25 =	sand.u32 $0xFFFFFE00, s30;
	s26 =	sshll.u32 s31, $0x6  }
0x91: {  	s25 =	sor.u32 s26, s25  }
0x92: {  	s26 =	sshrl.u32 s25, $0x2  }
0x93: {  	v7 =	vimm.s32 $0x0;
	s25 =	simm.s32 $0x30;
	v8 =	vld.idx.msk [tilespmem:v6+s26+$0x0 ss:$0x1], $0xffff;
	(xrf0) =	vadd.scan.msk.s32 $0xffff, v9;
	v9, _, _ =	vpop (xrf0)  }
.LBB2_15:
0x94: {  	s26 =	sshll.u32 s25, $0x2;
	s1 =	sadd.s32 $0x1, s1;
	v10 =	vmov s0;
	v9 =	vbroadcast v9, $0xF;
	p0 =	sne.s32 s25, $0xF0  }
.Ltmp8:
0x95: {  	s25 =	sadd.s32 $0x10, s25;
	s28 =	sand.u32 $0x7, s1;
	vm3 =	veq.s32 v10, v0;
	(pc) =	sbr.rel @p0 .LBB2_15-.Ltmp8, $4  }
0x96: {  	s26 =	sand.u32 $0xFFFFFE00, s26;
	s28 =	sshll.u32 s28, $0x6;
	v7 =	vsel vm3, v9, v7  }
0x97: {  	s26 =	sor.u32 s28, s26  }
0x98: {  	s26 =	sshrl.u32 s26, $0x2  }
0x99: {  	s0 =	sadd.s32 $0x1, s0;
	(xrf0) =	vadd.scan.msk.s32 $0xffff, v8;
	v8 =	vld.idx.msk [tilespmem:v6+s26+$0x0 ss:$0x1], $0xffff;
	v9, _, _ =	vpop (xrf0)  }
0x9a: {  	_ =	sdelay $0x3  }
0x9b: {  	(xrf0) =	vadd.scan.msk.s32 $0xffff, v8;
	_ =	sdelay $0x1  }
0x9c: {  	v6 =	vmov s0;
	_ =	sdelay $0x1  }
0x9d: {  	v8 =	vbroadcast v9, $0xF  }
0x9e: {  	s29 =	sadd.s32 $0x1, s0;
	vm3 =	veq.s32 v6, v0;
	v6, _, _ =	vpop (xrf0)  }
0x9f: {  	s0 =	sadd.s32 $0x1, s29;
	v7 =	vsel vm3, v8, v7;
	v8 =	vmov s29;
	v6 =	vbroadcast v6, $0xF;
	v63, _, _ =	vpop (xrf0)  }
0xa0: {  	vm3 =	veq.s32 v8, v0;
	v8 =	vmov s0;
	v9 =	vbroadcast v63, $0xF  }
0xa1: {  	v6 =	vsel vm3, v6, v7;
	vm3 =	veq.s32 v8, v0  }
0xa2: {  	v6 =	vsel vm3, v9, v6  }
0xa3: {  	(xrf0) =	vadd.scan.msk.s32 $0xffff, v6;
	_ =	sdelay $0x5  }
0xa4: {  	v7, _, _ =	vpop (xrf0)  }
0xa5: {  	(v2sf) =	vpush v7, $0xF;
	_ =	sdelay $0x7  }
0xa6: {  	v6 =	vperm.xlane v6, v4;
	_ =	sdelay $0x1  }
0xa7: {  	(xrf0) =	vadd.scan.msk.s32 $0xffff, v6;
	_ =	sdelay $0x4  }
0xa8: {  	s30 =	spop (v2sf)  }
0xa9: {  	v6, _, _ =	vpop (xrf0);
	s0 =	ssub.s32 s23, s30  }
0xaa: {  	v6 =	vadd.s32 s0, v6  }
0xab: {  	vm3 =	vgt.s32 v6, $0x63  }
0xac: {  	v6 =	vmctz.xlane vm3;
	_ =	sdelay $0x1  }
0xad: {  	v6 =	vxor.u32 $0x80000000, v6  }
0xae: {  	(xrf0) =	vmax.scan.msk.u32 $0xffff, v6;
	_ =	sdelay $0x5  }
0xaf: {  	v6, _, _ =	vpop (xrf0)  }
0xb0: {  	(v2sf) =	vpush v6, $0xF;
	_ =	sdelay $0xe  }
.Ltmp9:
0xb1: {  	s31 =	spop (v2sf);
	(pc) =	sbr.rel .LBB2_24-.Ltmp9, $4  }
0xb2: {  	s0 =	sxor.u32 $0xFFFFFFFF, s31  }
0xb3: {  	s0 =	sadd.s32 s24, s0  }
0xb4: {  	v6 =	vmov s0  }
0xb5: {  	v6 =	vshll.u32 v6, $0x15  }
.LBB2_10:
0xb6: {  	s0 =	simm.s32 $0x40;
	s24 =	simm.s32 $0x3F0;
	s1 =	simm.s32 $0x10700  }
.LBB2_11:
0xb7: {  	v6 =	vld [tilespmem:s1+$0x100]  }
0xb8: {  	v7 =	vld [tilespmem:s1+$0x110]  }
0xb9: {  	v8 =	vld [tilespmem:s1+$0x120]  }
0xba: {  	v9 =	vld [tilespmem:s1+$0x130]  }
0xbb: {  	v10 =	vld [tilespmem:s1+$0x140]  }
0xbc: {  	v11 =	vld [tilespmem:s1+$0x150]  }
0xbd: {  	v6 =	vadd.s32 v6, v7;
	v7 =	vld [tilespmem:s1+$0x160]  }
0xbe: {  	v56 =	vld [tilespmem:s1+$0x170];
	v6 =	vadd.s32 v6, v8  }
0xbf: {  	v57 =	vld [tilespmem:s1+$0x180];
	v6 =	vadd.s32 v6, v9  }
0xc0: {  	v58 =	vld [tilespmem:s1+$0x190];
	v6 =	vadd.s32 v6, v10  }
0xc1: {  	v59 =	vld [tilespmem:s1+$0x1A0];
	v6 =	vadd.s32 v6, v11  }
0xc2: {  	v6 =	vadd.s32 v6, v7;
	v7 =	vld [tilespmem:s1+$0x1B0]  }
0xc3: {  	v60 =	vld [tilespmem:s1+$0x1C0];
	v6 =	vadd.s32 v6, v56  }
0xc4: {  	v61 =	vld [tilespmem:s1+$0x1D0];
	v6 =	vadd.s32 v6, v57  }
0xc5: {  	v62 =	vld [tilespmem:s1+$0x1E0];
	v6 =	vadd.s32 v6, v58  }
0xc6: {  	v63 =	vld [tilespmem:s1+$0x1F0];
	v6 =	vadd.s32 v6, v59  }
0xc7: {  	v6 =	vadd.s32 v6, v7  }
0xc8: {  	v6 =	vadd.s32 v6, v60  }
0xc9: {  	v6 =	vadd.s32 v6, v61  }
0xca: {  	v6 =	vadd.s32 v6, v62  }
0xcb: {  	v6 =	vadd.s32 v6, v63  }
0xcc: {  	(xrf0) =	vadd.scan.msk.s32 $0xffff, v6;
	_ =	sdelay $0x5  }
0xcd: {  	v6, _, _ =	vpop (xrf0)  }
0xce: {  	(v2sf) =	vpush v6, $0xF;
	_ =	sdelay $0xe  }
0xcf: {  	s25 =	spop (v2sf)  }
0xd0: {  	p0 =	sgt.u32 s0, $0x7E;
	s23 =	sadd.s32 s23, s25  }
0xd1: {  	p1 =	slt.s32 @!p0 s23, $0x64  }
0xd2: {  	p1 =	por p0, !p1  }
.Ltmp10:
0xd3: {  	_ = 	snop;
	(pc) =	sbr.rel @!p1 .LBB2_11-.Ltmp10, $2  }
0xd4: {  	_ =	sdelay $0x2  }
0xd5: {  	s0 =	sadd.s32 $0x1, s0;
	s24 =	sadd.s32 $0x10, s24;
	s1 =	sadd.s32 $0x100, s1  }
0xd6: {  	s0 =	simm.s32 $0x0  }
0xd7: {  	s0 =	simm.s32 @p0 $0x0  }
0xd8: {  	v7 =	vmov s1;
	p2 =	sne.s32 s0, $0xF0  }
.Ltmp11:
0xd9: {  	s31 =	sshll.u32 s0, $0x2;
	s25 =	sand.u32 $0x7, s0;
	(pc) =	sbr.rel @!p2 .LBB2_13-.Ltmp11, $4  }
0xda: {  	s1 =	sand.u32 $0xFFFFFE00, s31;
	s25 =	sshll.u32 s25, $0x6  }
0xdb: {  	s1 =	sor.u32 s25, s1  }
0xdc: {  	s25 =	sshrl.u32 s1, $0x2  }
0xdd: {  	v6 =	vpsel p0, $0x0, v1;
	p1 =	por $0x0, $0x0;
	p0 =	por $0x0, $0x0;
	s1 =	sadd.s32 $0x10, s0;
	v8 =	vld.idx.msk [tilespmem:v7+s25+$0x0 ss:$0x1], $0xffff  }
0xde: {  	s25 =	sadd.s32 $0x1, s0;
	p2 =	sne.s32 s1, $0xF0  }
.Ltmp12:
0xdf: {  	s26 =	sshll.u32 s1, $0x2;
	s28 =	sand.u32 $0x7, s25;
	(pc) =	sbr.rel @!p2 .LBB2_18-.Ltmp12, $4  }
0xe0: {  	s26 =	sand.u32 $0xFFFFFE00, s26;
	s28 =	sshll.u32 s28, $0x6  }
0xe1: {  	s26 =	sor.u32 s28, s26  }
0xe2: {  	s26 =	sshrl.u32 s26, $0x2  }
0xe3: {  	s1 =	sadd.s32 $0x10, s1;
	p0 =	por $0x1, $0x1;
	(xrf0) =	vadd.scan.msk.s32 $0xffff, v8;
	v11 =	vld.idx.msk [tilespmem:v7+s26+$0x0 ss:$0x1], $0xffff  }
0xe4: {  	s25 =	sadd.s32 $0x1, s25;
	p2 =	sne.s32 s1, $0xF0  }
.Ltmp13:
0xe5: {  	s26 =	sshll.u32 s1, $0x2;
	s28 =	sand.u32 $0x7, s25;
	(pc) =	sbr.rel @!p2 .LBB2_20-.Ltmp13, $4  }
0xe6: {  	s26 =	sand.u32 $0xFFFFFE00, s26;
	s28 =	sshll.u32 s28, $0x6  }
0xe7: {  	s26 =	sor.u32 s28, s26  }
0xe8: {  	s28 =	sshrl.u32 s26, $0x2  }
0xe9: {  	p1 =	por $0x1, $0x1;
	v9 =	vmov v6;
	s26 =	sadd.s32 $0x10, s1;
	(xrf0) =	vadd.scan.msk.s32 $0xffff, v11;
	s1 =	smov.u32 s0;
	v8 =	vld.idx.msk [tilespmem:v7+s28+$0x0 ss:$0x1], $0xffff;
	v10, _, _ =	vpop (xrf0)  }
.LBB2_21:
0xea: {  	s28 =	sshll.u32 s26, $0x2;
	s25 =	sadd.s32 $0x1, s25;
	v11 =	vmov s1;
	v10 =	vbroadcast v10, $0xF;
	p2 =	sne.s32 s26, $0xF0  }
.Ltmp14:
0xeb: {  	s26 =	sadd.s32 $0x10, s26;
	s29 =	sand.u32 $0x7, s25;
	vm3 =	veq.s32 v11, v0;
	(pc) =	sbr.rel @p2 .LBB2_21-.Ltmp14, $4  }
0xec: {  	s28 =	sand.u32 $0xFFFFFE00, s28;
	s29 =	sshll.u32 s29, $0x6;
	v9 =	vsel vm3, v10, v9  }
0xed: {  	s28 =	sor.u32 s29, s28  }
0xee: {  	s28 =	sshrl.u32 s28, $0x2  }
0xef: {  	s1 =	sadd.s32 $0x1, s1;
	(xrf0) =	vadd.scan.msk.s32 $0xffff, v8;
	v8 =	vld.idx.msk [tilespmem:v7+s28+$0x0 ss:$0x1], $0xffff;
	v10, _, _ =	vpop (xrf0)  }
0xf0: {  	_ = 	snop  }
.LBB2_23:
0xf1: {  	_ =	sdelay $0x2  }
0xf2: {  	(xrf0) =	vadd.scan.msk.s32 $0xffff, v8;
	_ =	sdelay $0x2  }
0xf3: {  	v7 =	vmov @p1 s1;
	s1 =	sadd.s32 @p1 $0x1, s1;
	s25 =	smov.u32 s0;
	v8 =	vbroadcast @p1 v10, $0xF;
	v10, _, _ =	vpop @p0 (xrf0)  }
0xf4: {  	vm3 =	veq.s32 @p1 v7, v0;
	s25 =	smov.u32 @p1 s1;
	v7 =	vpsel p0, v10, v0  }
0xf5: {  	s1 =	sadd.s32 @p0 $0x1, s25;
	v8 =	vsel @p1 vm3, v8, v9;
	v9 =	vmov @p0 s25;
	v7 =	vbroadcast @p0 v7, $0xF  }
0xf6: {  	s0 =	smov.u32 @p0 s1;
	v8 =	vpsel p1, v8, v6;
	vm3 =	veq.s32 @p0 v9, v0;
	v63, _, _ =	vpop (xrf0)  }
0xf7: {  	v7 =	vsel @p0 vm3, v7, v8;
	v8 =	vmov s0;
	v9 =	vbroadcast v63, $0xF  }
0xf8: {  	v6 =	vpsel p0, v7, v6;
	vm3 =	veq.s32 v8, v0  }
0xf9: {  	v6 =	vsel vm3, v9, v6  }
0xfa: {  	(xrf0) =	vadd.scan.msk.s32 $0xffff, v6;
	_ =	sdelay $0x5  }
0xfb: {  	v6, _, _ =	vpop (xrf0)  }
0xfc: {  	(v2sf) =	vpush v6, $0xF;
	_ =	sdelay $0xe  }
0xfd: {  	s30 =	spop (v2sf)  }
0xfe: {  	s0 =	ssub.s32 s23, s30  }
0xff: {  	v6 =	vadd.s32 s0, v6  }
0x100: {  	vm3 =	vgt.s32 v6, $0x63  }
0x101: {  	v6 =	vmctz.xlane vm3;
	_ =	sdelay $0x1  }
0x102: {  	v6 =	vxor.u32 $0x80000000, v6  }
0x103: {  	(xrf0) =	vmax.scan.msk.u32 $0xffff, v6;
	_ =	sdelay $0x5  }
0x104: {  	v6, _, _ =	vpop (xrf0)  }
0x105: {  	(v2sf) =	vpush v6, $0xF;
	_ =	sdelay $0xe  }
0x106: {  	s31 =	spop (v2sf)  }
0x107: {  	s0 =	sadd.s32 s24, s31  }
0x108: {  	v6 =	vmov s0  }
0x109: {  	v6 =	vshll.u32 v6, $0x15  }
0x10a: {  	v6 =	vor.u32 $0x1FFFFF, v6  }
.LBB2_24:
.Ltmp15:
0x10b: {  	(pc) =	sbr.rel .LBB2_25-.Ltmp15, $3  }
0x10c: {  	_ =	sdelay $0x1  }
0x10d: {  	s24 =	simm.s32 $0x80  }
0x10e: {  	v6 =	vbroadcast v6, $0x0;
	s25 =	simm.s32 $0x0;
	s26 =	simm.s32 $0x30;
	s28 =	simm.s32 $0x0  }
.LBB2_31:
0x10f: {  	s28 =	sadd.s32 $0x1, s28  }
0x110: {  	p0 =	sne.s32 s28, $0xA  }
.Ltmp16:
0x111: {  	_ = 	snop;
	(pc) =	sbr.rel @!p0 .LBB2_32-.Ltmp16, $3  }
0x112: {  	_ =	sdelay $0x1  }
0x113: {  	s24 =	sadd.s32 $0xA00, s24  }
0x114: {  	s25 =	sadd.s32 $0x71C, s25;
	s26 =	sadd.s32 $0xA00, s26;
	s23 =	simm.s32 $0x0  }
.LBB2_25:
0x115: {  	v7 =	vld [tilespmem:s24+$0x40]  }
0x116: {  	v10 =	vld [tilespmem:s24+$0xFFFFFFC0]  }
0x117: {  	v11 =	vld [tilespmem:s24+$0xFFFFFFCB]  }
0x118: {  	v8 =	vld [tilespmem:s24+$0xFFFFFFB0]  }
0x119: {  	v12 =	vld [tilespmem:s24+$0xFFFFFFA0]  }
0x11a: {  	v13 =	vld [tilespmem:s24+$0x0]  }
0x11b: {  	v16 =	vld [tilespmem:s24+$0xFFFFFF80]  }
0x11c: {  	v19 =	vld [tilespmem:s24+$0xFFFFFF90]  }
0x11d: {  	v18 =	vld [tilespmem:s24+$0x10]  }
0x11e: {  	v17 =	vld [tilespmem:s24+$0x20]  }
0x11f: {  	v15 =	vld [tilespmem:s24+$0x30]  }
0x120: {  	v9 =	vimm.f32 $-Inf;
	s0 =	simm.s32 $0x0;
	v14 =	vld [tilespmem:s24+$0x4B];
	s1 =	sadd.s32 $0x100, s24  }
.LBB2_26:
0x121: {  	v20 =	vld [tilespmem:s1+$0x40];
	v16 =	vmax.f32 v16, v19  }
0x122: {  	v19 =	vld [tilespmem:s1+$0xFFFFFFC0];
	v12 =	vmax.f32 v16, v12;
	v13 =	vmax.f32 v13, v18  }
0x123: {  	v18 =	vld [tilespmem:s1+$0xFFFFFFCB];
	v12 =	vmax.f32 v12, v8;
	v13 =	vmax.f32 v13, v17  }
0x124: {  	v11 =	vsel vm1, $0xFF800000, v11;
	v8 =	vld [tilespmem:s1+$0xFFFFFFB0];
	v10 =	vmax.f32 v12, v10;
	v13 =	vmax.f32 v13, v15  }
0x125: {  	v12 =	vld [tilespmem:s1+$0xFFFFFFA0];
	v17 =	vmax.f32 v10, v11;
	v15 =	vmax.f32 v13, v7;
	v11 =	vsel vm1, $0xFF800000, v14  }
0x126: {  	s0 =	sadd.s32 $0x2, s0;
	v13 =	vld [tilespmem:s1+$0x0];
	v9 =	vmax.f32 v9, v17;
	v14 =	vmax.f32 v15, v11;
	v7 =	vmov v20  }
0x127: {  	p0 =	slt.u32 s0, $0x12;
	v16 =	vld [tilespmem:s1+$0xFFFFFF80];
	v9 =	vmax.f32 v9, v14;
	v10 =	vmov v19  }
.Ltmp17:
0x128: {  	v19 =	vld [tilespmem:s1+$0xFFFFFF90];
	v11 =	vmov v18;
	(pc) =	sbr.rel @p0 .LBB2_26-.Ltmp17, $4  }
0x129: {  	v18 =	vld [tilespmem:s1+$0x10]  }
0x12a: {  	v17 =	vld [tilespmem:s1+$0x20]  }
0x12b: {  	v15 =	vld [tilespmem:s1+$0x30]  }
0x12c: {  	v14 =	vld [tilespmem:s1+$0x4B];
	s1 =	sadd.s32 $0x100, s1  }
0x12d: {  	v16 =	vmax.f32 v16, v19  }
0x12e: {  	v12 =	vmax.f32 v16, v12;
	v13 =	vmax.f32 v13, v18  }
0x12f: {  	v8 =	vmax.f32 v12, v8;
	v60 =	vmax.f32 v13, v17  }
0x130: {  	v61 =	vsel vm1, $0xFF800000, v11;
	v8 =	vmax.f32 v8, v10;
	v62 =	vmax.f32 v60, v15  }
0x131: {  	v8 =	vmax.f32 v8, v61;
	v7 =	vmax.f32 v62, v7;
	v63 =	vsel vm1, $0xFF800000, v14  }
0x132: {  	v8 =	vmax.f32 v9, v8;
	v7 =	vmax.f32 v7, v63  }
0x133: {  	v7 =	vmax.f32 v8, v7  }
0x134: {  	vm3 =	vge.f32 v7, v6  }
0x135: {  	v7 =	vsel vm3, $0x1, v1  }
0x136: {  	(xrf0) =	vadd.scan.msk.s32 $0xffff, v7;
	_ =	sdelay $0x5  }
0x137: {  	v7, _, _ =	vpop (xrf0)  }
0x138: {  	(v2sf) =	vpush v7, $0xF;
	_ =	sdelay $0xe  }
0x139: {  	s0 =	spop (v2sf)  }
0x13a: {  	p0 =	slt.s32 s0, $0x1  }
.Ltmp18:
0x13b: {  	_ = 	snop;
	(pc) =	sbr.rel @p0 .LBB2_31-.Ltmp18, $1  }
0x13c: {  	_ =	sdelay $0x3  }
0x13d: {  	v8 =	vld [tilespmem:s26+$0xFFFFFFD0];
	_ =	sdelay $0x1  }
0x13e: {  	v7 =	vld [tilespmem:$0x1C900]  }
0x13f: {  	v9 =	vld [tilespmem:s26+$0xFFFFFFE0];
	_ =	sdelay $0x1  }
0x140: {  	vm6 =	vge.f32 v8, v6  }
0x141: {  	v10 =	vld [tilespmem:s26+$0xFFFFFFF0];
	v11 =	vsel vm6, $0x1, v1  }
0x142: {  	v11 =	vadd.s32 v11, v7  }
0x143: {  	vm3 =	vge.f32 v9, v6;
	vm4 =	vlt.s32 v11, $0x1FF  }
0x144: {  	v12 =	vld [tilespmem:s26+$0x0];
	v13 =	vsel vm3, $0x1, v1;
	v11 =	vnsel vm4, $0x1FF, v11  }
0x145: {  	v13 =	vadd.s32 v13, v11  }
0x146: {  	v15 =	vadd.s32 v5, v7;
	vm4 =	vge.f32 v10, v6;
	vm5 =	vlt.s32 v13, $0x1FF  }
0x147: {  	v14 =	vld [tilespmem:s26+$0x10];
	v7 =	vsel vm4, $0x1, v1;
	v13 =	vnsel vm5, $0x1FF, v13  }
0x148: {  	v11 =	vadd.s32 v5, v11;
	v16 =	vadd.s32 v7, v13  }
0x149: {  	s0 =	sadd.s32 $0x0, s25;
	vm5 =	vge.f32 v12, v6;
	vm7 =	vlt.s32 v16, $0x1FF  }
0x14a: {  	v18 =	vadd.s32 s0, v0;
	v7 =	vld [tilespmem:s26+$0x1B];
	v17 =	vsel vm5, $0x1, v1;
	v16 =	vnsel vm7, $0x1FF, v16  }
0x14b: {  	s1 =	sadd.s32 $0x10, s0;
	v13 =	vadd.s32 v5, v13;
	[tilespmem:v15+s15+$0x0] =	vst.idx.msk vm6, v18;
	v17 =	vadd.s32 v17, v16  }
0x14c: {  	vm8 =	vge.f32 v14, v6;
	[tilespmem:v15+s16+$0x0] =	vst.idx.msk vm6, v8;
	v8 =	vadd.s32 s1, v0;
	vm14 =	vlt.s32 v17, $0x1FF  }
0x14d: {  	s29 =	sadd.s32 $0x20, s0;
	v62 =	vsel vm8, $0x1, v1;
	[tilespmem:v11+s15+$0x0] =	vst.idx.msk vm3, v8;
	v16 =	vadd.s32 v5, v16;
	v61 =	vnsel vm14, $0x1FF, v17  }
0x14e: {  	[tilespmem:v11+s16+$0x0] =	vst.idx.msk vm3, v9;
	v9 =	vadd.s32 s29, v0;
	v15 =	vadd.s32 v62, v61  }
0x14f: {  	vm15 =	vge.f32 v7, v6;
	v8 =	vadd.s32 v5, v61;
	vm3 =	vlt.s32 v15, $0x1FF  }
0x150: {  	s30 =	sadd.s32 $0x30, s0;
	[tilespmem:v13+s15+$0x0] =	vst.idx.msk vm4, v9;
	v11 =	vnsel vm3, $0x1FF, v15;
	vm3 =	vmand vm15, vm0  }
0x151: {  	[tilespmem:v13+s16+$0x0] =	vst.idx.msk vm4, v10;
	v10 =	vadd.s32 s30, v0;
	v9 =	vadd.s32 v5, v11  }
0x152: {  	s31 =	sadd.s32 $0x40, s0;
	[tilespmem:v16+s15+$0x0] =	vst.idx.msk vm5, v10  }
0x153: {  	v63 =	vadd.s32 s31, v0;
	v10 =	vsel vm3, $0x1, v1;
	[tilespmem:v16+s16+$0x0] =	vst.idx.msk vm5, v12  }
0x154: {  	s0 =	sadd.s32 $0x4B, s0;
	v10 =	vadd.s32 v10, v11;
	[tilespmem:v8+s15+$0x0] =	vst.idx.msk vm8, v63  }
0x155: {  	v11 =	vadd.s32 s0, v0;
	vm4 =	vlt.s32 v10, $0x1FF;
	[tilespmem:v8+s16+$0x0] =	vst.idx.msk vm8, v14  }
0x156: {  	s1 =	smov.u32 s26;
	s0 =	simm.s32 $0x5B;
	v8 =	vnsel vm4, $0x1FF, v10;
	[tilespmem:v9+s15+$0x0] =	vst.idx.msk vm3, v11  }
.LBB2_29:
0x157: {  	p0 =	sne.s32 s0, $0x6C1  }
0x158: {  	[tilespmem:v9+s16+$0x0] =	vst.idx.msk vm3, v7;
	s1 =	sadd.s32 $0x80, s1;
	s23 =	smov.u32 s0;
	s0 =	sadd.s32 $0x5B, s0  }
0x159: {  	v9 =	vld [tilespmem:s1+$0xFFFFFFD0];
	_ =	sdelay $0x2  }
0x15a: {  	v10 =	vld [tilespmem:s1+$0xFFFFFFE0];
	_ =	sdelay $0x1  }
0x15b: {  	vm4 =	vge.f32 v9, v6  }
0x15c: {  	v11 =	vld [tilespmem:s1+$0xFFFFFFF0];
	v7 =	vsel vm4, $0x1, v1  }
0x15d: {  	v7 =	vadd.s32 v7, v8  }
0x15e: {  	vm5 =	vlt.s32 v7, $0x1FF;
	vm3 =	vge.f32 v10, v6  }
0x15f: {  	v12 =	vld [tilespmem:s1+$0x0];
	v7 =	vnsel vm5, $0x1FF, v7;
	v13 =	vsel vm3, $0x1, v1  }
0x160: {  	v14 =	vadd.s32 v5, v7;
	v7 =	vadd.s32 v13, v7  }
0x161: {  	vm6 =	vlt.s32 v7, $0x1FF;
	vm5 =	vge.f32 v11, v6  }
0x162: {  	v8 =	vadd.s32 v5, v8;
	v13 =	vld [tilespmem:s1+$0x10];
	v7 =	vnsel vm6, $0x1FF, v7;
	v15 =	vsel vm5, $0x1, v1  }
0x163: {  	v16 =	vadd.s32 v5, v7;
	v15 =	vadd.s32 v15, v7  }
0x164: {  	v7 =	vld [tilespmem:s1+$0x1B];
	vm7 =	vlt.s32 v15, $0x1FF;
	vm6 =	vge.f32 v12, v6  }
0x165: {  	s23 =	sadd.s32 s23, s25;
	v15 =	vnsel vm7, $0x1FF, v15;
	v17 =	vsel vm6, $0x1, v1  }
0x166: {  	v18 =	vadd.s32 s23, v0;
	s29 =	sadd.s32 $0x10, s23;
	s30 =	sadd.s32 $0x20, s23;
	s31 =	sadd.s32 $0x30, s23;
	v19 =	vadd.s32 v5, v15;
	v15 =	vadd.s32 v17, v15  }
0x167: {  	s18 =	sadd.s32 $0x40, s23;
	s23 =	sadd.s32 $0x4B, s23;
	[tilespmem:v8+s15+$0x0] =	vst.idx.msk vm4, v18;
	vm8 =	vlt.s32 v15, $0x1FF;
	vm7 =	vge.f32 v13, v6  }
0x168: {  	[tilespmem:v8+s16+$0x0] =	vst.idx.msk vm4, v9;
	v8 =	vadd.s32 s29, v0;
	v9 =	vnsel vm8, $0x1FF, v15;
	v15 =	vsel vm7, $0x1, v1  }
0x169: {  	[tilespmem:v14+s15+$0x0] =	vst.idx.msk vm3, v8;
	v17 =	vadd.s32 v5, v9;
	v8 =	vadd.s32 v15, v9  }
0x16a: {  	v9 =	vadd.s32 s30, v0;
	vm4 =	vge.f32 v7, v6;
	[tilespmem:v14+s16+$0x0] =	vst.idx.msk vm3, v10;
	vm3 =	vlt.s32 v8, $0x1FF  }
0x16b: {  	[tilespmem:v16+s15+$0x0] =	vst.idx.msk vm5, v9;
	v8 =	vnsel vm3, $0x1FF, v8;
	vm3 =	vmand vm4, vm0  }
0x16c: {  	v10 =	vadd.s32 s31, v0;
	[tilespmem:v16+s16+$0x0] =	vst.idx.msk vm5, v11;
	v9 =	vadd.s32 v5, v8;
	v11 =	vsel vm3, $0x1, v1  }
.Ltmp19:
0x16d: {  	[tilespmem:v19+s15+$0x0] =	vst.idx.msk vm6, v10;
	v8 =	vadd.s32 v11, v8;
	(pc) =	sbr.rel @p0 .LBB2_29-.Ltmp19, $4  }
0x16e: {  	v10 =	vadd.s32 s18, v0;
	[tilespmem:v19+s16+$0x0] =	vst.idx.msk vm6, v12;
	vm4 =	vlt.s32 v8, $0x1FF  }
0x16f: {  	[tilespmem:v17+s15+$0x0] =	vst.idx.msk vm7, v10;
	v8 =	vnsel vm4, $0x1FF, v8  }
0x170: {  	v10 =	vadd.s32 s23, v0;
	[tilespmem:v17+s16+$0x0] =	vst.idx.msk vm7, v13  }
0x171: {  	[tilespmem:v9+s15+$0x0] =	vst.idx.msk vm3, v10  }
0x172: {  	_ =	sdelay $0x1  }
.Ltmp20:
0x173: {  	_ = 	snop;
	(pc) =	sbr.rel .LBB2_31-.Ltmp20, $3  }
0x174: {  	_ =	sdelay $0x1  }
0x175: {  	[tilespmem:v9+s16+$0x0] =	vst.idx.msk vm3, v7  }
0x176: {  	[tilespmem:$0x1C900] =	vst v8  }
.LBB2_32:
.Ltmp21:
0x177: {  	(pc) =	sbr.rel .LBB2_33-.Ltmp21, $2  }
0x178: {  	_ =	sdelay $0x2  }
0x179: {  	s24 =	simm.s32 $0x0;
	s25 =	simm.s32 $0x0  }
.LBB2_49:
0x17a: {  	p0 =	slt.u32 s25, $0x2;
	s0 =	sand.u32 $0x3, s25  }
0x17b: {  	p1 =	sne.s32 @!p0 s0, $0x3  }
0x17c: {  	p1 =	por p0, !p1  }
.Ltmp22:
0x17d: {  	_ = 	snop;
	(pc) =	sbr.rel @p1 .LBB2_50-.Ltmp22, $1  }
0x17e: {  	_ =	sdelay $0x3  }
.LBB2_67:
0x17f: {  	s25 =	sadd.s32 $0x1, s25  }
0x180: {  	p0 =	sne.s32 s25, $0x31  }
.Ltmp23:
0x181: {  	_ = 	snop;
	(pc) =	sbr.rel @!p0 .LBB2_68-.Ltmp23, $2  }
0x182: {  	_ =	sdelay $0x2  }
0x183: {  	s24 =	sadd.s32 $0x8E30, s24  }
.LBB2_33:
0x184: {  	s26 =	smul.u32 $0xC800, s25;
	_ =	sdelay $0x1  }
.Ltmp24:
0x185: {  	_ =	swait.ge [sflag:s17], $0x6400;
	s0 =	sadd.s32 s3, s26;
	(pc) =	sbr.rel .LBB2_34-.Ltmp24, $4  }
0x186: {  	s1 =	simm.s32 $0x6480;
	s29 =	simm.s32 $0x6430;
	s0 =	sadd.s32 $0xC800, s0  }
0x187: {  	s30 =	smov.u32 s24;
	[sflag:s17] =	ssyncset.done $0x0;
	s0 =	sshrl.u32 s0, $0x3  }
0x188: {  	s31 =	simm.s32 $0x0;
	[sflag:s17] =	ssyncadd.s32 $0xFFFF9C00;
	s0 =	sadd.s32 s4, s0  }
0x189: {  	[tilespmem:s23], [sflag:$0x1] =	stream.linear.gather [hbm4b:s0+s23], $0x6400, $0x38;
	[tilespmem:$0x1CA00] =	vst v63  }
.LBB2_40:
0x18a: {  	s31 =	sadd.s32 $0x1, s31  }
0x18b: {  	p0 =	sne.s32 s31, $0xA  }
.Ltmp25:
0x18c: {  	_ = 	snop;
	(pc) =	sbr.rel @!p0 .LBB2_41-.Ltmp25, $2  }
0x18d: {  	_ =	sdelay $0x2  }
0x18e: {  	s1 =	sadd.s32 $0xA00, s1;
	s30 =	sadd.s32 $0x71C, s30;
	s29 =	sadd.s32 $0xA00, s29  }
.LBB2_34:
0x18f: {  	v7 =	vld [tilespmem:s1+$0xFFFFFF80]  }
0x190: {  	v8 =	vld [tilespmem:s1+$0xFFFFFF90]  }
0x191: {  	v9 =	vld [tilespmem:s1+$0xFFFFFFA0]  }
0x192: {  	v10 =	vld [tilespmem:s1+$0xFFFFFFB0]  }
0x193: {  	v11 =	vld [tilespmem:s1+$0xFFFFFFC0]  }
0x194: {  	v12 =	vld [tilespmem:s1+$0xFFFFFFCB];
	v13 =	vshrl.u32 v7, $0x11  }
0x195: {  	v14 =	vshrl.u32 v8, $0x11;
	v13 =	vand.u32 $0x7FF0, v13  }
0x196: {  	v15 =	vshrl.u32 v9, $0x11;
	v14 =	vand.u32 $0x7FF0, v14;
	v13 =	vor.u32 v0, v13  }
0x197: {  	v16 =	vshrl.u32 v10, $0x11;
	v15 =	vand.u32 $0x7FF0, v15;
	v14 =	vor.u32 v0, v14  }
0x198: {  	v17 =	vshrl.u32 v11, $0x11;
	v16 =	vand.u32 $0x7FF0, v16;
	v15 =	vor.u32 v0, v15  }
0x199: {  	v18 =	vshrl.u32 v12, $0x11;
	v17 =	vand.u32 $0x7FF0, v17;
	v16 =	vor.u32 v0, v16  }
0x19a: {  	v18 =	vand.u32 $0x7FF0, v18;
	v17 =	vor.u32 v0, v17  }
0x19b: {  	v59 =	vor.u32 v0, v18;
	[tilespmem:v13+s14+$0x0] =	vst.idx.add.s32.msk $0xffff, v3  }
0x19c: {  	[tilespmem:v14+s14+$0x0] =	vst.idx.add.s32.msk $0xffff, v3  }
0x19d: {  	[tilespmem:v15+s14+$0x0] =	vst.idx.add.s32.msk $0xffff, v3  }
0x19e: {  	[tilespmem:v16+s14+$0x0] =	vst.idx.add.s32.msk $0xffff, v3  }
0x19f: {  	[tilespmem:v17+s14+$0x0] =	vst.idx.add.s32.msk $0xffff, v3  }
0x1a0: {  	[tilespmem:v59+s14+$0x0] =	vst.idx.add.s32.msk vm0, v3  }
0x1a1: {  	v13 =	vld [tilespmem:s1+$0x0]  }
0x1a2: {  	v14 =	vld [tilespmem:s1+$0x10];
	_ =	sdelay $0x3  }
0x1a3: {  	v15 =	vld [tilespmem:s1+$0x20];
	v60 =	vshrl.u32 v13, $0x11  }
0x1a4: {  	v7 =	vmax.f32 v7, v8;
	v16 =	vld [tilespmem:s1+$0x30];
	v8 =	vshrl.u32 v14, $0x11;
	v18 =	vand.u32 $0x7FF0, v60  }
0x1a5: {  	v17 =	vld [tilespmem:s1+$0x40];
	v8 =	vand.u32 $0x7FF0, v8;
	v18 =	vor.u32 v0, v18  }
0x1a6: {  	v21 =	vld [tilespmem:s1+$0x4B];
	v8 =	vor.u32 v0, v8;
	_ =	sdelay $0x1  }
0x1a7: {  	v7 =	vmax.f32 v7, v9;
	v19 =	vshrl.u32 v15, $0x11  }
0x1a8: {  	v7 =	vmax.f32 v7, v10;
	v20 =	vshrl.u32 v16, $0x11;
	v19 =	vand.u32 $0x7FF0, v19  }
0x1a9: {  	v22 =	vshrl.u32 v17, $0x11;
	v20 =	vand.u32 $0x7FF0, v20;
	v19 =	vor.u32 v0, v19;
	[tilespmem:v18+s14+$0x0] =	vst.idx.add.s32.msk $0xffff, v3  }
0x1aa: {  	v61 =	vand.u32 $0x7FF0, v22;
	v9 =	vor.u32 v0, v20;
	[tilespmem:v8+s14+$0x0] =	vst.idx.add.s32.msk $0xffff, v3;
	v8 =	vshrl.u32 v21, $0x11  }
0x1ab: {  	v10 =	vmax.f32 v13, v14;
	v62 =	vor.u32 v0, v61;
	v8 =	vand.u32 $0x7FF0, v8  }
0x1ac: {  	v63 =	vimm.f32 $-Inf;
	v10 =	vmax.f32 v10, v15;
	v8 =	vor.u32 v0, v8  }
0x1ad: {  	v7 =	vmax.f32 v7, v11;
	v11 =	vsel vm1, $0xFF800000, v12;
	v10 =	vmax.f32 v10, v16  }
0x1ae: {  	v7 =	vmax.f32 v7, v11;
	v11 =	vsel vm1, $0xFF800000, v21;
	v10 =	vmax.f32 v10, v17;
	[tilespmem:v19+s14+$0x0] =	vst.idx.add.s32.msk $0xffff, v3  }
0x1af: {  	v7 =	vmax.f32 v63, v7;
	v10 =	vmax.f32 v10, v11;
	[tilespmem:v9+s14+$0x0] =	vst.idx.add.s32.msk $0xffff, v3  }
0x1b0: {  	s0 =	simm.s32 $0x0;
	s28 =	smov.u32 s1;
	v7 =	vmax.f32 v7, v10;
	[tilespmem:v62+s14+$0x0] =	vst.idx.add.s32.msk $0xffff, v3  }
.LBB2_35:
0x1b1: {  	s0 =	sadd.s32 $0x2, s0;
	[tilespmem:v8+s14+$0x0] =	vst.idx.add.s32.msk vm0, v3;
	s28 =	sadd.s32 $0x100, s28  }
0x1b2: {  	p0 =	slt.u32 s0, $0x12  }
0x1b3: {  	v8 =	vld [tilespmem:s28+$0xFFFFFF80]  }
0x1b4: {  	v9 =	vld [tilespmem:s28+$0xFFFFFF90]  }
0x1b5: {  	v10 =	vld [tilespmem:s28+$0xFFFFFFA0]  }
0x1b6: {  	v11 =	vld [tilespmem:s28+$0xFFFFFFB0]  }
0x1b7: {  	v12 =	vld [tilespmem:s28+$0xFFFFFFC0]  }
0x1b8: {  	v13 =	vld [tilespmem:s28+$0xFFFFFFCB];
	v14 =	vshrl.u32 v8, $0x11  }
0x1b9: {  	v15 =	vshrl.u32 v9, $0x11;
	v14 =	vand.u32 $0x7FF0, v14;
	v8 =	vmax.f32 v8, v9  }
0x1ba: {  	v9 =	vshrl.u32 v10, $0x11;
	v14 =	vor.u32 v0, v14;
	v15 =	vand.u32 $0x7FF0, v15  }
0x1bb: {  	v16 =	vshrl.u32 v11, $0x11;
	v15 =	vor.u32 v0, v15;
	v9 =	vand.u32 $0x7FF0, v9  }
0x1bc: {  	v17 =	vshrl.u32 v12, $0x11;
	v9 =	vor.u32 v0, v9;
	v16 =	vand.u32 $0x7FF0, v16  }
0x1bd: {  	v18 =	vshrl.u32 v13, $0x11;
	v16 =	vor.u32 v0, v16;
	v17 =	vand.u32 $0x7FF0, v17  }
0x1be: {  	v8 =	vmax.f32 v8, v10;
	v17 =	vor.u32 v0, v17;
	v18 =	vand.u32 $0x7FF0, v18  }
0x1bf: {  	v8 =	vmax.f32 v8, v11;
	[tilespmem:v14+s14+$0x0] =	vst.idx.add.s32.msk $0xffff, v3;
	v10 =	vor.u32 v0, v18  }
0x1c0: {  	v8 =	vmax.f32 v8, v12;
	v11 =	vsel vm1, $0xFF800000, v13;
	[tilespmem:v15+s14+$0x0] =	vst.idx.add.s32.msk $0xffff, v3  }
0x1c1: {  	[tilespmem:v9+s14+$0x0] =	vst.idx.add.s32.msk $0xffff, v3;
	v9 =	vmax.f32 v8, v11  }
0x1c2: {  	[tilespmem:v16+s14+$0x0] =	vst.idx.add.s32.msk $0xffff, v3  }
0x1c3: {  	[tilespmem:v17+s14+$0x0] =	vst.idx.add.s32.msk $0xffff, v3  }
0x1c4: {  	[tilespmem:v10+s14+$0x0] =	vst.idx.add.s32.msk vm0, v3  }
0x1c5: {  	v8 =	vld [tilespmem:s28+$0x0]  }
0x1c6: {  	v10 =	vld [tilespmem:s28+$0x10]  }
0x1c7: {  	v11 =	vld [tilespmem:s28+$0x20]  }
0x1c8: {  	v12 =	vld [tilespmem:s28+$0x30]  }
0x1c9: {  	v13 =	vld [tilespmem:s28+$0x40]  }
0x1ca: {  	v14 =	vld [tilespmem:s28+$0x4B];
	v15 =	vshrl.u32 v8, $0x11  }
0x1cb: {  	v16 =	vshrl.u32 v10, $0x11;
	v15 =	vand.u32 $0x7FF0, v15;
	v8 =	vmax.f32 v8, v10  }
0x1cc: {  	v10 =	vshrl.u32 v11, $0x11;
	v15 =	vor.u32 v0, v15;
	v16 =	vand.u32 $0x7FF0, v16  }
0x1cd: {  	v17 =	vshrl.u32 v12, $0x11;
	v16 =	vor.u32 v0, v16;
	v10 =	vand.u32 $0x7FF0, v10  }
0x1ce: {  	v18 =	vshrl.u32 v13, $0x11;
	v10 =	vor.u32 v0, v10;
	v17 =	vand.u32 $0x7FF0, v17  }
0x1cf: {  	v19 =	vshrl.u32 v14, $0x11;
	v17 =	vor.u32 v0, v17;
	v18 =	vand.u32 $0x7FF0, v18  }
0x1d0: {  	v11 =	vmax.f32 v8, v11;
	v18 =	vor.u32 v0, v18;
	v19 =	vand.u32 $0x7FF0, v19  }
.Ltmp26:
0x1d1: {  	v11 =	vmax.f32 v11, v12;
	[tilespmem:v15+s14+$0x0] =	vst.idx.add.s32.msk $0xffff, v3;
	v8 =	vor.u32 v0, v19;
	(pc) =	sbr.rel @p0 .LBB2_35-.Ltmp26, $4  }
0x1d2: {  	v11 =	vmax.f32 v11, v13;
	v12 =	vsel vm1, $0xFF800000, v14;
	[tilespmem:v16+s14+$0x0] =	vst.idx.add.s32.msk $0xffff, v3  }
0x1d3: {  	v7 =	vmax.f32 v7, v9;
	v9 =	vmax.f32 v11, v12;
	[tilespmem:v10+s14+$0x0] =	vst.idx.add.s32.msk $0xffff, v3  }
0x1d4: {  	v7 =	vmax.f32 v7, v9;
	[tilespmem:v17+s14+$0x0] =	vst.idx.add.s32.msk $0xffff, v3  }
0x1d5: {  	[tilespmem:v18+s14+$0x0] =	vst.idx.add.s32.msk $0xffff, v3  }
0x1d6: {  	vm3 =	vge.f32 v7, v6  }
0x1d7: {  	v7 =	vsel vm3, $0x1, v1  }
0x1d8: {  	(xrf0) =	vadd.scan.msk.s32 $0xffff, v7;
	_ =	sdelay $0x5  }
0x1d9: {  	v7, _, _ =	vpop (xrf0)  }
0x1da: {  	(v2sf) =	vpush v7, $0xF;
	_ =	sdelay $0xe  }
0x1db: {  	s0 =	spop (v2sf)  }
0x1dc: {  	p0 =	slt.s32 s0, $0x1  }
.Ltmp27:
0x1dd: {  	_ = 	snop;
	(pc) =	sbr.rel @p0 .LBB2_40-.Ltmp27, $2  }
0x1de: {  	_ =	sdelay $0x2  }
0x1df: {  	[tilespmem:v8+s14+$0x0] =	vst.idx.add.s32.msk vm0, v3  }
0x1e0: {  	v8 =	vld [tilespmem:s29+$0xFFFFFFD0];
	_ =	sdelay $0x1  }
0x1e1: {  	v7 =	vld [tilespmem:$0x1C900]  }
0x1e2: {  	v9 =	vld [tilespmem:s29+$0xFFFFFFE0];
	_ =	sdelay $0x1  }
0x1e3: {  	vm6 =	vge.f32 v8, v6  }
0x1e4: {  	v10 =	vld [tilespmem:s29+$0xFFFFFFF0];
	v11 =	vsel vm6, $0x1, v1  }
0x1e5: {  	v11 =	vadd.s32 v11, v7  }
0x1e6: {  	vm3 =	vge.f32 v9, v6;
	vm4 =	vlt.s32 v11, $0x1FF  }
0x1e7: {  	v12 =	vld [tilespmem:s29+$0x0];
	v13 =	vsel vm3, $0x1, v1;
	v11 =	vnsel vm4, $0x1FF, v11  }
0x1e8: {  	v13 =	vadd.s32 v13, v11  }
0x1e9: {  	v15 =	vadd.s32 v5, v7;
	vm4 =	vge.f32 v10, v6;
	vm5 =	vlt.s32 v13, $0x1FF  }
0x1ea: {  	v14 =	vld [tilespmem:s29+$0x10];
	v7 =	vsel vm4, $0x1, v1;
	v13 =	vnsel vm5, $0x1FF, v13  }
0x1eb: {  	s0 =	sadd.s32 $0x0, s30;
	v11 =	vadd.s32 v5, v11;
	v16 =	vadd.s32 v7, v13  }
0x1ec: {  	s18 =	sadd.s32 $0x4718, s0;
	vm5 =	vge.f32 v12, v6;
	vm7 =	vlt.s32 v16, $0x1FF  }
0x1ed: {  	v18 =	vadd.s32 s18, v0;
	v7 =	vld [tilespmem:s29+$0x1B];
	v17 =	vsel vm5, $0x1, v1;
	v16 =	vnsel vm7, $0x1FF, v16  }
0x1ee: {  	s6 =	sadd.s32 $0x4728, s0;
	v13 =	vadd.s32 v5, v13;
	[tilespmem:v15+s15+$0x0] =	vst.idx.msk vm6, v18;
	v17 =	vadd.s32 v17, v16  }
0x1ef: {  	vm8 =	vge.f32 v14, v6;
	[tilespmem:v15+s16+$0x0] =	vst.idx.msk vm6, v8;
	v8 =	vadd.s32 s6, v0;
	vm14 =	vlt.s32 v17, $0x1FF  }
0x1f0: {  	s8 =	sadd.s32 $0x4738, s0;
	v62 =	vsel vm8, $0x1, v1;
	[tilespmem:v11+s15+$0x0] =	vst.idx.msk vm3, v8;
	v16 =	vadd.s32 v5, v16;
	v61 =	vnsel vm14, $0x1FF, v17  }
0x1f1: {  	[tilespmem:v11+s16+$0x0] =	vst.idx.msk vm3, v9;
	v9 =	vadd.s32 s8, v0;
	v15 =	vadd.s32 v62, v61  }
0x1f2: {  	vm15 =	vge.f32 v7, v6;
	v8 =	vadd.s32 v5, v61;
	vm3 =	vlt.s32 v15, $0x1FF  }
0x1f3: {  	s20 =	sadd.s32 $0x4748, s0;
	[tilespmem:v13+s15+$0x0] =	vst.idx.msk vm4, v9;
	v11 =	vnsel vm3, $0x1FF, v15;
	vm3 =	vmand vm15, vm0  }
0x1f4: {  	[tilespmem:v13+s16+$0x0] =	vst.idx.msk vm4, v10;
	v10 =	vadd.s32 s20, v0;
	v9 =	vadd.s32 v5, v11  }
0x1f5: {  	s21 =	sadd.s32 $0x4758, s0;
	[tilespmem:v16+s15+$0x0] =	vst.idx.msk vm5, v10  }
0x1f6: {  	v63 =	vadd.s32 s21, v0;
	v10 =	vsel vm3, $0x1, v1;
	[tilespmem:v16+s16+$0x0] =	vst.idx.msk vm5, v12  }
0x1f7: {  	s0 =	sadd.s32 $0x4763, s0;
	v10 =	vadd.s32 v10, v11;
	[tilespmem:v8+s15+$0x0] =	vst.idx.msk vm8, v63  }
0x1f8: {  	v11 =	vadd.s32 s0, v0;
	vm4 =	vlt.s32 v10, $0x1FF;
	[tilespmem:v8+s16+$0x0] =	vst.idx.msk vm8, v14  }
0x1f9: {  	s28 =	smov.u32 s29;
	s0 =	simm.s32 $0x5B;
	v8 =	vnsel vm4, $0x1FF, v10;
	[tilespmem:v9+s15+$0x0] =	vst.idx.msk vm3, v11  }
.LBB2_38:
0x1fa: {  	p0 =	sne.s32 s0, $0x6C1  }
0x1fb: {  	[tilespmem:v9+s16+$0x0] =	vst.idx.msk vm3, v7;
	s28 =	sadd.s32 $0x80, s28;
	s18 =	smov.u32 s0;
	s0 =	sadd.s32 $0x5B, s0  }
0x1fc: {  	v9 =	vld [tilespmem:s28+$0xFFFFFFD0];
	_ =	sdelay $0x2  }
0x1fd: {  	v10 =	vld [tilespmem:s28+$0xFFFFFFE0];
	_ =	sdelay $0x1  }
0x1fe: {  	vm4 =	vge.f32 v9, v6  }
0x1ff: {  	v11 =	vld [tilespmem:s28+$0xFFFFFFF0];
	v7 =	vsel vm4, $0x1, v1  }
0x200: {  	v7 =	vadd.s32 v7, v8  }
0x201: {  	vm5 =	vlt.s32 v7, $0x1FF;
	vm3 =	vge.f32 v10, v6  }
0x202: {  	v12 =	vld [tilespmem:s28+$0x0];
	v7 =	vnsel vm5, $0x1FF, v7;
	v13 =	vsel vm3, $0x1, v1  }
0x203: {  	v14 =	vadd.s32 v5, v7;
	v7 =	vadd.s32 v13, v7  }
0x204: {  	vm6 =	vlt.s32 v7, $0x1FF;
	vm5 =	vge.f32 v11, v6  }
0x205: {  	v8 =	vadd.s32 v5, v8;
	v13 =	vld [tilespmem:s28+$0x10];
	v7 =	vnsel vm6, $0x1FF, v7;
	v15 =	vsel vm5, $0x1, v1  }
0x206: {  	v16 =	vadd.s32 v5, v7;
	v15 =	vadd.s32 v15, v7  }
0x207: {  	s18 =	sadd.s32 s18, s30;
	v7 =	vld [tilespmem:s28+$0x1B];
	vm7 =	vlt.s32 v15, $0x1FF;
	vm6 =	vge.f32 v12, v6  }
0x208: {  	s20 =	sadd.s32 $0x4718, s18;
	s21 =	sadd.s32 $0x4728, s18;
	s6 =	sadd.s32 $0x4738, s18;
	v15 =	vnsel vm7, $0x1FF, v15;
	v17 =	vsel vm6, $0x1, v1  }
0x209: {  	s8 =	sadd.s32 $0x4758, s18;
	v18 =	vadd.s32 s20, v0;
	s20 =	sadd.s32 $0x4748, s18;
	s18 =	sadd.s32 $0x4763, s18;
	v19 =	vadd.s32 v5, v15;
	v15 =	vadd.s32 v17, v15  }
0x20a: {  	[tilespmem:v8+s15+$0x0] =	vst.idx.msk vm4, v18;
	vm8 =	vlt.s32 v15, $0x1FF;
	vm7 =	vge.f32 v13, v6  }
0x20b: {  	[tilespmem:v8+s16+$0x0] =	vst.idx.msk vm4, v9;
	v8 =	vadd.s32 s21, v0;
	v9 =	vnsel vm8, $0x1FF, v15;
	v15 =	vsel vm7, $0x1, v1  }
0x20c: {  	[tilespmem:v14+s15+$0x0] =	vst.idx.msk vm3, v8;
	v17 =	vadd.s32 v5, v9;
	v8 =	vadd.s32 v15, v9  }
0x20d: {  	v9 =	vadd.s32 s6, v0;
	vm4 =	vge.f32 v7, v6;
	[tilespmem:v14+s16+$0x0] =	vst.idx.msk vm3, v10;
	vm3 =	vlt.s32 v8, $0x1FF  }
0x20e: {  	[tilespmem:v16+s15+$0x0] =	vst.idx.msk vm5, v9;
	v8 =	vnsel vm3, $0x1FF, v8;
	vm3 =	vmand vm4, vm0  }
0x20f: {  	v10 =	vadd.s32 s20, v0;
	[tilespmem:v16+s16+$0x0] =	vst.idx.msk vm5, v11;
	v9 =	vadd.s32 v5, v8;
	v11 =	vsel vm3, $0x1, v1  }
.Ltmp28:
0x210: {  	[tilespmem:v19+s15+$0x0] =	vst.idx.msk vm6, v10;
	v8 =	vadd.s32 v11, v8;
	(pc) =	sbr.rel @p0 .LBB2_38-.Ltmp28, $4  }
0x211: {  	v10 =	vadd.s32 s8, v0;
	[tilespmem:v19+s16+$0x0] =	vst.idx.msk vm6, v12;
	vm4 =	vlt.s32 v8, $0x1FF  }
0x212: {  	[tilespmem:v17+s15+$0x0] =	vst.idx.msk vm7, v10;
	v8 =	vnsel vm4, $0x1FF, v8  }
0x213: {  	v10 =	vadd.s32 s18, v0;
	[tilespmem:v17+s16+$0x0] =	vst.idx.msk vm7, v13  }
0x214: {  	[tilespmem:v9+s15+$0x0] =	vst.idx.msk vm3, v10  }
0x215: {  	_ =	sdelay $0x1  }
.Ltmp29:
0x216: {  	_ = 	snop;
	(pc) =	sbr.rel .LBB2_40-.Ltmp29, $3  }
0x217: {  	_ =	sdelay $0x1  }
0x218: {  	[tilespmem:v9+s16+$0x0] =	vst.idx.msk vm3, v7  }
0x219: {  	[tilespmem:$0x1C900] =	vst v8  }
.LBB2_41:
.Ltmp30:
0x21a: {  	_ =	swait.ge [sflag:s12], $0x6400;
	(pc) =	sbr.rel .LBB2_42-.Ltmp30, $4  }
0x21b: {  	s0 =	sadd.s32 s26, s7;
	s26 =	simm.s32 $0x0;
	s28 =	simm.s32 $0x80  }
0x21c: {  	s29 =	simm.s32 $0x30;
	[sflag:s12] =	ssyncset.done $0x0;
	s0 =	sshrl.u32 s0, $0x3  }
0x21d: {  	s30 =	smov.u32 s24;
	[sflag:s12] =	ssyncadd.s32 $0xFFFF9C00;
	s0 =	sadd.s32 s4, s0  }
0x21e: {  	[tilespmem:s13], [sflag:$0x2] =	stream.linear.gather [hbm4b:s0+s26], $0x6400, $0x38;
	[tilespmem:$0x1CA00] =	vst v63  }
.LBB2_48:
0x21f: {  	s26 =	sadd.s32 $0x1, s26  }
0x220: {  	p0 =	sne.s32 s26, $0xA  }
.Ltmp31:
0x221: {  	_ = 	snop;
	(pc) =	sbr.rel @!p0 .LBB2_49-.Ltmp31, $2  }
0x222: {  	_ =	sdelay $0x2  }
0x223: {  	s28 =	sadd.s32 $0xA00, s28;
	s30 =	sadd.s32 $0x71C, s30;
	s29 =	sadd.s32 $0xA00, s29  }
.LBB2_42:
0x224: {  	v7 =	vld [tilespmem:s28+$0xFFFFFF80]  }
0x225: {  	v8 =	vld [tilespmem:s28+$0xFFFFFF90]  }
0x226: {  	v9 =	vld [tilespmem:s28+$0xFFFFFFA0]  }
0x227: {  	v10 =	vld [tilespmem:s28+$0xFFFFFFB0]  }
0x228: {  	v11 =	vld [tilespmem:s28+$0xFFFFFFC0]  }
0x229: {  	v12 =	vld [tilespmem:s28+$0xFFFFFFCB];
	v13 =	vshrl.u32 v7, $0x11  }
0x22a: {  	v14 =	vshrl.u32 v8, $0x11;
	v13 =	vand.u32 $0x7FF0, v13  }
0x22b: {  	v15 =	vshrl.u32 v9, $0x11;
	v14 =	vand.u32 $0x7FF0, v14;
	v13 =	vor.u32 v0, v13  }
0x22c: {  	v16 =	vshrl.u32 v10, $0x11;
	v15 =	vand.u32 $0x7FF0, v15;
	v14 =	vor.u32 v0, v14  }
0x22d: {  	v17 =	vshrl.u32 v11, $0x11;
	v16 =	vand.u32 $0x7FF0, v16;
	v15 =	vor.u32 v0, v15  }
0x22e: {  	v18 =	vshrl.u32 v12, $0x11;
	v17 =	vand.u32 $0x7FF0, v17;
	v16 =	vor.u32 v0, v16  }
0x22f: {  	v18 =	vand.u32 $0x7FF0, v18;
	v17 =	vor.u32 v0, v17  }
0x230: {  	v59 =	vor.u32 v0, v18;
	[tilespmem:v13+s14+$0x0] =	vst.idx.add.s32.msk $0xffff, v3  }
0x231: {  	[tilespmem:v14+s14+$0x0] =	vst.idx.add.s32.msk $0xffff, v3  }
0x232: {  	[tilespmem:v15+s14+$0x0] =	vst.idx.add.s32.msk $0xffff, v3  }
0x233: {  	[tilespmem:v16+s14+$0x0] =	vst.idx.add.s32.msk $0xffff, v3  }
0x234: {  	[tilespmem:v17+s14+$0x0] =	vst.idx.add.s32.msk $0xffff, v3  }
0x235: {  	[tilespmem:v59+s14+$0x0] =	vst.idx.add.s32.msk vm0, v3  }
0x236: {  	v13 =	vld [tilespmem:s28+$0x0]  }
0x237: {  	v14 =	vld [tilespmem:s28+$0x10];
	_ =	sdelay $0x3  }
0x238: {  	v15 =	vld [tilespmem:s28+$0x20];
	v60 =	vshrl.u32 v13, $0x11  }
0x239: {  	v7 =	vmax.f32 v7, v8;
	v16 =	vld [tilespmem:s28+$0x30];
	v8 =	vshrl.u32 v14, $0x11;
	v18 =	vand.u32 $0x7FF0, v60  }
0x23a: {  	v17 =	vld [tilespmem:s28+$0x40];
	v8 =	vand.u32 $0x7FF0, v8;
	v18 =	vor.u32 v0, v18  }
0x23b: {  	v21 =	vld [tilespmem:s28+$0x4B];
	v8 =	vor.u32 v0, v8;
	_ =	sdelay $0x1  }
0x23c: {  	v7 =	vmax.f32 v7, v9;
	v19 =	vshrl.u32 v15, $0x11  }
0x23d: {  	v7 =	vmax.f32 v7, v10;
	v20 =	vshrl.u32 v16, $0x11;
	v19 =	vand.u32 $0x7FF0, v19  }
0x23e: {  	v22 =	vshrl.u32 v17, $0x11;
	v20 =	vand.u32 $0x7FF0, v20;
	v19 =	vor.u32 v0, v19;
	[tilespmem:v18+s14+$0x0] =	vst.idx.add.s32.msk $0xffff, v3  }
0x23f: {  	v61 =	vand.u32 $0x7FF0, v22;
	v9 =	vor.u32 v0, v20;
	[tilespmem:v8+s14+$0x0] =	vst.idx.add.s32.msk $0xffff, v3;
	v8 =	vshrl.u32 v21, $0x11  }
0x240: {  	v10 =	vmax.f32 v13, v14;
	v62 =	vor.u32 v0, v61;
	v8 =	vand.u32 $0x7FF0, v8  }
0x241: {  	v63 =	vimm.f32 $-Inf;
	v10 =	vmax.f32 v10, v15;
	v8 =	vor.u32 v0, v8  }
0x242: {  	v7 =	vmax.f32 v7, v11;
	v11 =	vsel vm1, $0xFF800000, v12;
	v10 =	vmax.f32 v10, v16  }
0x243: {  	v7 =	vmax.f32 v7, v11;
	v11 =	vsel vm1, $0xFF800000, v21;
	v10 =	vmax.f32 v10, v17;
	[tilespmem:v19+s14+$0x0] =	vst.idx.add.s32.msk $0xffff, v3  }
0x244: {  	v7 =	vmax.f32 v63, v7;
	v10 =	vmax.f32 v10, v11;
	[tilespmem:v9+s14+$0x0] =	vst.idx.add.s32.msk $0xffff, v3  }
0x245: {  	s0 =	simm.s32 $0x0;
	s1 =	smov.u32 s28;
	v7 =	vmax.f32 v7, v10;
	[tilespmem:v62+s14+$0x0] =	vst.idx.add.s32.msk $0xffff, v3  }
.LBB2_43:
0x246: {  	s0 =	sadd.s32 $0x2, s0;
	[tilespmem:v8+s14+$0x0] =	vst.idx.add.s32.msk vm0, v3;
	s1 =	sadd.s32 $0x100, s1  }
0x247: {  	p0 =	slt.u32 s0, $0x12  }
0x248: {  	v8 =	vld [tilespmem:s1+$0xFFFFFF80]  }
0x249: {  	v9 =	vld [tilespmem:s1+$0xFFFFFF90]  }
0x24a: {  	v10 =	vld [tilespmem:s1+$0xFFFFFFA0]  }
0x24b: {  	v11 =	vld [tilespmem:s1+$0xFFFFFFB0]  }
0x24c: {  	v12 =	vld [tilespmem:s1+$0xFFFFFFC0]  }
0x24d: {  	v13 =	vld [tilespmem:s1+$0xFFFFFFCB];
	v14 =	vshrl.u32 v8, $0x11  }
0x24e: {  	v15 =	vshrl.u32 v9, $0x11;
	v14 =	vand.u32 $0x7FF0, v14;
	v8 =	vmax.f32 v8, v9  }
0x24f: {  	v9 =	vshrl.u32 v10, $0x11;
	v14 =	vor.u32 v0, v14;
	v15 =	vand.u32 $0x7FF0, v15  }
0x250: {  	v16 =	vshrl.u32 v11, $0x11;
	v15 =	vor.u32 v0, v15;
	v9 =	vand.u32 $0x7FF0, v9  }
0x251: {  	v17 =	vshrl.u32 v12, $0x11;
	v9 =	vor.u32 v0, v9;
	v16 =	vand.u32 $0x7FF0, v16  }
0x252: {  	v18 =	vshrl.u32 v13, $0x11;
	v16 =	vor.u32 v0, v16;
	v17 =	vand.u32 $0x7FF0, v17  }
0x253: {  	v8 =	vmax.f32 v8, v10;
	v17 =	vor.u32 v0, v17;
	v18 =	vand.u32 $0x7FF0, v18  }
0x254: {  	v8 =	vmax.f32 v8, v11;
	[tilespmem:v14+s14+$0x0] =	vst.idx.add.s32.msk $0xffff, v3;
	v10 =	vor.u32 v0, v18  }
0x255: {  	v8 =	vmax.f32 v8, v12;
	v11 =	vsel vm1, $0xFF800000, v13;
	[tilespmem:v15+s14+$0x0] =	vst.idx.add.s32.msk $0xffff, v3  }
0x256: {  	[tilespmem:v9+s14+$0x0] =	vst.idx.add.s32.msk $0xffff, v3;
	v9 =	vmax.f32 v8, v11  }
0x257: {  	[tilespmem:v16+s14+$0x0] =	vst.idx.add.s32.msk $0xffff, v3  }
0x258: {  	[tilespmem:v17+s14+$0x0] =	vst.idx.add.s32.msk $0xffff, v3  }
0x259: {  	[tilespmem:v10+s14+$0x0] =	vst.idx.add.s32.msk vm0, v3  }
0x25a: {  	v8 =	vld [tilespmem:s1+$0x0]  }
0x25b: {  	v10 =	vld [tilespmem:s1+$0x10]  }
0x25c: {  	v11 =	vld [tilespmem:s1+$0x20]  }
0x25d: {  	v12 =	vld [tilespmem:s1+$0x30]  }
0x25e: {  	v13 =	vld [tilespmem:s1+$0x40]  }
0x25f: {  	v14 =	vld [tilespmem:s1+$0x4B];
	v15 =	vshrl.u32 v8, $0x11  }
0x260: {  	v16 =	vshrl.u32 v10, $0x11;
	v15 =	vand.u32 $0x7FF0, v15;
	v8 =	vmax.f32 v8, v10  }
0x261: {  	v10 =	vshrl.u32 v11, $0x11;
	v15 =	vor.u32 v0, v15;
	v16 =	vand.u32 $0x7FF0, v16  }
0x262: {  	v17 =	vshrl.u32 v12, $0x11;
	v16 =	vor.u32 v0, v16;
	v10 =	vand.u32 $0x7FF0, v10  }
0x263: {  	v18 =	vshrl.u32 v13, $0x11;
	v10 =	vor.u32 v0, v10;
	v17 =	vand.u32 $0x7FF0, v17  }
0x264: {  	v19 =	vshrl.u32 v14, $0x11;
	v17 =	vor.u32 v0, v17;
	v18 =	vand.u32 $0x7FF0, v18  }
0x265: {  	v11 =	vmax.f32 v8, v11;
	v18 =	vor.u32 v0, v18;
	v19 =	vand.u32 $0x7FF0, v19  }
.Ltmp32:
0x266: {  	v11 =	vmax.f32 v11, v12;
	[tilespmem:v15+s14+$0x0] =	vst.idx.add.s32.msk $0xffff, v3;
	v8 =	vor.u32 v0, v19;
	(pc) =	sbr.rel @p0 .LBB2_43-.Ltmp32, $4  }
0x267: {  	v11 =	vmax.f32 v11, v13;
	v12 =	vsel vm1, $0xFF800000, v14;
	[tilespmem:v16+s14+$0x0] =	vst.idx.add.s32.msk $0xffff, v3  }
0x268: {  	v7 =	vmax.f32 v7, v9;
	v9 =	vmax.f32 v11, v12;
	[tilespmem:v10+s14+$0x0] =	vst.idx.add.s32.msk $0xffff, v3  }
0x269: {  	v7 =	vmax.f32 v7, v9;
	[tilespmem:v17+s14+$0x0] =	vst.idx.add.s32.msk $0xffff, v3  }
0x26a: {  	[tilespmem:v18+s14+$0x0] =	vst.idx.add.s32.msk $0xffff, v3  }
0x26b: {  	vm3 =	vge.f32 v7, v6  }
0x26c: {  	v7 =	vsel vm3, $0x1, v1  }
0x26d: {  	(xrf0) =	vadd.scan.msk.s32 $0xffff, v7;
	_ =	sdelay $0x5  }
0x26e: {  	v7, _, _ =	vpop (xrf0)  }
0x26f: {  	(v2sf) =	vpush v7, $0xF;
	_ =	sdelay $0xe  }
0x270: {  	s0 =	spop (v2sf)  }
0x271: {  	p0 =	slt.s32 s0, $0x1  }
.Ltmp33:
0x272: {  	_ = 	snop;
	(pc) =	sbr.rel @p0 .LBB2_48-.Ltmp33, $2  }
0x273: {  	_ =	sdelay $0x2  }
0x274: {  	[tilespmem:v8+s14+$0x0] =	vst.idx.add.s32.msk vm0, v3  }
0x275: {  	v8 =	vld [tilespmem:s29+$0xFFFFFFD0];
	_ =	sdelay $0x1  }
0x276: {  	v7 =	vld [tilespmem:$0x1C900]  }
0x277: {  	v9 =	vld [tilespmem:s29+$0xFFFFFFE0];
	_ =	sdelay $0x1  }
0x278: {  	vm6 =	vge.f32 v8, v6  }
0x279: {  	v10 =	vld [tilespmem:s29+$0xFFFFFFF0];
	v11 =	vsel vm6, $0x1, v1  }
0x27a: {  	v11 =	vadd.s32 v11, v7  }
0x27b: {  	vm3 =	vge.f32 v9, v6;
	vm4 =	vlt.s32 v11, $0x1FF  }
0x27c: {  	v12 =	vld [tilespmem:s29+$0x0];
	v13 =	vsel vm3, $0x1, v1;
	v11 =	vnsel vm4, $0x1FF, v11  }
0x27d: {  	v13 =	vadd.s32 v13, v11  }
0x27e: {  	v15 =	vadd.s32 v5, v7;
	vm4 =	vge.f32 v10, v6;
	vm5 =	vlt.s32 v13, $0x1FF  }
0x27f: {  	v14 =	vld [tilespmem:s29+$0x10];
	v7 =	vsel vm4, $0x1, v1;
	v13 =	vnsel vm5, $0x1FF, v13  }
0x280: {  	s0 =	sadd.s32 $0x0, s30;
	v11 =	vadd.s32 v5, v11;
	v16 =	vadd.s32 v7, v13  }
0x281: {  	s1 =	sadd.s32 $0x8E30, s0;
	vm5 =	vge.f32 v12, v6;
	vm7 =	vlt.s32 v16, $0x1FF  }
0x282: {  	v18 =	vadd.s32 s1, v0;
	v7 =	vld [tilespmem:s29+$0x1B];
	v17 =	vsel vm5, $0x1, v1;
	v16 =	vnsel vm7, $0x1FF, v16  }
0x283: {  	s18 =	sadd.s32 $0x8E40, s0;
	v13 =	vadd.s32 v5, v13;
	[tilespmem:v15+s15+$0x0] =	vst.idx.msk vm6, v18;
	v17 =	vadd.s32 v17, v16  }
0x284: {  	vm8 =	vge.f32 v14, v6;
	[tilespmem:v15+s16+$0x0] =	vst.idx.msk vm6, v8;
	v8 =	vadd.s32 s18, v0;
	vm14 =	vlt.s32 v17, $0x1FF  }
0x285: {  	s20 =	sadd.s32 $0x8E50, s0;
	v62 =	vsel vm8, $0x1, v1;
	[tilespmem:v11+s15+$0x0] =	vst.idx.msk vm3, v8;
	v16 =	vadd.s32 v5, v16;
	v61 =	vnsel vm14, $0x1FF, v17  }
0x286: {  	[tilespmem:v11+s16+$0x0] =	vst.idx.msk vm3, v9;
	v9 =	vadd.s32 s20, v0;
	v15 =	vadd.s32 v62, v61  }
0x287: {  	vm15 =	vge.f32 v7, v6;
	v8 =	vadd.s32 v5, v61;
	vm3 =	vlt.s32 v15, $0x1FF  }
0x288: {  	s21 =	sadd.s32 $0x8E60, s0;
	[tilespmem:v13+s15+$0x0] =	vst.idx.msk vm4, v9;
	v11 =	vnsel vm3, $0x1FF, v15;
	vm3 =	vmand vm15, vm0  }
0x289: {  	[tilespmem:v13+s16+$0x0] =	vst.idx.msk vm4, v10;
	v10 =	vadd.s32 s21, v0;
	v9 =	vadd.s32 v5, v11  }
0x28a: {  	s31 =	sadd.s32 $0x8E70, s0;
	[tilespmem:v16+s15+$0x0] =	vst.idx.msk vm5, v10  }
0x28b: {  	v63 =	vadd.s32 s31, v0;
	v10 =	vsel vm3, $0x1, v1;
	[tilespmem:v16+s16+$0x0] =	vst.idx.msk vm5, v12  }
0x28c: {  	s0 =	sadd.s32 $0x8E7B, s0;
	v10 =	vadd.s32 v10, v11;
	[tilespmem:v8+s15+$0x0] =	vst.idx.msk vm8, v63  }
0x28d: {  	v11 =	vadd.s32 s0, v0;
	vm4 =	vlt.s32 v10, $0x1FF;
	[tilespmem:v8+s16+$0x0] =	vst.idx.msk vm8, v14  }
0x28e: {  	s1 =	smov.u32 s29;
	s0 =	simm.s32 $0x5B;
	v8 =	vnsel vm4, $0x1FF, v10;
	[tilespmem:v9+s15+$0x0] =	vst.idx.msk vm3, v11  }
.LBB2_46:
0x28f: {  	p0 =	sne.s32 s0, $0x6C1  }
0x290: {  	[tilespmem:v9+s16+$0x0] =	vst.idx.msk vm3, v7;
	s1 =	sadd.s32 $0x80, s1;
	s6 =	smov.u32 s0;
	s0 =	sadd.s32 $0x5B, s0  }
0x291: {  	v9 =	vld [tilespmem:s1+$0xFFFFFFD0];
	_ =	sdelay $0x2  }
0x292: {  	v10 =	vld [tilespmem:s1+$0xFFFFFFE0];
	_ =	sdelay $0x1  }
0x293: {  	vm4 =	vge.f32 v9, v6  }
0x294: {  	v11 =	vld [tilespmem:s1+$0xFFFFFFF0];
	v7 =	vsel vm4, $0x1, v1  }
0x295: {  	v7 =	vadd.s32 v7, v8  }
0x296: {  	vm5 =	vlt.s32 v7, $0x1FF;
	vm3 =	vge.f32 v10, v6  }
0x297: {  	v12 =	vld [tilespmem:s1+$0x0];
	v7 =	vnsel vm5, $0x1FF, v7;
	v13 =	vsel vm3, $0x1, v1  }
0x298: {  	v14 =	vadd.s32 v5, v7;
	v7 =	vadd.s32 v13, v7  }
0x299: {  	vm6 =	vlt.s32 v7, $0x1FF;
	vm5 =	vge.f32 v11, v6  }
0x29a: {  	v8 =	vadd.s32 v5, v8;
	v13 =	vld [tilespmem:s1+$0x10];
	v7 =	vnsel vm6, $0x1FF, v7;
	v15 =	vsel vm5, $0x1, v1  }
0x29b: {  	v16 =	vadd.s32 v5, v7;
	v15 =	vadd.s32 v15, v7  }
0x29c: {  	s6 =	sadd.s32 s6, s30;
	v7 =	vld [tilespmem:s1+$0x1B];
	vm7 =	vlt.s32 v15, $0x1FF;
	vm6 =	vge.f32 v12, v6  }
0x29d: {  	s8 =	sadd.s32 $0x8E30, s6;
	s18 =	sadd.s32 $0x8E40, s6;
	s20 =	sadd.s32 $0x8E50, s6;
	v15 =	vnsel vm7, $0x1FF, v15;
	v17 =	vsel vm6, $0x1, v1  }
0x29e: {  	s21 =	sadd.s32 $0x8E70, s6;
	v18 =	vadd.s32 s8, v0;
	s8 =	sadd.s32 $0x8E60, s6;
	s6 =	sadd.s32 $0x8E7B, s6;
	v19 =	vadd.s32 v5, v15;
	v15 =	vadd.s32 v17, v15  }
0x29f: {  	[tilespmem:v8+s15+$0x0] =	vst.idx.msk vm4, v18;
	vm8 =	vlt.s32 v15, $0x1FF;
	vm7 =	vge.f32 v13, v6  }
0x2a0: {  	[tilespmem:v8+s16+$0x0] =	vst.idx.msk vm4, v9;
	v8 =	vadd.s32 s18, v0;
	v9 =	vnsel vm8, $0x1FF, v15;
	v15 =	vsel vm7, $0x1, v1  }
0x2a1: {  	[tilespmem:v14+s15+$0x0] =	vst.idx.msk vm3, v8;
	v17 =	vadd.s32 v5, v9;
	v8 =	vadd.s32 v15, v9  }
0x2a2: {  	v9 =	vadd.s32 s20, v0;
	vm4 =	vge.f32 v7, v6;
	[tilespmem:v14+s16+$0x0] =	vst.idx.msk vm3, v10;
	vm3 =	vlt.s32 v8, $0x1FF  }
0x2a3: {  	[tilespmem:v16+s15+$0x0] =	vst.idx.msk vm5, v9;
	v8 =	vnsel vm3, $0x1FF, v8;
	vm3 =	vmand vm4, vm0  }
0x2a4: {  	v10 =	vadd.s32 s8, v0;
	[tilespmem:v16+s16+$0x0] =	vst.idx.msk vm5, v11;
	v9 =	vadd.s32 v5, v8;
	v11 =	vsel vm3, $0x1, v1  }
.Ltmp34:
0x2a5: {  	[tilespmem:v19+s15+$0x0] =	vst.idx.msk vm6, v10;
	v8 =	vadd.s32 v11, v8;
	(pc) =	sbr.rel @p0 .LBB2_46-.Ltmp34, $4  }
0x2a6: {  	v10 =	vadd.s32 s21, v0;
	[tilespmem:v19+s16+$0x0] =	vst.idx.msk vm6, v12;
	vm4 =	vlt.s32 v8, $0x1FF  }
0x2a7: {  	[tilespmem:v17+s15+$0x0] =	vst.idx.msk vm7, v10;
	v8 =	vnsel vm4, $0x1FF, v8  }
0x2a8: {  	v10 =	vadd.s32 s6, v0;
	[tilespmem:v17+s16+$0x0] =	vst.idx.msk vm7, v13  }
0x2a9: {  	[tilespmem:v9+s15+$0x0] =	vst.idx.msk vm3, v10  }
0x2aa: {  	_ =	sdelay $0x1  }
.Ltmp35:
0x2ab: {  	_ = 	snop;
	(pc) =	sbr.rel .LBB2_48-.Ltmp35, $3  }
0x2ac: {  	_ =	sdelay $0x1  }
0x2ad: {  	[tilespmem:v9+s16+$0x0] =	vst.idx.msk vm3, v7  }
0x2ae: {  	[tilespmem:$0x1C900] =	vst v8  }
.LBB2_50:
0x2af: {  	s1 =	simm.s32 $0x10800;
	s28 =	simm.s32 $0x410  }
0x2b0: {  	s26 =	simm.s32 $0x0;
	s0 =	simm.s32 $0x40;
	s1 =	simm.s32 @p0 $0x10800  }
0x2b1: {  	s28 =	simm.s32 @p0 $0x410;
	s26 =	simm.s32 @p0 $0x0;
	s0 =	simm.s32 @p0 $0x40  }
.LBB2_51:
0x2b2: {  	v6 =	vld [tilespmem:s1+$0xFFFFFF00]  }
0x2b3: {  	v7 =	vld [tilespmem:s1+$0xFFFFFF10]  }
0x2b4: {  	v8 =	vld [tilespmem:s1+$0xFFFFFF20]  }
0x2b5: {  	v9 =	vld [tilespmem:s1+$0xFFFFFF30]  }
0x2b6: {  	v10 =	vld [tilespmem:s1+$0xFFFFFF40]  }
0x2b7: {  	v11 =	vld [tilespmem:s1+$0xFFFFFF50]  }
0x2b8: {  	v6 =	vadd.s32 v6, v7;
	v7 =	vld [tilespmem:s1+$0xFFFFFF60]  }
0x2b9: {  	v56 =	vld [tilespmem:s1+$0xFFFFFF70];
	v6 =	vadd.s32 v6, v8  }
0x2ba: {  	v57 =	vld [tilespmem:s1+$0xFFFFFF80];
	v6 =	vadd.s32 v6, v9  }
0x2bb: {  	v58 =	vld [tilespmem:s1+$0xFFFFFF90];
	v6 =	vadd.s32 v6, v10  }
0x2bc: {  	v59 =	vld [tilespmem:s1+$0xFFFFFFA0];
	v6 =	vadd.s32 v6, v11  }
0x2bd: {  	v6 =	vadd.s32 v6, v7;
	v7 =	vld [tilespmem:s1+$0xFFFFFFB0]  }
0x2be: {  	v60 =	vld [tilespmem:s1+$0xFFFFFFC0];
	v6 =	vadd.s32 v6, v56  }
0x2bf: {  	v61 =	vld [tilespmem:s1+$0xFFFFFFD0];
	v6 =	vadd.s32 v6, v57  }
0x2c0: {  	v62 =	vld [tilespmem:s1+$0xFFFFFFE0];
	v6 =	vadd.s32 v6, v58  }
0x2c1: {  	v63 =	vld [tilespmem:s1+$0xFFFFFFF0];
	v6 =	vadd.s32 v6, v59  }
0x2c2: {  	v6 =	vadd.s32 v6, v7  }
0x2c3: {  	v6 =	vadd.s32 v6, v60  }
0x2c4: {  	v6 =	vadd.s32 v6, v61  }
0x2c5: {  	v6 =	vadd.s32 v6, v62  }
0x2c6: {  	v6 =	vadd.s32 v6, v63  }
0x2c7: {  	(xrf0) =	vadd.scan.msk.s32 $0xffff, v6;
	_ =	sdelay $0x5  }
0x2c8: {  	v6, _, _ =	vpop (xrf0)  }
0x2c9: {  	(v2sf) =	vpush v6, $0xF;
	_ =	sdelay $0xe  }
0x2ca: {  	s6 =	spop (v2sf)  }
0x2cb: {  	p0 =	slt.u32 s0, $0x2;
	s26 =	sadd.s32 s26, s6  }
0x2cc: {  	p1 =	slt.s32 @!p0 s26, $0x64  }
0x2cd: {  	p0 =	por p0, !p1  }
.Ltmp36:
0x2ce: {  	_ = 	snop;
	(pc) =	sbr.rel @!p0 .LBB2_51-.Ltmp36, $2  }
0x2cf: {  	_ =	sdelay $0x2  }
0x2d0: {  	s0 =	sadd.s32 $0xFFFFFFFF, s0;
	s28 =	sadd.s32 $0xFFFFFFF0, s28;
	s1 =	sadd.s32 $0xFFFFFF00, s1  }
0x2d1: {  	p0 =	slt.s32 s26, $0x64  }
.Ltmp37:
0x2d2: {  	_ = 	snop;
	(pc) =	sbr.rel @p0 .LBB2_53-.Ltmp37, $1  }
0x2d3: {  	_ =	sdelay $0x3  }
0x2d4: {  	s0 =	simm.s32 $0x0;
	v6 =	vmov s1  }
0x2d5: {  	s20 =	simm.s32 $0x0;
	s6 =	sand.u32 $0x7, s0  }
0x2d6: {  	s1 =	sand.u32 $0xFFFFFE00, s20;
	s6 =	sshll.u32 s6, $0x6  }
0x2d7: {  	s1 =	sor.u32 s6, s1  }
0x2d8: {  	s1 =	sshrl.u32 s1, $0x2  }
0x2d9: {  	v7 =	vld.idx.msk [tilespmem:v6+s1+$0x0 ss:$0x1], $0xffff  }
0x2da: {  	s21 =	simm.s32 $0x1  }
0x2db: {  	s30 =	simm.s32 $0x40;
	s1 =	sand.u32 $0x7, s21  }
0x2dc: {  	s6 =	sand.u32 $0xFFFFFE00, s30;
	s1 =	sshll.u32 s1, $0x6  }
0x2dd: {  	s1 =	sor.u32 s1, s6  }
0x2de: {  	s1 =	sshrl.u32 s1, $0x2;
	(xrf0) =	vadd.scan.msk.s32 $0xffff, v7  }
0x2df: {  	v9 =	vld.idx.msk [tilespmem:v6+s1+$0x0 ss:$0x1], $0xffff;
	s1 =	simm.s32 $0x2  }
0x2e0: {  	s31 =	simm.s32 $0x80;
	s8 =	sand.u32 $0x7, s1  }
0x2e1: {  	s6 =	sand.u32 $0xFFFFFE00, s31;
	s8 =	sshll.u32 s8, $0x6  }
0x2e2: {  	s6 =	sor.u32 s8, s6  }
0x2e3: {  	s6 =	sshrl.u32 s6, $0x2  }
0x2e4: {  	s29 =	simm.s32 $0x30;
	v7 =	vimm.s32 $0x0;
	v8 =	vld.idx.msk [tilespmem:v6+s6+$0x0 ss:$0x1], $0xffff;
	(xrf0) =	vadd.scan.msk.s32 $0xffff, v9;
	v9, _, _ =	vpop (xrf0)  }
.LBB2_58:
0x2e5: {  	s6 =	sshll.u32 s29, $0x2;
	s1 =	sadd.s32 $0x1, s1;
	v10 =	vmov s0;
	v9 =	vbroadcast v9, $0xF;
	p0 =	sne.s32 s29, $0xF0  }
.Ltmp38:
0x2e6: {  	s29 =	sadd.s32 $0x10, s29;
	s8 =	sand.u32 $0x7, s1;
	vm3 =	veq.s32 v10, v0;
	(pc) =	sbr.rel @p0 .LBB2_58-.Ltmp38, $4  }
0x2e7: {  	s6 =	sand.u32 $0xFFFFFE00, s6;
	s8 =	sshll.u32 s8, $0x6;
	v7 =	vsel vm3, v9, v7  }
0x2e8: {  	s6 =	sor.u32 s8, s6  }
0x2e9: {  	s6 =	sshrl.u32 s6, $0x2  }
0x2ea: {  	s0 =	sadd.s32 $0x1, s0;
	(xrf0) =	vadd.scan.msk.s32 $0xffff, v8;
	v8 =	vld.idx.msk [tilespmem:v6+s6+$0x0 ss:$0x1], $0xffff;
	v9, _, _ =	vpop (xrf0)  }
0x2eb: {  	_ =	sdelay $0x3  }
0x2ec: {  	(xrf0) =	vadd.scan.msk.s32 $0xffff, v8;
	_ =	sdelay $0x1  }
0x2ed: {  	v6 =	vmov s0;
	_ =	sdelay $0x1  }
0x2ee: {  	v8 =	vbroadcast v9, $0xF  }
0x2ef: {  	s29 =	sadd.s32 $0x1, s0;
	vm3 =	veq.s32 v6, v0;
	v6, _, _ =	vpop (xrf0)  }
0x2f0: {  	s0 =	sadd.s32 $0x1, s29;
	v7 =	vsel vm3, v8, v7;
	v8 =	vmov s29;
	v6 =	vbroadcast v6, $0xF;
	v63, _, _ =	vpop (xrf0)  }
0x2f1: {  	vm3 =	veq.s32 v8, v0;
	v8 =	vmov s0;
	v9 =	vbroadcast v63, $0xF  }
0x2f2: {  	v6 =	vsel vm3, v6, v7;
	vm3 =	veq.s32 v8, v0  }
0x2f3: {  	v6 =	vsel vm3, v9, v6  }
0x2f4: {  	(xrf0) =	vadd.scan.msk.s32 $0xffff, v6;
	_ =	sdelay $0x5  }
0x2f5: {  	v7, _, _ =	vpop (xrf0)  }
0x2f6: {  	(v2sf) =	vpush v7, $0xF;
	_ =	sdelay $0x7  }
0x2f7: {  	v6 =	vperm.xlane v6, v4;
	_ =	sdelay $0x1  }
0x2f8: {  	(xrf0) =	vadd.scan.msk.s32 $0xffff, v6;
	_ =	sdelay $0x4  }
0x2f9: {  	s30 =	spop (v2sf)  }
0x2fa: {  	v6, _, _ =	vpop (xrf0);
	s0 =	ssub.s32 s26, s30  }
0x2fb: {  	v6 =	vadd.s32 s0, v6  }
0x2fc: {  	vm3 =	vgt.s32 v6, $0x63  }
0x2fd: {  	v6 =	vmctz.xlane vm3;
	_ =	sdelay $0x1  }
0x2fe: {  	v6 =	vxor.u32 $0x80000000, v6  }
0x2ff: {  	(xrf0) =	vmax.scan.msk.u32 $0xffff, v6;
	_ =	sdelay $0x5  }
0x300: {  	v6, _, _ =	vpop (xrf0)  }
0x301: {  	(v2sf) =	vpush v6, $0xF;
	_ =	sdelay $0xe  }
0x302: {  	s31 =	spop (v2sf)  }
.Ltmp39:
0x303: {  	s0 =	sxor.u32 $0xFFFFFFFF, s31;
	(pc) =	sbr.rel .LBB2_67-.Ltmp39, $4  }
0x304: {  	s0 =	sadd.s32 s28, s0  }
0x305: {  	v6 =	vmov s0  }
0x306: {  	v6 =	vshll.u32 v6, $0x15  }
0x307: {  	v6 =	vbroadcast v6, $0x0  }
.LBB2_53:
0x308: {  	s0 =	simm.s32 $0x40;
	s28 =	simm.s32 $0x3F0;
	s1 =	simm.s32 $0x10700  }
.LBB2_54:
0x309: {  	v6 =	vld [tilespmem:s1+$0x100]  }
0x30a: {  	v7 =	vld [tilespmem:s1+$0x110]  }
0x30b: {  	v8 =	vld [tilespmem:s1+$0x120]  }
0x30c: {  	v9 =	vld [tilespmem:s1+$0x130]  }
0x30d: {  	v10 =	vld [tilespmem:s1+$0x140]  }
0x30e: {  	v11 =	vld [tilespmem:s1+$0x150]  }
0x30f: {  	v6 =	vadd.s32 v6, v7;
	v7 =	vld [tilespmem:s1+$0x160]  }
0x310: {  	v56 =	vld [tilespmem:s1+$0x170];
	v6 =	vadd.s32 v6, v8  }
0x311: {  	v57 =	vld [tilespmem:s1+$0x180];
	v6 =	vadd.s32 v6, v9  }
0x312: {  	v58 =	vld [tilespmem:s1+$0x190];
	v6 =	vadd.s32 v6, v10  }
0x313: {  	v59 =	vld [tilespmem:s1+$0x1A0];
	v6 =	vadd.s32 v6, v11  }
0x314: {  	v6 =	vadd.s32 v6, v7;
	v7 =	vld [tilespmem:s1+$0x1B0]  }
0x315: {  	v60 =	vld [tilespmem:s1+$0x1C0];
	v6 =	vadd.s32 v6, v56  }
0x316: {  	v61 =	vld [tilespmem:s1+$0x1D0];
	v6 =	vadd.s32 v6, v57  }
0x317: {  	v62 =	vld [tilespmem:s1+$0x1E0];
	v6 =	vadd.s32 v6, v58  }
0x318: {  	v63 =	vld [tilespmem:s1+$0x1F0];
	v6 =	vadd.s32 v6, v59  }
0x319: {  	v6 =	vadd.s32 v6, v7  }
0x31a: {  	v6 =	vadd.s32 v6, v60  }
0x31b: {  	v6 =	vadd.s32 v6, v61  }
0x31c: {  	v6 =	vadd.s32 v6, v62  }
0x31d: {  	v6 =	vadd.s32 v6, v63  }
0x31e: {  	(xrf0) =	vadd.scan.msk.s32 $0xffff, v6;
	_ =	sdelay $0x5  }
0x31f: {  	v6, _, _ =	vpop (xrf0)  }
0x320: {  	(v2sf) =	vpush v6, $0xF;
	_ =	sdelay $0xe  }
0x321: {  	s6 =	spop (v2sf)  }
0x322: {  	p0 =	sgt.u32 s0, $0x7E;
	s26 =	sadd.s32 s26, s6  }
0x323: {  	p1 =	slt.s32 @!p0 s26, $0x64  }
0x324: {  	p1 =	por p0, !p1  }
.Ltmp40:
0x325: {  	_ = 	snop;
	(pc) =	sbr.rel @!p1 .LBB2_54-.Ltmp40, $2  }
0x326: {  	_ =	sdelay $0x2  }
0x327: {  	s0 =	sadd.s32 $0x1, s0;
	s28 =	sadd.s32 $0x10, s28;
	s1 =	sadd.s32 $0x100, s1  }
0x328: {  	s0 =	simm.s32 $0x0  }
0x329: {  	s0 =	simm.s32 @p0 $0x0  }
0x32a: {  	v7 =	vmov s1;
	p2 =	sne.s32 s0, $0xF0  }
.Ltmp41:
0x32b: {  	s31 =	sshll.u32 s0, $0x2;
	s6 =	sand.u32 $0x7, s0;
	(pc) =	sbr.rel @!p2 .LBB2_56-.Ltmp41, $4  }
0x32c: {  	s1 =	sand.u32 $0xFFFFFE00, s31;
	s6 =	sshll.u32 s6, $0x6  }
0x32d: {  	s1 =	sor.u32 s6, s1  }
0x32e: {  	s6 =	sshrl.u32 s1, $0x2  }
0x32f: {  	v6 =	vpsel p0, $0x0, v1;
	p1 =	por $0x0, $0x0;
	p0 =	por $0x0, $0x0;
	s1 =	sadd.s32 $0x10, s0;
	v8 =	vld.idx.msk [tilespmem:v7+s6+$0x0 ss:$0x1], $0xffff  }
0x330: {  	s29 =	sadd.s32 $0x1, s0;
	p2 =	sne.s32 s1, $0xF0  }
.Ltmp42:
0x331: {  	s6 =	sshll.u32 s1, $0x2;
	s8 =	sand.u32 $0x7, s29;
	(pc) =	sbr.rel @!p2 .LBB2_61-.Ltmp42, $4  }
0x332: {  	s6 =	sand.u32 $0xFFFFFE00, s6;
	s8 =	sshll.u32 s8, $0x6  }
0x333: {  	s6 =	sor.u32 s8, s6  }
0x334: {  	s6 =	sshrl.u32 s6, $0x2  }
0x335: {  	s1 =	sadd.s32 $0x10, s1;
	p0 =	por $0x1, $0x1;
	(xrf0) =	vadd.scan.msk.s32 $0xffff, v8;
	v11 =	vld.idx.msk [tilespmem:v7+s6+$0x0 ss:$0x1], $0xffff  }
0x336: {  	s29 =	sadd.s32 $0x1, s29;
	p2 =	sne.s32 s1, $0xF0  }
.Ltmp43:
0x337: {  	s6 =	sshll.u32 s1, $0x2;
	s8 =	sand.u32 $0x7, s29;
	(pc) =	sbr.rel @!p2 .LBB2_63-.Ltmp43, $4  }
0x338: {  	s6 =	sand.u32 $0xFFFFFE00, s6;
	s8 =	sshll.u32 s8, $0x6  }
0x339: {  	s6 =	sor.u32 s8, s6  }
0x33a: {  	s6 =	sshrl.u32 s6, $0x2  }
0x33b: {  	s30 =	sadd.s32 $0x10, s1;
	p1 =	por $0x1, $0x1;
	s1 =	smov.u32 s0;
	v9 =	vmov v6;
	(xrf0) =	vadd.scan.msk.s32 $0xffff, v11;
	v8 =	vld.idx.msk [tilespmem:v7+s6+$0x0 ss:$0x1], $0xffff;
	v10, _, _ =	vpop (xrf0)  }
.LBB2_64:
0x33c: {  	s6 =	sshll.u32 s30, $0x2;
	s29 =	sadd.s32 $0x1, s29;
	v11 =	vmov s1;
	v10 =	vbroadcast v10, $0xF;
	p2 =	sne.s32 s30, $0xF0  }
.Ltmp44:
0x33d: {  	s30 =	sadd.s32 $0x10, s30;
	s8 =	sand.u32 $0x7, s29;
	vm3 =	veq.s32 v11, v0;
	(pc) =	sbr.rel @p2 .LBB2_64-.Ltmp44, $4  }
0x33e: {  	s6 =	sand.u32 $0xFFFFFE00, s6;
	s8 =	sshll.u32 s8, $0x6;
	v9 =	vsel vm3, v10, v9  }
0x33f: {  	s6 =	sor.u32 s8, s6  }
0x340: {  	s6 =	sshrl.u32 s6, $0x2  }
0x341: {  	s1 =	sadd.s32 $0x1, s1;
	(xrf0) =	vadd.scan.msk.s32 $0xffff, v8;
	v8 =	vld.idx.msk [tilespmem:v7+s6+$0x0 ss:$0x1], $0xffff;
	v10, _, _ =	vpop (xrf0)  }
0x342: {  	_ = 	snop  }
.LBB2_66:
0x343: {  	_ =	sdelay $0x2  }
0x344: {  	(xrf0) =	vadd.scan.msk.s32 $0xffff, v8;
	_ =	sdelay $0x2  }
0x345: {  	v7 =	vmov @p1 s1;
	s1 =	sadd.s32 @p1 $0x1, s1;
	s6 =	smov.u32 s0;
	v8 =	vbroadcast @p1 v10, $0xF;
	v10, _, _ =	vpop @p0 (xrf0)  }
0x346: {  	vm3 =	veq.s32 @p1 v7, v0;
	s6 =	smov.u32 @p1 s1;
	v7 =	vpsel p0, v10, v0  }
0x347: {  	s1 =	sadd.s32 @p0 $0x1, s6;
	v8 =	vsel @p1 vm3, v8, v9;
	v9 =	vmov @p0 s6;
	v7 =	vbroadcast @p0 v7, $0xF  }
0x348: {  	s0 =	smov.u32 @p0 s1;
	v8 =	vpsel p1, v8, v6;
	vm3 =	veq.s32 @p0 v9, v0;
	v63, _, _ =	vpop (xrf0)  }
0x349: {  	v7 =	vsel @p0 vm3, v7, v8;
	v8 =	vmov s0;
	v9 =	vbroadcast v63, $0xF  }
0x34a: {  	v6 =	vpsel p0, v7, v6;
	vm3 =	veq.s32 v8, v0  }
0x34b: {  	v6 =	vsel vm3, v9, v6  }
0x34c: {  	(xrf0) =	vadd.scan.msk.s32 $0xffff, v6;
	_ =	sdelay $0x5  }
0x34d: {  	v6, _, _ =	vpop (xrf0)  }
0x34e: {  	(v2sf) =	vpush v6, $0xF;
	_ =	sdelay $0xe  }
0x34f: {  	s30 =	spop (v2sf)  }
0x350: {  	s0 =	ssub.s32 s26, s30  }
0x351: {  	v6 =	vadd.s32 s0, v6  }
0x352: {  	vm3 =	vgt.s32 v6, $0x63  }
0x353: {  	v6 =	vmctz.xlane vm3;
	_ =	sdelay $0x1  }
0x354: {  	v6 =	vxor.u32 $0x80000000, v6  }
0x355: {  	(xrf0) =	vmax.scan.msk.u32 $0xffff, v6;
	_ =	sdelay $0x5  }
0x356: {  	v6, _, _ =	vpop (xrf0)  }
0x357: {  	(v2sf) =	vpush v6, $0xF;
	_ =	sdelay $0xe  }
0x358: {  	s31 =	spop (v2sf)  }
.Ltmp45:
0x359: {  	s0 =	sadd.s32 s28, s31;
	(pc) =	sbr.rel .LBB2_67-.Ltmp45, $4  }
0x35a: {  	v6 =	vmov s0  }
0x35b: {  	v6 =	vshll.u32 v6, $0x15  }
0x35c: {  	v6 =	vor.u32 $0x1FFFFF, v6  }
0x35d: {  	v6 =	vbroadcast v6, $0x0  }
.LBB2_56:
.Ltmp46:
0x35e: {  	(pc) =	sbr.rel .LBB2_66-.Ltmp46, $2  }
0x35f: {  	_ =	sdelay $0x2  }
0x360: {  	s1 =	smov.u32 s0;
	v9 =	vmov v6  }
.LBB2_61:
.Ltmp47:
0x361: {  	_ = 	snop;
	(pc) =	sbr.rel .LBB2_66-.Ltmp47, $2  }
0x362: {  	_ =	sdelay $0x2  }
0x363: {  	s1 =	smov.u32 s0;
	v9 =	vmov v6;
	v8 =	vmov v11  }
.LBB2_63:
.Ltmp48:
0x364: {  	(pc) =	sbr.rel .LBB2_66-.Ltmp48, $2  }
0x365: {  	_ =	sdelay $0x2  }
0x366: {  	s1 =	smov.u32 s0;
	v9 =	vmov v6  }
.LBB2_68:
.Ltmp49:
0x367: {  	(pc) =	sbr.rel .LBB2_69-.Ltmp49, $4  }
0x368: {  	_ = 	snop  }
0x369: {  	_ =	swait.ge [sflag:s17], $0x6400  }
0x36a: {  	s23 =	simm.s32 $0x6480;
	s24 =	simm.s32 $0x0;
	[sflag:s17] =	ssyncset.done $0x0  }
0x36b: {  	s25 =	simm.s32 $0x6430;
	s26 =	simm.s32 $0x0;
	[sflag:s17] =	ssyncadd.s32 $0xFFFF9C00  }
.LBB2_75:
0x36c: {  	s26 =	sadd.s32 $0x1, s26  }
0x36d: {  	p0 =	sne.s32 s26, $0xA  }
.Ltmp50:
0x36e: {  	_ = 	snop;
	(pc) =	sbr.rel @!p0 .LBB2_76-.Ltmp50, $2  }
0x36f: {  	_ =	sdelay $0x2  }
0x370: {  	s23 =	sadd.s32 $0xA00, s23;
	s24 =	sadd.s32 $0x71C, s24;
	s25 =	sadd.s32 $0xA00, s25  }
.LBB2_69:
0x371: {  	v7 =	vld [tilespmem:s23+$0xFFFFFF80]  }
0x372: {  	v8 =	vld [tilespmem:s23+$0xFFFFFF90]  }
0x373: {  	v9 =	vld [tilespmem:s23+$0xFFFFFFA0]  }
0x374: {  	v10 =	vld [tilespmem:s23+$0xFFFFFFB0]  }
0x375: {  	v11 =	vld [tilespmem:s23+$0xFFFFFFC0]  }
0x376: {  	v12 =	vld [tilespmem:s23+$0xFFFFFFCB];
	v13 =	vshrl.u32 v7, $0x11  }
0x377: {  	v14 =	vshrl.u32 v8, $0x11;
	v13 =	vand.u32 $0x7FF0, v13  }
0x378: {  	v15 =	vshrl.u32 v9, $0x11;
	v14 =	vand.u32 $0x7FF0, v14;
	v13 =	vor.u32 v0, v13  }
0x379: {  	v16 =	vshrl.u32 v10, $0x11;
	v15 =	vand.u32 $0x7FF0, v15;
	v14 =	vor.u32 v0, v14  }
0x37a: {  	v17 =	vshrl.u32 v11, $0x11;
	v16 =	vand.u32 $0x7FF0, v16;
	v15 =	vor.u32 v0, v15  }
0x37b: {  	v18 =	vshrl.u32 v12, $0x11;
	v17 =	vand.u32 $0x7FF0, v17;
	v16 =	vor.u32 v0, v16  }
0x37c: {  	v18 =	vand.u32 $0x7FF0, v18;
	v17 =	vor.u32 v0, v17  }
0x37d: {  	v59 =	vor.u32 v0, v18;
	[tilespmem:v13+s14+$0x0] =	vst.idx.add.s32.msk $0xffff, v3  }
0x37e: {  	[tilespmem:v14+s14+$0x0] =	vst.idx.add.s32.msk $0xffff, v3  }
0x37f: {  	[tilespmem:v15+s14+$0x0] =	vst.idx.add.s32.msk $0xffff, v3  }
0x380: {  	[tilespmem:v16+s14+$0x0] =	vst.idx.add.s32.msk $0xffff, v3  }
0x381: {  	[tilespmem:v17+s14+$0x0] =	vst.idx.add.s32.msk $0xffff, v3  }
0x382: {  	[tilespmem:v59+s14+$0x0] =	vst.idx.add.s32.msk vm0, v3  }
0x383: {  	v13 =	vld [tilespmem:s23+$0x0]  }
0x384: {  	v14 =	vld [tilespmem:s23+$0x10];
	_ =	sdelay $0x3  }
0x385: {  	v15 =	vld [tilespmem:s23+$0x20];
	v60 =	vshrl.u32 v13, $0x11  }
0x386: {  	v7 =	vmax.f32 v7, v8;
	v16 =	vld [tilespmem:s23+$0x30];
	v8 =	vshrl.u32 v14, $0x11;
	v18 =	vand.u32 $0x7FF0, v60  }
0x387: {  	v17 =	vld [tilespmem:s23+$0x40];
	v8 =	vand.u32 $0x7FF0, v8;
	v18 =	vor.u32 v0, v18  }
0x388: {  	v21 =	vld [tilespmem:s23+$0x4B];
	v8 =	vor.u32 v0, v8;
	_ =	sdelay $0x1  }
0x389: {  	v7 =	vmax.f32 v7, v9;
	v19 =	vshrl.u32 v15, $0x11  }
0x38a: {  	v7 =	vmax.f32 v7, v10;
	v20 =	vshrl.u32 v16, $0x11;
	v19 =	vand.u32 $0x7FF0, v19  }
0x38b: {  	v22 =	vshrl.u32 v17, $0x11;
	v20 =	vand.u32 $0x7FF0, v20;
	v19 =	vor.u32 v0, v19;
	[tilespmem:v18+s14+$0x0] =	vst.idx.add.s32.msk $0xffff, v3  }
0x38c: {  	v61 =	vand.u32 $0x7FF0, v22;
	v9 =	vor.u32 v0, v20;
	[tilespmem:v8+s14+$0x0] =	vst.idx.add.s32.msk $0xffff, v3;
	v8 =	vshrl.u32 v21, $0x11  }
0x38d: {  	v10 =	vmax.f32 v13, v14;
	v62 =	vor.u32 v0, v61;
	v8 =	vand.u32 $0x7FF0, v8  }
0x38e: {  	v63 =	vimm.f32 $-Inf;
	v10 =	vmax.f32 v10, v15;
	v8 =	vor.u32 v0, v8  }
0x38f: {  	v7 =	vmax.f32 v7, v11;
	v11 =	vsel vm1, $0xFF800000, v12;
	v10 =	vmax.f32 v10, v16  }
0x390: {  	v7 =	vmax.f32 v7, v11;
	v11 =	vsel vm1, $0xFF800000, v21;
	v10 =	vmax.f32 v10, v17;
	[tilespmem:v19+s14+$0x0] =	vst.idx.add.s32.msk $0xffff, v3  }
0x391: {  	v7 =	vmax.f32 v63, v7;
	v10 =	vmax.f32 v10, v11;
	[tilespmem:v9+s14+$0x0] =	vst.idx.add.s32.msk $0xffff, v3  }
0x392: {  	s0 =	simm.s32 $0x0;
	s1 =	smov.u32 s23;
	v7 =	vmax.f32 v7, v10;
	[tilespmem:v62+s14+$0x0] =	vst.idx.add.s32.msk $0xffff, v3  }
.LBB2_70:
0x393: {  	s0 =	sadd.s32 $0x2, s0;
	[tilespmem:v8+s14+$0x0] =	vst.idx.add.s32.msk vm0, v3;
	s1 =	sadd.s32 $0x100, s1  }
0x394: {  	p0 =	slt.u32 s0, $0x12  }
0x395: {  	v8 =	vld [tilespmem:s1+$0xFFFFFF80]  }
0x396: {  	v9 =	vld [tilespmem:s1+$0xFFFFFF90]  }
0x397: {  	v10 =	vld [tilespmem:s1+$0xFFFFFFA0]  }
0x398: {  	v11 =	vld [tilespmem:s1+$0xFFFFFFB0]  }
0x399: {  	v12 =	vld [tilespmem:s1+$0xFFFFFFC0]  }
0x39a: {  	v13 =	vld [tilespmem:s1+$0xFFFFFFCB];
	v14 =	vshrl.u32 v8, $0x11  }
0x39b: {  	v15 =	vshrl.u32 v9, $0x11;
	v14 =	vand.u32 $0x7FF0, v14;
	v8 =	vmax.f32 v8, v9  }
0x39c: {  	v9 =	vshrl.u32 v10, $0x11;
	v14 =	vor.u32 v0, v14;
	v15 =	vand.u32 $0x7FF0, v15  }
0x39d: {  	v16 =	vshrl.u32 v11, $0x11;
	v15 =	vor.u32 v0, v15;
	v9 =	vand.u32 $0x7FF0, v9  }
0x39e: {  	v17 =	vshrl.u32 v12, $0x11;
	v9 =	vor.u32 v0, v9;
	v16 =	vand.u32 $0x7FF0, v16  }
0x39f: {  	v18 =	vshrl.u32 v13, $0x11;
	v16 =	vor.u32 v0, v16;
	v17 =	vand.u32 $0x7FF0, v17  }
0x3a0: {  	v8 =	vmax.f32 v8, v10;
	v17 =	vor.u32 v0, v17;
	v18 =	vand.u32 $0x7FF0, v18  }
0x3a1: {  	v8 =	vmax.f32 v8, v11;
	[tilespmem:v14+s14+$0x0] =	vst.idx.add.s32.msk $0xffff, v3;
	v10 =	vor.u32 v0, v18  }
0x3a2: {  	v8 =	vmax.f32 v8, v12;
	v11 =	vsel vm1, $0xFF800000, v13;
	[tilespmem:v15+s14+$0x0] =	vst.idx.add.s32.msk $0xffff, v3  }
0x3a3: {  	[tilespmem:v9+s14+$0x0] =	vst.idx.add.s32.msk $0xffff, v3;
	v9 =	vmax.f32 v8, v11  }
0x3a4: {  	[tilespmem:v16+s14+$0x0] =	vst.idx.add.s32.msk $0xffff, v3  }
0x3a5: {  	[tilespmem:v17+s14+$0x0] =	vst.idx.add.s32.msk $0xffff, v3  }
0x3a6: {  	[tilespmem:v10+s14+$0x0] =	vst.idx.add.s32.msk vm0, v3  }
0x3a7: {  	v8 =	vld [tilespmem:s1+$0x0]  }
0x3a8: {  	v10 =	vld [tilespmem:s1+$0x10]  }
0x3a9: {  	v11 =	vld [tilespmem:s1+$0x20]  }
0x3aa: {  	v12 =	vld [tilespmem:s1+$0x30]  }
0x3ab: {  	v13 =	vld [tilespmem:s1+$0x40]  }
0x3ac: {  	v14 =	vld [tilespmem:s1+$0x4B];
	v15 =	vshrl.u32 v8, $0x11  }
0x3ad: {  	v16 =	vshrl.u32 v10, $0x11;
	v15 =	vand.u32 $0x7FF0, v15;
	v8 =	vmax.f32 v8, v10  }
0x3ae: {  	v10 =	vshrl.u32 v11, $0x11;
	v15 =	vor.u32 v0, v15;
	v16 =	vand.u32 $0x7FF0, v16  }
0x3af: {  	v17 =	vshrl.u32 v12, $0x11;
	v16 =	vor.u32 v0, v16;
	v10 =	vand.u32 $0x7FF0, v10  }
0x3b0: {  	v18 =	vshrl.u32 v13, $0x11;
	v10 =	vor.u32 v0, v10;
	v17 =	vand.u32 $0x7FF0, v17  }
0x3b1: {  	v19 =	vshrl.u32 v14, $0x11;
	v17 =	vor.u32 v0, v17;
	v18 =	vand.u32 $0x7FF0, v18  }
0x3b2: {  	v11 =	vmax.f32 v8, v11;
	v18 =	vor.u32 v0, v18;
	v19 =	vand.u32 $0x7FF0, v19  }
.Ltmp51:
0x3b3: {  	v11 =	vmax.f32 v11, v12;
	[tilespmem:v15+s14+$0x0] =	vst.idx.add.s32.msk $0xffff, v3;
	v8 =	vor.u32 v0, v19;
	(pc) =	sbr.rel @p0 .LBB2_70-.Ltmp51, $4  }
0x3b4: {  	v11 =	vmax.f32 v11, v13;
	v12 =	vsel vm1, $0xFF800000, v14;
	[tilespmem:v16+s14+$0x0] =	vst.idx.add.s32.msk $0xffff, v3  }
0x3b5: {  	v7 =	vmax.f32 v7, v9;
	v9 =	vmax.f32 v11, v12;
	[tilespmem:v10+s14+$0x0] =	vst.idx.add.s32.msk $0xffff, v3  }
0x3b6: {  	v7 =	vmax.f32 v7, v9;
	[tilespmem:v17+s14+$0x0] =	vst.idx.add.s32.msk $0xffff, v3  }
0x3b7: {  	[tilespmem:v18+s14+$0x0] =	vst.idx.add.s32.msk $0xffff, v3  }
0x3b8: {  	vm3 =	vge.f32 v7, v6  }
0x3b9: {  	v7 =	vsel vm3, $0x1, v1  }
0x3ba: {  	(xrf0) =	vadd.scan.msk.s32 $0xffff, v7;
	_ =	sdelay $0x5  }
0x3bb: {  	v7, _, _ =	vpop (xrf0)  }
0x3bc: {  	(v2sf) =	vpush v7, $0xF;
	_ =	sdelay $0xe  }
0x3bd: {  	s0 =	spop (v2sf)  }
0x3be: {  	p0 =	slt.s32 s0, $0x1  }
.Ltmp52:
0x3bf: {  	_ = 	snop;
	(pc) =	sbr.rel @p0 .LBB2_75-.Ltmp52, $2  }
0x3c0: {  	_ =	sdelay $0x2  }
0x3c1: {  	[tilespmem:v8+s14+$0x0] =	vst.idx.add.s32.msk vm0, v3  }
0x3c2: {  	v8 =	vld [tilespmem:s25+$0xFFFFFFD0];
	_ =	sdelay $0x1  }
0x3c3: {  	v7 =	vld [tilespmem:$0x1C900]  }
0x3c4: {  	v9 =	vld [tilespmem:s25+$0xFFFFFFE0];
	_ =	sdelay $0x1  }
0x3c5: {  	vm6 =	vge.f32 v8, v6  }
0x3c6: {  	v10 =	vld [tilespmem:s25+$0xFFFFFFF0];
	v11 =	vsel vm6, $0x1, v1  }
0x3c7: {  	v11 =	vadd.s32 v11, v7  }
0x3c8: {  	vm3 =	vge.f32 v9, v6;
	vm4 =	vlt.s32 v11, $0x1FF  }
0x3c9: {  	v12 =	vld [tilespmem:s25+$0x0];
	v13 =	vsel vm3, $0x1, v1;
	v11 =	vnsel vm4, $0x1FF, v11  }
0x3ca: {  	v13 =	vadd.s32 v13, v11  }
0x3cb: {  	v15 =	vadd.s32 v5, v7;
	vm4 =	vge.f32 v10, v6;
	vm5 =	vlt.s32 v13, $0x1FF  }
0x3cc: {  	v14 =	vld [tilespmem:s25+$0x10];
	v7 =	vsel vm4, $0x1, v1;
	v13 =	vnsel vm5, $0x1FF, v13  }
0x3cd: {  	s0 =	sadd.s32 $0x0, s24;
	v11 =	vadd.s32 v5, v11;
	v16 =	vadd.s32 v7, v13  }
0x3ce: {  	s1 =	sadd.s32 $0x1B7E48, s0;
	vm5 =	vge.f32 v12, v6;
	vm7 =	vlt.s32 v16, $0x1FF  }
0x3cf: {  	v18 =	vadd.s32 s1, v0;
	v7 =	vld [tilespmem:s25+$0x1B];
	v17 =	vsel vm5, $0x1, v1;
	v16 =	vnsel vm7, $0x1FF, v16  }
0x3d0: {  	s28 =	sadd.s32 $0x1B7E58, s0;
	v13 =	vadd.s32 v5, v13;
	[tilespmem:v15+s15+$0x0] =	vst.idx.msk vm6, v18;
	v17 =	vadd.s32 v17, v16  }
0x3d1: {  	vm8 =	vge.f32 v14, v6;
	[tilespmem:v15+s16+$0x0] =	vst.idx.msk vm6, v8;
	v8 =	vadd.s32 s28, v0;
	vm14 =	vlt.s32 v17, $0x1FF  }
0x3d2: {  	s29 =	sadd.s32 $0x1B7E68, s0;
	v62 =	vsel vm8, $0x1, v1;
	[tilespmem:v11+s15+$0x0] =	vst.idx.msk vm3, v8;
	v16 =	vadd.s32 v5, v16;
	v61 =	vnsel vm14, $0x1FF, v17  }
0x3d3: {  	[tilespmem:v11+s16+$0x0] =	vst.idx.msk vm3, v9;
	v9 =	vadd.s32 s29, v0;
	v15 =	vadd.s32 v62, v61  }
0x3d4: {  	vm15 =	vge.f32 v7, v6;
	v8 =	vadd.s32 v5, v61;
	vm3 =	vlt.s32 v15, $0x1FF  }
0x3d5: {  	s30 =	sadd.s32 $0x1B7E78, s0;
	[tilespmem:v13+s15+$0x0] =	vst.idx.msk vm4, v9;
	v11 =	vnsel vm3, $0x1FF, v15;
	vm3 =	vmand vm15, vm0  }
0x3d6: {  	[tilespmem:v13+s16+$0x0] =	vst.idx.msk vm4, v10;
	v10 =	vadd.s32 s30, v0;
	v9 =	vadd.s32 v5, v11  }
0x3d7: {  	s31 =	sadd.s32 $0x1B7E88, s0;
	[tilespmem:v16+s15+$0x0] =	vst.idx.msk vm5, v10  }
0x3d8: {  	v63 =	vadd.s32 s31, v0;
	v10 =	vsel vm3, $0x1, v1;
	[tilespmem:v16+s16+$0x0] =	vst.idx.msk vm5, v12  }
0x3d9: {  	s0 =	sadd.s32 $0x1B7E93, s0;
	v10 =	vadd.s32 v10, v11;
	[tilespmem:v8+s15+$0x0] =	vst.idx.msk vm8, v63  }
0x3da: {  	v11 =	vadd.s32 s0, v0;
	vm4 =	vlt.s32 v10, $0x1FF;
	[tilespmem:v8+s16+$0x0] =	vst.idx.msk vm8, v14  }
0x3db: {  	s1 =	smov.u32 s25;
	s0 =	simm.s32 $0x5B;
	v8 =	vnsel vm4, $0x1FF, v10;
	[tilespmem:v9+s15+$0x0] =	vst.idx.msk vm3, v11  }
.LBB2_73:
0x3dc: {  	p0 =	sne.s32 s0, $0x6C1  }
0x3dd: {  	[tilespmem:v9+s16+$0x0] =	vst.idx.msk vm3, v7;
	s1 =	sadd.s32 $0x80, s1;
	s6 =	smov.u32 s0;
	s0 =	sadd.s32 $0x5B, s0  }
0x3de: {  	v9 =	vld [tilespmem:s1+$0xFFFFFFD0];
	_ =	sdelay $0x2  }
0x3df: {  	v10 =	vld [tilespmem:s1+$0xFFFFFFE0];
	_ =	sdelay $0x1  }
0x3e0: {  	vm4 =	vge.f32 v9, v6  }
0x3e1: {  	v11 =	vld [tilespmem:s1+$0xFFFFFFF0];
	v7 =	vsel vm4, $0x1, v1  }
0x3e2: {  	v7 =	vadd.s32 v7, v8  }
0x3e3: {  	vm5 =	vlt.s32 v7, $0x1FF;
	vm3 =	vge.f32 v10, v6  }
0x3e4: {  	v12 =	vld [tilespmem:s1+$0x0];
	v7 =	vnsel vm5, $0x1FF, v7;
	v13 =	vsel vm3, $0x1, v1  }
0x3e5: {  	v14 =	vadd.s32 v5, v7;
	v7 =	vadd.s32 v13, v7  }
0x3e6: {  	vm6 =	vlt.s32 v7, $0x1FF;
	vm5 =	vge.f32 v11, v6  }
0x3e7: {  	v8 =	vadd.s32 v5, v8;
	v13 =	vld [tilespmem:s1+$0x10];
	v7 =	vnsel vm6, $0x1FF, v7;
	v15 =	vsel vm5, $0x1, v1  }
0x3e8: {  	v16 =	vadd.s32 v5, v7;
	v15 =	vadd.s32 v15, v7  }
0x3e9: {  	s6 =	sadd.s32 s6, s24;
	v7 =	vld [tilespmem:s1+$0x1B];
	vm7 =	vlt.s32 v15, $0x1FF;
	vm6 =	vge.f32 v12, v6  }
0x3ea: {  	s8 =	sadd.s32 $0x1B7E48, s6;
	s18 =	sadd.s32 $0x1B7E58, s6;
	v15 =	vnsel vm7, $0x1FF, v15;
	v17 =	vsel vm6, $0x1, v1  }
0x3eb: {  	s20 =	sadd.s32 $0x1B7E78, s6;
	v18 =	vadd.s32 s8, v0;
	s8 =	sadd.s32 $0x1B7E68, s6;
	v19 =	vadd.s32 v5, v15;
	v15 =	vadd.s32 v17, v15  }
0x3ec: {  	s21 =	sadd.s32 $0x1B7E88, s6;
	s6 =	sadd.s32 $0x1B7E93, s6;
	[tilespmem:v8+s15+$0x0] =	vst.idx.msk vm4, v18;
	vm8 =	vlt.s32 v15, $0x1FF;
	vm7 =	vge.f32 v13, v6  }
0x3ed: {  	[tilespmem:v8+s16+$0x0] =	vst.idx.msk vm4, v9;
	v8 =	vadd.s32 s18, v0;
	v9 =	vnsel vm8, $0x1FF, v15;
	v15 =	vsel vm7, $0x1, v1  }
0x3ee: {  	[tilespmem:v14+s15+$0x0] =	vst.idx.msk vm3, v8;
	v17 =	vadd.s32 v5, v9;
	v8 =	vadd.s32 v15, v9  }
0x3ef: {  	v9 =	vadd.s32 s8, v0;
	vm4 =	vge.f32 v7, v6;
	[tilespmem:v14+s16+$0x0] =	vst.idx.msk vm3, v10;
	vm3 =	vlt.s32 v8, $0x1FF  }
0x3f0: {  	[tilespmem:v16+s15+$0x0] =	vst.idx.msk vm5, v9;
	v8 =	vnsel vm3, $0x1FF, v8;
	vm3 =	vmand vm4, vm0  }
0x3f1: {  	v10 =	vadd.s32 s20, v0;
	[tilespmem:v16+s16+$0x0] =	vst.idx.msk vm5, v11;
	v9 =	vadd.s32 v5, v8;
	v11 =	vsel vm3, $0x1, v1  }
.Ltmp53:
0x3f2: {  	[tilespmem:v19+s15+$0x0] =	vst.idx.msk vm6, v10;
	v8 =	vadd.s32 v11, v8;
	(pc) =	sbr.rel @p0 .LBB2_73-.Ltmp53, $4  }
0x3f3: {  	v10 =	vadd.s32 s21, v0;
	[tilespmem:v19+s16+$0x0] =	vst.idx.msk vm6, v12;
	vm4 =	vlt.s32 v8, $0x1FF  }
0x3f4: {  	[tilespmem:v17+s15+$0x0] =	vst.idx.msk vm7, v10;
	v8 =	vnsel vm4, $0x1FF, v8  }
0x3f5: {  	v10 =	vadd.s32 s6, v0;
	[tilespmem:v17+s16+$0x0] =	vst.idx.msk vm7, v13  }
0x3f6: {  	[tilespmem:v9+s15+$0x0] =	vst.idx.msk vm3, v10  }
0x3f7: {  	_ =	sdelay $0x1  }
.Ltmp54:
0x3f8: {  	_ = 	snop;
	(pc) =	sbr.rel .LBB2_75-.Ltmp54, $3  }
0x3f9: {  	_ =	sdelay $0x1  }
0x3fa: {  	[tilespmem:v9+s16+$0x0] =	vst.idx.msk vm3, v7  }
0x3fb: {  	[tilespmem:$0x1C900] =	vst v8  }
.LBB2_76:
0x3fc: {  	v6 =	vld [tilespmem:$0x1C900];
	_ =	sdelay $0x4  }
0x3fd: {  	(xrf0) =	vadd.scan.msk.s32 $0xffff, v6;
	_ =	sdelay $0x5  }
0x3fe: {  	v7, _, _ =	vpop (xrf0)  }
0x3ff: {  	v8 =	vxor.u32 $0x80000000, v7  }
0x400: {  	(xrf0) =	vmax.scan.msk.u32 $0xffff, v8;
	_ =	sdelay $0x5  }
0x401: {  	v8, _, _ =	vpop (xrf0)  }
0x402: {  	(v2sf) =	vpush v8, $0xF  }
0x403: {  	(v2sf) =	vpush v6, $0x0;
	_ =	sdelay $0x5  }
0x404: {  	v7 =	vsub.s32 v7, v6  }
0x405: {  	(v2sf) =	vpush v7, $0x0;
	_ =	sdelay $0x6  }
0x406: {  	s23 =	spop (v2sf)  }
0x407: {  	s0 =	spop (v2sf)  }
0x408: {  	s0 =	sadd.s32 $0xF, s0  }
0x409: {  	p0 =	slt.s32 s0, $0x10  }
.Ltmp55:
0x40a: {  	_ = 	snop;
	(pc) =	sbr.rel @p0 .LBB2_83-.Ltmp55, $2  }
0x40b: {  	_ =	sdelay $0x2  }
0x40c: {  	s1 =	spop (v2sf)  }
0x40d: {  	s6 =	sshra.s32 s0, $0x1F  }
0x40e: {  	s6 =	sshrl.u32 s6, $0x1C  }
0x40f: {  	s29 =	sadd.s32 s6, s0  }
0x410: {  	s8 =	sshra.s32 s29, $0x4  }
0x411: {  	p1 =	sne.s32 s8, $0x1  }
.Ltmp56:
0x412: {  	_ = 	snop;
	(pc) =	sbr.rel @!p1 .LBB2_78-.Ltmp56, $4  }
0x413: {  	_ = 	snop  }
0x414: {  	s1 =	sshll.u32 s1, $0x2;
	s18 =	simm.s32 $0x14800;
	s31 =	simm.s32 $0x16800  }
0x415: {  	s24 =	simm.s32 $0x0;
	p0 =	por $0x0, $0x0;
	s30 =	sshra.s32 s1, $0x2;
	v10 =	vld [tilespmem:s18+$0x0]  }
0x416: {  	v8 =	vbroadcast v6, $0x0;
	v9 =	vld [tilespmem:s31+$0x0];
	s1 =	sadd.s32 $0x18800, s30;
	s0 =	sadd.s32 $0x1A880, s30;
	s25 =	sadd.s32 $0xFFFFFFFF, s8  }
0x417: {  	_ = 	snop  }
0x418: {  	v11 =	vor.u32 s24, v0  }
0x419: {  	p1 =	sne.s32 s25, $0x1;
	vm3 =	vlt.s32 v11, v8  }
.Ltmp57:
0x41a: {  	v10 =	vnsel vm3, $0x0, v10;
	(pc) =	sbr.rel @!p1 .LBB2_80-.Ltmp57, $4  }
0x41b: {  	[tilespmem:s1+$0x0] =	vst v10;
	v9 =	vnsel vm3, $0x0, v9  }
0x41c: {  	s29 =	simm.s32 $0x14810;
	[tilespmem:s0+$0x0] =	vst v9  }
0x41d: {  	s30 =	simm.s32 $0x16810;
	s31 =	sadd.s32 $0xFFFFFFFF, s25;
	p0 =	por $0x1, $0x1;
	v10 =	vld [tilespmem:s29+$0x0]  }
0x41e: {  	s28 =	simm.s32 $0x0;
	s25 =	smov.u32 s1;
	s26 =	smov.u32 s0;
	v9 =	vld [tilespmem:s30+$0x0]  }
.LBB2_81:
0x41f: {  	p1 =	sne.s32 s31, $0x1;
	s28 =	sadd.s32 $0x10, s28  }
0x420: {  	v11 =	vor.u32 s28, v0  }
0x421: {  	vm3 =	vlt.s32 v11, v8  }
.Ltmp58:
0x422: {  	s25 =	sadd.s32 $0x10, s25;
	v10 =	vnsel vm3, $0x0, v10;
	(pc) =	sbr.rel @p1 .LBB2_81-.Ltmp58, $4  }
0x423: {  	s26 =	sadd.s32 $0x10, s26;
	[tilespmem:s25+$0x0] =	vst v10;
	v9 =	vnsel vm3, $0x0, v9  }
0x424: {  	s29 =	sadd.s32 $0x10, s29;
	[tilespmem:s26+$0x0] =	vst v9  }
0x425: {  	s30 =	sadd.s32 $0x10, s30;
	v10 =	vld [tilespmem:s29+$0x0]  }
0x426: {  	s31 =	sadd.s32 $0xFFFFFFFF, s31;
	v9 =	vld [tilespmem:s30+$0x0]  }
.LBB2_82:
0x427: {  	s6 =	sadd.s32 @p0 $0x10, s28  }
0x428: {  	s24 =	smov.u32 @p0 s6  }
0x429: {  	v11 =	vor.u32 s24, v0  }
0x42a: {  	s6 =	sadd.s32 @p0 $0x10, s25;
	vm3 =	vlt.s32 v11, v8  }
0x42b: {  	s1 =	smov.u32 @p0 s6;
	s6 =	sadd.s32 @p0 $0x10, s26;
	v8 =	vnsel vm3, $0x0, v10  }
0x42c: {  	s0 =	smov.u32 @p0 s6;
	[tilespmem:s1+$0x0] =	vst v8;
	v8 =	vnsel vm3, $0x0, v9  }
0x42d: {  	[tilespmem:s0+$0x0] =	vst v8  }
.LBB2_83:
0x42e: {  	(v2sf) =	vpush v6, $0x1;
	_ =	sdelay $0x6  }
0x42f: {  	(v2sf) =	vpush v7, $0x1;
	_ =	sdelay $0x7  }
0x430: {  	s0 =	spop (v2sf)  }
0x431: {  	s0 =	sadd.s32 $0xF, s0  }
0x432: {  	p0 =	slt.s32 s0, $0x10  }
.Ltmp59:
0x433: {  	_ = 	snop;
	(pc) =	sbr.rel @p0 .LBB2_90-.Ltmp59, $2  }
0x434: {  	_ =	sdelay $0x2  }
0x435: {  	s1 =	spop (v2sf)  }
0x436: {  	s6 =	sshra.s32 s0, $0x1F  }
0x437: {  	s6 =	sshrl.u32 s6, $0x1C  }
0x438: {  	s31 =	sadd.s32 s6, s0  }
0x439: {  	s6 =	sshra.s32 s31, $0x4  }
0x43a: {  	p1 =	sne.s32 s6, $0x1  }
.Ltmp60:
0x43b: {  	_ = 	snop;
	(pc) =	sbr.rel @!p1 .LBB2_85-.Ltmp60, $4  }
0x43c: {  	_ = 	snop  }
0x43d: {  	s1 =	sshll.u32 s1, $0x2;
	s24 =	simm.s32 $0x0  }
0x43e: {  	p0 =	por $0x0, $0x0;
	s1 =	sshra.s32 s1, $0x2;
	s28 =	sand.u32 $0xFFFFFFF0, s24  }
0x43f: {  	v8 =	vbroadcast v6, $0x1;
	s0 =	sadd.s32 $0x18800, s1;
	s1 =	sadd.s32 $0x1A880, s1;
	v9 =	vld [tilespmem:s28+$0x14A00];
	s25 =	sadd.s32 $0xFFFFFFFF, s6  }
0x440: {  	v10 =	vld [tilespmem:s28+$0x16A00];
	_ =	sdelay $0x1  }
0x441: {  	v11 =	vor.u32 s24, v0;
	p1 =	sne.s32 s25, $0x1  }
.Ltmp61:
0x442: {  	vm3 =	vlt.s32 v11, v8;
	(pc) =	sbr.rel @!p1 .LBB2_87-.Ltmp61, $4  }
0x443: {  	v9 =	vnsel vm3, $0x0, v9  }
0x444: {  	s24 =	simm.s32 $0x10;
	[tilespmem:s0+$0x0] =	vst v9;
	v9 =	vnsel vm3, $0x0, v10  }
0x445: {  	s29 =	sadd.s32 $0xFFFFFFFF, s25;
	s28 =	sand.u32 $0xFFFFFFF0, s24;
	[tilespmem:s1+$0x0] =	vst v9  }
0x446: {  	p0 =	por $0x1, $0x1;
	s25 =	smov.u32 s0;
	s26 =	smov.u32 s1;
	v9 =	vld [tilespmem:s28+$0x14A00]  }
.LBB2_88:
0x447: {  	p1 =	sne.s32 s29, $0x1;
	v10 =	vld [tilespmem:s28+$0x16A00];
	_ =	sdelay $0x1  }
0x448: {  	v11 =	vor.u32 s24, v0  }
.Ltmp62:
0x449: {  	vm3 =	vlt.s32 v11, v8;
	(pc) =	sbr.rel @p1 .LBB2_88-.Ltmp62, $4  }
0x44a: {  	s25 =	sadd.s32 $0x10, s25;
	v9 =	vnsel vm3, $0x0, v9  }
0x44b: {  	s24 =	sadd.s32 $0x10, s24;
	s26 =	sadd.s32 $0x10, s26;
	[tilespmem:s25+$0x0] =	vst v9;
	v9 =	vnsel vm3, $0x0, v10  }
0x44c: {  	s28 =	sand.u32 $0xFFFFFFF0, s24;
	[tilespmem:s26+$0x0] =	vst v9  }
0x44d: {  	s29 =	sadd.s32 $0xFFFFFFFF, s29;
	v9 =	vld [tilespmem:s28+$0x14A00]  }
.LBB2_89:
0x44e: {  	v10 =	vld [tilespmem:s28+$0x16A00];
	_ =	sdelay $0x1  }
0x44f: {  	v11 =	vor.u32 s24, v0  }
0x450: {  	s6 =	sadd.s32 @p0 $0x10, s25;
	vm3 =	vlt.s32 v11, v8  }
0x451: {  	s0 =	smov.u32 @p0 s6;
	s6 =	sadd.s32 @p0 $0x10, s26;
	v8 =	vnsel vm3, $0x0, v9  }
0x452: {  	s1 =	smov.u32 @p0 s6;
	[tilespmem:s0+$0x0] =	vst v8;
	v8 =	vnsel vm3, $0x0, v10  }
0x453: {  	[tilespmem:s1+$0x0] =	vst v8  }
.LBB2_90:
0x454: {  	(v2sf) =	vpush v6, $0x2;
	_ =	sdelay $0x6  }
0x455: {  	(v2sf) =	vpush v7, $0x2;
	_ =	sdelay $0x7  }
0x456: {  	s0 =	spop (v2sf)  }
0x457: {  	s0 =	sadd.s32 $0xF, s0  }
0x458: {  	p0 =	slt.s32 s0, $0x10  }
.Ltmp63:
0x459: {  	_ = 	snop;
	(pc) =	sbr.rel @p0 .LBB2_97-.Ltmp63, $2  }
0x45a: {  	_ =	sdelay $0x2  }
0x45b: {  	s1 =	spop (v2sf)  }
0x45c: {  	s6 =	sshra.s32 s0, $0x1F  }
0x45d: {  	s6 =	sshrl.u32 s6, $0x1C  }
0x45e: {  	s31 =	sadd.s32 s6, s0  }
0x45f: {  	s6 =	sshra.s32 s31, $0x4  }
0x460: {  	p1 =	sne.s32 s6, $0x1  }
.Ltmp64:
0x461: {  	_ = 	snop;
	(pc) =	sbr.rel @!p1 .LBB2_92-.Ltmp64, $4  }
0x462: {  	_ = 	snop  }
0x463: {  	s1 =	sshll.u32 s1, $0x2;
	s24 =	simm.s32 $0x0  }
0x464: {  	p0 =	por $0x0, $0x0;
	s1 =	sshra.s32 s1, $0x2;
	s28 =	sand.u32 $0xFFFFFFF0, s24  }
0x465: {  	v8 =	vbroadcast v6, $0x2;
	s0 =	sadd.s32 $0x18800, s1;
	s1 =	sadd.s32 $0x1A880, s1;
	v9 =	vld [tilespmem:s28+$0x14C00];
	s25 =	sadd.s32 $0xFFFFFFFF, s6  }
0x466: {  	v10 =	vld [tilespmem:s28+$0x16C00];
	_ =	sdelay $0x1  }
0x467: {  	v11 =	vor.u32 s24, v0;
	p1 =	sne.s32 s25, $0x1  }
.Ltmp65:
0x468: {  	vm3 =	vlt.s32 v11, v8;
	(pc) =	sbr.rel @!p1 .LBB2_94-.Ltmp65, $4  }
0x469: {  	v9 =	vnsel vm3, $0x0, v9  }
0x46a: {  	s24 =	simm.s32 $0x10;
	[tilespmem:s0+$0x0] =	vst v9;
	v9 =	vnsel vm3, $0x0, v10  }
0x46b: {  	s29 =	sadd.s32 $0xFFFFFFFF, s25;
	s28 =	sand.u32 $0xFFFFFFF0, s24;
	[tilespmem:s1+$0x0] =	vst v9  }
0x46c: {  	p0 =	por $0x1, $0x1;
	s25 =	smov.u32 s0;
	s26 =	smov.u32 s1;
	v9 =	vld [tilespmem:s28+$0x14C00]  }
.LBB2_95:
0x46d: {  	p1 =	sne.s32 s29, $0x1;
	v10 =	vld [tilespmem:s28+$0x16C00];
	_ =	sdelay $0x1  }
0x46e: {  	v11 =	vor.u32 s24, v0  }
.Ltmp66:
0x46f: {  	vm3 =	vlt.s32 v11, v8;
	(pc) =	sbr.rel @p1 .LBB2_95-.Ltmp66, $4  }
0x470: {  	s25 =	sadd.s32 $0x10, s25;
	v9 =	vnsel vm3, $0x0, v9  }
0x471: {  	s24 =	sadd.s32 $0x10, s24;
	s26 =	sadd.s32 $0x10, s26;
	[tilespmem:s25+$0x0] =	vst v9;
	v9 =	vnsel vm3, $0x0, v10  }
0x472: {  	s28 =	sand.u32 $0xFFFFFFF0, s24;
	[tilespmem:s26+$0x0] =	vst v9  }
0x473: {  	s29 =	sadd.s32 $0xFFFFFFFF, s29;
	v9 =	vld [tilespmem:s28+$0x14C00]  }
.LBB2_96:
0x474: {  	v10 =	vld [tilespmem:s28+$0x16C00];
	_ =	sdelay $0x1  }
0x475: {  	v11 =	vor.u32 s24, v0  }
0x476: {  	s6 =	sadd.s32 @p0 $0x10, s25;
	vm3 =	vlt.s32 v11, v8  }
0x477: {  	s0 =	smov.u32 @p0 s6;
	s6 =	sadd.s32 @p0 $0x10, s26;
	v8 =	vnsel vm3, $0x0, v9  }
0x478: {  	s1 =	smov.u32 @p0 s6;
	[tilespmem:s0+$0x0] =	vst v8;
	v8 =	vnsel vm3, $0x0, v10  }
0x479: {  	[tilespmem:s1+$0x0] =	vst v8  }
.LBB2_97:
0x47a: {  	(v2sf) =	vpush v6, $0x3;
	_ =	sdelay $0x6  }
0x47b: {  	(v2sf) =	vpush v7, $0x3;
	_ =	sdelay $0x7  }
0x47c: {  	s0 =	spop (v2sf)  }
0x47d: {  	s0 =	sadd.s32 $0xF, s0  }
0x47e: {  	p0 =	slt.s32 s0, $0x10  }
.Ltmp67:
0x47f: {  	_ = 	snop;
	(pc) =	sbr.rel @p0 .LBB2_104-.Ltmp67, $2  }
0x480: {  	_ =	sdelay $0x2  }
0x481: {  	s1 =	spop (v2sf)  }
0x482: {  	s6 =	sshra.s32 s0, $0x1F  }
0x483: {  	s6 =	sshrl.u32 s6, $0x1C  }
0x484: {  	s31 =	sadd.s32 s6, s0  }
0x485: {  	s6 =	sshra.s32 s31, $0x4  }
0x486: {  	p1 =	sne.s32 s6, $0x1  }
.Ltmp68:
0x487: {  	_ = 	snop;
	(pc) =	sbr.rel @!p1 .LBB2_99-.Ltmp68, $4  }
0x488: {  	_ = 	snop  }
0x489: {  	s1 =	sshll.u32 s1, $0x2;
	s24 =	simm.s32 $0x0  }
0x48a: {  	p0 =	por $0x0, $0x0;
	s1 =	sshra.s32 s1, $0x2;
	s28 =	sand.u32 $0xFFFFFFF0, s24  }
0x48b: {  	v8 =	vbroadcast v6, $0x3;
	s0 =	sadd.s32 $0x18800, s1;
	s1 =	sadd.s32 $0x1A880, s1;
	v9 =	vld [tilespmem:s28+$0x14E00];
	s25 =	sadd.s32 $0xFFFFFFFF, s6  }
0x48c: {  	v10 =	vld [tilespmem:s28+$0x16E00];
	_ =	sdelay $0x1  }
0x48d: {  	v11 =	vor.u32 s24, v0;
	p1 =	sne.s32 s25, $0x1  }
.Ltmp69:
0x48e: {  	vm3 =	vlt.s32 v11, v8;
	(pc) =	sbr.rel @!p1 .LBB2_101-.Ltmp69, $4  }
0x48f: {  	v9 =	vnsel vm3, $0x0, v9  }
0x490: {  	s24 =	simm.s32 $0x10;
	[tilespmem:s0+$0x0] =	vst v9;
	v9 =	vnsel vm3, $0x0, v10  }
0x491: {  	s29 =	sadd.s32 $0xFFFFFFFF, s25;
	s28 =	sand.u32 $0xFFFFFFF0, s24;
	[tilespmem:s1+$0x0] =	vst v9  }
0x492: {  	p0 =	por $0x1, $0x1;
	s25 =	smov.u32 s0;
	s26 =	smov.u32 s1;
	v9 =	vld [tilespmem:s28+$0x14E00]  }
.LBB2_102:
0x493: {  	p1 =	sne.s32 s29, $0x1;
	v10 =	vld [tilespmem:s28+$0x16E00];
	_ =	sdelay $0x1  }
0x494: {  	v11 =	vor.u32 s24, v0  }
.Ltmp70:
0x495: {  	vm3 =	vlt.s32 v11, v8;
	(pc) =	sbr.rel @p1 .LBB2_102-.Ltmp70, $4  }
0x496: {  	s25 =	sadd.s32 $0x10, s25;
	v9 =	vnsel vm3, $0x0, v9  }
0x497: {  	s24 =	sadd.s32 $0x10, s24;
	s26 =	sadd.s32 $0x10, s26;
	[tilespmem:s25+$0x0] =	vst v9;
	v9 =	vnsel vm3, $0x0, v10  }
0x498: {  	s28 =	sand.u32 $0xFFFFFFF0, s24;
	[tilespmem:s26+$0x0] =	vst v9  }
0x499: {  	s29 =	sadd.s32 $0xFFFFFFFF, s29;
	v9 =	vld [tilespmem:s28+$0x14E00]  }
.LBB2_103:
0x49a: {  	v10 =	vld [tilespmem:s28+$0x16E00];
	_ =	sdelay $0x1  }
0x49b: {  	v11 =	vor.u32 s24, v0  }
0x49c: {  	s6 =	sadd.s32 @p0 $0x10, s25;
	vm3 =	vlt.s32 v11, v8  }
0x49d: {  	s0 =	smov.u32 @p0 s6;
	s6 =	sadd.s32 @p0 $0x10, s26;
	v8 =	vnsel vm3, $0x0, v9  }
0x49e: {  	s1 =	smov.u32 @p0 s6;
	[tilespmem:s0+$0x0] =	vst v8;
	v8 =	vnsel vm3, $0x0, v10  }
0x49f: {  	[tilespmem:s1+$0x0] =	vst v8  }
.LBB2_104:
0x4a0: {  	(v2sf) =	vpush v6, $0x4;
	_ =	sdelay $0x6  }
0x4a1: {  	(v2sf) =	vpush v7, $0x4;
	_ =	sdelay $0x7  }
0x4a2: {  	s0 =	spop (v2sf)  }
0x4a3: {  	s0 =	sadd.s32 $0xF, s0  }
0x4a4: {  	p0 =	slt.s32 s0, $0x10  }
.Ltmp71:
0x4a5: {  	_ = 	snop;
	(pc) =	sbr.rel @p0 .LBB2_111-.Ltmp71, $2  }
0x4a6: {  	_ =	sdelay $0x2  }
0x4a7: {  	s1 =	spop (v2sf)  }
0x4a8: {  	s6 =	sshra.s32 s0, $0x1F  }
0x4a9: {  	s6 =	sshrl.u32 s6, $0x1C  }
0x4aa: {  	s31 =	sadd.s32 s6, s0  }
0x4ab: {  	s6 =	sshra.s32 s31, $0x4  }
0x4ac: {  	p1 =	sne.s32 s6, $0x1  }
.Ltmp72:
0x4ad: {  	_ = 	snop;
	(pc) =	sbr.rel @!p1 .LBB2_106-.Ltmp72, $4  }
0x4ae: {  	_ = 	snop  }
0x4af: {  	s1 =	sshll.u32 s1, $0x2;
	s24 =	simm.s32 $0x0  }
0x4b0: {  	p0 =	por $0x0, $0x0;
	s1 =	sshra.s32 s1, $0x2;
	s28 =	sand.u32 $0xFFFFFFF0, s24  }
0x4b1: {  	v8 =	vbroadcast v6, $0x4;
	s0 =	sadd.s32 $0x18800, s1;
	s1 =	sadd.s32 $0x1A880, s1;
	v9 =	vld [tilespmem:s28+$0x15000];
	s25 =	sadd.s32 $0xFFFFFFFF, s6  }
0x4b2: {  	v10 =	vld [tilespmem:s28+$0x17000];
	_ =	sdelay $0x1  }
0x4b3: {  	v11 =	vor.u32 s24, v0;
	p1 =	sne.s32 s25, $0x1  }
.Ltmp73:
0x4b4: {  	vm3 =	vlt.s32 v11, v8;
	(pc) =	sbr.rel @!p1 .LBB2_108-.Ltmp73, $4  }
0x4b5: {  	v9 =	vnsel vm3, $0x0, v9  }
0x4b6: {  	s24 =	simm.s32 $0x10;
	[tilespmem:s0+$0x0] =	vst v9;
	v9 =	vnsel vm3, $0x0, v10  }
0x4b7: {  	s29 =	sadd.s32 $0xFFFFFFFF, s25;
	s28 =	sand.u32 $0xFFFFFFF0, s24;
	[tilespmem:s1+$0x0] =	vst v9  }
0x4b8: {  	p0 =	por $0x1, $0x1;
	s25 =	smov.u32 s0;
	s26 =	smov.u32 s1;
	v9 =	vld [tilespmem:s28+$0x15000]  }
.LBB2_109:
0x4b9: {  	p1 =	sne.s32 s29, $0x1;
	v10 =	vld [tilespmem:s28+$0x17000];
	_ =	sdelay $0x1  }
0x4ba: {  	v11 =	vor.u32 s24, v0  }
.Ltmp74:
0x4bb: {  	vm3 =	vlt.s32 v11, v8;
	(pc) =	sbr.rel @p1 .LBB2_109-.Ltmp74, $4  }
0x4bc: {  	s25 =	sadd.s32 $0x10, s25;
	v9 =	vnsel vm3, $0x0, v9  }
0x4bd: {  	s24 =	sadd.s32 $0x10, s24;
	s26 =	sadd.s32 $0x10, s26;
	[tilespmem:s25+$0x0] =	vst v9;
	v9 =	vnsel vm3, $0x0, v10  }
0x4be: {  	s28 =	sand.u32 $0xFFFFFFF0, s24;
	[tilespmem:s26+$0x0] =	vst v9  }
0x4bf: {  	s29 =	sadd.s32 $0xFFFFFFFF, s29;
	v9 =	vld [tilespmem:s28+$0x15000]  }
.LBB2_110:
0x4c0: {  	v10 =	vld [tilespmem:s28+$0x17000];
	_ =	sdelay $0x1  }
0x4c1: {  	v11 =	vor.u32 s24, v0  }
0x4c2: {  	s6 =	sadd.s32 @p0 $0x10, s25;
	vm3 =	vlt.s32 v11, v8  }
0x4c3: {  	s0 =	smov.u32 @p0 s6;
	s6 =	sadd.s32 @p0 $0x10, s26;
	v8 =	vnsel vm3, $0x0, v9  }
0x4c4: {  	s1 =	smov.u32 @p0 s6;
	[tilespmem:s0+$0x0] =	vst v8;
	v8 =	vnsel vm3, $0x0, v10  }
0x4c5: {  	[tilespmem:s1+$0x0] =	vst v8  }
.LBB2_111:
0x4c6: {  	(v2sf) =	vpush v6, $0x5;
	_ =	sdelay $0x6  }
0x4c7: {  	(v2sf) =	vpush v7, $0x5;
	_ =	sdelay $0x7  }
0x4c8: {  	s0 =	spop (v2sf)  }
0x4c9: {  	s0 =	sadd.s32 $0xF, s0  }
0x4ca: {  	p0 =	slt.s32 s0, $0x10  }
.Ltmp75:
0x4cb: {  	_ = 	snop;
	(pc) =	sbr.rel @p0 .LBB2_118-.Ltmp75, $2  }
0x4cc: {  	_ =	sdelay $0x2  }
0x4cd: {  	s1 =	spop (v2sf)  }
0x4ce: {  	s6 =	sshra.s32 s0, $0x1F  }
0x4cf: {  	s6 =	sshrl.u32 s6, $0x1C  }
0x4d0: {  	s31 =	sadd.s32 s6, s0  }
0x4d1: {  	s6 =	sshra.s32 s31, $0x4  }
0x4d2: {  	p1 =	sne.s32 s6, $0x1  }
.Ltmp76:
0x4d3: {  	_ = 	snop;
	(pc) =	sbr.rel @!p1 .LBB2_113-.Ltmp76, $4  }
0x4d4: {  	_ = 	snop  }
0x4d5: {  	s1 =	sshll.u32 s1, $0x2;
	s24 =	simm.s32 $0x0  }
0x4d6: {  	p0 =	por $0x0, $0x0;
	s1 =	sshra.s32 s1, $0x2;
	s28 =	sand.u32 $0xFFFFFFF0, s24  }
0x4d7: {  	v8 =	vbroadcast v6, $0x5;
	s0 =	sadd.s32 $0x18800, s1;
	s1 =	sadd.s32 $0x1A880, s1;
	v9 =	vld [tilespmem:s28+$0x15200];
	s25 =	sadd.s32 $0xFFFFFFFF, s6  }
0x4d8: {  	v10 =	vld [tilespmem:s28+$0x17200];
	_ =	sdelay $0x1  }
0x4d9: {  	v11 =	vor.u32 s24, v0;
	p1 =	sne.s32 s25, $0x1  }
.Ltmp77:
0x4da: {  	vm3 =	vlt.s32 v11, v8;
	(pc) =	sbr.rel @!p1 .LBB2_115-.Ltmp77, $4  }
0x4db: {  	v9 =	vnsel vm3, $0x0, v9  }
0x4dc: {  	s24 =	simm.s32 $0x10;
	[tilespmem:s0+$0x0] =	vst v9;
	v9 =	vnsel vm3, $0x0, v10  }
0x4dd: {  	s29 =	sadd.s32 $0xFFFFFFFF, s25;
	s28 =	sand.u32 $0xFFFFFFF0, s24;
	[tilespmem:s1+$0x0] =	vst v9  }
0x4de: {  	p0 =	por $0x1, $0x1;
	s25 =	smov.u32 s0;
	s26 =	smov.u32 s1;
	v9 =	vld [tilespmem:s28+$0x15200]  }
.LBB2_116:
0x4df: {  	p1 =	sne.s32 s29, $0x1;
	v10 =	vld [tilespmem:s28+$0x17200];
	_ =	sdelay $0x1  }
0x4e0: {  	v11 =	vor.u32 s24, v0  }
.Ltmp78:
0x4e1: {  	vm3 =	vlt.s32 v11, v8;
	(pc) =	sbr.rel @p1 .LBB2_116-.Ltmp78, $4  }
0x4e2: {  	s25 =	sadd.s32 $0x10, s25;
	v9 =	vnsel vm3, $0x0, v9  }
0x4e3: {  	s24 =	sadd.s32 $0x10, s24;
	s26 =	sadd.s32 $0x10, s26;
	[tilespmem:s25+$0x0] =	vst v9;
	v9 =	vnsel vm3, $0x0, v10  }
0x4e4: {  	s28 =	sand.u32 $0xFFFFFFF0, s24;
	[tilespmem:s26+$0x0] =	vst v9  }
0x4e5: {  	s29 =	sadd.s32 $0xFFFFFFFF, s29;
	v9 =	vld [tilespmem:s28+$0x15200]  }
.LBB2_117:
0x4e6: {  	v10 =	vld [tilespmem:s28+$0x17200];
	_ =	sdelay $0x1  }
0x4e7: {  	v11 =	vor.u32 s24, v0  }
0x4e8: {  	s6 =	sadd.s32 @p0 $0x10, s25;
	vm3 =	vlt.s32 v11, v8  }
0x4e9: {  	s0 =	smov.u32 @p0 s6;
	s6 =	sadd.s32 @p0 $0x10, s26;
	v8 =	vnsel vm3, $0x0, v9  }
0x4ea: {  	s1 =	smov.u32 @p0 s6;
	[tilespmem:s0+$0x0] =	vst v8;
	v8 =	vnsel vm3, $0x0, v10  }
0x4eb: {  	[tilespmem:s1+$0x0] =	vst v8  }
.LBB2_118:
0x4ec: {  	(v2sf) =	vpush v6, $0x6;
	_ =	sdelay $0x6  }
0x4ed: {  	(v2sf) =	vpush v7, $0x6;
	_ =	sdelay $0x7  }
0x4ee: {  	s0 =	spop (v2sf)  }
0x4ef: {  	s0 =	sadd.s32 $0xF, s0  }
0x4f0: {  	p0 =	slt.s32 s0, $0x10  }
.Ltmp79:
0x4f1: {  	_ = 	snop;
	(pc) =	sbr.rel @p0 .LBB2_125-.Ltmp79, $2  }
0x4f2: {  	_ =	sdelay $0x2  }
0x4f3: {  	s1 =	spop (v2sf)  }
0x4f4: {  	s6 =	sshra.s32 s0, $0x1F  }
0x4f5: {  	s6 =	sshrl.u32 s6, $0x1C  }
0x4f6: {  	s31 =	sadd.s32 s6, s0  }
0x4f7: {  	s6 =	sshra.s32 s31, $0x4  }
0x4f8: {  	p1 =	sne.s32 s6, $0x1  }
.Ltmp80:
0x4f9: {  	_ = 	snop;
	(pc) =	sbr.rel @!p1 .LBB2_120-.Ltmp80, $4  }
0x4fa: {  	_ = 	snop  }
0x4fb: {  	s1 =	sshll.u32 s1, $0x2;
	s24 =	simm.s32 $0x0  }
0x4fc: {  	p0 =	por $0x0, $0x0;
	s1 =	sshra.s32 s1, $0x2;
	s28 =	sand.u32 $0xFFFFFFF0, s24  }
0x4fd: {  	v8 =	vbroadcast v6, $0x6;
	s0 =	sadd.s32 $0x18800, s1;
	s1 =	sadd.s32 $0x1A880, s1;
	v9 =	vld [tilespmem:s28+$0x15400];
	s25 =	sadd.s32 $0xFFFFFFFF, s6  }
0x4fe: {  	v10 =	vld [tilespmem:s28+$0x17400];
	_ =	sdelay $0x1  }
0x4ff: {  	v11 =	vor.u32 s24, v0;
	p1 =	sne.s32 s25, $0x1  }
.Ltmp81:
0x500: {  	vm3 =	vlt.s32 v11, v8;
	(pc) =	sbr.rel @!p1 .LBB2_122-.Ltmp81, $4  }
0x501: {  	v9 =	vnsel vm3, $0x0, v9  }
0x502: {  	s24 =	simm.s32 $0x10;
	[tilespmem:s0+$0x0] =	vst v9;
	v9 =	vnsel vm3, $0x0, v10  }
0x503: {  	s29 =	sadd.s32 $0xFFFFFFFF, s25;
	s28 =	sand.u32 $0xFFFFFFF0, s24;
	[tilespmem:s1+$0x0] =	vst v9  }
0x504: {  	p0 =	por $0x1, $0x1;
	s25 =	smov.u32 s0;
	s26 =	smov.u32 s1;
	v9 =	vld [tilespmem:s28+$0x15400]  }
.LBB2_123:
0x505: {  	p1 =	sne.s32 s29, $0x1;
	v10 =	vld [tilespmem:s28+$0x17400];
	_ =	sdelay $0x1  }
0x506: {  	v11 =	vor.u32 s24, v0  }
.Ltmp82:
0x507: {  	vm3 =	vlt.s32 v11, v8;
	(pc) =	sbr.rel @p1 .LBB2_123-.Ltmp82, $4  }
0x508: {  	s25 =	sadd.s32 $0x10, s25;
	v9 =	vnsel vm3, $0x0, v9  }
0x509: {  	s24 =	sadd.s32 $0x10, s24;
	s26 =	sadd.s32 $0x10, s26;
	[tilespmem:s25+$0x0] =	vst v9;
	v9 =	vnsel vm3, $0x0, v10  }
0x50a: {  	s28 =	sand.u32 $0xFFFFFFF0, s24;
	[tilespmem:s26+$0x0] =	vst v9  }
0x50b: {  	s29 =	sadd.s32 $0xFFFFFFFF, s29;
	v9 =	vld [tilespmem:s28+$0x15400]  }
.LBB2_124:
0x50c: {  	v10 =	vld [tilespmem:s28+$0x17400];
	_ =	sdelay $0x1  }
0x50d: {  	v11 =	vor.u32 s24, v0  }
0x50e: {  	s6 =	sadd.s32 @p0 $0x10, s25;
	vm3 =	vlt.s32 v11, v8  }
0x50f: {  	s0 =	smov.u32 @p0 s6;
	s6 =	sadd.s32 @p0 $0x10, s26;
	v8 =	vnsel vm3, $0x0, v9  }
0x510: {  	s1 =	smov.u32 @p0 s6;
	[tilespmem:s0+$0x0] =	vst v8;
	v8 =	vnsel vm3, $0x0, v10  }
0x511: {  	[tilespmem:s1+$0x0] =	vst v8  }
.LBB2_125:
0x512: {  	(v2sf) =	vpush v6, $0x7;
	_ =	sdelay $0x6  }
0x513: {  	(v2sf) =	vpush v7, $0x7;
	_ =	sdelay $0x7  }
0x514: {  	s0 =	spop (v2sf)  }
0x515: {  	s0 =	sadd.s32 $0xF, s0  }
0x516: {  	p0 =	slt.s32 s0, $0x10  }
.Ltmp83:
0x517: {  	_ = 	snop;
	(pc) =	sbr.rel @p0 .LBB2_132-.Ltmp83, $2  }
0x518: {  	_ =	sdelay $0x2  }
0x519: {  	s1 =	spop (v2sf)  }
0x51a: {  	s6 =	sshra.s32 s0, $0x1F  }
0x51b: {  	s6 =	sshrl.u32 s6, $0x1C  }
0x51c: {  	s31 =	sadd.s32 s6, s0  }
0x51d: {  	s6 =	sshra.s32 s31, $0x4  }
0x51e: {  	p1 =	sne.s32 s6, $0x1  }
.Ltmp84:
0x51f: {  	_ = 	snop;
	(pc) =	sbr.rel @!p1 .LBB2_127-.Ltmp84, $4  }
0x520: {  	_ = 	snop  }
0x521: {  	s1 =	sshll.u32 s1, $0x2;
	s24 =	simm.s32 $0x0  }
0x522: {  	p0 =	por $0x0, $0x0;
	s1 =	sshra.s32 s1, $0x2;
	s28 =	sand.u32 $0xFFFFFFF0, s24  }
0x523: {  	v8 =	vbroadcast v6, $0x7;
	s0 =	sadd.s32 $0x18800, s1;
	s1 =	sadd.s32 $0x1A880, s1;
	v9 =	vld [tilespmem:s28+$0x15600];
	s25 =	sadd.s32 $0xFFFFFFFF, s6  }
0x524: {  	v10 =	vld [tilespmem:s28+$0x17600];
	_ =	sdelay $0x1  }
0x525: {  	v11 =	vor.u32 s24, v0;
	p1 =	sne.s32 s25, $0x1  }
.Ltmp85:
0x526: {  	vm3 =	vlt.s32 v11, v8;
	(pc) =	sbr.rel @!p1 .LBB2_129-.Ltmp85, $4  }
0x527: {  	v9 =	vnsel vm3, $0x0, v9  }
0x528: {  	s24 =	simm.s32 $0x10;
	[tilespmem:s0+$0x0] =	vst v9;
	v9 =	vnsel vm3, $0x0, v10  }
0x529: {  	s29 =	sadd.s32 $0xFFFFFFFF, s25;
	s28 =	sand.u32 $0xFFFFFFF0, s24;
	[tilespmem:s1+$0x0] =	vst v9  }
0x52a: {  	p0 =	por $0x1, $0x1;
	s25 =	smov.u32 s0;
	s26 =	smov.u32 s1;
	v9 =	vld [tilespmem:s28+$0x15600]  }
.LBB2_130:
0x52b: {  	p1 =	sne.s32 s29, $0x1;
	v10 =	vld [tilespmem:s28+$0x17600];
	_ =	sdelay $0x1  }
0x52c: {  	v11 =	vor.u32 s24, v0  }
.Ltmp86:
0x52d: {  	vm3 =	vlt.s32 v11, v8;
	(pc) =	sbr.rel @p1 .LBB2_130-.Ltmp86, $4  }
0x52e: {  	s25 =	sadd.s32 $0x10, s25;
	v9 =	vnsel vm3, $0x0, v9  }
0x52f: {  	s24 =	sadd.s32 $0x10, s24;
	s26 =	sadd.s32 $0x10, s26;
	[tilespmem:s25+$0x0] =	vst v9;
	v9 =	vnsel vm3, $0x0, v10  }
0x530: {  	s28 =	sand.u32 $0xFFFFFFF0, s24;
	[tilespmem:s26+$0x0] =	vst v9  }
0x531: {  	s29 =	sadd.s32 $0xFFFFFFFF, s29;
	v9 =	vld [tilespmem:s28+$0x15600]  }
.LBB2_131:
0x532: {  	v10 =	vld [tilespmem:s28+$0x17600];
	_ =	sdelay $0x1  }
0x533: {  	v11 =	vor.u32 s24, v0  }
0x534: {  	s6 =	sadd.s32 @p0 $0x10, s25;
	vm3 =	vlt.s32 v11, v8  }
0x535: {  	s0 =	smov.u32 @p0 s6;
	s6 =	sadd.s32 @p0 $0x10, s26;
	v8 =	vnsel vm3, $0x0, v9  }
0x536: {  	s1 =	smov.u32 @p0 s6;
	[tilespmem:s0+$0x0] =	vst v8;
	v8 =	vnsel vm3, $0x0, v10  }
0x537: {  	[tilespmem:s1+$0x0] =	vst v8  }
.LBB2_132:
0x538: {  	(v2sf) =	vpush v6, $0x8;
	_ =	sdelay $0x6  }
0x539: {  	(v2sf) =	vpush v7, $0x8;
	_ =	sdelay $0x7  }
0x53a: {  	s0 =	spop (v2sf)  }
0x53b: {  	s0 =	sadd.s32 $0xF, s0  }
0x53c: {  	p0 =	slt.s32 s0, $0x10  }
.Ltmp87:
0x53d: {  	_ = 	snop;
	(pc) =	sbr.rel @p0 .LBB2_139-.Ltmp87, $2  }
0x53e: {  	_ =	sdelay $0x2  }
0x53f: {  	s1 =	spop (v2sf)  }
0x540: {  	s6 =	sshra.s32 s0, $0x1F  }
0x541: {  	s6 =	sshrl.u32 s6, $0x1C  }
0x542: {  	s31 =	sadd.s32 s6, s0  }
0x543: {  	s6 =	sshra.s32 s31, $0x4  }
0x544: {  	p1 =	sne.s32 s6, $0x1  }
.Ltmp88:
0x545: {  	_ = 	snop;
	(pc) =	sbr.rel @!p1 .LBB2_134-.Ltmp88, $4  }
0x546: {  	_ = 	snop  }
0x547: {  	s1 =	sshll.u32 s1, $0x2;
	s24 =	simm.s32 $0x0  }
0x548: {  	p0 =	por $0x0, $0x0;
	s1 =	sshra.s32 s1, $0x2;
	s28 =	sand.u32 $0xFFFFFFF0, s24  }
0x549: {  	v8 =	vbroadcast v6, $0x8;
	s0 =	sadd.s32 $0x18800, s1;
	s1 =	sadd.s32 $0x1A880, s1;
	v9 =	vld [tilespmem:s28+$0x15800];
	s25 =	sadd.s32 $0xFFFFFFFF, s6  }
0x54a: {  	v10 =	vld [tilespmem:s28+$0x17800];
	_ =	sdelay $0x1  }
0x54b: {  	v11 =	vor.u32 s24, v0;
	p1 =	sne.s32 s25, $0x1  }
.Ltmp89:
0x54c: {  	vm3 =	vlt.s32 v11, v8;
	(pc) =	sbr.rel @!p1 .LBB2_136-.Ltmp89, $4  }
0x54d: {  	v9 =	vnsel vm3, $0x0, v9  }
0x54e: {  	s24 =	simm.s32 $0x10;
	[tilespmem:s0+$0x0] =	vst v9;
	v9 =	vnsel vm3, $0x0, v10  }
0x54f: {  	s29 =	sadd.s32 $0xFFFFFFFF, s25;
	s28 =	sand.u32 $0xFFFFFFF0, s24;
	[tilespmem:s1+$0x0] =	vst v9  }
0x550: {  	p0 =	por $0x1, $0x1;
	s25 =	smov.u32 s0;
	s26 =	smov.u32 s1;
	v9 =	vld [tilespmem:s28+$0x15800]  }
.LBB2_137:
0x551: {  	p1 =	sne.s32 s29, $0x1;
	v10 =	vld [tilespmem:s28+$0x17800];
	_ =	sdelay $0x1  }
0x552: {  	v11 =	vor.u32 s24, v0  }
.Ltmp90:
0x553: {  	vm3 =	vlt.s32 v11, v8;
	(pc) =	sbr.rel @p1 .LBB2_137-.Ltmp90, $4  }
0x554: {  	s25 =	sadd.s32 $0x10, s25;
	v9 =	vnsel vm3, $0x0, v9  }
0x555: {  	s24 =	sadd.s32 $0x10, s24;
	s26 =	sadd.s32 $0x10, s26;
	[tilespmem:s25+$0x0] =	vst v9;
	v9 =	vnsel vm3, $0x0, v10  }
0x556: {  	s28 =	sand.u32 $0xFFFFFFF0, s24;
	[tilespmem:s26+$0x0] =	vst v9  }
0x557: {  	s29 =	sadd.s32 $0xFFFFFFFF, s29;
	v9 =	vld [tilespmem:s28+$0x15800]  }
.LBB2_138:
0x558: {  	v10 =	vld [tilespmem:s28+$0x17800];
	_ =	sdelay $0x1  }
0x559: {  	v11 =	vor.u32 s24, v0  }
0x55a: {  	s6 =	sadd.s32 @p0 $0x10, s25;
	vm3 =	vlt.s32 v11, v8  }
0x55b: {  	s0 =	smov.u32 @p0 s6;
	s6 =	sadd.s32 @p0 $0x10, s26;
	v8 =	vnsel vm3, $0x0, v9  }
0x55c: {  	s1 =	smov.u32 @p0 s6;
	[tilespmem:s0+$0x0] =	vst v8;
	v8 =	vnsel vm3, $0x0, v10  }
0x55d: {  	[tilespmem:s1+$0x0] =	vst v8  }
.LBB2_139:
0x55e: {  	(v2sf) =	vpush v6, $0x9;
	_ =	sdelay $0x6  }
0x55f: {  	(v2sf) =	vpush v7, $0x9;
	_ =	sdelay $0x7  }
0x560: {  	s0 =	spop (v2sf)  }
0x561: {  	s0 =	sadd.s32 $0xF, s0  }
0x562: {  	p0 =	slt.s32 s0, $0x10  }
.Ltmp91:
0x563: {  	_ = 	snop;
	(pc) =	sbr.rel @p0 .LBB2_146-.Ltmp91, $2  }
0x564: {  	_ =	sdelay $0x2  }
0x565: {  	s1 =	spop (v2sf)  }
0x566: {  	s6 =	sshra.s32 s0, $0x1F  }
0x567: {  	s6 =	sshrl.u32 s6, $0x1C  }
0x568: {  	s31 =	sadd.s32 s6, s0  }
0x569: {  	s6 =	sshra.s32 s31, $0x4  }
0x56a: {  	p1 =	sne.s32 s6, $0x1  }
.Ltmp92:
0x56b: {  	_ = 	snop;
	(pc) =	sbr.rel @!p1 .LBB2_141-.Ltmp92, $4  }
0x56c: {  	_ = 	snop  }
0x56d: {  	s1 =	sshll.u32 s1, $0x2;
	s24 =	simm.s32 $0x0  }
0x56e: {  	p0 =	por $0x0, $0x0;
	s1 =	sshra.s32 s1, $0x2;
	s28 =	sand.u32 $0xFFFFFFF0, s24  }
0x56f: {  	v8 =	vbroadcast v6, $0x9;
	s0 =	sadd.s32 $0x18800, s1;
	s1 =	sadd.s32 $0x1A880, s1;
	v9 =	vld [tilespmem:s28+$0x15A00];
	s25 =	sadd.s32 $0xFFFFFFFF, s6  }
0x570: {  	v10 =	vld [tilespmem:s28+$0x17A00];
	_ =	sdelay $0x1  }
0x571: {  	v11 =	vor.u32 s24, v0;
	p1 =	sne.s32 s25, $0x1  }
.Ltmp93:
0x572: {  	vm3 =	vlt.s32 v11, v8;
	(pc) =	sbr.rel @!p1 .LBB2_143-.Ltmp93, $4  }
0x573: {  	v9 =	vnsel vm3, $0x0, v9  }
0x574: {  	s24 =	simm.s32 $0x10;
	[tilespmem:s0+$0x0] =	vst v9;
	v9 =	vnsel vm3, $0x0, v10  }
0x575: {  	s29 =	sadd.s32 $0xFFFFFFFF, s25;
	s28 =	sand.u32 $0xFFFFFFF0, s24;
	[tilespmem:s1+$0x0] =	vst v9  }
0x576: {  	p0 =	por $0x1, $0x1;
	s25 =	smov.u32 s0;
	s26 =	smov.u32 s1;
	v9 =	vld [tilespmem:s28+$0x15A00]  }
.LBB2_144:
0x577: {  	p1 =	sne.s32 s29, $0x1;
	v10 =	vld [tilespmem:s28+$0x17A00];
	_ =	sdelay $0x1  }
0x578: {  	v11 =	vor.u32 s24, v0  }
.Ltmp94:
0x579: {  	vm3 =	vlt.s32 v11, v8;
	(pc) =	sbr.rel @p1 .LBB2_144-.Ltmp94, $4  }
0x57a: {  	s25 =	sadd.s32 $0x10, s25;
	v9 =	vnsel vm3, $0x0, v9  }
0x57b: {  	s24 =	sadd.s32 $0x10, s24;
	s26 =	sadd.s32 $0x10, s26;
	[tilespmem:s25+$0x0] =	vst v9;
	v9 =	vnsel vm3, $0x0, v10  }
0x57c: {  	s28 =	sand.u32 $0xFFFFFFF0, s24;
	[tilespmem:s26+$0x0] =	vst v9  }
0x57d: {  	s29 =	sadd.s32 $0xFFFFFFFF, s29;
	v9 =	vld [tilespmem:s28+$0x15A00]  }
.LBB2_145:
0x57e: {  	v10 =	vld [tilespmem:s28+$0x17A00];
	_ =	sdelay $0x1  }
0x57f: {  	v11 =	vor.u32 s24, v0  }
0x580: {  	s6 =	sadd.s32 @p0 $0x10, s25;
	vm3 =	vlt.s32 v11, v8  }
0x581: {  	s0 =	smov.u32 @p0 s6;
	s6 =	sadd.s32 @p0 $0x10, s26;
	v8 =	vnsel vm3, $0x0, v9  }
0x582: {  	s1 =	smov.u32 @p0 s6;
	[tilespmem:s0+$0x0] =	vst v8;
	v8 =	vnsel vm3, $0x0, v10  }
0x583: {  	[tilespmem:s1+$0x0] =	vst v8  }
.LBB2_146:
0x584: {  	(v2sf) =	vpush v6, $0xA;
	_ =	sdelay $0x6  }
0x585: {  	(v2sf) =	vpush v7, $0xA;
	_ =	sdelay $0x7  }
0x586: {  	s0 =	spop (v2sf)  }
0x587: {  	s0 =	sadd.s32 $0xF, s0  }
0x588: {  	p0 =	slt.s32 s0, $0x10  }
.Ltmp95:
0x589: {  	_ = 	snop;
	(pc) =	sbr.rel @p0 .LBB2_153-.Ltmp95, $2  }
0x58a: {  	_ =	sdelay $0x2  }
0x58b: {  	s1 =	spop (v2sf)  }
0x58c: {  	s6 =	sshra.s32 s0, $0x1F  }
0x58d: {  	s6 =	sshrl.u32 s6, $0x1C  }
0x58e: {  	s31 =	sadd.s32 s6, s0  }
0x58f: {  	s6 =	sshra.s32 s31, $0x4  }
0x590: {  	p1 =	sne.s32 s6, $0x1  }
.Ltmp96:
0x591: {  	_ = 	snop;
	(pc) =	sbr.rel @!p1 .LBB2_148-.Ltmp96, $4  }
0x592: {  	_ = 	snop  }
0x593: {  	s1 =	sshll.u32 s1, $0x2;
	s24 =	simm.s32 $0x0  }
0x594: {  	p0 =	por $0x0, $0x0;
	s1 =	sshra.s32 s1, $0x2;
	s28 =	sand.u32 $0xFFFFFFF0, s24  }
0x595: {  	v8 =	vbroadcast v6, $0xA;
	s0 =	sadd.s32 $0x18800, s1;
	s1 =	sadd.s32 $0x1A880, s1;
	v9 =	vld [tilespmem:s28+$0x15C00];
	s25 =	sadd.s32 $0xFFFFFFFF, s6  }
0x596: {  	v10 =	vld [tilespmem:s28+$0x17C00];
	_ =	sdelay $0x1  }
0x597: {  	v11 =	vor.u32 s24, v0;
	p1 =	sne.s32 s25, $0x1  }
.Ltmp97:
0x598: {  	vm3 =	vlt.s32 v11, v8;
	(pc) =	sbr.rel @!p1 .LBB2_150-.Ltmp97, $4  }
0x599: {  	v9 =	vnsel vm3, $0x0, v9  }
0x59a: {  	s24 =	simm.s32 $0x10;
	[tilespmem:s0+$0x0] =	vst v9;
	v9 =	vnsel vm3, $0x0, v10  }
0x59b: {  	s29 =	sadd.s32 $0xFFFFFFFF, s25;
	s28 =	sand.u32 $0xFFFFFFF0, s24;
	[tilespmem:s1+$0x0] =	vst v9  }
0x59c: {  	p0 =	por $0x1, $0x1;
	s25 =	smov.u32 s0;
	s26 =	smov.u32 s1;
	v9 =	vld [tilespmem:s28+$0x15C00]  }
.LBB2_151:
0x59d: {  	p1 =	sne.s32 s29, $0x1;
	v10 =	vld [tilespmem:s28+$0x17C00];
	_ =	sdelay $0x1  }
0x59e: {  	v11 =	vor.u32 s24, v0  }
.Ltmp98:
0x59f: {  	vm3 =	vlt.s32 v11, v8;
	(pc) =	sbr.rel @p1 .LBB2_151-.Ltmp98, $4  }
0x5a0: {  	s25 =	sadd.s32 $0x10, s25;
	v9 =	vnsel vm3, $0x0, v9  }
0x5a1: {  	s24 =	sadd.s32 $0x10, s24;
	s26 =	sadd.s32 $0x10, s26;
	[tilespmem:s25+$0x0] =	vst v9;
	v9 =	vnsel vm3, $0x0, v10  }
0x5a2: {  	s28 =	sand.u32 $0xFFFFFFF0, s24;
	[tilespmem:s26+$0x0] =	vst v9  }
0x5a3: {  	s29 =	sadd.s32 $0xFFFFFFFF, s29;
	v9 =	vld [tilespmem:s28+$0x15C00]  }
.LBB2_152:
0x5a4: {  	v10 =	vld [tilespmem:s28+$0x17C00];
	_ =	sdelay $0x1  }
0x5a5: {  	v11 =	vor.u32 s24, v0  }
0x5a6: {  	s6 =	sadd.s32 @p0 $0x10, s25;
	vm3 =	vlt.s32 v11, v8  }
0x5a7: {  	s0 =	smov.u32 @p0 s6;
	s6 =	sadd.s32 @p0 $0x10, s26;
	v8 =	vnsel vm3, $0x0, v9  }
0x5a8: {  	s1 =	smov.u32 @p0 s6;
	[tilespmem:s0+$0x0] =	vst v8;
	v8 =	vnsel vm3, $0x0, v10  }
0x5a9: {  	[tilespmem:s1+$0x0] =	vst v8  }
.LBB2_153:
0x5aa: {  	(v2sf) =	vpush v6, $0xB;
	_ =	sdelay $0x6  }
0x5ab: {  	(v2sf) =	vpush v7, $0xB;
	_ =	sdelay $0x7  }
0x5ac: {  	s0 =	spop (v2sf)  }
0x5ad: {  	s0 =	sadd.s32 $0xF, s0  }
0x5ae: {  	p0 =	slt.s32 s0, $0x10  }
.Ltmp99:
0x5af: {  	_ = 	snop;
	(pc) =	sbr.rel @p0 .LBB2_160-.Ltmp99, $2  }
0x5b0: {  	_ =	sdelay $0x2  }
0x5b1: {  	s1 =	spop (v2sf)  }
0x5b2: {  	s6 =	sshra.s32 s0, $0x1F  }
0x5b3: {  	s6 =	sshrl.u32 s6, $0x1C  }
0x5b4: {  	s31 =	sadd.s32 s6, s0  }
0x5b5: {  	s6 =	sshra.s32 s31, $0x4  }
0x5b6: {  	p1 =	sne.s32 s6, $0x1  }
.Ltmp100:
0x5b7: {  	_ = 	snop;
	(pc) =	sbr.rel @!p1 .LBB2_155-.Ltmp100, $4  }
0x5b8: {  	_ = 	snop  }
0x5b9: {  	s1 =	sshll.u32 s1, $0x2;
	s24 =	simm.s32 $0x0  }
0x5ba: {  	p0 =	por $0x0, $0x0;
	s1 =	sshra.s32 s1, $0x2;
	s28 =	sand.u32 $0xFFFFFFF0, s24  }
0x5bb: {  	v8 =	vbroadcast v6, $0xB;
	s0 =	sadd.s32 $0x18800, s1;
	s1 =	sadd.s32 $0x1A880, s1;
	v9 =	vld [tilespmem:s28+$0x15E00];
	s25 =	sadd.s32 $0xFFFFFFFF, s6  }
0x5bc: {  	v10 =	vld [tilespmem:s28+$0x17E00];
	_ =	sdelay $0x1  }
0x5bd: {  	v11 =	vor.u32 s24, v0;
	p1 =	sne.s32 s25, $0x1  }
.Ltmp101:
0x5be: {  	vm3 =	vlt.s32 v11, v8;
	(pc) =	sbr.rel @!p1 .LBB2_157-.Ltmp101, $4  }
0x5bf: {  	v9 =	vnsel vm3, $0x0, v9  }
0x5c0: {  	s24 =	simm.s32 $0x10;
	[tilespmem:s0+$0x0] =	vst v9;
	v9 =	vnsel vm3, $0x0, v10  }
0x5c1: {  	s29 =	sadd.s32 $0xFFFFFFFF, s25;
	s28 =	sand.u32 $0xFFFFFFF0, s24;
	[tilespmem:s1+$0x0] =	vst v9  }
0x5c2: {  	p0 =	por $0x1, $0x1;
	s25 =	smov.u32 s0;
	s26 =	smov.u32 s1;
	v9 =	vld [tilespmem:s28+$0x15E00]  }
.LBB2_158:
0x5c3: {  	p1 =	sne.s32 s29, $0x1;
	v10 =	vld [tilespmem:s28+$0x17E00];
	_ =	sdelay $0x1  }
0x5c4: {  	v11 =	vor.u32 s24, v0  }
.Ltmp102:
0x5c5: {  	vm3 =	vlt.s32 v11, v8;
	(pc) =	sbr.rel @p1 .LBB2_158-.Ltmp102, $4  }
0x5c6: {  	s25 =	sadd.s32 $0x10, s25;
	v9 =	vnsel vm3, $0x0, v9  }
0x5c7: {  	s24 =	sadd.s32 $0x10, s24;
	s26 =	sadd.s32 $0x10, s26;
	[tilespmem:s25+$0x0] =	vst v9;
	v9 =	vnsel vm3, $0x0, v10  }
0x5c8: {  	s28 =	sand.u32 $0xFFFFFFF0, s24;
	[tilespmem:s26+$0x0] =	vst v9  }
0x5c9: {  	s29 =	sadd.s32 $0xFFFFFFFF, s29;
	v9 =	vld [tilespmem:s28+$0x15E00]  }
.LBB2_159:
0x5ca: {  	v10 =	vld [tilespmem:s28+$0x17E00];
	_ =	sdelay $0x1  }
0x5cb: {  	v11 =	vor.u32 s24, v0  }
0x5cc: {  	s6 =	sadd.s32 @p0 $0x10, s25;
	vm3 =	vlt.s32 v11, v8  }
0x5cd: {  	s0 =	smov.u32 @p0 s6;
	s6 =	sadd.s32 @p0 $0x10, s26;
	v8 =	vnsel vm3, $0x0, v9  }
0x5ce: {  	s1 =	smov.u32 @p0 s6;
	[tilespmem:s0+$0x0] =	vst v8;
	v8 =	vnsel vm3, $0x0, v10  }
0x5cf: {  	[tilespmem:s1+$0x0] =	vst v8  }
.LBB2_160:
0x5d0: {  	(v2sf) =	vpush v6, $0xC;
	_ =	sdelay $0x6  }
0x5d1: {  	(v2sf) =	vpush v7, $0xC;
	_ =	sdelay $0x7  }
0x5d2: {  	s0 =	spop (v2sf)  }
0x5d3: {  	s0 =	sadd.s32 $0xF, s0  }
0x5d4: {  	p0 =	slt.s32 s0, $0x10  }
.Ltmp103:
0x5d5: {  	_ = 	snop;
	(pc) =	sbr.rel @p0 .LBB2_167-.Ltmp103, $2  }
0x5d6: {  	_ =	sdelay $0x2  }
0x5d7: {  	s1 =	spop (v2sf)  }
0x5d8: {  	s6 =	sshra.s32 s0, $0x1F  }
0x5d9: {  	s6 =	sshrl.u32 s6, $0x1C  }
0x5da: {  	s31 =	sadd.s32 s6, s0  }
0x5db: {  	s6 =	sshra.s32 s31, $0x4  }
0x5dc: {  	p1 =	sne.s32 s6, $0x1  }
.Ltmp104:
0x5dd: {  	_ = 	snop;
	(pc) =	sbr.rel @!p1 .LBB2_162-.Ltmp104, $4  }
0x5de: {  	_ = 	snop  }
0x5df: {  	s1 =	sshll.u32 s1, $0x2;
	s24 =	simm.s32 $0x0  }
0x5e0: {  	p0 =	por $0x0, $0x0;
	s1 =	sshra.s32 s1, $0x2;
	s28 =	sand.u32 $0xFFFFFFF0, s24  }
0x5e1: {  	v8 =	vbroadcast v6, $0xC;
	s0 =	sadd.s32 $0x18800, s1;
	s1 =	sadd.s32 $0x1A880, s1;
	v9 =	vld [tilespmem:s28+$0x16000];
	s25 =	sadd.s32 $0xFFFFFFFF, s6  }
0x5e2: {  	v10 =	vld [tilespmem:s28+$0x18000];
	_ =	sdelay $0x1  }
0x5e3: {  	v11 =	vor.u32 s24, v0;
	p1 =	sne.s32 s25, $0x1  }
.Ltmp105:
0x5e4: {  	vm3 =	vlt.s32 v11, v8;
	(pc) =	sbr.rel @!p1 .LBB2_164-.Ltmp105, $4  }
0x5e5: {  	v9 =	vnsel vm3, $0x0, v9  }
0x5e6: {  	s24 =	simm.s32 $0x10;
	[tilespmem:s0+$0x0] =	vst v9;
	v9 =	vnsel vm3, $0x0, v10  }
0x5e7: {  	s29 =	sadd.s32 $0xFFFFFFFF, s25;
	s28 =	sand.u32 $0xFFFFFFF0, s24;
	[tilespmem:s1+$0x0] =	vst v9  }
0x5e8: {  	p0 =	por $0x1, $0x1;
	s25 =	smov.u32 s0;
	s26 =	smov.u32 s1;
	v9 =	vld [tilespmem:s28+$0x16000]  }
.LBB2_165:
0x5e9: {  	p1 =	sne.s32 s29, $0x1;
	v10 =	vld [tilespmem:s28+$0x18000];
	_ =	sdelay $0x1  }
0x5ea: {  	v11 =	vor.u32 s24, v0  }
.Ltmp106:
0x5eb: {  	vm3 =	vlt.s32 v11, v8;
	(pc) =	sbr.rel @p1 .LBB2_165-.Ltmp106, $4  }
0x5ec: {  	s25 =	sadd.s32 $0x10, s25;
	v9 =	vnsel vm3, $0x0, v9  }
0x5ed: {  	s24 =	sadd.s32 $0x10, s24;
	s26 =	sadd.s32 $0x10, s26;
	[tilespmem:s25+$0x0] =	vst v9;
	v9 =	vnsel vm3, $0x0, v10  }
0x5ee: {  	s28 =	sand.u32 $0xFFFFFFF0, s24;
	[tilespmem:s26+$0x0] =	vst v9  }
0x5ef: {  	s29 =	sadd.s32 $0xFFFFFFFF, s29;
	v9 =	vld [tilespmem:s28+$0x16000]  }
.LBB2_166:
0x5f0: {  	v10 =	vld [tilespmem:s28+$0x18000];
	_ =	sdelay $0x1  }
0x5f1: {  	v11 =	vor.u32 s24, v0  }
0x5f2: {  	s6 =	sadd.s32 @p0 $0x10, s25;
	vm3 =	vlt.s32 v11, v8  }
0x5f3: {  	s0 =	smov.u32 @p0 s6;
	s6 =	sadd.s32 @p0 $0x10, s26;
	v8 =	vnsel vm3, $0x0, v9  }
0x5f4: {  	s1 =	smov.u32 @p0 s6;
	[tilespmem:s0+$0x0] =	vst v8;
	v8 =	vnsel vm3, $0x0, v10  }
0x5f5: {  	[tilespmem:s1+$0x0] =	vst v8  }
.LBB2_167:
0x5f6: {  	(v2sf) =	vpush v6, $0xD;
	_ =	sdelay $0x6  }
0x5f7: {  	(v2sf) =	vpush v7, $0xD;
	_ =	sdelay $0x7  }
0x5f8: {  	s0 =	spop (v2sf)  }
0x5f9: {  	s0 =	sadd.s32 $0xF, s0  }
0x5fa: {  	p0 =	slt.s32 s0, $0x10  }
.Ltmp107:
0x5fb: {  	_ = 	snop;
	(pc) =	sbr.rel @p0 .LBB2_174-.Ltmp107, $2  }
0x5fc: {  	_ =	sdelay $0x2  }
0x5fd: {  	s1 =	spop (v2sf)  }
0x5fe: {  	s6 =	sshra.s32 s0, $0x1F  }
0x5ff: {  	s6 =	sshrl.u32 s6, $0x1C  }
0x600: {  	s31 =	sadd.s32 s6, s0  }
0x601: {  	s6 =	sshra.s32 s31, $0x4  }
0x602: {  	p1 =	sne.s32 s6, $0x1  }
.Ltmp108:
0x603: {  	_ = 	snop;
	(pc) =	sbr.rel @!p1 .LBB2_169-.Ltmp108, $4  }
0x604: {  	_ = 	snop  }
0x605: {  	s1 =	sshll.u32 s1, $0x2;
	s24 =	simm.s32 $0x0  }
0x606: {  	p0 =	por $0x0, $0x0;
	s1 =	sshra.s32 s1, $0x2;
	s28 =	sand.u32 $0xFFFFFFF0, s24  }
0x607: {  	v8 =	vbroadcast v6, $0xD;
	s0 =	sadd.s32 $0x18800, s1;
	s1 =	sadd.s32 $0x1A880, s1;
	v9 =	vld [tilespmem:s28+$0x16200];
	s25 =	sadd.s32 $0xFFFFFFFF, s6  }
0x608: {  	v10 =	vld [tilespmem:s28+$0x18200];
	_ =	sdelay $0x1  }
0x609: {  	v11 =	vor.u32 s24, v0;
	p1 =	sne.s32 s25, $0x1  }
.Ltmp109:
0x60a: {  	vm3 =	vlt.s32 v11, v8;
	(pc) =	sbr.rel @!p1 .LBB2_171-.Ltmp109, $4  }
0x60b: {  	v9 =	vnsel vm3, $0x0, v9  }
0x60c: {  	s24 =	simm.s32 $0x10;
	[tilespmem:s0+$0x0] =	vst v9;
	v9 =	vnsel vm3, $0x0, v10  }
0x60d: {  	s29 =	sadd.s32 $0xFFFFFFFF, s25;
	s28 =	sand.u32 $0xFFFFFFF0, s24;
	[tilespmem:s1+$0x0] =	vst v9  }
0x60e: {  	p0 =	por $0x1, $0x1;
	s25 =	smov.u32 s0;
	s26 =	smov.u32 s1;
	v9 =	vld [tilespmem:s28+$0x16200]  }
.LBB2_172:
0x60f: {  	p1 =	sne.s32 s29, $0x1;
	v10 =	vld [tilespmem:s28+$0x18200];
	_ =	sdelay $0x1  }
0x610: {  	v11 =	vor.u32 s24, v0  }
.Ltmp110:
0x611: {  	vm3 =	vlt.s32 v11, v8;
	(pc) =	sbr.rel @p1 .LBB2_172-.Ltmp110, $4  }
0x612: {  	s25 =	sadd.s32 $0x10, s25;
	v9 =	vnsel vm3, $0x0, v9  }
0x613: {  	s24 =	sadd.s32 $0x10, s24;
	s26 =	sadd.s32 $0x10, s26;
	[tilespmem:s25+$0x0] =	vst v9;
	v9 =	vnsel vm3, $0x0, v10  }
0x614: {  	s28 =	sand.u32 $0xFFFFFFF0, s24;
	[tilespmem:s26+$0x0] =	vst v9  }
0x615: {  	s29 =	sadd.s32 $0xFFFFFFFF, s29;
	v9 =	vld [tilespmem:s28+$0x16200]  }
.LBB2_173:
0x616: {  	v10 =	vld [tilespmem:s28+$0x18200];
	_ =	sdelay $0x1  }
0x617: {  	v11 =	vor.u32 s24, v0  }
0x618: {  	s6 =	sadd.s32 @p0 $0x10, s25;
	vm3 =	vlt.s32 v11, v8  }
0x619: {  	s0 =	smov.u32 @p0 s6;
	s6 =	sadd.s32 @p0 $0x10, s26;
	v8 =	vnsel vm3, $0x0, v9  }
0x61a: {  	s1 =	smov.u32 @p0 s6;
	[tilespmem:s0+$0x0] =	vst v8;
	v8 =	vnsel vm3, $0x0, v10  }
0x61b: {  	[tilespmem:s1+$0x0] =	vst v8  }
.LBB2_174:
0x61c: {  	(v2sf) =	vpush v6, $0xE;
	_ =	sdelay $0x6  }
0x61d: {  	(v2sf) =	vpush v7, $0xE;
	_ =	sdelay $0x7  }
0x61e: {  	s0 =	spop (v2sf)  }
0x61f: {  	s0 =	sadd.s32 $0xF, s0  }
0x620: {  	p0 =	slt.s32 s0, $0x10  }
.Ltmp111:
0x621: {  	_ = 	snop;
	(pc) =	sbr.rel @p0 .LBB2_181-.Ltmp111, $2  }
0x622: {  	_ =	sdelay $0x2  }
0x623: {  	s1 =	spop (v2sf)  }
0x624: {  	s6 =	sshra.s32 s0, $0x1F  }
0x625: {  	s6 =	sshrl.u32 s6, $0x1C  }
0x626: {  	s31 =	sadd.s32 s6, s0  }
0x627: {  	s6 =	sshra.s32 s31, $0x4  }
0x628: {  	p1 =	sne.s32 s6, $0x1  }
.Ltmp112:
0x629: {  	_ = 	snop;
	(pc) =	sbr.rel @!p1 .LBB2_176-.Ltmp112, $4  }
0x62a: {  	_ = 	snop  }
0x62b: {  	s1 =	sshll.u32 s1, $0x2;
	s24 =	simm.s32 $0x0  }
0x62c: {  	p0 =	por $0x0, $0x0;
	s1 =	sshra.s32 s1, $0x2;
	s28 =	sand.u32 $0xFFFFFFF0, s24  }
0x62d: {  	v8 =	vbroadcast v6, $0xE;
	s0 =	sadd.s32 $0x18800, s1;
	s1 =	sadd.s32 $0x1A880, s1;
	v9 =	vld [tilespmem:s28+$0x16400];
	s25 =	sadd.s32 $0xFFFFFFFF, s6  }
0x62e: {  	v10 =	vld [tilespmem:s28+$0x18400];
	_ =	sdelay $0x1  }
0x62f: {  	v11 =	vor.u32 s24, v0;
	p1 =	sne.s32 s25, $0x1  }
.Ltmp113:
0x630: {  	vm3 =	vlt.s32 v11, v8;
	(pc) =	sbr.rel @!p1 .LBB2_178-.Ltmp113, $4  }
0x631: {  	v9 =	vnsel vm3, $0x0, v9  }
0x632: {  	s24 =	simm.s32 $0x10;
	[tilespmem:s0+$0x0] =	vst v9;
	v9 =	vnsel vm3, $0x0, v10  }
0x633: {  	s29 =	sadd.s32 $0xFFFFFFFF, s25;
	s28 =	sand.u32 $0xFFFFFFF0, s24;
	[tilespmem:s1+$0x0] =	vst v9  }
0x634: {  	p0 =	por $0x1, $0x1;
	s25 =	smov.u32 s0;
	s26 =	smov.u32 s1;
	v9 =	vld [tilespmem:s28+$0x16400]  }
.LBB2_179:
0x635: {  	p1 =	sne.s32 s29, $0x1;
	v10 =	vld [tilespmem:s28+$0x18400];
	_ =	sdelay $0x1  }
0x636: {  	v11 =	vor.u32 s24, v0  }
.Ltmp114:
0x637: {  	vm3 =	vlt.s32 v11, v8;
	(pc) =	sbr.rel @p1 .LBB2_179-.Ltmp114, $4  }
0x638: {  	s25 =	sadd.s32 $0x10, s25;
	v9 =	vnsel vm3, $0x0, v9  }
0x639: {  	s24 =	sadd.s32 $0x10, s24;
	s26 =	sadd.s32 $0x10, s26;
	[tilespmem:s25+$0x0] =	vst v9;
	v9 =	vnsel vm3, $0x0, v10  }
0x63a: {  	s28 =	sand.u32 $0xFFFFFFF0, s24;
	[tilespmem:s26+$0x0] =	vst v9  }
0x63b: {  	s29 =	sadd.s32 $0xFFFFFFFF, s29;
	v9 =	vld [tilespmem:s28+$0x16400]  }
.LBB2_180:
0x63c: {  	v10 =	vld [tilespmem:s28+$0x18400];
	_ =	sdelay $0x1  }
0x63d: {  	v11 =	vor.u32 s24, v0  }
0x63e: {  	s6 =	sadd.s32 @p0 $0x10, s25;
	vm3 =	vlt.s32 v11, v8  }
0x63f: {  	s0 =	smov.u32 @p0 s6;
	s6 =	sadd.s32 @p0 $0x10, s26;
	v8 =	vnsel vm3, $0x0, v9  }
0x640: {  	s1 =	smov.u32 @p0 s6;
	[tilespmem:s0+$0x0] =	vst v8;
	v8 =	vnsel vm3, $0x0, v10  }
0x641: {  	[tilespmem:s1+$0x0] =	vst v8  }
.LBB2_181:
0x642: {  	(v2sf) =	vpush v6, $0xF;
	_ =	sdelay $0x6  }
0x643: {  	(v2sf) =	vpush v7, $0xF;
	_ =	sdelay $0x7  }
0x644: {  	s0 =	spop (v2sf)  }
0x645: {  	s0 =	sadd.s32 $0xF, s0  }
0x646: {  	p0 =	slt.s32 s0, $0x10  }
.Ltmp115:
0x647: {  	_ = 	snop;
	(pc) =	sbr.rel @p0 .LBB2_188-.Ltmp115, $2  }
0x648: {  	_ =	sdelay $0x2  }
0x649: {  	s1 =	spop (v2sf)  }
0x64a: {  	s6 =	sshra.s32 s0, $0x1F  }
0x64b: {  	s6 =	sshrl.u32 s6, $0x1C  }
0x64c: {  	s31 =	sadd.s32 s6, s0  }
0x64d: {  	s6 =	sshra.s32 s31, $0x4  }
0x64e: {  	p1 =	sne.s32 s6, $0x1  }
.Ltmp116:
0x64f: {  	_ = 	snop;
	(pc) =	sbr.rel @!p1 .LBB2_183-.Ltmp116, $4  }
0x650: {  	_ = 	snop  }
0x651: {  	s1 =	sshll.u32 s1, $0x2;
	s24 =	simm.s32 $0x0  }
0x652: {  	p0 =	por $0x0, $0x0;
	s1 =	sshra.s32 s1, $0x2;
	s28 =	sand.u32 $0xFFFFFFF0, s24  }
0x653: {  	v6 =	vbroadcast v6, $0xF;
	s0 =	sadd.s32 $0x18800, s1;
	s1 =	sadd.s32 $0x1A880, s1;
	v7 =	vld [tilespmem:s28+$0x16600];
	s25 =	sadd.s32 $0xFFFFFFFF, s6  }
0x654: {  	v8 =	vld [tilespmem:s28+$0x18600];
	_ =	sdelay $0x1  }
0x655: {  	v9 =	vor.u32 s24, v0;
	p1 =	sne.s32 s25, $0x1  }
.Ltmp117:
0x656: {  	vm3 =	vlt.s32 v9, v6;
	(pc) =	sbr.rel @!p1 .LBB2_185-.Ltmp117, $4  }
0x657: {  	v7 =	vnsel vm3, $0x0, v7  }
0x658: {  	s24 =	simm.s32 $0x10;
	[tilespmem:s0+$0x0] =	vst v7;
	v7 =	vnsel vm3, $0x0, v8  }
0x659: {  	s29 =	sadd.s32 $0xFFFFFFFF, s25;
	s28 =	sand.u32 $0xFFFFFFF0, s24;
	[tilespmem:s1+$0x0] =	vst v7  }
0x65a: {  	p0 =	por $0x1, $0x1;
	s25 =	smov.u32 s0;
	s26 =	smov.u32 s1;
	v7 =	vld [tilespmem:s28+$0x16600]  }
.LBB2_186:
0x65b: {  	p1 =	sne.s32 s29, $0x1;
	v8 =	vld [tilespmem:s28+$0x18600];
	_ =	sdelay $0x1  }
0x65c: {  	v9 =	vor.u32 s24, v0  }
.Ltmp118:
0x65d: {  	vm3 =	vlt.s32 v9, v6;
	(pc) =	sbr.rel @p1 .LBB2_186-.Ltmp118, $4  }
0x65e: {  	s25 =	sadd.s32 $0x10, s25;
	v7 =	vnsel vm3, $0x0, v7  }
0x65f: {  	s24 =	sadd.s32 $0x10, s24;
	s26 =	sadd.s32 $0x10, s26;
	[tilespmem:s25+$0x0] =	vst v7;
	v7 =	vnsel vm3, $0x0, v8  }
0x660: {  	s28 =	sand.u32 $0xFFFFFFF0, s24;
	[tilespmem:s26+$0x0] =	vst v7  }
0x661: {  	s29 =	sadd.s32 $0xFFFFFFFF, s29;
	v7 =	vld [tilespmem:s28+$0x16600]  }
.Ltmp119:
0x662: {  	_ = 	snop;
	(pc) =	sbr.rel .LBB2_187-.Ltmp119, $1  }
0x663: {  	_ =	sdelay $0x3  }
.LBB2_13:
.Ltmp120:
0x664: {  	(pc) =	sbr.rel .LBB2_23-.Ltmp120, $2  }
0x665: {  	_ =	sdelay $0x2  }
0x666: {  	s1 =	smov.u32 s0;
	v9 =	vmov v6  }
.LBB2_78:
.Ltmp121:
0x667: {  	(pc) =	sbr.rel .LBB2_82-.Ltmp121, $2  }
0x668: {  	_ =	sdelay $0x2  }
0x669: {  	s28 =	simm.s32 $0x0;
	s25 =	smov.u32 s1;
	s26 =	smov.u32 s0  }
.LBB2_85:
.Ltmp122:
0x66a: {  	(pc) =	sbr.rel .LBB2_89-.Ltmp122, $2  }
0x66b: {  	_ =	sdelay $0x2  }
0x66c: {  	s25 =	smov.u32 s0;
	s26 =	smov.u32 s1  }
.LBB2_92:
.Ltmp123:
0x66d: {  	(pc) =	sbr.rel .LBB2_96-.Ltmp123, $2  }
0x66e: {  	_ =	sdelay $0x2  }
0x66f: {  	s25 =	smov.u32 s0;
	s26 =	smov.u32 s1  }
.LBB2_99:
.Ltmp124:
0x670: {  	(pc) =	sbr.rel .LBB2_103-.Ltmp124, $2  }
0x671: {  	_ =	sdelay $0x2  }
0x672: {  	s25 =	smov.u32 s0;
	s26 =	smov.u32 s1  }
.LBB2_106:
.Ltmp125:
0x673: {  	(pc) =	sbr.rel .LBB2_110-.Ltmp125, $2  }
0x674: {  	_ =	sdelay $0x2  }
0x675: {  	s25 =	smov.u32 s0;
	s26 =	smov.u32 s1  }
.LBB2_113:
.Ltmp126:
0x676: {  	(pc) =	sbr.rel .LBB2_117-.Ltmp126, $2  }
0x677: {  	_ =	sdelay $0x2  }
0x678: {  	s25 =	smov.u32 s0;
	s26 =	smov.u32 s1  }
.LBB2_120:
.Ltmp127:
0x679: {  	(pc) =	sbr.rel .LBB2_124-.Ltmp127, $2  }
0x67a: {  	_ =	sdelay $0x2  }
0x67b: {  	s25 =	smov.u32 s0;
	s26 =	smov.u32 s1  }
.LBB2_127:
.Ltmp128:
0x67c: {  	(pc) =	sbr.rel .LBB2_131-.Ltmp128, $2  }
0x67d: {  	_ =	sdelay $0x2  }
0x67e: {  	s25 =	smov.u32 s0;
	s26 =	smov.u32 s1  }
.LBB2_134:
.Ltmp129:
0x67f: {  	(pc) =	sbr.rel .LBB2_138-.Ltmp129, $2  }
0x680: {  	_ =	sdelay $0x2  }
0x681: {  	s25 =	smov.u32 s0;
	s26 =	smov.u32 s1  }
.LBB2_141:
.Ltmp130:
0x682: {  	(pc) =	sbr.rel .LBB2_145-.Ltmp130, $2  }
0x683: {  	_ =	sdelay $0x2  }
0x684: {  	s25 =	smov.u32 s0;
	s26 =	smov.u32 s1  }
.LBB2_148:
.Ltmp131:
0x685: {  	(pc) =	sbr.rel .LBB2_152-.Ltmp131, $2  }
0x686: {  	_ =	sdelay $0x2  }
0x687: {  	s25 =	smov.u32 s0;
	s26 =	smov.u32 s1  }
.LBB2_155:
.Ltmp132:
0x688: {  	(pc) =	sbr.rel .LBB2_159-.Ltmp132, $2  }
0x689: {  	_ =	sdelay $0x2  }
0x68a: {  	s25 =	smov.u32 s0;
	s26 =	smov.u32 s1  }
.LBB2_162:
.Ltmp133:
0x68b: {  	(pc) =	sbr.rel .LBB2_166-.Ltmp133, $2  }
0x68c: {  	_ =	sdelay $0x2  }
0x68d: {  	s25 =	smov.u32 s0;
	s26 =	smov.u32 s1  }
.LBB2_169:
.Ltmp134:
0x68e: {  	(pc) =	sbr.rel .LBB2_173-.Ltmp134, $2  }
0x68f: {  	_ =	sdelay $0x2  }
0x690: {  	s25 =	smov.u32 s0;
	s26 =	smov.u32 s1  }
.LBB2_176:
.Ltmp135:
0x691: {  	(pc) =	sbr.rel .LBB2_180-.Ltmp135, $2  }
0x692: {  	_ =	sdelay $0x2  }
0x693: {  	s25 =	smov.u32 s0;
	s26 =	smov.u32 s1  }
.LBB2_18:
.Ltmp136:
0x694: {  	_ = 	snop;
	(pc) =	sbr.rel .LBB2_23-.Ltmp136, $2  }
0x695: {  	_ =	sdelay $0x2  }
0x696: {  	s1 =	smov.u32 s0;
	v9 =	vmov v6;
	v8 =	vmov v11  }
.LBB2_80:
.Ltmp137:
0x697: {  	(pc) =	sbr.rel .LBB2_82-.Ltmp137, $2  }
0x698: {  	_ =	sdelay $0x2  }
0x699: {  	s28 =	simm.s32 $0x0;
	s25 =	smov.u32 s1;
	s26 =	smov.u32 s0  }
.LBB2_87:
.Ltmp138:
0x69a: {  	(pc) =	sbr.rel .LBB2_89-.Ltmp138, $2  }
0x69b: {  	_ =	sdelay $0x2  }
0x69c: {  	s25 =	smov.u32 s0;
	s26 =	smov.u32 s1  }
.LBB2_94:
.Ltmp139:
0x69d: {  	(pc) =	sbr.rel .LBB2_96-.Ltmp139, $2  }
0x69e: {  	_ =	sdelay $0x2  }
0x69f: {  	s25 =	smov.u32 s0;
	s26 =	smov.u32 s1  }
.LBB2_101:
.Ltmp140:
0x6a0: {  	(pc) =	sbr.rel .LBB2_103-.Ltmp140, $2  }
0x6a1: {  	_ =	sdelay $0x2  }
0x6a2: {  	s25 =	smov.u32 s0;
	s26 =	smov.u32 s1  }
.LBB2_108:
.Ltmp141:
0x6a3: {  	(pc) =	sbr.rel .LBB2_110-.Ltmp141, $2  }
0x6a4: {  	_ =	sdelay $0x2  }
0x6a5: {  	s25 =	smov.u32 s0;
	s26 =	smov.u32 s1  }
.LBB2_115:
.Ltmp142:
0x6a6: {  	(pc) =	sbr.rel .LBB2_117-.Ltmp142, $2  }
0x6a7: {  	_ =	sdelay $0x2  }
0x6a8: {  	s25 =	smov.u32 s0;
	s26 =	smov.u32 s1  }
.LBB2_122:
.Ltmp143:
0x6a9: {  	(pc) =	sbr.rel .LBB2_124-.Ltmp143, $2  }
0x6aa: {  	_ =	sdelay $0x2  }
0x6ab: {  	s25 =	smov.u32 s0;
	s26 =	smov.u32 s1  }
.LBB2_129:
.Ltmp144:
0x6ac: {  	(pc) =	sbr.rel .LBB2_131-.Ltmp144, $2  }
0x6ad: {  	_ =	sdelay $0x2  }
0x6ae: {  	s25 =	smov.u32 s0;
	s26 =	smov.u32 s1  }
.LBB2_136:
.Ltmp145:
0x6af: {  	(pc) =	sbr.rel .LBB2_138-.Ltmp145, $2  }
0x6b0: {  	_ =	sdelay $0x2  }
0x6b1: {  	s25 =	smov.u32 s0;
	s26 =	smov.u32 s1  }
.LBB2_143:
.Ltmp146:
0x6b2: {  	(pc) =	sbr.rel .LBB2_145-.Ltmp146, $2  }
0x6b3: {  	_ =	sdelay $0x2  }
0x6b4: {  	s25 =	smov.u32 s0;
	s26 =	smov.u32 s1  }
.LBB2_150:
.Ltmp147:
0x6b5: {  	(pc) =	sbr.rel .LBB2_152-.Ltmp147, $2  }
0x6b6: {  	_ =	sdelay $0x2  }
0x6b7: {  	s25 =	smov.u32 s0;
	s26 =	smov.u32 s1  }
.LBB2_157:
.Ltmp148:
0x6b8: {  	(pc) =	sbr.rel .LBB2_159-.Ltmp148, $2  }
0x6b9: {  	_ =	sdelay $0x2  }
0x6ba: {  	s25 =	smov.u32 s0;
	s26 =	smov.u32 s1  }
.LBB2_164:
.Ltmp149:
0x6bb: {  	(pc) =	sbr.rel .LBB2_166-.Ltmp149, $2  }
0x6bc: {  	_ =	sdelay $0x2  }
0x6bd: {  	s25 =	smov.u32 s0;
	s26 =	smov.u32 s1  }
.LBB2_171:
.Ltmp150:
0x6be: {  	(pc) =	sbr.rel .LBB2_173-.Ltmp150, $2  }
0x6bf: {  	_ =	sdelay $0x2  }
0x6c0: {  	s25 =	smov.u32 s0;
	s26 =	smov.u32 s1  }
.LBB2_178:
.Ltmp151:
0x6c1: {  	(pc) =	sbr.rel .LBB2_180-.Ltmp151, $2  }
0x6c2: {  	_ =	sdelay $0x2  }
0x6c3: {  	s25 =	smov.u32 s0;
	s26 =	smov.u32 s1  }
.LBB2_185:
.Ltmp152:
0x6c4: {  	(pc) =	sbr.rel .LBB2_187-.Ltmp152, $2  }
0x6c5: {  	_ =	sdelay $0x2  }
0x6c6: {  	s25 =	smov.u32 s0;
	s26 =	smov.u32 s1  }
.LBB2_20:
.Ltmp153:
0x6c7: {  	(pc) =	sbr.rel .LBB2_23-.Ltmp153, $2  }
0x6c8: {  	_ =	sdelay $0x2  }
0x6c9: {  	s1 =	smov.u32 s0;
	v9 =	vmov v6  }
.LBB2_189:
0x6ca: {  	_ =	sfence.sel $0x180000  }
0x6cb: {  	[bflag:$0x0] =	sbarrier.arrive $0xFFFF  }
0x6cc: {  	_ =	strace $0x90000047  }
0x6cd: {  	s0 =	stileid.u32;
	[bflag:$0x2] =	sbarrier.arrive $0xFFFF  }
0x6ce: {  	p0 =	sne.s32 s0, $0x0;
	s0 =	rddreg [dreg:$0x1]  }
0x6cf: {  	s0 =	sadd.s32 @!p0 $0x100000, s0  }
0x6d0: {  	[sflag:s0] =	ssyncadd.tile.s32 @!p0 $0x1;
	_ =	shalt  }
.Lfunc_end2:
_tile_overlayer_lowered:
.L_overlay_start_2:
0x6d1: {  	(tag) =	ssettag $0x2  }
0x6d2: {  	s0 =	rddreg [dreg:$0x0];
	s2 =	stileid.u32  }
0x6d3: {  	s1 =	rddreg [dreg:$0x1];
	p0 =	sne.s32 s2, $0x0  }
0x6d4: {  	s3 =	rddreg [dreg:$0x2];
	[bflag:$0x3] =	sbarrier.arrive $0xFFFF;
	s2 =	simm.s32 @!p0 $0x1C03  }
0x6d5: {  	[timem:s3], [sflag:s2] =	dma.local @!p0 [hbm:s0], s1  }
0x6d6: {  	s0 =	simm.s32 @!p0 $0x3  }
0x6d7: {  	_ =	swait.ge @!p0 [sflag:s0], s1  }
0x6d8: {  	s1 =	ssub.s32 @!p0 $0x0, s1;
	[sflag:s0] =	ssyncset.done @!p0 $0x0  }
0x6d9: {  	[sflag:s0] =	ssyncadd.s32 @!p0 s1  }
0x6da: {  	[bflag:$0x3] =	sbarrier.arrive $0xFFFF  }
0x6db: {  	_ =	shalt  }

// kernel: kernel.7.cloned.1.call-start
scs
__scs_entry_jumppad:
0x0: {  	(pc) =	sbr.rel $0x88, $3  }
0x1: {  	(tag) =	ssettag $0x0;
	lr =	simm.s32 $0x1  }
0x2: {  	[smem:$0x3F9E] =	sst lr;
	_ =	strace $0xD0000000  }
0x3: {  	_ = 	snop  }
0x4: {  	_ = 	snop  }
0x5: {  	_ = 	snop  }
0x6: {  	_ = 	snop  }
0x7: {  	_ = 	snop  }
__scs_overlays_trampoline_lowered:
0x8: {  	[smem:$0x3FAD] =	sst s0  }
0x9: {  	[smem:$0x3FAE] =	sst s1  }
0xa: {  	[smem:$0x3FAF] =	sst s2  }
0xb: {  	[smem:$0x3FB0] =	sst s3  }
0xc: {  	[smem:$0x3FB1] =	sst s4  }
0xd: {  	[smem:$0x3FB2] =	sst s5  }
0xe: {  	[smem:$0x3FB3] =	sst s6  }
0xf: {  	[smem:$0x3FB4] =	sst s7  }
0x10: {  	[smem:$0x3FB5] =	sst s8  }
0x11: {  	[smem:$0x3FB6] =	sst s9;
	s0 =	simm.s32 @!p0 $0x0  }
0x12: {  	s1 =	sld [smem:$0x3F9C];
	s0 =	simm.s32 @p0 $0x1  }
0x13: {  	[smem:$0x3FB7] =	sst s0;
	s0 =	simm.s32 @!p1 $0x0  }
0x14: {  	s2 =	sld [smem:$0x3F9B];
	s0 =	simm.s32 @p1 $0x1  }
0x15: {  	[smem:$0x3FB8] =	sst s0;
	s0 =	simm.s32 @!p2 $0x0  }
0x16: {  	s3 =	sld [smem:$0x3FDB];
	s0 =	simm.s32 @p2 $0x1  }
0x17: {  	s4 =	simm.s32 $0x1BF5;
	[smem:$0x3FBA] =	sst s0  }
0x18: {  	s0 =	sld [smem:$0x3F9D];
	_ =	swait.ge [sflag:s4], $0x0  }
0x19: {  	s7 =	sld [smem:$0x3F9E]  }
0x1a: {  	s8 =	sadd.s32 $0xFFFFE003, lr  }
0x1b: {  	s9 =	sadd.s32 $0xFFFFFEF7, lr;
	s5 =	simm.s32 $0xFFFFFFFF;
	p2 =	slt.u32 s8, $0xFFFFF086  }
0x1c: {  	p1 =	slt.u32 s9, $0xF7A;
	s5 =	simm.s32 @!p2 $0x0  }
0x1d: {  	s5 =	simm.s32 @p1 $0x1;
	p0 =	seq.s32 s7, s2  }
0x1e: {  	s7 =	smul.u32 @!p0 $0xF7A, s2;
	p2 =	seq.s32 @!p0 s5, $0x0  }
0x1f: {  	s9 =	smul.u32 $0xF7A, s1;
	s8 =	simm.s32 @!p0 $0x1BF5;
	p2 =	por !p2, p0  }
0x20: {  	[sflag:s8] =	ssyncset.s32 @!p0 $0xFFFFF086;
	s6 =	sadd.s32 @!p0 s3, s7;
	s7 =	simm.s32 @!p0 $0x108  }
0x21: {  	s3 =	sadd.s32 s3, s9;
	s6 =	sadd.s32 @!p0 $0x88, s6;
	s7 =	simm.s32 @p2 $0x1082  }
0x22: {  	[simem:s7], [sflag:s8] =	dma.local @!p0 [hbm:s6], $0xF7A  }
0x23: {  	s9 =	sor.u32 $0xD0000000, s2;
	s6 =	simm.s32 $0x108;
	_ =	swait.ge @!p0 [sflag:s8], $0x0  }
0x24: {  	s3 =	sadd.s32 $0x88, s3;
	s6 =	simm.s32 @!p1 $0x1082;
	[sflag:s4] =	ssyncset.s32 $0xFFFFF086  }
0x25: {  	[simem:s6], [sflag:s4] =	dma.local [hbm:s3], $0xF7A  }
0x26: {  	[smem:$0x3F9E] =	sst s1;
	(tag) =	ssettag s2;
	_ =	strace s9  }
0x27: {  	s1 =	sld [smem:$0x3FAE]  }
0x28: {  	s2 =	sld [smem:$0x3FAF]  }
0x29: {  	s4 =	sld [smem:$0x3FB1]  }
0x2a: {  	p0 =	seq.s32 s5, $0x0;
	s5 =	sld [smem:$0x3FB2]  }
0x2b: {  	s6 =	sld [smem:$0x3FB3]  }
0x2c: {  	s7 =	sld [smem:$0x3FB4]  }
0x2d: {  	s3 =	simm.s32 $0x108;
	s8 =	sld [smem:$0x3FB5]  }
0x2e: {  	s3 =	simm.s32 @!p0 $0x1082;
	s9 =	sld [smem:$0x3FB6]  }
0x2f: {  	lr =	sadd.s32 s0, s3;
	s0 =	sld [smem:$0x3FAD]  }
0x30: {  	s3 =	sld [smem:$0x3FB0]  }
0x31: {  	[smem:$0x3FB9] =	sst s10  }
0x32: {  	s10 =	sld [smem:$0x3FB7];
	_ =	sdelay $0x3  }
0x33: {  	p0 =	seq.s32 s10, $0x1;
	s10 =	sld [smem:$0x3FB9];
	_ =	sdelay $0x3  }
0x34: {  	[smem:$0x3FB9] =	sst s10  }
0x35: {  	s10 =	sld [smem:$0x3FB8];
	_ =	sdelay $0x3  }
0x36: {  	p1 =	seq.s32 s10, $0x1;
	s10 =	sld [smem:$0x3FB9];
	_ =	sdelay $0x3  }
0x37: {  	[smem:$0x3FB9] =	sst s10  }
0x38: {  	s10 =	sld [smem:$0x3FBA]  }
0x39: {  	_ = 	snop;
	(pc) =	sbr.ind lr, $3  }
0x3a: {  	_ = 	snop  }
0x3b: {  	_ = 	snop  }
0x3c: {  	p2 =	seq.s32 s10, $0x1;
	s10 =	sld [smem:$0x3FB9]  }
0x3d: {  	_ =	shalt  }
0x3e: {  	_ =	shalt  }
0x3f: {  	_ =	shalt  }
0x40: {  	_ =	shalt  }
0x41: {  	_ =	shalt  }
0x42: {  	_ =	shalt  }
0x43: {  	_ =	shalt  }
0x44: {  	_ =	shalt  }
0x45: {  	_ =	shalt  }
0x46: {  	_ =	shalt  }
0x47: {  	_ =	shalt  }
0x48: {  	_ =	shalt  }
0x49: {  	_ =	shalt  }
0x4a: {  	_ =	shalt  }
0x4b: {  	_ =	shalt  }
0x4c: {  	_ =	shalt  }
0x4d: {  	_ =	shalt  }
0x4e: {  	_ =	shalt  }
0x4f: {  	_ =	shalt  }
0x50: {  	_ =	shalt  }
0x51: {  	_ =	shalt  }
0x52: {  	_ =	shalt  }
0x53: {  	_ =	shalt  }
0x54: {  	_ =	shalt  }
0x55: {  	_ =	shalt  }
0x56: {  	_ =	shalt  }
0x57: {  	_ =	shalt  }
0x58: {  	_ =	shalt  }
0x59: {  	_ =	shalt  }
0x5a: {  	_ =	shalt  }
0x5b: {  	_ =	shalt  }
0x5c: {  	_ =	shalt  }
0x5d: {  	_ =	shalt  }
0x5e: {  	_ =	shalt  }
0x5f: {  	_ =	shalt  }
0x60: {  	_ =	shalt  }
0x61: {  	_ =	shalt  }
0x62: {  	_ =	shalt  }
0x63: {  	_ =	shalt  }
0x64: {  	_ =	shalt  }
0x65: {  	_ =	shalt  }
0x66: {  	_ =	shalt  }
0x67: {  	_ =	shalt  }
0x68: {  	_ =	shalt  }
0x69: {  	_ =	shalt  }
0x6a: {  	_ =	shalt  }
0x6b: {  	_ =	shalt  }
0x6c: {  	_ =	shalt  }
0x6d: {  	_ =	shalt  }
0x6e: {  	_ =	shalt  }
0x6f: {  	_ =	shalt  }
0x70: {  	_ =	shalt  }
0x71: {  	_ =	shalt  }
0x72: {  	_ =	shalt  }
0x73: {  	_ =	shalt  }
0x74: {  	_ =	shalt  }
0x75: {  	_ =	shalt  }
0x76: {  	_ =	shalt  }
0x77: {  	_ =	shalt  }
0x78: {  	_ =	shalt  }
0x79: {  	_ =	shalt  }
0x7a: {  	_ =	shalt  }
0x7b: {  	_ =	shalt  }
0x7c: {  	_ =	shalt  }
0x7d: {  	_ =	shalt  }
0x7e: {  	_ =	shalt  }
0x7f: {  	_ =	shalt  }
0x80: {  	_ =	shalt  }
0x81: {  	_ =	shalt  }
0x82: {  	_ =	shalt  }
0x83: {  	_ =	shalt  }
0x84: {  	_ =	shalt  }
0x85: {  	_ =	shalt  }
0x86: {  	_ =	shalt  }
0x87: {  	_ =	shalt  }
.Lfunc_end0:
.L_simem_size_0:
called_computation.1_lowered:
.L_overlay_start_0:
0x88: {  	s2 =	sld [smem:$0x3FD9]  }
0x89: {  	s3 =	sld [smem:$0x3FFE];
	_ =	sdelay $0x1  }
0x8a: {  	s1 =	srdreg.scid  }
0x8b: {  	s0 =	sand.u32 $0x1, s1  }
0x8c: {  	s14 =	sshll.u32 s0, $0xA;
	s2 =	sadd.s32 s3, s2  }
0x8d: {  	s2 =	sadd.s32 s2, s14  }
0x8e: {  	[smem:$0x3FC5] =	sst s2  }
0x8f: {  	_ = 	snop  }
0x90: {  	s2 =	sld [smem:$0x3FD0];
	_ =	sdelay $0x2  }
0x91: {  	s15 =	simm.s32 $0xA;
	s4 =	simm.s32 $0x10  }
0x92: {  	[smem:s4], [sflag:s15] =	dma.local [hbm:s2], $0x1  }
0x93: {  	_ =	swait.eq [sflag:s15], $0x1  }
0x94: {  	s16 =	sld [smem:$0x10];
	[sflag:s15] =	ssyncset.done $0x0  }
0x95: {  	s17 =	sld [smem:$0x11];
	[sflag:s15] =	ssyncadd.s32 $0xFFFFFFFF  }
0x96: {  	s18 =	sld [smem:$0x12];
	(tm) =	ssettm $0x1  }
0x97: {  	s5 =	sld [smem:$0x3FFB];
	_ =	sdelay $0x3  }
0x98: {  	_ =	strace s5  }
0x99: {  	s5 =	sld [smem:$0x3FFC];
	_ =	sdelay $0x3  }
0x9a: {  	_ =	strace s5  }
0x9b: {  	s5 =	sld [smem:$0x3FFD];
	_ =	sdelay $0x3  }
0x9c: {  	_ =	strace s5  }
0x9d: {  	_ =	strace $0x8FFFFFFF  }
0x9e: {  	s19 =	sld [smem:$0x3FDB];
	_ =	sdelay $0x1  }
0x9f: {  	s6 =	simm.s32 $_scs_section_size  }
0xa0: {  	s7 =	simm.s32 $_size__tile_overlayer_lowered;
	s8 =	simm.s32 $_tile_overlayer_lowered  }
0xa1: {  	s22 =	simm.s32 $0x1BFF;
	s21 =	sshll.u32 s8, $0x1;
	s5 =	sadd.s32 s6, s19  }
0xa2: {  	s9 =	simm.s32 $0x0;
	s20 =	sshll.u32 s7, $0x1;
	s7 =	sadd.s32 s21, s5  }
0xa3: {  	[timem:s9], [sflag:s22] =	dma.local [hbm:s7], s20  }
0xa4: {  	_ =	swait.ge [sflag:s22], s20  }
0xa5: {  	s6 =	ssub.s32 $0x0, s20;
	[sflag:s22] =	ssyncset.done $0x0  }
0xa6: {  	[sflag:s22] =	ssyncadd.s32 s6;
	_ =	sdelay $0x1  }
0xa7: {  	s23 =	simm.s32 $0x1B8B  }
0xa8: {  	_ =	swait.ge [sflag:s23], $0x1  }
0xa9: {  	[sflag:s23] =	ssyncset.done $0x0  }
0xaa: {  	s25 =	simm.s32 $0x1B8E;
	s24 =	sld [smem:$0x3FFE];
	[sflag:s23] =	ssyncadd.s32 $0xFFFFFFFF  }
0xab: {  	s26 =	simm.s32 $execute0_lowered;
	[smem:$0x3FD2] =	sst s25  }
0xac: {  	s7 =	sshll.u32 s26, $0x1;
	_ =	strace $0x80000049;
	[dreg:$0x1] =	wrdreg $0xFFFFFFFF  }
0xad: {  	s28 =	simm.s32 $_size_execute0_lowered;
	s5 =	sadd.s32 s5, s7;
	[dreg:$0x0] =	wrdreg $0x0  }
0xae: {  	s7 =	sshll.u32 s28, $0x1;
	[dreg:$0x2] =	wrdreg s5  }
0xaf: {  	[dreg:$0x3] =	wrdreg s7  }
0xb0: {  	[dreg:$0x4] =	wrdreg $0xC0  }
0xb1: {  	_ =	task [dreg:s9], $0x5FFFF  }
0xb2: {  	[dreg:$0x1] =	wrdreg $0xFFFFFFFF  }
0xb3: {  	[dreg:$0x0] =	wrdreg $0x60  }
0xb4: {  	[dreg:$0x2] =	wrdreg s24  }
0xb5: {  	[dreg:$0x3] =	wrdreg s16  }
0xb6: {  	[dreg:$0x4] =	wrdreg s17  }
0xb7: {  	[dreg:$0x5] =	wrdreg s18  }
0xb8: {  	[dreg:$0x6] =	wrdreg $0x9  }
0xb9: {  	_ =	task.clear_ibuf [dreg:s9], $0x7FFFF;
	_ =	strace $0x90000049  }
0xba: {  	s29 =	simm.s32 $0x9;
	_ =	strace $0x8000004B  }
0xbb: {  	_ =	swait.ge [sflag:s29], $0x1  }
0xbc: {  	[sflag:s29] =	ssyncadd.s32 $0xFFFFFFFF  }
0xbd: {  	_ =	strace $0x9000004B  }
0xbe: {  	_ =	sfence  }
0xbf: {  	s30 =	sld [smem:$0x0];
	_ =	sdelay $0x2  }
0xc0: {  	s31 =	sshll.u32 s1, $0xD;
	s1 =	sshrl.u32 s1, $0x2  }
0xc1: {  	s3 =	sand.u32 $0x4000, s31;
	s1 =	sadd.s32 s1, s30  }
0xc2: {  	s0 =	sor.u32 s3, s0;
	s1 =	sshll.u32 s1, $0x11  }
0xc3: {  	s0 =	sor.u32 s1, s0  }
0xc4: {  	s0 =	sadd.s32 $0x8F2B, s0  }
0xc5: {  	[sflag:s0] =	ssyncadd.remote.s32 $0x1  }
0xc6: {  	_ =	sfence.sel $0xFFFF  }
0xc7: {  	[dreg:$0x0] =	wrdreg $0xFFFFFFFF;
	(pc) =	sbr.abs _section_cstart, $3  }
0xc8: {  	[dreg:$0x1] =	wrdreg $0xFFFFFFFF  }
0xc9: {  	_ =	task.clear_ibuf [dreg:s9], $0x2FFFF;
	_ =	strace $0x9FFFFFFF  }
0xca: {  	(tm) =	ssettm $0x7FFFFFFF  }
0xcb: {  	_ =	shalt  }
tec
execute0_lowered:
.L_overlay_start_1:
0x0: {  	(tag) =	ssettag $0x1  }
0x1: {  	s4 =	stileid.u32  }
0x2: {  	p0 =	sgt.u32 s4, $0x7  }
.Ltmp0:
0x3: {  	s3 =	rddreg [dreg:$0x0];
	(pc) =	sbr.rel @p0 .LBB2_14-.Ltmp0, $4  }
0x4: {  	s2 =	rddreg [dreg:$0x1]  }
0x5: {  	s0 =	rddreg [dreg:$0x2];
	s5 =	simm.s32 $0x0  }
0x6: {  	[smem:$0x7FF] =	sst s5  }
0x7: {  	s1 =	rddreg [dreg:$0x3];
	_ =	strace $0x8000004A  }
0x8: {  	s4 =	srdreg.scid;
	s5 =	stileid.u32  }
0x9: {  	s10 =	sadd.s32 $0x9CD600, s3;
	s4 =	sand.u32 $0x1, s4;
	s5 =	sshll.u32 s5, $0x1  }
0xa: {  	s7 =	sadd.s32 $0x4EB800, s3;
	[dreg:$0xc] =	wrdreg s10;
	s5 =	sor.u32 s4, s5  }
0xb: {  	s4 =	ssub.s32 $0x2, s4;
	s6 =	sshll.u32 s5, $0xA;
	s25 =	sshll.u32 s5, $0x4  }
0xc: {  	s9 =	sshll.u32 s5, $0x1;
	s24 =	smul.u32 $0x13880, s5;
	s2 =	sadd.s32 s2, s25  }
0xd: {  	s26 =	sshll.u32 s5, $0x6;
	s0 =	sadd.s32 s0, s25;
	[dreg:$0x10] =	wrdreg s2  }
0xe: {  	v1 =	vimm.f32 $0.0e+00;
	v4 =	vimm.s32 $0xECA86420;
	v2 =	vimm.s32 $0x0;
	s28 =	sshrl.u32 s4, $0x1;
	s29 =	sadd.s32 s1, s26;
	[dreg:$0x11] =	wrdreg s0  }
0xf: {  	v3 =	vlaneseq.u32;
	vm0 =	vcmask $0xB08;
	vm1 =	vcmask $0x1310;
	s8 =	sadd.s32 s6, s3;
	s31 =	sadd.s32 s7, s6;
	[dreg:$0x12] =	wrdreg s29  }
0x10: {  	vm2 =	vcmask $0x1B18;
	vm3 =	vcmask $0x300;
	vm4 =	vcmask $0x2320;
	s22 =	sadd.s32 s9, s3;
	s8 =	sadd.s32 $0x4E7400, s8;
	[dreg:$0x13] =	wrdreg s31  }
0x11: {  	vm5 =	vcmask $0x2B28;
	v4 =	vunpack.c.l.s4.s8 v4;
	v5 =	vmul.u32 $0x4, v3;
	s30 =	ssub.s32 s4, s28;
	s23 =	sadd.s32 $0x4EB400, s22;
	[dreg:$0xd] =	wrdreg s8  }
0x12: {  	vm6 =	vcmask $0x3330;
	vm7 =	vcmask $0x3B38;
	vm8 =	vmmov $0xff;
	s6 =	simm.s32 $0x4000;
	s3 =	sadd.s32 $0x4EB600, s22;
	[dreg:$0xe] =	wrdreg s23  }
0x13: {  	v6 =	vmul.u32 $0x2, v3;
	v4 =	vunpack.c.0.s8.s32 v4;
	v7 =	vor.u32 $0x1, v5;
	s7 =	simm.s32 $0x4080;
	s0 =	smax.u32 s30, $0x1;
	[dreg:$0xf] =	wrdreg s3  }
0x14: {  	v8 =	vor.u32 $0x2, v5;
	v9 =	vor.u32 $0x3, v5;
	s1 =	simm.s32 $0x0;
	v0 =	vmov s24;
	s2 =	simm.s32 $0x2;
	[dreg:$0x14] =	wrdreg s0  }
.LBB2_2:
0x15: {  	[dreg:$0x15] =	wrdreg s1  }
0x16: {  	s0 =	simm.s32 $0x0;
	s23 =	rddreg [dreg:$0x13]  }
0x17: {  	[tilespmem:s0], [sflag:$0x2] =	stream.linear.gather [hbm4b:s23+s0], $0x2000, $0x38;
	[tilespmem:$0x4880] =	vst v63  }
0x18: {  	_ =	swait.ge [sflag:s2], $0x2000  }
0x19: {  	[sflag:s2] =	ssyncset.done $0x0  }
0x1a: {  	s3 =	simm.s32 $0x2000;
	s24 =	rddreg [dreg:$0xd];
	[sflag:s2] =	ssyncadd.s32 $0xFFFFE000  }
0x1b: {  	[tilespmem:s3], [sflag:$0x2] =	stream.linear.gather [hbm4b:s24+s0], $0x2000, $0x38;
	[tilespmem:$0x4880] =	vst v63  }
0x1c: {  	_ =	swait.ge [sflag:s2], $0x2000  }
0x1d: {  	[sflag:s2] =	ssyncset.done $0x0  }
0x1e: {  	s26 =	simm.s32 $0x4780;
	s25 =	rddreg [dreg:$0xe];
	[sflag:s2] =	ssyncadd.s32 $0xFFFFE000  }
0x1f: {  	[tilespmem:s26], [sflag:$0x2] =	stream.linear.gather [hbm4b:s25+s0], $0x10, $0x38;
	[tilespmem:$0x4880] =	vst v63  }
0x20: {  	_ =	swait.ge [sflag:s2], $0x10  }
0x21: {  	[sflag:s2] =	ssyncset.done $0x0  }
0x22: {  	s29 =	simm.s32 $0x4800;
	s28 =	rddreg [dreg:$0xf];
	[sflag:s2] =	ssyncadd.s32 $0xFFFFFFF0  }
0x23: {  	[tilespmem:s29], [sflag:$0x2] =	stream.linear.gather [hbm4b:s28+s0], $0x10, $0x38;
	[tilespmem:$0x4880] =	vst v63  }
0x24: {  	_ =	swait.ge [sflag:s2], $0x10  }
0x25: {  	[sflag:s2] =	ssyncset.done $0x0  }
0x26: {  	[sflag:s2] =	ssyncadd.s32 $0xFFFFFFF0  }
0x27: {  	v11 =	vld [tilespmem:$0x4780];
	_ =	sdelay $0x4  }
0x28: {  	(v2sf) =	vpush v11, $0x0;
	_ =	sdelay $0x4  }
0x29: {  	[tilespmem:$0x4000] =	vst v1  }
0x2a: {  	[tilespmem:$0x4080] =	vst v2  }
0x2b: {  	[tilespmem:$0x4010] =	vst v1  }
0x2c: {  	[tilespmem:$0x4090] =	vst v2  }
0x2d: {  	[tilespmem:$0x4020] =	vst v1  }
0x2e: {  	[tilespmem:$0x40A0] =	vst v2  }
0x2f: {  	[tilespmem:$0x4030] =	vst v1  }
0x30: {  	[tilespmem:$0x40B0] =	vst v2  }
0x31: {  	[tilespmem:$0x4040] =	vst v1  }
0x32: {  	[tilespmem:$0x40C0] =	vst v2  }
0x33: {  	[tilespmem:$0x4050] =	vst v1;
	s30 =	spop (v2sf)  }
.Ltmp1:
0x34: {  	[tilespmem:$0x40D0] =	vst v2;
	s31 =	sadd.s32 $0xF, s30;
	(pc) =	sbr.rel .LBB2_3-.Ltmp1, $4  }
0x35: {  	[tilespmem:$0x4060] =	vst v1;
	s1 =	sshra.s32 s31, $0x1F  }
0x36: {  	[tilespmem:$0x40E0] =	vst v2;
	s1 =	sshrl.u32 s1, $0x1C  }
0x37: {  	s4 =	simm.s32 $0xFFFFFFFF;
	[tilespmem:$0x4070] =	vst v1;
	s1 =	sadd.s32 s1, s31  }
0x38: {  	s3 =	simm.f32 $2.000000000e+00;
	v10 =	vld [tilespmem:$0x4800];
	[tilespmem:$0x40F0] =	vst v2;
	v11 =	vbroadcast v11, $0x0;
	p0 =	slt.s32 s31, $0x10;
	s1 =	sshra.s32 s1, $0x4  }
.LBB2_4:
0x39: {  	v12 =	vimm.s32 $0xFFFFFFFF;
	v13 =	vimm.f32 $-1.000000000e+00  }
.LBB2_8:
0x3a: {  	(xrf0) =	vmax.scan.msk.f32 $0xffff, v13;
	_ =	sdelay $0x5  }
0x3b: {  	v14, _, _ =	vpop (xrf0)  }
0x3c: {  	v15 =	vbroadcast v14, $0xF;
	_ =	sdelay $0x1  }
0x3d: {  	vm9 =	veq.f32 v13, v15  }
0x3e: {  	v12 =	vnsel vm9, $0xFFFFFFFF, v12  }
0x3f: {  	(xrf0) =	vmin.scan.msk.u32 $0xffff, v12;
	_ =	sdelay $0x5  }
0x40: {  	(v2sf) =	vpush v14, $0xF;
	v12, _, _ =	vpop (xrf0)  }
0x41: {  	(v2sf) =	vpush v12, $0xF;
	_ =	sdelay $0xb  }
0x42: {  	v62 =	vmov s0;
	s0 =	sadd.s32 $0x1, s0  }
0x43: {  	p1 =	sne.s32 s0, $0x64  }
.Ltmp2:
0x44: {  	s3 =	spop (v2sf);
	(pc) =	sbr.rel @!p1 .LBB2_9-.Ltmp2, $4  }
0x45: {  	s2 =	spop (v2sf)  }
0x46: {  	s4 =	sxor.u32 $0x80000000, s2  }
0x47: {  	[tilespmem:v62+s6+$0x0] =	vst.idx.msk $0x1, v15;
	v63 =	vmov s4  }
0x48: {  	[tilespmem:v62+s7+$0x0] =	vst.idx.msk $0x1, v63  }
.LBB2_3:
.Ltmp3:
0x49: {  	(pc) =	sbr.rel @p0 .LBB2_4-.Ltmp3, $1  }
0x4a: {  	_ =	sdelay $0x3  }
0x4b: {  	s2 =	simm.s32 $0x0  }
0x4c: {  	v16 =	vmov s3;
	s3 =	simm.s32 $0x2000;
	p1 =	sne.s32 s1, $0x1;
	v12 =	vld [tilespmem:s2+$0x0]  }
.Ltmp4:
0x4d: {  	v15 =	vld [tilespmem:s3+$0x0];
	(pc) =	sbr.rel @!p1 .LBB2_7-.Ltmp4, $3  }
0x4e: {  	_ =	sdelay $0x1  }
0x4f: {  	v17 =	vmov s4;
	v18 =	vor.u32 s2, v3  }
0x50: {  	v13 =	vimm.f32 $-1.000000000e+00;
	v14 =	vimm.s32 $0x7FFFFFFF;
	s4 =	sadd.s32 $0xFFFFFFFF, s1;
	s5 =	simm.s32 $0x10;
	vm9 =	vlt.s32 v18, v11  }
.LBB2_6:
0x51: {  	v18 =	vld [tilespmem:s5+$0x0];
	vm10 =	vlt.f32 v12, v16;
	vm11 =	veq.f32 v12, v16;
	vm12 =	vgt.s32 v15, v17;
	s3 =	sadd.s32 $0x10, s3;
	v19 =	vmovc v15;
	p1 =	sne.s32 s4, $0x1  }
.Ltmp5:
0x52: {  	s4 =	sadd.s32 $0xFFFFFFFF, s4;
	v15 =	vld [tilespmem:s3+$0x0];
	vm11 =	vmand vm11, vm12;
	vm12 =	veq.f32 v12, v13;
	vm13 =	vlt.s32 v19, v14;
	(pc) =	sbr.rel @p1 .LBB2_6-.Ltmp5, $4  }
0x53: {  	vm10 =	vmor vm10, vm11;
	vm11 =	vgt.f32 v12, v13;
	vm12 =	vmand vm12, vm13  }
0x54: {  	s2 =	sadd.s32 $0x10, s2;
	vm9 =	vmand vm9, vm10;
	vm10 =	vmor vm11, vm12  }
0x55: {  	v20 =	vor.u32 s2, v3;
	vm10 =	vmand vm10, vm9  }
0x56: {  	s5 =	sadd.s32 $0x10, s5;
	vm9 =	vlt.s32 v20, v11;
	v13 =	vsel vm10, v12, v13;
	v14 =	vsel vm10, v19, v14;
	v12 =	vmovc v18  }
.LBB2_7:
0x57: {  	vm10 =	vlt.f32 v12, v16;
	vm11 =	veq.f32 v12, v16;
	vm12 =	vgt.s32 v15, v17  }
0x58: {  	vm13 =	vlt.s32 v15, v14;
	vm11 =	vmand vm11, vm12;
	vm12 =	veq.f32 v12, v13  }
.Ltmp6:
0x59: {  	vm10 =	vmor vm10, vm11;
	vm11 =	vgt.f32 v12, v13;
	vm12 =	vmand vm12, vm13;
	(pc) =	sbr.rel .LBB2_8-.Ltmp6, $4  }
0x5a: {  	vm9 =	vmand vm9, vm10;
	vm10 =	vmor vm11, vm12  }
0x5b: {  	vm9 =	vmand vm10, vm9  }
0x5c: {  	v14 =	vsel vm9, v15, v14  }
0x5d: {  	v13 =	vsel vm9, v12, v13;
	v12 =	vxor.u32 $0x80000000, v14  }
.LBB2_9:
0x5e: {  	s25 =	simm.s32 $0x0  }
0x5f: {  	v11 =	vld [tilespmem:s25+$0x4080];
	_ =	sdelay $0x4  }
0x60: {  	(v2sf) =	vpush v11, $0x7  }
0x61: {  	(v2sf) =	vpush v11, $0xF  }
0x62: {  	(v2sf) =	vpush v11, $0xA;
	_ =	sdelay $0x1  }
0x63: {  	(v2sf) =	vpush v11, $0x5  }
0x64: {  	(v2sf) =	vpush v11, $0xB  }
0x65: {  	(v2sf) =	vpush v11, $0xD;
	_ =	sdelay $0x1  }
0x66: {  	(v2sf) =	vpush v11, $0x4  }
0x67: {  	(v2sf) =	vpush v11, $0x3;
	_ =	sdelay $0x1  }
0x68: {  	(v2sf) =	vpush v11, $0x9  }
0x69: {  	(v2sf) =	vpush v11, $0x2  }
0x6a: {  	(v2sf) =	vpush v11, $0xC  }
0x6b: {  	(v2sf) =	vpush v11, $0x0  }
0x6c: {  	(v2sf) =	vpush v11, $0x8;
	s29 =	spop (v2sf)  }
0x6d: {  	s0 =	smulhi.u32 $0xB40B40B5, s29;
	s2 =	spop (v2sf)  }
0x6e: {  	s5 =	smulhi.u32 $0xB40B40B5, s2;
	s4 =	spop (v2sf)  }
0x6f: {  	[dreg:$0x5] =	wrdreg s0;
	s6 =	smulhi.u32 $0xB40B40B5, s4;
	s23 =	sshra.s32 s4, $0x1F  }
0x70: {  	s28 =	simm.s32 $0x10;
	(v2sf) =	vpush v11, $0x1;
	s3 =	spop (v2sf);
	s0 =	smul.u32 $0xB40B40B5, s23  }
0x71: {  	(v2sf) =	vpush v11, $0x6;
	s26 =	spop (v2sf);
	s7 =	smulhi.u32 $0xB40B40B5, s3;
	s17 =	sshra.s32 s3, $0x1F  }
0x72: {  	s30 =	simm.s32 $0x80;
	s8 =	spop (v2sf);
	s17 =	smul.u32 $0xB40B40B5, s17  }
0x73: {  	(v2sf) =	vpush v11, $0xE;
	s24 =	sshra.s32 s26, $0x1F;
	[dreg:$0x8] =	wrdreg s0;
	s9 =	smulhi.u32 $0xB40B40B5, s8  }
0x74: {  	s15 =	spop (v2sf);
	s0 =	smul.u32 $0xB40B40B5, s24;
	s7 =	ssub.s32 s7, s3  }
0x75: {  	s18 =	smulhi.u32 $0xB40B40B5, s15;
	s10 =	spop (v2sf);
	s22 =	sadd.s32 s17, s7  }
0x76: {  	s7 =	ssub.s32 s5, s2;
	s11 =	smulhi.u32 $0xB40B40B5, s10;
	[dreg:$0x7] =	wrdreg s0  }
0x77: {  	s2 =	sshra.s32 s2, $0x1F;
	s13 =	spop (v2sf);
	[dreg:$0x6] =	wrdreg s22  }
0x78: {  	s14 =	sshra.s32 s10, $0x1F;
	s2 =	smul.u32 $0xB40B40B5, s2;
	s12 =	spop (v2sf)  }
0x79: {  	s19 =	smul.u32 $0xB40B40B5, s14;
	s14 =	ssub.s32 s9, s8;
	s31 =	spop (v2sf)  }
0x7a: {  	s8 =	sshra.s32 s8, $0x1F;
	s23 =	spop (v2sf);
	s21 =	smulhi.u32 $0xB40B40B5, s31  }
0x7b: {  	v12 =	vld [tilespmem:s28+$0x4080];
	s16 =	smulhi.u32 $0xB40B40B5, s12;
	s20 =	sshra.s32 s31, $0x1F;
	s1 =	spop (v2sf)  }
0x7c: {  	s22 =	ssub.s32 s21, s31;
	s24 =	smulhi.u32 $0xB40B40B5, s1;
	s31 =	sshra.s32 s1, $0x1F  }
0x7d: {  	s3 =	ssub.s32 s11, s10;
	s11 =	ssub.s32 s6, s4;
	s4 =	smul.u32 $0xB40B40B5, s31  }
0x7e: {  	s17 =	smul.u32 $0xB40B40B5, s20;
	s21 =	sshra.s32 s12, $0x1F;
	s0 =	ssub.s32 s24, s1  }
0x7f: {  	s20 =	sadd.s32 s4, s0;
	s4 =	smul.u32 $0xB40B40B5, s21;
	s1 =	spop (v2sf)  }
0x80: {  	s10 =	ssub.s32 s16, s12;
	(v2sf) =	vpush v12, $0x7;
	s24 =	smulhi.u32 $0xB40B40B5, s1;
	s16 =	spop (v2sf)  }
0x81: {  	s9 =	sadd.s32 s17, s22;
	s31 =	sshra.s32 s1, $0x1F;
	(v2sf) =	vpush v12, $0xF;
	s22 =	smulhi.u32 $0xB40B40B5, s16  }
0x82: {  	(v2sf) =	vpush v12, $0xA;
	s5 =	spop (v2sf);
	s21 =	ssub.s32 s24, s1;
	s24 =	smul.u32 $0xB40B40B5, s31  }
0x83: {  	s12 =	sshra.s32 s23, $0x1F;
	s17 =	sshra.s32 s13, $0x1F;
	(v2sf) =	vpush v12, $0x5;
	s6 =	smulhi.u32 $0xB40B40B5, s5  }
.LBB2_10:
0x84: {  	s0 =	smul.u32 $0xB40B40B5, s12  }
0x85: {  	s31 =	sshra.s32 s5, $0x1F;
	s8 =	smul.u32 $0xB40B40B5, s8  }
0x86: {  	s12 =	smov.u32 s30;
	s3 =	sadd.s32 s19, s3;
	s19 =	smul.u32 $0xB40B40B5, s17  }
0x87: {  	[dreg:$0xb] =	wrdreg s12;
	s12 =	smov.u32 s28;
	s28 =	smul.u32 $0xB40B40B5, s31  }
0x88: {  	s1 =	sshra.s32 s16, $0x1F;
	s16 =	ssub.s32 s22, s16;
	s22 =	smulhi.u32 $0xB40B40B5, s23  }
0x89: {  	(v2sf) =	vpush v12, $0xB;
	p0 =	sne.s32 s30, $0x1C0;
	s31 =	sshra.s32 s29, $0x1F;
	s1 =	smul.u32 $0xB40B40B5, s1  }
0x8a: {  	s21 =	sadd.s32 s24, s21;
	s2 =	sadd.s32 s2, s7;
	s24 =	smulhi.u32 $0xB40B40B5, s26  }
0x8b: {  	(v2sf) =	vpush v12, $0xD;
	[dreg:$0x9] =	wrdreg s12;
	s12 =	sadd.s32 $0x40, s30;
	s8 =	sadd.s32 s8, s14  }
0x8c: {  	s14 =	smulhi.u32 $0xB40B40B5, s13;
	[dreg:$0xa] =	wrdreg s12;
	s12 =	sshra.s32 s15, $0x1F  }
0x8d: {  	(v2sf) =	vpush v12, $0x4;
	s15 =	ssub.s32 s18, s15;
	s18 =	ssub.s32 s22, s23;
	s22 =	rddreg [dreg:$0x8]  }
0x8e: {  	(v2sf) =	vpush v12, $0x3;
	s23 =	rddreg [dreg:$0x5];
	s1 =	sadd.s32 s1, s16;
	s30 =	smul.u32 $0xB40B40B5, s12  }
0x8f: {  	s12 =	ssub.s32 s6, s5;
	s0 =	sadd.s32 s0, s18;
	s11 =	sadd.s32 s22, s11  }
0x90: {  	v13 =	vmov s9;
	v15 =	vmov s20;
	(v2sf) =	vpush v12, $0x9;
	s22 =	sadd.s32 s4, s10;
	s5 =	sadd.s32 s28, s12;
	s12 =	smul.u32 $0xB40B40B5, s31  }
0x91: {  	v13 =	vsel vm0, s8, v13;
	(v2sf) =	vpush v12, $0x2;
	v14 =	vmov s0;
	s6 =	sadd.s32 s30, s15;
	s15 =	ssub.s32 s23, s29;
	s23 =	ssub.s32 s14, s13  }
0x92: {  	(v2sf) =	vpush v12, $0xC;
	v13 =	vsel vm1, s5, v13;
	v14 =	vnsel vm3, $0x0, v14;
	s4 =	sadd.s32 s19, s23;
	s19 =	rddreg [dreg:$0x6];
	s29 =	spop (v2sf)  }
0x93: {  	s10 =	ssub.s32 s24, s26;
	v13 =	vsel vm2, s2, v13;
	v14 =	vsel vm0, s21, v14;
	v15 =	vsel vm0, s4, v15;
	s9 =	smulhi.u32 $0xB40B40B5, s29;
	s2 =	spop (v2sf)  }
0x94: {  	(v2sf) =	vpush v12, $0x0;
	s31 =	sadd.s32 s12, s15;
	v14 =	vsel vm1, s22, v14;
	v15 =	vsel vm1, s11, v15;
	s11 =	rddreg [dreg:$0x7];
	s7 =	smulhi.u32 $0xB40B40B5, s2  }
0x95: {  	(v2sf) =	vpush v12, $0x8;
	v14 =	vsel vm2, s3, v14;
	s0 =	sadd.s32 s11, s10;
	[dreg:$0x5] =	wrdreg s9;
	s9 =	spop (v2sf)  }
0x96: {  	(v2sf) =	vpush v12, $0x1;
	v14 =	vsel vm4, s6, v14;
	s10 =	smulhi.u32 $0xB40B40B5, s9;
	s12 =	sshra.s32 s9, $0x1F;
	s14 =	spop (v2sf)  }
0x97: {  	v15 =	vsel vm2, s0, v15;
	v14 =	vsel vm5, s19, v14;
	s7 =	ssub.s32 s7, s2;
	s2 =	sshra.s32 s2, $0x1F;
	s16 =	smul.u32 $0xB40B40B5, s12  }
0x98: {  	v13 =	vcombine.low v15, v13;
	v14 =	vsel vm6, s1, v14;
	s17 =	sshra.s32 s14, $0x1F;
	s26 =	spop (v2sf);
	s21 =	smulhi.u32 $0xB40B40B5, s14  }
0x99: {  	(v2sf) =	vpush v12, $0x6;
	v14 =	vsel vm7, s31, v14;
	s12 =	rddreg [dreg:$0xb];
	s2 =	smul.u32 $0xB40B40B5, s2;
	s20 =	sshra.s32 s26, $0x1F  }
0x9a: {  	v13 =	vperm.xlane v13, v4;
	v14 =	vperm.xlane v14, v6;
	s22 =	spop (v2sf);
	s0 =	smul.u32 $0xB40B40B5, s17;
	s28 =	sshra.s32 s12, $0x2  }
0x9b: {  	(v2sf) =	vpush v12, $0xE;
	[dreg:$0x8] =	wrdreg s16;
	s23 =	smulhi.u32 $0xB40B40B5, s22;
	s8 =	sshra.s32 s22, $0x1F  }
0x9c: {  	v13 =	vsel vm8, v14, v13;
	s15 =	spop (v2sf);
	s4 =	ssub.s32 s21, s14;
	s3 =	smul.u32 $0xB40B40B5, s20  }
0x9d: {  	v13 =	vadd.s32 v11, v13;
	s18 =	smulhi.u32 $0xB40B40B5, s15;
	s5 =	spop (v2sf);
	s0 =	sadd.s32 s0, s4  }
0x9e: {  	v14 =	vshrl.u32 v13, $0x1F;
	v13 =	vshra.s32 v13, $0x6;
	s14 =	ssub.s32 s23, s22;
	s1 =	smulhi.u32 $0xB40B40B5, s5;
	[dreg:$0x7] =	wrdreg s3  }
0x9f: {  	v13 =	vadd.s32 v14, v13;
	s13 =	spop (v2sf);
	s24 =	sshra.s32 s5, $0x1F;
	[dreg:$0x6] =	wrdreg s0  }
0xa0: {  	v14 =	vmul.u32 $0xFFFFFFA5, v13;
	v13 =	vshll.u32 v13, $0x2;
	s6 =	spop (v2sf);
	s19 =	smul.u32 $0xB40B40B5, s24;
	s17 =	sshra.s32 s13, $0x1F  }
0xa1: {  	v13 =	vadd.s32 v0, v13;
	s20 =	smulhi.u32 $0xB40B40B5, s6;
	s11 =	sshra.s32 s6, $0x1F;
	s16 =	spop (v2sf)  }
0xa2: {  	v15 =	vld [tilespmem:s28+$0x4080];
	s3 =	ssub.s32 s1, s5;
	v14 =	vadd.s32 v11, v14;
	[tilespmem:s25+$0x4180] =	vst v13;
	s31 =	sshra.s32 s16, $0x1F;
	s22 =	smulhi.u32 $0xB40B40B5, s16  }
0xa3: {  	v16 =	vor.u32 $0x1, v13;
	s23 =	spop (v2sf);
	s4 =	smul.u32 $0xB40B40B5, s11;
	[tilespmem:s25+$0x4100] =	vst v14;
	s11 =	ssub.s32 s10, s9  }
0xa4: {  	v11 =	vmov v12;
	v12 =	vor.u32 $0x3, v13;
	[tilespmem:s25+$0x4200] =	vst v16;
	s21 =	spop (v2sf);
	s24 =	smul.u32 $0xB40B40B5, s31;
	s12 =	sshra.s32 s23, $0x1F  }
0xa5: {  	v17 =	vor.u32 $0x2, v13;
	[tilespmem:s25+$0x4300] =	vst v12;
	s30 =	spop (v2sf);
	s1 =	smulhi.u32 $0xB40B40B5, s21;
	s5 =	sshra.s32 s21, $0x1F  }
0xa6: {  	[tilespmem:s25+$0x4280] =	vst v17;
	s31 =	ssub.s32 s22, s16;
	s5 =	smul.u32 $0xB40B40B5, s5;
	s25 =	sshra.s32 s30, $0x1F  }
.Ltmp7:
0xa7: {  	s9 =	sadd.s32 s24, s31;
	s31 =	rddreg [dreg:$0x9];
	(pc) =	sbr.rel @p0 .LBB2_10-.Ltmp7, $4  }
0xa8: {  	v12 =	vmov v15;
	s16 =	spop (v2sf);
	(v2sf) =	vpush v15, $0x7;
	s1 =	ssub.s32 s1, s21;
	s21 =	smulhi.u32 $0xB40B40B5, s30  }
0xa9: {  	s10 =	ssub.s32 s20, s6;
	s24 =	smul.u32 $0xB40B40B5, s25;
	s25 =	smov.u32 s31;
	(v2sf) =	vpush v12, $0xF  }
0xaa: {  	s22 =	smulhi.u32 $0xB40B40B5, s16;
	s20 =	sadd.s32 s5, s1;
	s5 =	spop (v2sf);
	(v2sf) =	vpush v12, $0xA  }
0xab: {  	s21 =	ssub.s32 s21, s30;
	s30 =	rddreg [dreg:$0xa];
	s6 =	smulhi.u32 $0xB40B40B5, s5;
	(v2sf) =	vpush v12, $0x5  }
0xac: {  	_ =	sdelay $0x1  }
0xad: {  	(v2sf) =	vpush v12, $0xB;
	_ =	sdelay $0x1  }
0xae: {  	(v2sf) =	vpush v12, $0xD;
	_ =	sdelay $0x2  }
0xaf: {  	(v2sf) =	vpush v12, $0x4  }
0xb0: {  	s12 =	smul.u32 $0xB40B40B5, s12;
	s1 =	sshra.s32 s5, $0x1F;
	s22 =	ssub.s32 s22, s16  }
0xb1: {  	s31 =	smul.u32 $0xB40B40B5, s1;
	[smem:$0x7F2] =	sst s22;
	(v2sf) =	vpush v12, $0x3  }
0xb2: {  	s19 =	sadd.s32 s19, s3;
	s3 =	smulhi.u32 $0xB40B40B5, s13;
	[smem:$0x7F0] =	sst s12;
	(v2sf) =	vpush v12, $0x9  }
0xb3: {  	[smem:$0x7EE] =	sst s31;
	(v2sf) =	vpush v12, $0x2;
	s0 =	spop (v2sf)  }
0xb4: {  	(v2sf) =	vpush v12, $0xC;
	[dreg:$0x19] =	wrdreg s0;
	s30 =	spop (v2sf);
	s0 =	sshra.s32 s15, $0x1F  }
0xb5: {  	s12 =	sshra.s32 s16, $0x1F;
	[dreg:$0x18] =	wrdreg s30;
	s1 =	smul.u32 $0xB40B40B5, s0  }
0xb6: {  	(v2sf) =	vpush v12, $0x0;
	s31 =	spop (v2sf);
	s0 =	smul.u32 $0xB40B40B5, s12  }
0xb7: {  	(v2sf) =	vpush v12, $0x8;
	s12 =	smul.u32 $0xB40B40B5, s8;
	[smem:$0x7F4] =	sst s31  }
0xb8: {  	s30 =	spop (v2sf);
	[smem:$0x7EF] =	sst s1  }
0xb9: {  	s16 =	sshra.s32 s29, $0x1F;
	[smem:$0x7F3] =	sst s0;
	s0 =	spop (v2sf)  }
0xba: {  	[smem:$0x7F1] =	sst s12;
	s12 =	smul.u32 $0xB40B40B5, s16  }
0xbb: {  	(v2sf) =	vpush v12, $0x1;
	[dreg:$0x17] =	wrdreg s0;
	s8 =	spop (v2sf)  }
0xbc: {  	(v2sf) =	vpush v12, $0x6;
	s16 =	smul.u32 $0xB40B40B5, s17;
	s17 =	sshra.s32 s31, $0x1F;
	[smem:$0x7FA] =	sst s8  }
0xbd: {  	s1 =	ssub.s32 s6, s5;
	s5 =	smul.u32 $0xB40B40B5, s17;
	[smem:$0x7F6] =	sst s12  }
0xbe: {  	s31 =	sshra.s32 s0, $0x1F;
	s22 =	spop (v2sf);
	[smem:$0x7F5] =	sst s16  }
0xbf: {  	s8 =	smul.u32 $0xB40B40B5, s31;
	[dreg:$0x1d] =	wrdreg s5  }
0xc0: {  	s3 =	ssub.s32 s3, s13;
	s16 =	spop (v2sf);
	s13 =	sld [smem:$0x7F5]  }
0xc1: {  	s6 =	spop (v2sf);
	[dreg:$0x16] =	wrdreg s8;
	s12 =	sshra.s32 s16, $0x1F  }
0xc2: {  	s17 =	spop (v2sf);
	s31 =	smul.u32 $0xB40B40B5, s12  }
0xc3: {  	s0 =	sshra.s32 s30, $0x1F;
	[dreg:$0x1c] =	wrdreg s6;
	s12 =	spop (v2sf)  }
0xc4: {  	s6 =	smul.u32 $0xB40B40B5, s0;
	[dreg:$0x1e] =	wrdreg s31;
	s8 =	sshra.s32 s12, $0x1F  }
0xc5: {  	s31 =	spop (v2sf);
	s0 =	smul.u32 $0xB40B40B5, s8  }
0xc6: {  	(v2sf) =	vpush v12, $0xE;
	s5 =	sshra.s32 s17, $0x1F;
	[smem:$0x7F7] =	sst s6;
	s6 =	spop (v2sf)  }
0xc7: {  	s8 =	sshra.s32 s6, $0x1F;
	[smem:$0x7F9] =	sst s0;
	s0 =	smul.u32 $0xB40B40B5, s5  }
0xc8: {  	s5 =	sld [smem:$0x7EE];
	s8 =	smul.u32 $0xB40B40B5, s8  }
0xc9: {  	[dreg:$0x1b] =	wrdreg s0  }
0xca: {  	s18 =	ssub.s32 s18, s15;
	[smem:$0x7F8] =	sst s8;
	s8 =	spop (v2sf)  }
0xcb: {  	s0 =	sadd.s32 s5, s1;
	s15 =	spop (v2sf);
	s5 =	sshra.s32 s8, $0x1F  }
0xcc: {  	[dreg:$0x1a] =	wrdreg s15;
	s15 =	smul.u32 $0xB40B40B5, s5  }
0xcd: {  	s4 =	sadd.s32 s4, s10;
	s10 =	smulhi.u32 $0xB40B40B5, s30;
	[smem:$0x7FC] =	sst s0  }
0xce: {  	s7 =	sadd.s32 s2, s7;
	s2 =	smulhi.u32 $0xB40B40B5, s16;
	[dreg:$0x1f] =	wrdreg s15  }
0xcf: {  	s10 =	ssub.s32 s10, s30;
	s0 =	smulhi.u32 $0xB40B40B5, s23;
	s15 =	sld [smem:$0x7EF]  }
0xd0: {  	s3 =	sadd.s32 s13, s3;
	s30 =	ssub.s32 s2, s16;
	s16 =	sld [smem:$0x7F7]  }
0xd1: {  	s13 =	sld [smem:$0x7F6];
	s1 =	sshra.s32 s31, $0x1F;
	s0 =	ssub.s32 s0, s23  }
0xd2: {  	s23 =	smul.u32 $0xB40B40B5, s1;
	s1 =	sadd.s32 s15, s18;
	s15 =	sld [smem:$0x7F0]  }
0xd3: {  	s2 =	sadd.s32 s16, s10;
	s16 =	smulhi.u32 $0xB40B40B5, s6;
	s18 =	rddreg [dreg:$0x8]  }
0xd4: {  	[smem:$0x7FD] =	sst s1  }
0xd5: {  	s6 =	ssub.s32 s16, s6;
	s5 =	spop (v2sf);
	s1 =	rddreg [dreg:$0x5]  }
0xd6: {  	s16 =	smulhi.u32 $0xB40B40B5, s5;
	s18 =	sadd.s32 s18, s11;
	s11 =	sld [smem:$0x7F1]  }
0xd7: {  	[smem:$0x7FB] =	sst s23;
	s23 =	sshra.s32 s5, $0x1F;
	s29 =	ssub.s32 s1, s29  }
0xd8: {  	s1 =	sld [smem:$0x7F2];
	s15 =	sadd.s32 s15, s0;
	s0 =	smulhi.u32 $0xB40B40B5, s26  }
0xd9: {  	s23 =	smul.u32 $0xB40B40B5, s23;
	s11 =	sadd.s32 s11, s14;
	s14 =	sld [smem:$0x7F3]  }
0xda: {  	s13 =	sadd.s32 s13, s29;
	s29 =	rddreg [dreg:$0x7];
	s0 =	ssub.s32 s0, s26  }
0xdb: {  	s21 =	sadd.s32 s24, s21;
	v13 =	vmov s15;
	s26 =	smulhi.u32 $0xB40B40B5, s17;
	s0 =	sadd.s32 s29, s0  }
0xdc: {  	v13 =	vnsel vm3, $0x0, v13;
	s29 =	smulhi.u32 $0xB40B40B5, s12;
	s14 =	sadd.s32 s14, s1;
	s1 =	sld [smem:$0x7F4]  }
0xdd: {  	v13 =	vsel vm0, s21, v13;
	s10 =	ssub.s32 s26, s17;
	s26 =	sld [smem:$0x7F8];
	s17 =	smulhi.u32 $0xB40B40B5, s22  }
0xde: {  	s21 =	sld [smem:$0x7FB];
	v13 =	vsel vm1, s4, v13;
	s12 =	ssub.s32 s29, s12;
	s29 =	smulhi.u32 $0xB40B40B5, s8  }
0xdf: {  	v13 =	vsel vm2, s19, v13;
	s19 =	rddreg [dreg:$0x19];
	s24 =	smulhi.u32 $0xB40B40B5, s1  }
0xe0: {  	s6 =	sadd.s32 s26, s6;
	s29 =	ssub.s32 s29, s8;
	s8 =	sld [smem:$0x7F9]  }
0xe1: {  	s24 =	ssub.s32 s24, s1;
	s1 =	ssub.s32 s16, s5;
	s5 =	sld [smem:$0x7FA]  }
0xe2: {  	s16 =	ssub.s32 s17, s22;
	s22 =	sshra.s32 s22, $0x1F;
	s17 =	smulhi.u32 $0xB40B40B5, s31  }
0xe3: {  	s26 =	rddreg [dreg:$0x1e];
	s8 =	sadd.s32 s8, s12;
	s22 =	smul.u32 $0xB40B40B5, s22  }
0xe4: {  	v15 =	vmov s20;
	s1 =	sadd.s32 s23, s1;
	s23 =	sld [smem:$0x7FD];
	s12 =	smulhi.u32 $0xB40B40B5, s5  }
0xe5: {  	v15 =	vsel vm0, s3, v15;
	s17 =	ssub.s32 s17, s31;
	s3 =	sadd.s32 s22, s16;
	s22 =	sld [smem:$0x7FC]  }
0xe6: {  	v14 =	vmov s9;
	s31 =	rddreg [dreg:$0x18];
	s15 =	ssub.s32 s12, s5;
	s12 =	sshra.s32 s5, $0x1F  }
0xe7: {  	v14 =	vsel vm0, s11, v14;
	s20 =	smul.u32 $0xB40B40B5, s12;
	s12 =	sadd.s32 s26, s30;
	s30 =	rddreg [dreg:$0x1d]  }
0xe8: {  	s11 =	smulhi.u32 $0xB40B40B5, s19;
	v14 =	vsel vm1, s22, v14;
	s26 =	rddreg [dreg:$0x1f]  }
0xe9: {  	s4 =	sadd.s32 s21, s17;
	s5 =	smulhi.u32 $0xB40B40B5, s31;
	v14 =	vsel vm2, s7, v14;
	s7 =	rddreg [dreg:$0x6]  }
0xea: {  	s16 =	sadd.s32 s30, s24;
	s15 =	sadd.s32 s20, s15;
	s20 =	rddreg [dreg:$0x1c]  }
0xeb: {  	v15 =	vsel vm1, s18, v15;
	v13 =	vsel vm4, s23, v13;
	s23 =	ssub.s32 s5, s31;
	s21 =	sshra.s32 s20, $0x1F;
	s22 =	smulhi.u32 $0xB40B40B5, s20  }
0xec: {  	v15 =	vsel vm2, s0, v15;
	v17 =	vmov s4;
	s24 =	sshra.s32 s31, $0x1F;
	s0 =	sadd.s32 s26, s29;
	v13 =	vsel vm5, s7, v13;
	s7 =	smul.u32 $0xB40B40B5, s21  }
0xed: {  	v16 =	vmov s8;
	v17 =	vnsel vm3, $0x0, v17;
	s31 =	rddreg [dreg:$0x1b];
	s8 =	smul.u32 $0xB40B40B5, s24;
	s30 =	ssub.s32 s22, s20  }
0xee: {  	v18 =	vmov s6;
	s9 =	sadd.s32 s31, s10;
	v14 =	vcombine.low v15, v14;
	v15 =	vsel vm0, s0, v17;
	s5 =	sadd.s32 s7, s30;
	s7 =	rddreg [dreg:$0x17]  }
0xef: {  	s18 =	sshra.s32 s19, $0x1F;
	v13 =	vsel vm6, s14, v13;
	v16 =	vsel vm0, s15, v16;
	s14 =	rddreg [dreg:$0x1a];
	v15 =	vsel vm1, s9, v15;
	s10 =	smulhi.u32 $0xB40B40B5, s7  }
0xf0: {  	v13 =	vsel vm7, s13, v13;
	v16 =	vsel vm1, s1, v16;
	s13 =	sadd.s32 s8, s23;
	s15 =	smulhi.u32 $0xB40B40B5, s14;
	s17 =	sshra.s32 s14, $0x1F;
	v14 =	vperm.xlane v14, v4  }
0xf1: {  	v15 =	vsel vm2, s12, v15;
	v13 =	vperm.xlane v13, v6;
	s20 =	rddreg [dreg:$0x16];
	v56 =	vsel vm0, s5, v18;
	s5 =	smul.u32 $0xB40B40B5, s17;
	s0 =	ssub.s32 s10, s7  }
0xf2: {  	s21 =	smul.u32 $0xB40B40B5, s18;
	v16 =	vsel vm2, s13, v16;
	v15 =	vsel vm4, s3, v15;
	s4 =	ssub.s32 s15, s14;
	v17 =	vsel vm1, s16, v56;
	s0 =	sadd.s32 s20, s0  }
0xf3: {  	s22 =	ssub.s32 s11, s19;
	v15 =	vsel vm5, s2, v15;
	v13 =	vsel vm8, v13, v14;
	s4 =	sadd.s32 s5, s4;
	v17 =	vsel vm2, s0, v17  }
0xf4: {  	s23 =	sadd.s32 s21, s22;
	v13 =	vadd.s32 v11, v13;
	v14 =	vsel vm6, s4, v15;
	v15 =	vcombine.low v17, v16  }
0xf5: {  	v57 =	vshrl.u32 v13, $0x1F;
	v13 =	vshra.s32 v13, $0x6;
	v14 =	vsel vm7, s23, v14  }
0xf6: {  	v13 =	vadd.s32 v57, v13;
	v14 =	vperm.xlane v14, v6;
	v15 =	vperm.xlane v15, v4  }
0xf7: {  	v16 =	vmul.u32 $0xFFFFFFA5, v13;
	v13 =	vshll.u32 v13, $0x2  }
0xf8: {  	v13 =	vadd.s32 v0, v13;
	v14 =	vsel vm8, v14, v15  }
0xf9: {  	v11 =	vadd.s32 v11, v16;
	[tilespmem:s25+$0x4180] =	vst v13;
	v14 =	vadd.s32 v12, v14  }
0xfa: {  	v58 =	vor.u32 $0x3, v13;
	[tilespmem:s25+$0x4100] =	vst v11;
	v11 =	vshrl.u32 v14, $0x1F;
	v14 =	vshra.s32 v14, $0x6  }
0xfb: {  	[tilespmem:s25+$0x4300] =	vst v58;
	v15 =	vor.u32 $0x1, v13;
	v11 =	vadd.s32 v11, v14  }
0xfc: {  	v13 =	vor.u32 $0x2, v13;
	[tilespmem:s25+$0x4200] =	vst v15;
	v14 =	vmul.u32 $0xFFFFFFA5, v11;
	v11 =	vshll.u32 v11, $0x2  }
0xfd: {  	[tilespmem:s25+$0x4280] =	vst v13;
	v11 =	vadd.s32 v0, v11  }
0xfe: {  	v12 =	vadd.s32 v12, v14;
	[tilespmem:s28+$0x4180] =	vst v11  }
0xff: {  	v13 =	vor.u32 $0x1, v11;
	[tilespmem:s28+$0x4100] =	vst v12  }
0x100: {  	v12 =	vor.u32 $0x3, v11;
	[tilespmem:s28+$0x4200] =	vst v13  }
0x101: {  	s26 =	simm.s32 $0x4180;
	s29 =	simm.s32 $0x1;
	v11 =	vor.u32 $0x2, v11;
	[tilespmem:s28+$0x4300] =	vst v12  }
0x102: {  	s24 =	rddreg [dreg:$0xc];
	s25 =	simm.s32 $0x200;
	[tilespmem:s28+$0x4280] =	vst v11;
	s28 =	simm.s32 $0x4380  }
0x103: {  	[tilespmem:s28], [sflag:$0x1] =	stream.indirect.gather [hbm4b:s24+s25], $0x1, s26, s25, $0xb8;
	[tilespmem:$0x4880] =	vst v63  }
0x104: {  	_ =	swait.ge [sflag:s29], $0x200  }
0x105: {  	[sflag:s29] =	ssyncset.done $0x0  }
0x106: {  	s30 =	simm.s32 $0x0;
	[sflag:s29] =	ssyncadd.s32 $0xFFFFFE00  }
0x107: {  	v11 =	vld [tilespmem:s30+$0x4480]  }
0x108: {  	v12 =	vld [tilespmem:s30+$0x4500]  }
0x109: {  	v13 =	vld [tilespmem:s30+$0x4380]  }
0x10a: {  	v14 =	vld [tilespmem:s30+$0x4400];
	_ =	sdelay $0x1  }
0x10b: {  	s31 =	simm.s32 $0x0;
	v15 =	vmul.f32 $5.000000000e-01, v11  }
0x10c: {  	v59 =	vor.u32 s31, v5;
	v12 =	vmul.f32 $5.000000000e-01, v12  }
0x10d: {  	v61 =	vor.u32 s31, v7;
	v11 =	vbroadcast v10, $0x1;
	v60 =	vsub.f32 v13, v15  }
0x10e: {  	v20 =	vor.u32 s31, v8;
	v10 =	vbroadcast v10, $0x0;
	v19 =	vsub.f32 v14, v12  }
0x10f: {  	v13 =	vadd.f32 v15, v13;
	v15 =	vmul.f32 v60, v11  }
0x110: {  	s4 =	simm.s32 $0x4580;
	v14 =	vadd.f32 v12, v14;
	v12 =	vor.u32 s31, v9;
	v62 =	vmul.f32 v19, v10  }
0x111: {  	v63 =	vmul.f32 v13, v11;
	[tilespmem:v59+s4+$0x0] =	vst.idx.msk $0xffff, v15  }
0x112: {  	[tilespmem:v61+s4+$0x0] =	vst.idx.msk $0xffff, v62  }
0x113: {  	s1 =	simm.s32 $0x80;
	s0 =	simm.s32 $0x40;
	v13 =	vmul.f32 v14, v10;
	[tilespmem:v20+s4+$0x0] =	vst.idx.msk $0xffff, v63  }
.LBB2_12:
0x114: {  	p0 =	sne.s32 s1, $0x1C0  }
0x115: {  	s2 =	sshra.s32 s0, $0x2;
	[tilespmem:v12+s4+$0x0] =	vst.idx.msk $0xffff, v13;
	s3 =	smov.u32 s1;
	s1 =	sadd.s32 $0x40, s1  }
0x116: {  	v12 =	vld [tilespmem:s2+$0x4480]  }
0x117: {  	v13 =	vld [tilespmem:s2+$0x4500]  }
0x118: {  	v14 =	vld [tilespmem:s2+$0x4380]  }
0x119: {  	v15 =	vld [tilespmem:s2+$0x4400];
	_ =	sdelay $0x1  }
0x11a: {  	v12 =	vmul.f32 $5.000000000e-01, v12  }
0x11b: {  	v16 =	vor.u32 s0, v5;
	v13 =	vmul.f32 $5.000000000e-01, v13  }
0x11c: {  	v18 =	vor.u32 s0, v7;
	v17 =	vsub.f32 v14, v12;
	v14 =	vadd.f32 v12, v14  }
0x11d: {  	v19 =	vsub.f32 v15, v13;
	v13 =	vadd.f32 v13, v15;
	v15 =	vor.u32 s0, v8  }
.Ltmp8:
0x11e: {  	v12 =	vor.u32 s0, v9;
	s0 =	smov.u32 s3;
	v17 =	vmul.f32 v17, v11;
	(pc) =	sbr.rel @p0 .LBB2_12-.Ltmp8, $4  }
0x11f: {  	v19 =	vmul.f32 v19, v10  }
0x120: {  	v14 =	vmul.f32 v14, v11;
	[tilespmem:v16+s4+$0x0] =	vst.idx.msk $0xffff, v17  }
0x121: {  	v13 =	vmul.f32 v13, v10;
	[tilespmem:v18+s4+$0x0] =	vst.idx.msk $0xffff, v19  }
0x122: {  	[tilespmem:v15+s4+$0x0] =	vst.idx.msk $0xffff, v14  }
0x123: {  	_ =	sdelay $0x3  }
0x124: {  	s1 =	sshra.s32 s0, $0x2;
	[tilespmem:v12+s4+$0x0] =	vst.idx.msk $0xffff, v13  }
0x125: {  	v12 =	vld [tilespmem:s1+$0x4480]  }
0x126: {  	v13 =	vld [tilespmem:s1+$0x4500]  }
0x127: {  	v14 =	vld [tilespmem:s1+$0x4380]  }
0x128: {  	v15 =	vld [tilespmem:s1+$0x4400];
	_ =	sdelay $0x1  }
0x129: {  	v12 =	vmul.f32 $5.000000000e-01, v12  }
0x12a: {  	v16 =	vor.u32 s0, v5;
	v13 =	vmul.f32 $5.000000000e-01, v13  }
0x12b: {  	v18 =	vor.u32 s0, v7;
	v17 =	vsub.f32 v14, v12  }
0x12c: {  	v20 =	vor.u32 s0, v8;
	v19 =	vsub.f32 v15, v13  }
0x12d: {  	v62 =	vor.u32 s0, v9;
	v12 =	vadd.f32 v12, v14;
	v61 =	vmul.f32 v17, v11  }
0x12e: {  	v13 =	vadd.f32 v13, v15;
	v63 =	vmul.f32 v19, v10  }
0x12f: {  	v11 =	vmul.f32 v12, v11;
	[tilespmem:v16+s4+$0x0] =	vst.idx.msk $0xffff, v61  }
0x130: {  	v10 =	vmul.f32 v13, v10;
	[tilespmem:v18+s4+$0x0] =	vst.idx.msk $0xffff, v63  }
0x131: {  	s25 =	simm.s32 $0x0;
	[tilespmem:v20+s4+$0x0] =	vst.idx.msk $0xffff, v11  }
0x132: {  	s26 =	rddreg [dreg:$0x10];
	s6 =	simm.s32 $0x4000;
	s2 =	simm.s32 $0x2;
	[tilespmem:v62+s4+$0x0] =	vst.idx.msk $0xffff, v10  }
0x133: {  	[hbm4b:s26+s25] =	stream.linear.scatter [tilespmem:s6], [sflag:$0x2], $0x80, $0x38;
	[tilespmem:$0x4880] =	vst v63  }
0x134: {  	_ =	swait.ge [sflag:s2], $0x80  }
0x135: {  	[sflag:s2] =	ssyncset.done $0x0  }
0x136: {  	s3 =	simm.s32 $0x4100;
	s28 =	rddreg [dreg:$0x11];
	[sflag:s2] =	ssyncadd.s32 $0xFFFFFF80  }
0x137: {  	[hbm4b:s28+s25] =	stream.linear.scatter [tilespmem:s3], [sflag:$0x2], $0x80, $0x38;
	[tilespmem:$0x4880] =	vst v63  }
0x138: {  	_ =	swait.ge [sflag:s2], $0x80  }
0x139: {  	[sflag:s2] =	ssyncset.done $0x0  }
0x13a: {  	s29 =	rddreg [dreg:$0x12];
	[sflag:s2] =	ssyncadd.s32 $0xFFFFFF80  }
0x13b: {  	[hbm4b:s29+s25] =	stream.linear.scatter [tilespmem:s4], [sflag:$0x2], $0x200, $0x38;
	[tilespmem:$0x4880] =	vst v63  }
0x13c: {  	_ =	swait.ge [sflag:s2], $0x200  }
0x13d: {  	s30 =	rddreg [dreg:$0x15]  }
0x13e: {  	s31 =	rddreg [dreg:$0x14];
	s1 =	sadd.s32 $0x1, s30  }
0x13f: {  	p0 =	sne.s32 s1, s31  }
.Ltmp9:
0x140: {  	_ = 	snop;
	(pc) =	sbr.rel @p0 .LBB2_2-.Ltmp9, $3  }
0x141: {  	_ =	sdelay $0x1  }
0x142: {  	[sflag:s2] =	ssyncset.done $0x0  }
0x143: {  	s7 =	simm.s32 $0x4080;
	[sflag:s2] =	ssyncadd.s32 $0xFFFFFE00  }
.LBB2_14:
0x144: {  	_ =	sfence.sel $0x180000  }
0x145: {  	[bflag:$0x0] =	sbarrier.arrive $0xFFFF  }
0x146: {  	_ =	strace $0x9000004A  }
0x147: {  	s0 =	stileid.u32;
	[bflag:$0x2] =	sbarrier.arrive $0xFFFF  }
0x148: {  	p0 =	sne.s32 s0, $0x0;
	s0 =	rddreg [dreg:$0x4]  }
0x149: {  	s0 =	sadd.s32 @!p0 $0x100000, s0  }
0x14a: {  	[sflag:s0] =	ssyncadd.tile.s32 @!p0 $0x1;
	_ =	shalt  }
.Lfunc_end2:
_tile_overlayer_lowered:
.L_overlay_start_2:
0x14b: {  	(tag) =	ssettag $0x2  }
0x14c: {  	s0 =	rddreg [dreg:$0x0];
	s2 =	stileid.u32  }
0x14d: {  	s1 =	rddreg [dreg:$0x1];
	p0 =	sne.s32 s2, $0x0  }
0x14e: {  	s3 =	rddreg [dreg:$0x2];
	[bflag:$0x3] =	sbarrier.arrive $0xFFFF;
	s2 =	simm.s32 @!p0 $0x1C02  }
0x14f: {  	[timem:s3], [sflag:s2] =	dma.local @!p0 [hbm:s0], s1  }
0x150: {  	s0 =	simm.s32 @!p0 $0x2  }
0x151: {  	_ =	swait.ge @!p0 [sflag:s0], s1  }
0x152: {  	s1 =	ssub.s32 @!p0 $0x0, s1;
	[sflag:s0] =	ssyncset.done @!p0 $0x0  }
0x153: {  	[sflag:s0] =	ssyncadd.s32 @!p0 s1  }
0x154: {  	[bflag:$0x3] =	sbarrier.arrive $0xFFFF  }
0x155: {  	_ =	shalt  }

</sc_bundles>
